<compile_context>
chip_gen: v7x
topology: tpu7x:2x2x1
jax: 0.10.2.dev20260603
libtpu: 0.0.44.dev20260713+nightly
codegen_flags: <defaults>
</compile_context>

<pallas_src>
import functools

import jax
import jax.numpy as jnp
import numpy as np
from jax import lax
from jax.experimental import pallas as pl
from jax.experimental.pallas import tpu as pltpu
from jax.experimental.pallas import tpu_sc as plsc

N = 10000
D = 128
H1 = 4
H2 = 1
NROWS = 10240
RPT = NROWS // 16
NC, NS, L = 2, 16, 16
NW = NC * NS
B_BLK = 1024
T_BLK = 11
EPT = B_BLK * T_BLK
EPAD = EPT * NW
E_REAL = 320000 + N

_mesh = plsc.VectorSubcoreMesh(
    core_axis_name="c", subcore_axis_name="s", num_cores=NC, num_subcores=NS
)


def _f32(shape):
    return jax.ShapeDtypeStruct(shape, jnp.float32)


def _zero_rows16(ref, nrows, width):
    z = jnp.zeros((L,), jnp.float32)

    def body(r, _):
        for j in range(width // L):
            ref[r, pl.ds(j * L, L)] = z
        return 0

    lax.fori_loop(0, nrows, body, 0)


def _zero_spmem_slice(zb, shared, s, width):
    nz = zb.shape[0]

    def body(k, _):
        pltpu.sync_copy(zb, shared.at[pl.ds(s * RPT + k * nz, nz)])
        return 0

    lax.fori_loop(0, RPT // nz, body, 0)


def _make_edge_softmax(H):
    SH = {4: 2, 1: 0}[H]
    chunks = B_BLK * H // L

    def body(src1, dstg1, dsts2, asd, exo, deno,
             asd_t, srcv, dgv, dsv, exb, exw, zb, den_sh):
        c = lax.axis_index("c")
        s = lax.axis_index("s")
        wid = c * NS + s
        iota = lax.iota(jnp.int32, L)

        _zero_rows16(zb, zb.shape[0], 16)
        _zero_rows16(exw, B_BLK, 16)
        _zero_spmem_slice(zb, den_sh, s, 16)
        plsc.subcore_barrier()

        pltpu.sync_copy(asd, asd_t)
        ebase = wid * EPT

        def blk(b, _):
            off = pl.multiple_of(ebase + b * B_BLK, B_BLK)
            row0 = pl.multiple_of(off // 128, 8)
            pltpu.sync_copy(src1.at[pl.ds(off, B_BLK)], srcv)
            pltpu.sync_copy(dstg1.at[pl.ds(off, B_BLK)], dgv)
            pltpu.sync_copy(dsts2.at[pl.ds(row0, B_BLK // 128)], dsv)

            def chunk(k, _):
                pos = k * L + iota
                erow = lax.shift_right_logical(pos, SH)
                head = lax.bitwise_and(pos, H - 1)
                sv = plsc.load_gather(srcv, [erow])
                dv = plsc.load_gather(dgv, [erow])
                av = plsc.load_gather(asd_t, [sv * 8 + head])
                bv = plsc.load_gather(asd_t, [dv * 8 + 4 + head])
                e = av + bv
                e = jnp.where(e >= 0.0, e, e * jnp.float32(0.2))
                ex = jnp.exp(e)
                exb[pl.ds(k * L, L)] = ex
                plsc.store_scatter(exw, [erow, head], ex)
                return 0

            lax.fori_loop(0, chunks, chunk, 0)
            pltpu.sync_copy(exb, exo.at[pl.ds(off * H, B_BLK * H)])
            for j in range(B_BLK // 128):
                pltpu.sync_copy(
                    exw.at[pl.ds(j * 128, 128)],
                    den_sh.at[dsv.at[j]],
                    add=True,
                )
            return 0

        lax.fori_loop(0, T_BLK, blk, 0)
        plsc.subcore_barrier()
        r0 = s * RPT
        pltpu.sync_copy(
            den_sh.at[pl.ds(r0, RPT)], deno.at[pl.ds(c * NROWS + r0, RPT)]
        )

    return pl.kernel(
        body,
        out_type=[_f32((EPAD * H,)), _f32((NC * NROWS, 16))],
        mesh=_mesh,
        compiler_params=pltpu.CompilerParams(needs_layout_passes=False, use_tc_tiling_on_sc=False),
        scratch_types=[
            pltpu.VMEM((N * 8,), jnp.float32),
            pltpu.VMEM((B_BLK,), jnp.int32),
            pltpu.VMEM((B_BLK,), jnp.int32),
            pltpu.VMEM((B_BLK // 128, 128), jnp.int32),
            pltpu.VMEM((B_BLK * H,), jnp.float32),
            pltpu.VMEM((B_BLK, 16), jnp.float32),
            pltpu.VMEM((64, 16), jnp.float32),
            pltpu.VMEM_SHARED((NROWS, 16), jnp.float32),
        ],
    )


def _make_message(H):
    GE = L // H
    NSUB = B_BLK // 128

    def body(src2, dsts2, exo, htab, acco,
             srcv, dsv, exb, hrow, zb, acc_sh):
        c = lax.axis_index("c")
        s = lax.axis_index("s")
        wid = c * NS + s

        _zero_rows16(zb, zb.shape[0], 128)
        _zero_spmem_slice(zb, acc_sh, s, 128)
        plsc.subcore_barrier()

        ebase = wid * EPT

        def blk(b, _):
            off = pl.multiple_of(ebase + b * B_BLK, B_BLK)
            row0 = pl.multiple_of(off // 128, 8)
            pltpu.sync_copy(src2.at[pl.ds(row0, NSUB)], srcv)
            pltpu.sync_copy(dsts2.at[pl.ds(row0, NSUB)], dsv)
            pltpu.sync_copy(exo.at[pl.ds(off * H, B_BLK * H)], exb)

            for j in range(NSUB):
                pltpu.sync_copy(htab.at[srcv.at[j]], hrow)

                def edge(e, _):
                    if H == 1:
                        aidx = j * 128 + e
                        a16 = jnp.full((L,), aidx, jnp.int32)
                        alpha = plsc.load_gather(exb, [a16])
                        for jj in range(8):
                            hv = hrow[e, pl.ds(jj * L, L)]
                            hrow[e, pl.ds(jj * L, L)] = hv * alpha
                    else:
                        base = (j * 128 + e) * H
                        alpha = None
                        for jj in range(8):
                            if jj % 2 == 0:
                                aidx = base + jj // 2
                                a16 = jnp.full((L,), aidx, jnp.int32)
                                alpha = plsc.load_gather(exb, [a16])
                            hv = hrow[e, pl.ds(jj * L, L)]
                            hrow[e, pl.ds(jj * L, L)] = hv * alpha
                    return 0

                lax.fori_loop(0, 128, edge, 0)
                pltpu.sync_copy(hrow, acc_sh.at[dsv.at[j]], add=True)
            return 0

        lax.fori_loop(0, T_BLK, blk, 0)
        plsc.subcore_barrier()
        r0 = s * RPT
        pltpu.sync_copy(
            acc_sh.at[pl.ds(r0, RPT)], acco.at[pl.ds(c * NROWS + r0, RPT)]
        )

    return pl.kernel(
        body,
        out_type=_f32((NC * NROWS, D)),
        mesh=_mesh,
        compiler_params=pltpu.CompilerParams(needs_layout_passes=False, use_tc_tiling_on_sc=False),
        scratch_types=[
            pltpu.VMEM((B_BLK // 128, 128), jnp.int32),
            pltpu.VMEM((B_BLK // 128, 128), jnp.int32),
            pltpu.VMEM((B_BLK * H,), jnp.float32),
            pltpu.VMEM((128, D), jnp.float32),
            pltpu.VMEM((64, D), jnp.float32),
            pltpu.VMEM_SHARED((NROWS, D), jnp.float32),
        ],
    )


_edge_softmax_1 = _make_edge_softmax(H1)
_edge_softmax_2 = _make_edge_softmax(H2)
_message_1 = _make_message(H1)
_message_2 = _make_message(H2)


_MB = 1000
_GRID = N // _MB


def _tc_in_matmul(xr, w1r, wasdr, hr, asdr):
    h = jnp.dot(xr[...], w1r[...], preferred_element_type=jnp.float32)
    hr[...] = h
    asdr[...] = jnp.dot(h, wasdr[...], preferred_element_type=jnp.float32)


_in_matmul = pl.pallas_call(
    _tc_in_matmul,
    grid=(_GRID,),
    in_specs=[
        pl.BlockSpec((_MB, D), lambda i: (i, 0)),
        pl.BlockSpec((D, D), lambda i: (0, 0)),
        pl.BlockSpec((D, 8), lambda i: (0, 0)),
    ],
    out_specs=[
        pl.BlockSpec((_MB, D), lambda i: (i, 0)),
        pl.BlockSpec((_MB, 8), lambda i: (i, 0)),
    ],
    out_shape=[_f32((N, D)), _f32((N, 8))],
)


def _tc_mid(accr, denr, pr, br, w2r, wasdr, hr, asdr):
    acc = accr[0] + accr[1]
    den = denr[0] + denr[1]
    denx = jnp.dot(den, pr[...], preferred_element_type=jnp.float32)
    xi = jnp.maximum(acc / (denx + jnp.float32(1e-16)) + br[...], 0.0)
    h = jnp.dot(xi, w2r[...], preferred_element_type=jnp.float32)
    hr[...] = h
    asdr[...] = jnp.dot(h, wasdr[...], preferred_element_type=jnp.float32)


_mid = pl.pallas_call(
    _tc_mid,
    grid=(_GRID,),
    in_specs=[
        pl.BlockSpec((2, _MB, D), lambda i: (0, i, 0)),
        pl.BlockSpec((2, _MB, 16), lambda i: (0, i, 0)),
        pl.BlockSpec((16, D), lambda i: (0, 0)),
        pl.BlockSpec((1, D), lambda i: (0, 0)),
        pl.BlockSpec((D, D), lambda i: (0, 0)),
        pl.BlockSpec((D, 8), lambda i: (0, 0)),
    ],
    out_specs=[
        pl.BlockSpec((_MB, D), lambda i: (i, 0)),
        pl.BlockSpec((_MB, 8), lambda i: (i, 0)),
    ],
    out_shape=[_f32((N, D)), _f32((N, 8))],
)


def _tc_final(accr, denr, pr, br, wnr, bnr, xr, wer, ber, nbr, egr):
    acc = accr[0] + accr[1]
    den = denr[0] + denr[1]
    denx = jnp.dot(den, pr[...], preferred_element_type=jnp.float32)
    hf = jnp.maximum(acc / (denx + jnp.float32(1e-16)) + br[...], 0.0)
    nbr[...] = jnp.dot(hf, wnr[...], preferred_element_type=jnp.float32) + bnr[...]
    egr[...] = jnp.dot(xr[...], wer[...], preferred_element_type=jnp.float32) + ber[...]


_final = pl.pallas_call(
    _tc_final,
    grid=(_GRID,),
    in_specs=[
        pl.BlockSpec((2, _MB, D), lambda i: (0, i, 0)),
        pl.BlockSpec((2, _MB, 16), lambda i: (0, i, 0)),
        pl.BlockSpec((16, D), lambda i: (0, 0)),
        pl.BlockSpec((1, D), lambda i: (0, 0)),
        pl.BlockSpec((D, D), lambda i: (0, 0)),
        pl.BlockSpec((1, D), lambda i: (0, 0)),
        pl.BlockSpec((_MB, D), lambda i: (i, 0)),
        pl.BlockSpec((D, D), lambda i: (0, 0)),
        pl.BlockSpec((1, D), lambda i: (0, 0)),
    ],
    out_specs=[
        pl.BlockSpec((_MB, D), lambda i: (i, 0)),
        pl.BlockSpec((_MB, D), lambda i: (i, 0)),
    ],
    out_shape=[_f32((N, D)), _f32((N, D))],
)

_P1 = np.zeros((16, D), np.float32)
for _h in range(H1):
    _P1[_h, _h * 32:(_h + 1) * 32] = 1.0
_P2 = np.zeros((16, D), np.float32)
_P2[0, :] = 1.0
_M1 = np.zeros((D, H1), np.float32)
for _h in range(H1):
    _M1[_h * 32:(_h + 1) * 32, _h] = 1.0


def _wasd1(att_src, att_dst):
    s = _M1 * att_src.reshape(D, 1)
    d = _M1 * att_dst.reshape(D, 1)
    return jnp.concatenate([s, d], axis=1)


def _wasd2(att_src, att_dst):
    z = jnp.zeros((D, 3), jnp.float32)
    return jnp.concatenate(
        [att_src.reshape(D, 1), z, att_dst.reshape(D, 1), z], axis=1
    )


def kernel(x, edge_index, W1, att_src1, att_dst1, b1, W2, att_src2, att_dst2,
           b2, W_neighbor, b_neighbor, W_ego, b_ego):
    ei = edge_index.astype(jnp.int32)
    loop = jnp.arange(N, dtype=jnp.int32)
    src = jnp.concatenate([ei[0], loop])
    dst = jnp.concatenate([ei[1], loop])
    npad = EPAD - E_REAL
    src_p = jnp.concatenate([src, jnp.zeros((npad,), jnp.int32)])
    dstg_p = jnp.concatenate([dst, jnp.zeros((npad,), jnp.int32)])
    dsts_p = jnp.concatenate([dst, jnp.full((npad,), N, jnp.int32)])
    src2 = src_p.reshape(EPAD // 128, 128)
    dsts2 = dsts_p.reshape(EPAD // 128, 128)

    wasd1 = _wasd1(att_src1, att_dst1)
    wasd2 = _wasd2(att_src2, att_dst2)
    p1 = jnp.asarray(_P1)
    p2 = jnp.asarray(_P2)
    b1r = b1.reshape(1, D)
    b2r = b2.reshape(1, D)
    bnr = b_neighbor.reshape(1, D)
    ber = b_ego.reshape(1, D)

    h1, asd1 = _in_matmul(x, W1, wasd1)
    ex1, den1 = _edge_softmax_1(src_p, dstg_p, dsts2, asd1.reshape(-1))
    acc1 = _message_1(src2, dsts2, ex1, h1)
    acc1 = acc1.reshape(NC, NROWS, D)
    den1 = den1.reshape(NC, NROWS, 16)

    h2, asd2 = _mid(acc1, den1, p1, b1r, W2, wasd2)
    ex2, den2 = _edge_softmax_2(src_p, dstg_p, dsts2, asd2.reshape(-1))
    acc2 = _message_2(src2, dsts2, ex2, h2)
    acc2 = acc2.reshape(NC, NROWS, D)
    den2 = den2.reshape(NC, NROWS, 16)

    h_neighbor, h_ego = _final(acc2, den2, p2, b2r, W_neighbor, bnr, x,
                               W_ego, ber)
    return (h_ego, h_neighbor)

# --- scband reference (transcript-rebuilt; emitter-appended) ---
"""Pipeline reference for scband-my-gnn-83726092469062 (READ-ONLY COPY).

The authoritative reference and input builder live on the scoring server;
editing this copy changes nothing except your own understanding.
"""

import jax, jax.numpy as jnp
import numpy as np

N = 10000
E = 320000
D_IN = 128
H1, C1 = 4, 32
H2, C2 = 1, 128
D_OUT = 128


def _glorot(key, shape):
    fan_in, fan_out = shape[0], shape[-1]
    limit = float(np.sqrt(6.0 / (fan_in + fan_out)))
    return jax.random.uniform(key, shape, jnp.float32, -limit, limit)


def setup_inputs(seed: int = 0) -> dict:
    key = jax.random.key(seed)
    ks = jax.random.split(key, 12)
    x = jax.random.normal(ks[0], (N, D_IN), dtype=jnp.float32)
    edge_index = jax.random.randint(ks[1], (2, E), 0, N, dtype=jnp.int64)
    return {
        "x": x,
        "edge_index": edge_index,
        # GAT layer 1: in=128 -> heads=4, out=32 (concat -> 128)
        "W1": _glorot(ks[2], (D_IN, H1 * C1)),
        "att_src1": _glorot(ks[3], (H1, C1)),
        "att_dst1": _glorot(ks[4], (H1, C1)),
        "b1": jnp.zeros((H1 * C1,), jnp.float32),
        # GAT layer 2: in=128 -> heads=1, out=128
        "W2": _glorot(ks[5], (H1 * C1, H2 * C2)),
        "att_src2": _glorot(ks[6], (H2, C2)),
        "att_dst2": _glorot(ks[7], (H2, C2)),
        "b2": jnp.zeros((H2 * C2,), jnp.float32),
        # projection heads
        "W_neighbor": _glorot(ks[8], (H2 * C2, D_OUT)),
        "b_neighbor": jnp.zeros((D_OUT,), jnp.float32),
        "W_ego": _glorot(ks[9], (D_IN, D_OUT)),
        "b_ego": jnp.zeros((D_OUT,), jnp.float32),
    }


def _gat_layer(x, src, dst, n, W, a_src, a_dst, b, H, C):
    h = (x @ W).reshape(n, H, C)
    alpha_s = (h * a_src[None, :, :]).sum(-1)  # [N, H]
    alpha_d = (h * a_dst[None, :, :]).sum(-1)  # [N, H]
    e = alpha_s[src] + alpha_d[dst]            # [E, H]
    e = jax.nn.leaky_relu(e, 0.2)
    emax = jax.ops.segment_max(e, dst, num_segments=n)
    emax = jnp.where(jnp.isfinite(emax), emax, 0.0)
    ex = jnp.exp(e - emax[dst])
    denom = jax.ops.segment_sum(ex, dst, num_segments=n)
    alpha = ex / (denom[dst] + 1e-16)          # softmax over incoming edges per dst
    msg = h[src] * alpha[:, :, None]           # [E, H, C]
    out = jax.ops.segment_sum(msg, dst, num_segments=n)
    return out.reshape(n, H * C) + b


def reference(x, edge_index, W1, att_src1, att_dst1, b1, W2, att_src2, att_dst2, b2, W_neighbor, b_neighbor, W_ego, b_ego):
    n = x.shape[0]
    loop = jnp.arange(n, dtype=edge_index.dtype)
    src = jnp.concatenate([edge_index[0], loop])  # add self loops (PyG default)
    dst = jnp.concatenate([edge_index[1], loop])
    h = jax.nn.relu(_gat_layer(x, src, dst, n, W1, att_src1, att_dst1, b1, H1, C1))
    h = jax.nn.relu(_gat_layer(h, src, dst, n, W2, att_src2, att_dst2, b2, H2, C2))
    h_neighbor = h @ W_neighbor + b_neighbor
    h_ego = x @ W_ego + b_ego
    return (h_ego, h_neighbor)

if __name__ == "__main__":
    import jax
    _d = setup_inputs()
    print(jax.jit(kernel)(*tuple(_d.values())))

</pallas_src>

<mosaic_0001>
#map = affine_map<(d0, d1) -> (0, 0)>
#map1 = affine_map<(d0, d1) -> (0)>
module attributes {stable_mosaic.version = 14 : i64} {
  func.func @body(%arg0: i32, %arg1: i32, %arg2: memref<2816x128xi32, #tpu.memory_space<hbm>>, %arg3: memref<2816x128xi32, #tpu.memory_space<hbm>>, %arg4: memref<1441792xf32, #tpu.memory_space<hbm>>, %arg5: memref<10000x128xf32, #tpu.memory_space<hbm>>, %arg6: memref<20480x128xf32, #tpu.memory_space<hbm>>, %arg7: memref<8x128xi32, #tpu.memory_space<vmem>>, %arg8: memref<8x128xi32, #tpu.memory_space<vmem>>, %arg9: memref<4096xf32, #tpu.memory_space<vmem>>, %arg10: memref<128x128xf32, #tpu.memory_space<vmem>>, %arg11: memref<64x128xf32, #tpu.memory_space<vmem>>, %arg12: memref<10240x128xf32, #tpu.memory_space<vmem_shared>>) attributes {dimension_semantics = [#tpu.dimension_semantics<core_parallel>, #tpu.dimension_semantics<subcore_parallel>], iteration_bounds = array<i64: 2, 16>, scalar_prefetch = 0 : i64, scratch_operands = 6 : i64, tpu.core_type = #tpu.core_type<sc_vector_subcore>, window_params = [{transform_indices = #map}, {transform_indices = #map}, {transform_indices = #map1}, {transform_indices = #map}, {transform_indices = #map}]} {
    %mul3A = arith.constant 16 : i32
    %mul3A_0 = arith.muli %arg0, %mul3A : i32
    %add3A = arith.addi %mul3A_0, %arg1 : i32
    %broadcast_in_dim3A = arith.constant 0.000000e+00 : f32
    %broadcast_in_dim3A_1 = vector.broadcast %broadcast_in_dim3A : f32 to vector<16xf32>
    %scan3A = arith.constant 0 : i32
    %scan3A_2 = arith.constant 0 : i32
    %scan3A_3 = arith.constant 64 : i32
    %scan3A_4 = arith.addi %scan3A_2, %scan3A_3 : i32
    %scan3A_5 = arith.constant 1 : i32
    %scan3A_6 = scf.for %scan3A_30 = %scan3A_2 to %scan3A_4 step %scan3A_5 iter_args(%scan3A_31 = %scan3A) -> (i32)  : i32 {
      %swap3A = arith.index_cast %scan3A_30 : i32 to index
      %swap3A_32 = arith.constant 0 : index
      %swap3A_33 = tpu.vector_load %arg11[%swap3A, %swap3A_32] {strides = array<i32>} : memref<64x128xf32, #tpu.memory_space<vmem>>, vector<16xf32>,
      tpu.vector_store %arg11[%swap3A, %swap3A_32], %broadcast_in_dim3A_1 {strides = array<i32>} : memref<64x128xf32, #tpu.memory_space<vmem>>, vector<16xf32>,
      %swap3A_34 = arith.index_cast %scan3A_30 : i32 to index
      %swap3A_35 = arith.constant 16 : index
      %swap3A_36 = tpu.vector_load %arg11[%swap3A_34, %swap3A_35] {strides = array<i32>} : memref<64x128xf32, #tpu.memory_space<vmem>>, vector<16xf32>,
      tpu.vector_store %arg11[%swap3A_34, %swap3A_35], %broadcast_in_dim3A_1 {strides = array<i32>} : memref<64x128xf32, #tpu.memory_space<vmem>>, vector<16xf32>,
      %swap3A_37 = arith.index_cast %scan3A_30 : i32 to index
      %swap3A_38 = arith.constant 32 : index
      %swap3A_39 = tpu.vector_load %arg11[%swap3A_37, %swap3A_38] {strides = array<i32>} : memref<64x128xf32, #tpu.memory_space<vmem>>, vector<16xf32>,
      tpu.vector_store %arg11[%swap3A_37, %swap3A_38], %broadcast_in_dim3A_1 {strides = array<i32>} : memref<64x128xf32, #tpu.memory_space<vmem>>, vector<16xf32>,
      %swap3A_40 = arith.index_cast %scan3A_30 : i32 to index
      %swap3A_41 = arith.constant 48 : index
      %swap3A_42 = tpu.vector_load %arg11[%swap3A_40, %swap3A_41] {strides = array<i32>} : memref<64x128xf32, #tpu.memory_space<vmem>>, vector<16xf32>,
      tpu.vector_store %arg11[%swap3A_40, %swap3A_41], %broadcast_in_dim3A_1 {strides = array<i32>} : memref<64x128xf32, #tpu.memory_space<vmem>>, vector<16xf32>,
      %swap3A_43 = arith.index_cast %scan3A_30 : i32 to index
      %swap3A_44 = arith.constant 64 : index
      %swap3A_45 = tpu.vector_load %arg11[%swap3A_43, %swap3A_44] {strides = array<i32>} : memref<64x128xf32, #tpu.memory_space<vmem>>, vector<16xf32>,
      tpu.vector_store %arg11[%swap3A_43, %swap3A_44], %broadcast_in_dim3A_1 {strides = array<i32>} : memref<64x128xf32, #tpu.memory_space<vmem>>, vector<16xf32>,
      %swap3A_46 = arith.index_cast %scan3A_30 : i32 to index
      %swap3A_47 = arith.constant 80 : index
      %swap3A_48 = tpu.vector_load %arg11[%swap3A_46, %swap3A_47] {strides = array<i32>} : memref<64x128xf32, #tpu.memory_space<vmem>>, vector<16xf32>,
      tpu.vector_store %arg11[%swap3A_46, %swap3A_47], %broadcast_in_dim3A_1 {strides = array<i32>} : memref<64x128xf32, #tpu.memory_space<vmem>>, vector<16xf32>,
      %swap3A_49 = arith.index_cast %scan3A_30 : i32 to index
      %swap3A_50 = arith.constant 96 : index
      %swap3A_51 = tpu.vector_load %arg11[%swap3A_49, %swap3A_50] {strides = array<i32>} : memref<64x128xf32, #tpu.memory_space<vmem>>, vector<16xf32>,
      tpu.vector_store %arg11[%swap3A_49, %swap3A_50], %broadcast_in_dim3A_1 {strides = array<i32>} : memref<64x128xf32, #tpu.memory_space<vmem>>, vector<16xf32>,
      %swap3A_52 = arith.index_cast %scan3A_30 : i32 to index
      %swap3A_53 = arith.constant 112 : index
      %swap3A_54 = tpu.vector_load %arg11[%swap3A_52, %swap3A_53] {strides = array<i32>} : memref<64x128xf32, #tpu.memory_space<vmem>>, vector<16xf32>,
      tpu.vector_store %arg11[%swap3A_52, %swap3A_53], %broadcast_in_dim3A_1 {strides = array<i32>} : memref<64x128xf32, #tpu.memory_space<vmem>>, vector<16xf32>,
      %scan3A_55 = arith.constant 0 : i32
      scf.yield %scan3A_55 : i32
    }
    %scan3A_7 = arith.constant 64 : i32
    %scan3A_8 = arith.constant 0 : i32
    %scan3A_9 = arith.constant 0 : i32
    %scan3A_10 = arith.constant 10 : i32
    %scan3A_11 = arith.addi %scan3A_9, %scan3A_10 : i32
    %scan3A_12 = arith.constant 1 : i32
    %scan3A_13 = scf.for %scan3A_30 = %scan3A_9 to %scan3A_11 step %scan3A_12 iter_args(%scan3A_31 = %scan3A_8) -> (i32)  : i32 {
      %mul3A_32 = arith.constant 640 : i32
      %mul3A_33 = arith.muli %arg1, %mul3A_32 : i32
      %mul3A_34 = arith.constant 64 : i32
      %mul3A_35 = arith.muli %scan3A_30, %mul3A_34 : i32
      %add3A_36 = arith.addi %mul3A_33, %mul3A_35 : i32
      "tpu.region"() ({
        %run_scoped3A = tpu.sem_alloc : memref<!tpu.dma_semaphore, #tpu.memory_space<semaphore_mem>>
        %dma_start3A = arith.constant 0 : i32
        %dma_start3A_38 = tpu.memref_slice %arg12[%add3A_36, %dma_start3A] : memref<10240x128xf32, #tpu.memory_space<vmem_shared>> -> memref<64x128xf32, #tpu.memory_space<vmem_shared>>
        %dma_start3A_39 = arith.constant 0 : i32
        %dma_start3A_40 = tpu.memref_slice %arg12[%add3A_36, %dma_start3A_39] : memref<10240x128xf32, #tpu.memory_space<vmem_shared>> -> memref<64x128xf32, #tpu.memory_space<vmem_shared>>
        tpu.enqueue_dma source(%arg11 : memref<64x128xf32, #tpu.memory_space<vmem>>) target(%dma_start3A_40 : memref<64x128xf32, #tpu.memory_space<vmem_shared>>) target_semaphore(%run_scoped3A : memref<!tpu.dma_semaphore, #tpu.memory_space<semaphore_mem>>)
        %dma_wait3A = arith.constant 0 : i32
        %dma_wait3A_41 = tpu.memref_slice %arg12[%add3A_36, %dma_wait3A] : memref<10240x128xf32, #tpu.memory_space<vmem_shared>> -> memref<64x128xf32, #tpu.memory_space<vmem_shared>>
        %dma_wait3A_42 = arith.constant 0 : i32
        %dma_wait3A_43 = tpu.memref_slice %arg12[%add3A_36, %dma_wait3A_42] : memref<10240x128xf32, #tpu.memory_space<vmem_shared>> -> memref<64x128xf32, #tpu.memory_space<vmem_shared>>
        tpu.wait_dma2 semaphore(%run_scoped3A : memref<!tpu.dma_semaphore, #tpu.memory_space<semaphore_mem>>) src(%arg11 : memref<64x128xf32, #tpu.memory_space<vmem>>) dst(%dma_wait3A_43 : memref<64x128xf32, #tpu.memory_space<vmem_shared>>)
        tpu.yield
      }) : () -> ()
      %scan3A_37 = arith.constant 0 : i32
      scf.yield %scan3A_37 : i32
    }
    %scan3A_14 = arith.constant 10 : i32
    %barrier3A = arith.constant 0 : index
    tpu.barrier barrier_id(%barrier3A)
    %mul3A_15 = arith.constant 11264 : i32
    %mul3A_16 = arith.muli %add3A, %mul3A_15 : i32
    %scan3A_17 = arith.constant 0 : i32
    %scan3A_18 = arith.constant 0 : i32
    %scan3A_19 = arith.constant 11 : i32
    %scan3A_20 = arith.addi %scan3A_18, %scan3A_19 : i32
    %scan3A_21 = arith.constant 1 : i32
    %scan3A_22 = scf.for %scan3A_30 = %scan3A_18 to %scan3A_20 step %scan3A_21 iter_args(%scan3A_31 = %scan3A_17) -> (i32)  : i32 {
      %mul3A_32 = arith.constant 1024 : i32
      %mul3A_33 = arith.muli %scan3A_30, %mul3A_32 : i32
      %add3A_34 = arith.addi %mul3A_16, %mul3A_33 : i32
      %multiple_of3A = tpu.assume_multiple %add3A_34, 1024 : i32
      %jit3A = arith.constant 128 : i32
      %div3A = arith.divsi %multiple_of3A, %jit3A : i32
      %sign3A = arith.constant 0 : i32
      %sign3A_35 = arith.cmpi sgt, %multiple_of3A, %sign3A : i32
      %sign3A_36 = arith.extui %sign3A_35 : i1 to i32
      %sign3A_37 = arith.constant 0 : i32
      %sign3A_38 = arith.cmpi slt, %multiple_of3A, %sign3A_37 : i32
      %sign3A_39 = arith.extui %sign3A_38 : i1 to i32
      %sign3A_40 = arith.subi %sign3A_36, %sign3A_39 : i32
      %sign3A_41 = arith.constant 0 : i32
      %sign3A_42 = arith.cmpi sgt, %jit3A, %sign3A_41 : i32
      %sign3A_43 = arith.extui %sign3A_42 : i1 to i32
      %sign3A_44 = arith.constant 0 : i32
      %sign3A_45 = arith.cmpi slt, %jit3A, %sign3A_44 : i32
      %sign3A_46 = arith.extui %sign3A_45 : i1 to i32
      %sign3A_47 = arith.subi %sign3A_43, %sign3A_46 : i32
      %ne3A = arith.cmpi ne, %sign3A_40, %sign3A_47 : i32
      %rem3A = arith.remsi %multiple_of3A, %jit3A : i32
      %ne3A_48 = arith.constant 0 : i32
      %ne3A_49 = arith.cmpi ne, %rem3A, %ne3A_48 : i32
      %and3A = arith.andi %ne3A, %ne3A_49 : i1
      %sub3A = arith.constant 1 : i32
      %sub3A_50 = arith.subi %div3A, %sub3A : i32
      %select_n3A = arith.select %and3A, %sub3A_50, %div3A : i32
      %multiple_of3A_51 = tpu.assume_multiple %select_n3A, 8 : i32
      "tpu.region"() ({
        %run_scoped3A_126 = tpu.sem_alloc : memref<!tpu.dma_semaphore, #tpu.memory_space<semaphore_mem>>
        %dma_start3A = arith.constant 0 : i32
        %dma_start3A_127 = tpu.memref_slice %arg2[%multiple_of3A_51, %dma_start3A] : memref<2816x128xi32, #tpu.memory_space<hbm>> -> memref<8x128xi32, #tpu.memory_space<hbm>>
        %dma_start3A_128 = arith.constant 0 : i32
        %dma_start3A_129 = tpu.memref_slice %arg2[%multiple_of3A_51, %dma_start3A_128] : memref<2816x128xi32, #tpu.memory_space<hbm>> -> memref<8x128xi32, #tpu.memory_space<hbm>>
        tpu.enqueue_dma source(%dma_start3A_129 : memref<8x128xi32, #tpu.memory_space<hbm>>) target(%arg7 : memref<8x128xi32, #tpu.memory_space<vmem>>) target_semaphore(%run_scoped3A_126 : memref<!tpu.dma_semaphore, #tpu.memory_space<semaphore_mem>>)
        %dma_wait3A = arith.constant 0 : i32
        %dma_wait3A_130 = tpu.memref_slice %arg2[%multiple_of3A_51, %dma_wait3A] : memref<2816x128xi32, #tpu.memory_space<hbm>> -> memref<8x128xi32, #tpu.memory_space<hbm>>
        %dma_wait3A_131 = arith.constant 0 : i32
        %dma_wait3A_132 = tpu.memref_slice %arg2[%multiple_of3A_51, %dma_wait3A_131] : memref<2816x128xi32, #tpu.memory_space<hbm>> -> memref<8x128xi32, #tpu.memory_space<hbm>>
        tpu.wait_dma2 semaphore(%run_scoped3A_126 : memref<!tpu.dma_semaphore, #tpu.memory_space<semaphore_mem>>) src(%dma_wait3A_132 : memref<8x128xi32, #tpu.memory_space<hbm>>) dst(%arg7 : memref<8x128xi32, #tpu.memory_space<vmem>>)
        tpu.yield
      }) : () -> ()
      "tpu.region"() ({
        %run_scoped3A_126 = tpu.sem_alloc : memref<!tpu.dma_semaphore, #tpu.memory_space<semaphore_mem>>
        %dma_start3A = arith.constant 0 : i32
        %dma_start3A_127 = tpu.memref_slice %arg3[%multiple_of3A_51, %dma_start3A] : memref<2816x128xi32, #tpu.memory_space<hbm>> -> memref<8x128xi32, #tpu.memory_space<hbm>>
        %dma_start3A_128 = arith.constant 0 : i32
        %dma_start3A_129 = tpu.memref_slice %arg3[%multiple_of3A_51, %dma_start3A_128] : memref<2816x128xi32, #tpu.memory_space<hbm>> -> memref<8x128xi32, #tpu.memory_space<hbm>>
        tpu.enqueue_dma source(%dma_start3A_129 : memref<8x128xi32, #tpu.memory_space<hbm>>) target(%arg8 : memref<8x128xi32, #tpu.memory_space<vmem>>) target_semaphore(%run_scoped3A_126 : memref<!tpu.dma_semaphore, #tpu.memory_space<semaphore_mem>>)
        %dma_wait3A = arith.constant 0 : i32
        %dma_wait3A_130 = tpu.memref_slice %arg3[%multiple_of3A_51, %dma_wait3A] : memref<2816x128xi32, #tpu.memory_space<hbm>> -> memref<8x128xi32, #tpu.memory_space<hbm>>
        %dma_wait3A_131 = arith.constant 0 : i32
        %dma_wait3A_132 = tpu.memref_slice %arg3[%multiple_of3A_51, %dma_wait3A_131] : memref<2816x128xi32, #tpu.memory_space<hbm>> -> memref<8x128xi32, #tpu.memory_space<hbm>>
        tpu.wait_dma2 semaphore(%run_scoped3A_126 : memref<!tpu.dma_semaphore, #tpu.memory_space<semaphore_mem>>) src(%dma_wait3A_132 : memref<8x128xi32, #tpu.memory_space<hbm>>) dst(%arg8 : memref<8x128xi32, #tpu.memory_space<vmem>>)
        tpu.yield
      }) : () -> ()
      %mul3A_52 = arith.constant 4 : i32
      %mul3A_53 = arith.muli %multiple_of3A, %mul3A_52 : i32
      "tpu.region"() ({
        %run_scoped3A_126 = tpu.sem_alloc : memref<!tpu.dma_semaphore, #tpu.memory_space<semaphore_mem>>
        %dma_start3A = tpu.memref_slice %arg4[%mul3A_53] : memref<1441792xf32, #tpu.memory_space<hbm>> -> memref<4096xf32, #tpu.memory_space<hbm>>
        %dma_start3A_127 = tpu.memref_slice %arg4[%mul3A_53] : memref<1441792xf32, #tpu.memory_space<hbm>> -> memref<4096xf32, #tpu.memory_space<hbm>>
        tpu.enqueue_dma source(%dma_start3A_127 : memref<4096xf32, #tpu.memory_space<hbm>>) target(%arg9 : memref<4096xf32, #tpu.memory_space<vmem>>) target_semaphore(%run_scoped3A_126 : memref<!tpu.dma_semaphore, #tpu.memory_space<semaphore_mem>>)
        %dma_wait3A = tpu.memref_slice %arg4[%mul3A_53] : memref<1441792xf32, #tpu.memory_space<hbm>> -> memref<4096xf32, #tpu.memory_space<hbm>>
        %dma_wait3A_128 = tpu.memref_slice %arg4[%mul3A_53] : memref<1441792xf32, #tpu.memory_space<hbm>> -> memref<4096xf32, #tpu.memory_space<hbm>>
        tpu.wait_dma2 semaphore(%run_scoped3A_126 : memref<!tpu.dma_semaphore, #tpu.memory_space<semaphore_mem>>) src(%dma_wait3A_128 : memref<4096xf32, #tpu.memory_space<hbm>>) dst(%arg9 : memref<4096xf32, #tpu.memory_space<vmem>>)
        tpu.yield
      }) : () -> ()
      %run_scoped3A = arith.constant 0 : i32
      "tpu.region"() ({
        %run_scoped3A_126 = tpu.sem_alloc : memref<!tpu.dma_semaphore, #tpu.memory_space<semaphore_mem>>
        %dma_start3A = arith.constant 0 : i32
        %dma_start3A_127 = tpu.memref_slice %arg7[%run_scoped3A, %dma_start3A] : memref<8x128xi32, #tpu.memory_space<vmem>> -> memref<1x128xi32, #tpu.memory_space<vmem>>
        %dma_start3A_128 = tpu.memref_squeeze %dma_start3A_127 : memref<1x128xi32, #tpu.memory_space<vmem>> -> memref<128xi32, #tpu.memory_space<vmem>>
        %dma_start3A_129 = arith.constant 0 : i32
        %dma_start3A_130 = arith.constant 0 : i32
        %dma_start3A_131 = tpu.memref_slice %arg5[%dma_start3A_129, %dma_start3A_130] : memref<10000x128xf32, #tpu.memory_space<hbm>> -> memref<10000x128xf32, #tpu.memory_space<hbm>>
        tpu.enqueue_indirect_dma source(%dma_start3A_131 : memref<10000x128xf32, #tpu.memory_space<hbm>>) target(%arg10 : memref<128x128xf32, #tpu.memory_space<vmem>>) offsets(%dma_start3A_128 : memref<128xi32, #tpu.memory_space<vmem>>) semaphore(%run_scoped3A_126 : memref<!tpu.dma_semaphore, #tpu.memory_space<semaphore_mem>>)
        %dma_wait3A = arith.constant 0 : i32
        %dma_wait3A_132 = tpu.memref_slice %arg7[%run_scoped3A, %dma_wait3A] : memref<8x128xi32, #tpu.memory_space<vmem>> -> memref<1x128xi32, #tpu.memory_space<vmem>>
        %dma_wait3A_133 = tpu.memref_squeeze %dma_wait3A_132 : memref<1x128xi32, #tpu.memory_space<vmem>> -> memref<128xi32, #tpu.memory_space<vmem>>
        %dma_wait3A_134 = arith.constant 0 : i32
        %dma_wait3A_135 = arith.constant 0 : i32
        %dma_wait3A_136 = tpu.memref_slice %arg5[%dma_wait3A_134, %dma_wait3A_135] : memref<10000x128xf32, #tpu.memory_space<hbm>> -> memref<10000x128xf32, #tpu.memory_space<hbm>>
        tpu.wait_indirect_dma semaphore(%run_scoped3A_126 : memref<!tpu.dma_semaphore, #tpu.memory_space<semaphore_mem>>) src(%dma_wait3A_136 : memref<10000x128xf32, #tpu.memory_space<hbm>>) dst(%arg10 : memref<128x128xf32, #tpu.memory_space<vmem>>)
        tpu.yield
      }) : () -> ()
      %scan3A_54 = arith.constant 0 : i32
      %scan3A_55 = arith.constant 0 : i32
      %scan3A_56 = arith.constant 128 : i32
      %scan3A_57 = arith.addi %scan3A_55, %scan3A_56 : i32
      %scan3A_58 = arith.constant 1 : i32
      %scan3A_59 = scf.for %scan3A_126 = %scan3A_55 to %scan3A_57 step %scan3A_58 iter_args(%scan3A_127 = %scan3A_54) -> (i32)  : i32 {
        %add3A_128 = arith.constant 0 : i32
        %add3A_129 = arith.addi %add3A_128, %scan3A_126 : i32
        %mul3A_130 = arith.constant 4 : i32
        %mul3A_131 = arith.muli %add3A_129, %mul3A_130 : i32
        %add3A_132 = arith.constant 0 : i32
        %add3A_133 = arith.addi %mul3A_131, %add3A_132 : i32
        %broadcast_in_dim3A_134 = vector.broadcast %add3A_133 : i32 to vector<16xi32>
        %gather3A = tpu.vector_load_idx %arg9[%broadcast_in_dim3A_134] : memref<4096xf32, #tpu.memory_space<vmem>>[vector<16xi32>], vector<16xf32>,
        %get3A = arith.index_cast %scan3A_126 : i32 to index
        %get3A_135 = arith.constant 0 : index
        %get3A_136 = tpu.vector_load %arg10[%get3A, %get3A_135] {strides = array<i32>} : memref<128x128xf32, #tpu.memory_space<vmem>>, vector<16xf32>,
        %mul3A_137 = arith.mulf %get3A_136, %gather3A : vector<16xf32>
        %swap3A = arith.index_cast %scan3A_126 : i32 to index
        %swap3A_138 = arith.constant 0 : index
        %swap3A_139 = tpu.vector_load %arg10[%swap3A, %swap3A_138] {strides = array<i32>} : memref<128x128xf32, #tpu.memory_space<vmem>>, vector<16xf32>,
        tpu.vector_store %arg10[%swap3A, %swap3A_138], %mul3A_137 {strides = array<i32>} : memref<128x128xf32, #tpu.memory_space<vmem>>, vector<16xf32>,
        %get3A_140 = arith.index_cast %scan3A_126 : i32 to index
        %get3A_141 = arith.constant 16 : index
        %get3A_142 = tpu.vector_load %arg10[%get3A_140, %get3A_141] {strides = array<i32>} : memref<128x128xf32, #tpu.memory_space<vmem>>, vector<16xf32>,
        %mul3A_143 = arith.mulf %get3A_142, %gather3A : vector<16xf32>
        %swap3A_144 = arith.index_cast %scan3A_126 : i32 to index
        %swap3A_145 = arith.constant 16 : index
        %swap3A_146 = tpu.vector_load %arg10[%swap3A_144, %swap3A_145] {strides = array<i32>} : memref<128x128xf32, #tpu.memory_space<vmem>>, vector<16xf32>,
        tpu.vector_store %arg10[%swap3A_144, %swap3A_145], %mul3A_143 {strides = array<i32>} : memref<128x128xf32, #tpu.memory_space<vmem>>, vector<16xf32>,
        %add3A_147 = arith.constant 1 : i32
        %add3A_148 = arith.addi %mul3A_131, %add3A_147 : i32
        %broadcast_in_dim3A_149 = vector.broadcast %add3A_148 : i32 to vector<16xi32>
        %gather3A_150 = tpu.vector_load_idx %arg9[%broadcast_in_dim3A_149] : memref<4096xf32, #tpu.memory_space<vmem>>[vector<16xi32>], vector<16xf32>,
        %get3A_151 = arith.index_cast %scan3A_126 : i32 to index
        %get3A_152 = arith.constant 32 : index
        %get3A_153 = tpu.vector_load %arg10[%get3A_151, %get3A_152] {strides = array<i32>} : memref<128x128xf32, #tpu.memory_space<vmem>>, vector<16xf32>,
        %mul3A_154 = arith.mulf %get3A_153, %gather3A_150 : vector<16xf32>
        %swap3A_155 = arith.index_cast %scan3A_126 : i32 to index
        %swap3A_156 = arith.constant 32 : index
        %swap3A_157 = tpu.vector_load %arg10[%swap3A_155, %swap3A_156] {strides = array<i32>} : memref<128x128xf32, #tpu.memory_space<vmem>>, vector<16xf32>,
        tpu.vector_store %arg10[%swap3A_155, %swap3A_156], %mul3A_154 {strides = array<i32>} : memref<128x128xf32, #tpu.memory_space<vmem>>, vector<16xf32>,
        %get3A_158 = arith.index_cast %scan3A_126 : i32 to index
        %get3A_159 = arith.constant 48 : index
        %get3A_160 = tpu.vector_load %arg10[%get3A_158, %get3A_159] {strides = array<i32>} : memref<128x128xf32, #tpu.memory_space<vmem>>, vector<16xf32>,
        %mul3A_161 = arith.mulf %get3A_160, %gather3A_150 : vector<16xf32>
        %swap3A_162 = arith.index_cast %scan3A_126 : i32 to index
        %swap3A_163 = arith.constant 48 : index
        %swap3A_164 = tpu.vector_load %arg10[%swap3A_162, %swap3A_163] {strides = array<i32>} : memref<128x128xf32, #tpu.memory_space<vmem>>, vector<16xf32>,
        tpu.vector_store %arg10[%swap3A_162, %swap3A_163], %mul3A_161 {strides = array<i32>} : memref<128x128xf32, #tpu.memory_space<vmem>>, vector<16xf32>,
        %add3A_165 = arith.constant 2 : i32
        %add3A_166 = arith.addi %mul3A_131, %add3A_165 : i32
        %broadcast_in_dim3A_167 = vector.broadcast %add3A_166 : i32 to vector<16xi32>
        %gather3A_168 = tpu.vector_load_idx %arg9[%broadcast_in_dim3A_167] : memref<4096xf32, #tpu.memory_space<vmem>>[vector<16xi32>], vector<16xf32>,
        %get3A_169 = arith.index_cast %scan3A_126 : i32 to index
        %get3A_170 = arith.constant 64 : index
        %get3A_171 = tpu.vector_load %arg10[%get3A_169, %get3A_170] {strides = array<i32>} : memref<128x128xf32, #tpu.memory_space<vmem>>, vector<16xf32>,
        %mul3A_172 = arith.mulf %get3A_171, %gather3A_168 : vector<16xf32>
        %swap3A_173 = arith.index_cast %scan3A_126 : i32 to index
        %swap3A_174 = arith.constant 64 : index
        %swap3A_175 = tpu.vector_load %arg10[%swap3A_173, %swap3A_174] {strides = array<i32>} : memref<128x128xf32, #tpu.memory_space<vmem>>, vector<16xf32>,
        tpu.vector_store %arg10[%swap3A_173, %swap3A_174], %mul3A_172 {strides = array<i32>} : memref<128x128xf32, #tpu.memory_space<vmem>>, vector<16xf32>,
        %get3A_176 = arith.index_cast %scan3A_126 : i32 to index
        %get3A_177 = arith.constant 80 : index
        %get3A_178 = tpu.vector_load %arg10[%get3A_176, %get3A_177] {strides = array<i32>} : memref<128x128xf32, #tpu.memory_space<vmem>>, vector<16xf32>,
        %mul3A_179 = arith.mulf %get3A_178, %gather3A_168 : vector<16xf32>
        %swap3A_180 = arith.index_cast %scan3A_126 : i32 to index
        %swap3A_181 = arith.constant 80 : index
        %swap3A_182 = tpu.vector_load %arg10[%swap3A_180, %swap3A_181] {strides = array<i32>} : memref<128x128xf32, #tpu.memory_space<vmem>>, vector<16xf32>,
        tpu.vector_store %arg10[%swap3A_180, %swap3A_181], %mul3A_179 {strides = array<i32>} : memref<128x128xf32, #tpu.memory_space<vmem>>, vector<16xf32>,
        %add3A_183 = arith.constant 3 : i32
        %add3A_184 = arith.addi %mul3A_131, %add3A_183 : i32
        %broadcast_in_dim3A_185 = vector.broadcast %add3A_184 : i32 to vector<16xi32>
        %gather3A_186 = tpu.vector_load_idx %arg9[%broadcast_in_dim3A_185] : memref<4096xf32, #tpu.memory_space<vmem>>[vector<16xi32>], vector<16xf32>,
        %get3A_187 = arith.index_cast %scan3A_126 : i32 to index
        %get3A_188 = arith.constant 96 : index
        %get3A_189 = tpu.vector_load %arg10[%get3A_187, %get3A_188] {strides = array<i32>} : memref<128x128xf32, #tpu.memory_space<vmem>>, vector<16xf32>,
        %mul3A_190 = arith.mulf %get3A_189, %gather3A_186 : vector<16xf32>
        %swap3A_191 = arith.index_cast %scan3A_126 : i32 to index
        %swap3A_192 = arith.constant 96 : index
        %swap3A_193 = tpu.vector_load %arg10[%swap3A_191, %swap3A_192] {strides = array<i32>} : memref<128x128xf32, #tpu.memory_space<vmem>>, vector<16xf32>,
        tpu.vector_store %arg10[%swap3A_191, %swap3A_192], %mul3A_190 {strides = array<i32>} : memref<128x128xf32, #tpu.memory_space<vmem>>, vector<16xf32>,
        %get3A_194 = arith.index_cast %scan3A_126 : i32 to index
        %get3A_195 = arith.constant 112 : index
        %get3A_196 = tpu.vector_load %arg10[%get3A_194, %get3A_195] {strides = array<i32>} : memref<128x128xf32, #tpu.memory_space<vmem>>, vector<16xf32>,
        %mul3A_197 = arith.mulf %get3A_196, %gather3A_186 : vector<16xf32>
        %swap3A_198 = arith.index_cast %scan3A_126 : i32 to index
        %swap3A_199 = arith.constant 112 : index
        %swap3A_200 = tpu.vector_load %arg10[%swap3A_198, %swap3A_199] {strides = array<i32>} : memref<128x128xf32, #tpu.memory_space<vmem>>, vector<16xf32>,
        tpu.vector_store %arg10[%swap3A_198, %swap3A_199], %mul3A_197 {strides = array<i32>} : memref<128x128xf32, #tpu.memory_space<vmem>>, vector<16xf32>,
        %scan3A_201 = arith.constant 0 : i32
        scf.yield %scan3A_201 : i32
      }
      %scan3A_60 = arith.constant 128 : i32
      %run_scoped3A_61 = arith.constant 0 : i32
      "tpu.region"() ({
        %run_scoped3A_126 = tpu.sem_alloc : memref<!tpu.dma_semaphore, #tpu.memory_space<semaphore_mem>>
        %dma_start3A = arith.constant 0 : i32
        %dma_start3A_127 = tpu.memref_slice %arg8[%run_scoped3A_61, %dma_start3A] : memref<8x128xi32, #tpu.memory_space<vmem>> -> memref<1x128xi32, #tpu.memory_space<vmem>>
        %dma_start3A_128 = tpu.memref_squeeze %dma_start3A_127 : memref<1x128xi32, #tpu.memory_space<vmem>> -> memref<128xi32, #tpu.memory_space<vmem>>
        %dma_start3A_129 = arith.constant 0 : i32
        %dma_start3A_130 = arith.constant 0 : i32
        %dma_start3A_131 = tpu.memref_slice %arg12[%dma_start3A_129, %dma_start3A_130] : memref<10240x128xf32, #tpu.memory_space<vmem_shared>> -> memref<10240x128xf32, #tpu.memory_space<vmem_shared>>
        tpu.enqueue_indirect_dma source(%arg10 : memref<128x128xf32, #tpu.memory_space<vmem>>) target(%dma_start3A_131 : memref<10240x128xf32, #tpu.memory_space<vmem_shared>>) offsets(%dma_start3A_128 : memref<128xi32, #tpu.memory_space<vmem>>) semaphore(%run_scoped3A_126 : memref<!tpu.dma_semaphore, #tpu.memory_space<semaphore_mem>>) {add = true}
        %dma_wait3A = arith.constant 0 : i32
        %dma_wait3A_132 = tpu.memref_slice %arg8[%run_scoped3A_61, %dma_wait3A] : memref<8x128xi32, #tpu.memory_space<vmem>> -> memref<1x128xi32, #tpu.memory_space<vmem>>
        %dma_wait3A_133 = tpu.memref_squeeze %dma_wait3A_132 : memref<1x128xi32, #tpu.memory_space<vmem>> -> memref<128xi32, #tpu.memory_space<vmem>>
        %dma_wait3A_134 = arith.constant 0 : i32
        %dma_wait3A_135 = arith.constant 0 : i32
        %dma_wait3A_136 = tpu.memref_slice %arg12[%dma_wait3A_134, %dma_wait3A_135] : memref<10240x128xf32, #tpu.memory_space<vmem_shared>> -> memref<10240x128xf32, #tpu.memory_space<vmem_shared>>
        tpu.wait_indirect_dma semaphore(%run_scoped3A_126 : memref<!tpu.dma_semaphore, #tpu.memory_space<semaphore_mem>>) src(%arg10 : memref<128x128xf32, #tpu.memory_space<vmem>>) dst(%dma_wait3A_136 : memref<10240x128xf32, #tpu.memory_space<vmem_shared>>)
        tpu.yield
      }) : () -> ()
      %run_scoped3A_62 = arith.constant 1 : i32
      "tpu.region"() ({
        %run_scoped3A_126 = tpu.sem_alloc : memref<!tpu.dma_semaphore, #tpu.memory_space<semaphore_mem>>
        %dma_start3A = arith.constant 0 : i32
        %dma_start3A_127 = tpu.memref_slice %arg7[%run_scoped3A_62, %dma_start3A] : memref<8x128xi32, #tpu.memory_space<vmem>> -> memref<1x128xi32, #tpu.memory_space<vmem>>
        %dma_start3A_128 = tpu.memref_squeeze %dma_start3A_127 : memref<1x128xi32, #tpu.memory_space<vmem>> -> memref<128xi32, #tpu.memory_space<vmem>>
        %dma_start3A_129 = arith.constant 0 : i32
        %dma_start3A_130 = arith.constant 0 : i32
        %dma_start3A_131 = tpu.memref_slice %arg5[%dma_start3A_129, %dma_start3A_130] : memref<10000x128xf32, #tpu.memory_space<hbm>> -> memref<10000x128xf32, #tpu.memory_space<hbm>>
        tpu.enqueue_indirect_dma source(%dma_start3A_131 : memref<10000x128xf32, #tpu.memory_space<hbm>>) target(%arg10 : memref<128x128xf32, #tpu.memory_space<vmem>>) offsets(%dma_start3A_128 : memref<128xi32, #tpu.memory_space<vmem>>) semaphore(%run_scoped3A_126 : memref<!tpu.dma_semaphore, #tpu.memory_space<semaphore_mem>>)
        %dma_wait3A = arith.constant 0 : i32
        %dma_wait3A_132 = tpu.memref_slice %arg7[%run_scoped3A_62, %dma_wait3A] : memref<8x128xi32, #tpu.memory_space<vmem>> -> memref<1x128xi32, #tpu.memory_space<vmem>>
        %dma_wait3A_133 = tpu.memref_squeeze %dma_wait3A_132 : memref<1x128xi32, #tpu.memory_space<vmem>> -> memref<128xi32, #tpu.memory_space<vmem>>
        %dma_wait3A_134 = arith.constant 0 : i32
        %dma_wait3A_135 = arith.constant 0 : i32
        %dma_wait3A_136 = tpu.memref_slice %arg5[%dma_wait3A_134, %dma_wait3A_135] : memref<10000x128xf32, #tpu.memory_space<hbm>> -> memref<10000x128xf32, #tpu.memory_space<hbm>>
        tpu.wait_indirect_dma semaphore(%run_scoped3A_126 : memref<!tpu.dma_semaphore, #tpu.memory_space<semaphore_mem>>) src(%dma_wait3A_136 : memref<10000x128xf32, #tpu.memory_space<hbm>>) dst(%arg10 : memref<128x128xf32, #tpu.memory_space<vmem>>)
        tpu.yield
      }) : () -> ()
      %scan3A_63 = arith.constant 0 : i32
      %scan3A_64 = arith.constant 0 : i32
      %scan3A_65 = arith.constant 128 : i32
      %scan3A_66 = arith.addi %scan3A_64, %scan3A_65 : i32
      %scan3A_67 = arith.constant 1 : i32
      %scan3A_68 = scf.for %scan3A_126 = %scan3A_64 to %scan3A_66 step %scan3A_67 iter_args(%scan3A_127 = %scan3A_63) -> (i32)  : i32 {
        %add3A_128 = arith.constant 128 : i32
        %add3A_129 = arith.addi %add3A_128, %scan3A_126 : i32
        %mul3A_130 = arith.constant 4 : i32
        %mul3A_131 = arith.muli %add3A_129, %mul3A_130 : i32
        %add3A_132 = arith.constant 0 : i32
        %add3A_133 = arith.addi %mul3A_131, %add3A_132 : i32
        %broadcast_in_dim3A_134 = vector.broadcast %add3A_133 : i32 to vector<16xi32>
        %gather3A = tpu.vector_load_idx %arg9[%broadcast_in_dim3A_134] : memref<4096xf32, #tpu.memory_space<vmem>>[vector<16xi32>], vector<16xf32>,
        %get3A = arith.index_cast %scan3A_126 : i32 to index
        %get3A_135 = arith.constant 0 : index
        %get3A_136 = tpu.vector_load %arg10[%get3A, %get3A_135] {strides = array<i32>} : memref<128x128xf32, #tpu.memory_space<vmem>>, vector<16xf32>,
        %mul3A_137 = arith.mulf %get3A_136, %gather3A : vector<16xf32>
        %swap3A = arith.index_cast %scan3A_126 : i32 to index
        %swap3A_138 = arith.constant 0 : index
        %swap3A_139 = tpu.vector_load %arg10[%swap3A, %swap3A_138] {strides = array<i32>} : memref<128x128xf32, #tpu.memory_space<vmem>>, vector<16xf32>,
        tpu.vector_store %arg10[%swap3A, %swap3A_138], %mul3A_137 {strides = array<i32>} : memref<128x128xf32, #tpu.memory_space<vmem>>, vector<16xf32>,
        %get3A_140 = arith.index_cast %scan3A_126 : i32 to index
        %get3A_141 = arith.constant 16 : index
        %get3A_142 = tpu.vector_load %arg10[%get3A_140, %get3A_141] {strides = array<i32>} : memref<128x128xf32, #tpu.memory_space<vmem>>, vector<16xf32>,
        %mul3A_143 = arith.mulf %get3A_142, %gather3A : vector<16xf32>
        %swap3A_144 = arith.index_cast %scan3A_126 : i32 to index
        %swap3A_145 = arith.constant 16 : index
        %swap3A_146 = tpu.vector_load %arg10[%swap3A_144, %swap3A_145] {strides = array<i32>} : memref<128x128xf32, #tpu.memory_space<vmem>>, vector<16xf32>,
        tpu.vector_store %arg10[%swap3A_144, %swap3A_145], %mul3A_143 {strides = array<i32>} : memref<128x128xf32, #tpu.memory_space<vmem>>, vector<16xf32>,
        %add3A_147 = arith.constant 1 : i32
        %add3A_148 = arith.addi %mul3A_131, %add3A_147 : i32
        %broadcast_in_dim3A_149 = vector.broadcast %add3A_148 : i32 to vector<16xi32>
        %gather3A_150 = tpu.vector_load_idx %arg9[%broadcast_in_dim3A_149] : memref<4096xf32, #tpu.memory_space<vmem>>[vector<16xi32>], vector<16xf32>,
        %get3A_151 = arith.index_cast %scan3A_126 : i32 to index
        %get3A_152 = arith.constant 32 : index
        %get3A_153 = tpu.vector_load %arg10[%get3A_151, %get3A_152] {strides = array<i32>} : memref<128x128xf32, #tpu.memory_space<vmem>>, vector<16xf32>,
        %mul3A_154 = arith.mulf %get3A_153, %gather3A_150 : vector<16xf32>
        %swap3A_155 = arith.index_cast %scan3A_126 : i32 to index
        %swap3A_156 = arith.constant 32 : index
        %swap3A_157 = tpu.vector_load %arg10[%swap3A_155, %swap3A_156] {strides = array<i32>} : memref<128x128xf32, #tpu.memory_space<vmem>>, vector<16xf32>,
        tpu.vector_store %arg10[%swap3A_155, %swap3A_156], %mul3A_154 {strides = array<i32>} : memref<128x128xf32, #tpu.memory_space<vmem>>, vector<16xf32>,
        %get3A_158 = arith.index_cast %scan3A_126 : i32 to index
        %get3A_159 = arith.constant 48 : index
        %get3A_160 = tpu.vector_load %arg10[%get3A_158, %get3A_159] {strides = array<i32>} : memref<128x128xf32, #tpu.memory_space<vmem>>, vector<16xf32>,
        %mul3A_161 = arith.mulf %get3A_160, %gather3A_150 : vector<16xf32>
        %swap3A_162 = arith.index_cast %scan3A_126 : i32 to index
        %swap3A_163 = arith.constant 48 : index
        %swap3A_164 = tpu.vector_load %arg10[%swap3A_162, %swap3A_163] {strides = array<i32>} : memref<128x128xf32, #tpu.memory_space<vmem>>, vector<16xf32>,
        tpu.vector_store %arg10[%swap3A_162, %swap3A_163], %mul3A_161 {strides = array<i32>} : memref<128x128xf32, #tpu.memory_space<vmem>>, vector<16xf32>,
        %add3A_165 = arith.constant 2 : i32
        %add3A_166 = arith.addi %mul3A_131, %add3A_165 : i32
        %broadcast_in_dim3A_167 = vector.broadcast %add3A_166 : i32 to vector<16xi32>
        %gather3A_168 = tpu.vector_load_idx %arg9[%broadcast_in_dim3A_167] : memref<4096xf32, #tpu.memory_space<vmem>>[vector<16xi32>], vector<16xf32>,
        %get3A_169 = arith.index_cast %scan3A_126 : i32 to index
        %get3A_170 = arith.constant 64 : index
        %get3A_171 = tpu.vector_load %arg10[%get3A_169, %get3A_170] {strides = array<i32>} : memref<128x128xf32, #tpu.memory_space<vmem>>, vector<16xf32>,
        %mul3A_172 = arith.mulf %get3A_171, %gather3A_168 : vector<16xf32>
        %swap3A_173 = arith.index_cast %scan3A_126 : i32 to index
        %swap3A_174 = arith.constant 64 : index
        %swap3A_175 = tpu.vector_load %arg10[%swap3A_173, %swap3A_174] {strides = array<i32>} : memref<128x128xf32, #tpu.memory_space<vmem>>, vector<16xf32>,
        tpu.vector_store %arg10[%swap3A_173, %swap3A_174], %mul3A_172 {strides = array<i32>} : memref<128x128xf32, #tpu.memory_space<vmem>>, vector<16xf32>,
        %get3A_176 = arith.index_cast %scan3A_126 : i32 to index
        %get3A_177 = arith.constant 80 : index
        %get3A_178 = tpu.vector_load %arg10[%get3A_176, %get3A_177] {strides = array<i32>} : memref<128x128xf32, #tpu.memory_space<vmem>>, vector<16xf32>,
        %mul3A_179 = arith.mulf %get3A_178, %gather3A_168 : vector<16xf32>
        %swap3A_180 = arith.index_cast %scan3A_126 : i32 to index
        %swap3A_181 = arith.constant 80 : index
        %swap3A_182 = tpu.vector_load %arg10[%swap3A_180, %swap3A_181] {strides = array<i32>} : memref<128x128xf32, #tpu.memory_space<vmem>>, vector<16xf32>,
        tpu.vector_store %arg10[%swap3A_180, %swap3A_181], %mul3A_179 {strides = array<i32>} : memref<128x128xf32, #tpu.memory_space<vmem>>, vector<16xf32>,
        %add3A_183 = arith.constant 3 : i32
        %add3A_184 = arith.addi %mul3A_131, %add3A_183 : i32
        %broadcast_in_dim3A_185 = vector.broadcast %add3A_184 : i32 to vector<16xi32>
        %gather3A_186 = tpu.vector_load_idx %arg9[%broadcast_in_dim3A_185] : memref<4096xf32, #tpu.memory_space<vmem>>[vector<16xi32>], vector<16xf32>,
        %get3A_187 = arith.index_cast %scan3A_126 : i32 to index
        %get3A_188 = arith.constant 96 : index
        %get3A_189 = tpu.vector_load %arg10[%get3A_187, %get3A_188] {strides = array<i32>} : memref<128x128xf32, #tpu.memory_space<vmem>>, vector<16xf32>,
        %mul3A_190 = arith.mulf %get3A_189, %gather3A_186 : vector<16xf32>
        %swap3A_191 = arith.index_cast %scan3A_126 : i32 to index
        %swap3A_192 = arith.constant 96 : index
        %swap3A_193 = tpu.vector_load %arg10[%swap3A_191, %swap3A_192] {strides = array<i32>} : memref<128x128xf32, #tpu.memory_space<vmem>>, vector<16xf32>,
        tpu.vector_store %arg10[%swap3A_191, %swap3A_192], %mul3A_190 {strides = array<i32>} : memref<128x128xf32, #tpu.memory_space<vmem>>, vector<16xf32>,
        %get3A_194 = arith.index_cast %scan3A_126 : i32 to index
        %get3A_195 = arith.constant 112 : index
        %get3A_196 = tpu.vector_load %arg10[%get3A_194, %get3A_195] {strides = array<i32>} : memref<128x128xf32, #tpu.memory_space<vmem>>, vector<16xf32>,
        %mul3A_197 = arith.mulf %get3A_196, %gather3A_186 : vector<16xf32>
        %swap3A_198 = arith.index_cast %scan3A_126 : i32 to index
        %swap3A_199 = arith.constant 112 : index
        %swap3A_200 = tpu.vector_load %arg10[%swap3A_198, %swap3A_199] {strides = array<i32>} : memref<128x128xf32, #tpu.memory_space<vmem>>, vector<16xf32>,
        tpu.vector_store %arg10[%swap3A_198, %swap3A_199], %mul3A_197 {strides = array<i32>} : memref<128x128xf32, #tpu.memory_space<vmem>>, vector<16xf32>,
        %scan3A_201 = arith.constant 0 : i32
        scf.yield %scan3A_201 : i32
      }
      %scan3A_69 = arith.constant 128 : i32
      %run_scoped3A_70 = arith.constant 1 : i32
      "tpu.region"() ({
        %run_scoped3A_126 = tpu.sem_alloc : memref<!tpu.dma_semaphore, #tpu.memory_space<semaphore_mem>>
        %dma_start3A = arith.constant 0 : i32
        %dma_start3A_127 = tpu.memref_slice %arg8[%run_scoped3A_70, %dma_start3A] : memref<8x128xi32, #tpu.memory_space<vmem>> -> memref<1x128xi32, #tpu.memory_space<vmem>>
        %dma_start3A_128 = tpu.memref_squeeze %dma_start3A_127 : memref<1x128xi32, #tpu.memory_space<vmem>> -> memref<128xi32, #tpu.memory_space<vmem>>
        %dma_start3A_129 = arith.constant 0 : i32
        %dma_start3A_130 = arith.constant 0 : i32
        %dma_start3A_131 = tpu.memref_slice %arg12[%dma_start3A_129, %dma_start3A_130] : memref<10240x128xf32, #tpu.memory_space<vmem_shared>> -> memref<10240x128xf32, #tpu.memory_space<vmem_shared>>
        tpu.enqueue_indirect_dma source(%arg10 : memref<128x128xf32, #tpu.memory_space<vmem>>) target(%dma_start3A_131 : memref<10240x128xf32, #tpu.memory_space<vmem_shared>>) offsets(%dma_start3A_128 : memref<128xi32, #tpu.memory_space<vmem>>) semaphore(%run_scoped3A_126 : memref<!tpu.dma_semaphore, #tpu.memory_space<semaphore_mem>>) {add = true}
        %dma_wait3A = arith.constant 0 : i32
        %dma_wait3A_132 = tpu.memref_slice %arg8[%run_scoped3A_70, %dma_wait3A] : memref<8x128xi32, #tpu.memory_space<vmem>> -> memref<1x128xi32, #tpu.memory_space<vmem>>
        %dma_wait3A_133 = tpu.memref_squeeze %dma_wait3A_132 : memref<1x128xi32, #tpu.memory_space<vmem>> -> memref<128xi32, #tpu.memory_space<vmem>>
        %dma_wait3A_134 = arith.constant 0 : i32
        %dma_wait3A_135 = arith.constant 0 : i32
        %dma_wait3A_136 = tpu.memref_slice %arg12[%dma_wait3A_134, %dma_wait3A_135] : memref<10240x128xf32, #tpu.memory_space<vmem_shared>> -> memref<10240x128xf32, #tpu.memory_space<vmem_shared>>
        tpu.wait_indirect_dma semaphore(%run_scoped3A_126 : memref<!tpu.dma_semaphore, #tpu.memory_space<semaphore_mem>>) src(%arg10 : memref<128x128xf32, #tpu.memory_space<vmem>>) dst(%dma_wait3A_136 : memref<10240x128xf32, #tpu.memory_space<vmem_shared>>)
        tpu.yield
      }) : () -> ()
      %run_scoped3A_71 = arith.constant 2 : i32
      "tpu.region"() ({
        %run_scoped3A_126 = tpu.sem_alloc : memref<!tpu.dma_semaphore, #tpu.memory_space<semaphore_mem>>
        %dma_start3A = arith.constant 0 : i32
        %dma_start3A_127 = tpu.memref_slice %arg7[%run_scoped3A_71, %dma_start3A] : memref<8x128xi32, #tpu.memory_space<vmem>> -> memref<1x128xi32, #tpu.memory_space<vmem>>
        %dma_start3A_128 = tpu.memref_squeeze %dma_start3A_127 : memref<1x128xi32, #tpu.memory_space<vmem>> -> memref<128xi32, #tpu.memory_space<vmem>>
        %dma_start3A_129 = arith.constant 0 : i32
        %dma_start3A_130 = arith.constant 0 : i32
        %dma_start3A_131 = tpu.memref_slice %arg5[%dma_start3A_129, %dma_start3A_130] : memref<10000x128xf32, #tpu.memory_space<hbm>> -> memref<10000x128xf32, #tpu.memory_space<hbm>>
        tpu.enqueue_indirect_dma source(%dma_start3A_131 : memref<10000x128xf32, #tpu.memory_space<hbm>>) target(%arg10 : memref<128x128xf32, #tpu.memory_space<vmem>>) offsets(%dma_start3A_128 : memref<128xi32, #tpu.memory_space<vmem>>) semaphore(%run_scoped3A_126 : memref<!tpu.dma_semaphore, #tpu.memory_space<semaphore_mem>>)
        %dma_wait3A = arith.constant 0 : i32
        %dma_wait3A_132 = tpu.memref_slice %arg7[%run_scoped3A_71, %dma_wait3A] : memref<8x128xi32, #tpu.memory_space<vmem>> -> memref<1x128xi32, #tpu.memory_space<vmem>>
        %dma_wait3A_133 = tpu.memref_squeeze %dma_wait3A_132 : memref<1x128xi32, #tpu.memory_space<vmem>> -> memref<128xi32, #tpu.memory_space<vmem>>
        %dma_wait3A_134 = arith.constant 0 : i32
        %dma_wait3A_135 = arith.constant 0 : i32
        %dma_wait3A_136 = tpu.memref_slice %arg5[%dma_wait3A_134, %dma_wait3A_135] : memref<10000x128xf32, #tpu.memory_space<hbm>> -> memref<10000x128xf32, #tpu.memory_space<hbm>>
        tpu.wait_indirect_dma semaphore(%run_scoped3A_126 : memref<!tpu.dma_semaphore, #tpu.memory_space<semaphore_mem>>) src(%dma_wait3A_136 : memref<10000x128xf32, #tpu.memory_space<hbm>>) dst(%arg10 : memref<128x128xf32, #tpu.memory_space<vmem>>)
        tpu.yield
      }) : () -> ()
      %scan3A_72 = arith.constant 0 : i32
      %scan3A_73 = arith.constant 0 : i32
      %scan3A_74 = arith.constant 128 : i32
      %scan3A_75 = arith.addi %scan3A_73, %scan3A_74 : i32
      %scan3A_76 = arith.constant 1 : i32
      %scan3A_77 = scf.for %scan3A_126 = %scan3A_73 to %scan3A_75 step %scan3A_76 iter_args(%scan3A_127 = %scan3A_72) -> (i32)  : i32 {
        %add3A_128 = arith.constant 256 : i32
        %add3A_129 = arith.addi %add3A_128, %scan3A_126 : i32
        %mul3A_130 = arith.constant 4 : i32
        %mul3A_131 = arith.muli %add3A_129, %mul3A_130 : i32
        %add3A_132 = arith.constant 0 : i32
        %add3A_133 = arith.addi %mul3A_131, %add3A_132 : i32
        %broadcast_in_dim3A_134 = vector.broadcast %add3A_133 : i32 to vector<16xi32>
        %gather3A = tpu.vector_load_idx %arg9[%broadcast_in_dim3A_134] : memref<4096xf32, #tpu.memory_space<vmem>>[vector<16xi32>], vector<16xf32>,
        %get3A = arith.index_cast %scan3A_126 : i32 to index
        %get3A_135 = arith.constant 0 : index
        %get3A_136 = tpu.vector_load %arg10[%get3A, %get3A_135] {strides = array<i32>} : memref<128x128xf32, #tpu.memory_space<vmem>>, vector<16xf32>,
        %mul3A_137 = arith.mulf %get3A_136, %gather3A : vector<16xf32>
        %swap3A = arith.index_cast %scan3A_126 : i32 to index
        %swap3A_138 = arith.constant 0 : index
        %swap3A_139 = tpu.vector_load %arg10[%swap3A, %swap3A_138] {strides = array<i32>} : memref<128x128xf32, #tpu.memory_space<vmem>>, vector<16xf32>,
        tpu.vector_store %arg10[%swap3A, %swap3A_138], %mul3A_137 {strides = array<i32>} : memref<128x128xf32, #tpu.memory_space<vmem>>, vector<16xf32>,
        %get3A_140 = arith.index_cast %scan3A_126 : i32 to index
        %get3A_141 = arith.constant 16 : index
        %get3A_142 = tpu.vector_load %arg10[%get3A_140, %get3A_141] {strides = array<i32>} : memref<128x128xf32, #tpu.memory_space<vmem>>, vector<16xf32>,
        %mul3A_143 = arith.mulf %get3A_142, %gather3A : vector<16xf32>
        %swap3A_144 = arith.index_cast %scan3A_126 : i32 to index
        %swap3A_145 = arith.constant 16 : index
        %swap3A_146 = tpu.vector_load %arg10[%swap3A_144, %swap3A_145] {strides = array<i32>} : memref<128x128xf32, #tpu.memory_space<vmem>>, vector<16xf32>,
        tpu.vector_store %arg10[%swap3A_144, %swap3A_145], %mul3A_143 {strides = array<i32>} : memref<128x128xf32, #tpu.memory_space<vmem>>, vector<16xf32>,
        %add3A_147 = arith.constant 1 : i32
        %add3A_148 = arith.addi %mul3A_131, %add3A_147 : i32
        %broadcast_in_dim3A_149 = vector.broadcast %add3A_148 : i32 to vector<16xi32>
        %gather3A_150 = tpu.vector_load_idx %arg9[%broadcast_in_dim3A_149] : memref<4096xf32, #tpu.memory_space<vmem>>[vector<16xi32>], vector<16xf32>,
        %get3A_151 = arith.index_cast %scan3A_126 : i32 to index
        %get3A_152 = arith.constant 32 : index
        %get3A_153 = tpu.vector_load %arg10[%get3A_151, %get3A_152] {strides = array<i32>} : memref<128x128xf32, #tpu.memory_space<vmem>>, vector<16xf32>,
        %mul3A_154 = arith.mulf %get3A_153, %gather3A_150 : vector<16xf32>
        %swap3A_155 = arith.index_cast %scan3A_126 : i32 to index
        %swap3A_156 = arith.constant 32 : index
        %swap3A_157 = tpu.vector_load %arg10[%swap3A_155, %swap3A_156] {strides = array<i32>} : memref<128x128xf32, #tpu.memory_space<vmem>>, vector<16xf32>,
        tpu.vector_store %arg10[%swap3A_155, %swap3A_156], %mul3A_154 {strides = array<i32>} : memref<128x128xf32, #tpu.memory_space<vmem>>, vector<16xf32>,
        %get3A_158 = arith.index_cast %scan3A_126 : i32 to index
        %get3A_159 = arith.constant 48 : index
        %get3A_160 = tpu.vector_load %arg10[%get3A_158, %get3A_159] {strides = array<i32>} : memref<128x128xf32, #tpu.memory_space<vmem>>, vector<16xf32>,
        %mul3A_161 = arith.mulf %get3A_160, %gather3A_150 : vector<16xf32>
        %swap3A_162 = arith.index_cast %scan3A_126 : i32 to index
        %swap3A_163 = arith.constant 48 : index
        %swap3A_164 = tpu.vector_load %arg10[%swap3A_162, %swap3A_163] {strides = array<i32>} : memref<128x128xf32, #tpu.memory_space<vmem>>, vector<16xf32>,
        tpu.vector_store %arg10[%swap3A_162, %swap3A_163], %mul3A_161 {strides = array<i32>} : memref<128x128xf32, #tpu.memory_space<vmem>>, vector<16xf32>,
        %add3A_165 = arith.constant 2 : i32
        %add3A_166 = arith.addi %mul3A_131, %add3A_165 : i32
        %broadcast_in_dim3A_167 = vector.broadcast %add3A_166 : i32 to vector<16xi32>
        %gather3A_168 = tpu.vector_load_idx %arg9[%broadcast_in_dim3A_167] : memref<4096xf32, #tpu.memory_space<vmem>>[vector<16xi32>], vector<16xf32>,
        %get3A_169 = arith.index_cast %scan3A_126 : i32 to index
        %get3A_170 = arith.constant 64 : index
        %get3A_171 = tpu.vector_load %arg10[%get3A_169, %get3A_170] {strides = array<i32>} : memref<128x128xf32, #tpu.memory_space<vmem>>, vector<16xf32>,
        %mul3A_172 = arith.mulf %get3A_171, %gather3A_168 : vector<16xf32>
        %swap3A_173 = arith.index_cast %scan3A_126 : i32 to index
        %swap3A_174 = arith.constant 64 : index
        %swap3A_175 = tpu.vector_load %arg10[%swap3A_173, %swap3A_174] {strides = array<i32>} : memref<128x128xf32, #tpu.memory_space<vmem>>, vector<16xf32>,
        tpu.vector_store %arg10[%swap3A_173, %swap3A_174], %mul3A_172 {strides = array<i32>} : memref<128x128xf32, #tpu.memory_space<vmem>>, vector<16xf32>,
        %get3A_176 = arith.index_cast %scan3A_126 : i32 to index
        %get3A_177 = arith.constant 80 : index
        %get3A_178 = tpu.vector_load %arg10[%get3A_176, %get3A_177] {strides = array<i32>} : memref<128x128xf32, #tpu.memory_space<vmem>>, vector<16xf32>,
        %mul3A_179 = arith.mulf %get3A_178, %gather3A_168 : vector<16xf32>
        %swap3A_180 = arith.index_cast %scan3A_126 : i32 to index
        %swap3A_181 = arith.constant 80 : index
        %swap3A_182 = tpu.vector_load %arg10[%swap3A_180, %swap3A_181] {strides = array<i32>} : memref<128x128xf32, #tpu.memory_space<vmem>>, vector<16xf32>,
        tpu.vector_store %arg10[%swap3A_180, %swap3A_181], %mul3A_179 {strides = array<i32>} : memref<128x128xf32, #tpu.memory_space<vmem>>, vector<16xf32>,
        %add3A_183 = arith.constant 3 : i32
        %add3A_184 = arith.addi %mul3A_131, %add3A_183 : i32
        %broadcast_in_dim3A_185 = vector.broadcast %add3A_184 : i32 to vector<16xi32>
        %gather3A_186 = tpu.vector_load_idx %arg9[%broadcast_in_dim3A_185] : memref<4096xf32, #tpu.memory_space<vmem>>[vector<16xi32>], vector<16xf32>,
        %get3A_187 = arith.index_cast %scan3A_126 : i32 to index
        %get3A_188 = arith.constant 96 : index
        %get3A_189 = tpu.vector_load %arg10[%get3A_187, %get3A_188] {strides = array<i32>} : memref<128x128xf32, #tpu.memory_space<vmem>>, vector<16xf32>,
        %mul3A_190 = arith.mulf %get3A_189, %gather3A_186 : vector<16xf32>
        %swap3A_191 = arith.index_cast %scan3A_126 : i32 to index
        %swap3A_192 = arith.constant 96 : index
        %swap3A_193 = tpu.vector_load %arg10[%swap3A_191, %swap3A_192] {strides = array<i32>} : memref<128x128xf32, #tpu.memory_space<vmem>>, vector<16xf32>,
        tpu.vector_store %arg10[%swap3A_191, %swap3A_192], %mul3A_190 {strides = array<i32>} : memref<128x128xf32, #tpu.memory_space<vmem>>, vector<16xf32>,
        %get3A_194 = arith.index_cast %scan3A_126 : i32 to index
        %get3A_195 = arith.constant 112 : index
        %get3A_196 = tpu.vector_load %arg10[%get3A_194, %get3A_195] {strides = array<i32>} : memref<128x128xf32, #tpu.memory_space<vmem>>, vector<16xf32>,
        %mul3A_197 = arith.mulf %get3A_196, %gather3A_186 : vector<16xf32>
        %swap3A_198 = arith.index_cast %scan3A_126 : i32 to index
        %swap3A_199 = arith.constant 112 : index
        %swap3A_200 = tpu.vector_load %arg10[%swap3A_198, %swap3A_199] {strides = array<i32>} : memref<128x128xf32, #tpu.memory_space<vmem>>, vector<16xf32>,
        tpu.vector_store %arg10[%swap3A_198, %swap3A_199], %mul3A_197 {strides = array<i32>} : memref<128x128xf32, #tpu.memory_space<vmem>>, vector<16xf32>,
        %scan3A_201 = arith.constant 0 : i32
        scf.yield %scan3A_201 : i32
      }
      %scan3A_78 = arith.constant 128 : i32
      %run_scoped3A_79 = arith.constant 2 : i32
      "tpu.region"() ({
        %run_scoped3A_126 = tpu.sem_alloc : memref<!tpu.dma_semaphore, #tpu.memory_space<semaphore_mem>>
        %dma_start3A = arith.constant 0 : i32
        %dma_start3A_127 = tpu.memref_slice %arg8[%run_scoped3A_79, %dma_start3A] : memref<8x128xi32, #tpu.memory_space<vmem>> -> memref<1x128xi32, #tpu.memory_space<vmem>>
        %dma_start3A_128 = tpu.memref_squeeze %dma_start3A_127 : memref<1x128xi32, #tpu.memory_space<vmem>> -> memref<128xi32, #tpu.memory_space<vmem>>
        %dma_start3A_129 = arith.constant 0 : i32
        %dma_start3A_130 = arith.constant 0 : i32
        %dma_start3A_131 = tpu.memref_slice %arg12[%dma_start3A_129, %dma_start3A_130] : memref<10240x128xf32, #tpu.memory_space<vmem_shared>> -> memref<10240x128xf32, #tpu.memory_space<vmem_shared>>
        tpu.enqueue_indirect_dma source(%arg10 : memref<128x128xf32, #tpu.memory_space<vmem>>) target(%dma_start3A_131 : memref<10240x128xf32, #tpu.memory_space<vmem_shared>>) offsets(%dma_start3A_128 : memref<128xi32, #tpu.memory_space<vmem>>) semaphore(%run_scoped3A_126 : memref<!tpu.dma_semaphore, #tpu.memory_space<semaphore_mem>>) {add = true}
        %dma_wait3A = arith.constant 0 : i32
        %dma_wait3A_132 = tpu.memref_slice %arg8[%run_scoped3A_79, %dma_wait3A] : memref<8x128xi32, #tpu.memory_space<vmem>> -> memref<1x128xi32, #tpu.memory_space<vmem>>
        %dma_wait3A_133 = tpu.memref_squeeze %dma_wait3A_132 : memref<1x128xi32, #tpu.memory_space<vmem>> -> memref<128xi32, #tpu.memory_space<vmem>>
        %dma_wait3A_134 = arith.constant 0 : i32
        %dma_wait3A_135 = arith.constant 0 : i32
        %dma_wait3A_136 = tpu.memref_slice %arg12[%dma_wait3A_134, %dma_wait3A_135] : memref<10240x128xf32, #tpu.memory_space<vmem_shared>> -> memref<10240x128xf32, #tpu.memory_space<vmem_shared>>
        tpu.wait_indirect_dma semaphore(%run_scoped3A_126 : memref<!tpu.dma_semaphore, #tpu.memory_space<semaphore_mem>>) src(%arg10 : memref<128x128xf32, #tpu.memory_space<vmem>>) dst(%dma_wait3A_136 : memref<10240x128xf32, #tpu.memory_space<vmem_shared>>)
        tpu.yield
      }) : () -> ()
      %run_scoped3A_80 = arith.constant 3 : i32
      "tpu.region"() ({
        %run_scoped3A_126 = tpu.sem_alloc : memref<!tpu.dma_semaphore, #tpu.memory_space<semaphore_mem>>
        %dma_start3A = arith.constant 0 : i32
        %dma_start3A_127 = tpu.memref_slice %arg7[%run_scoped3A_80, %dma_start3A] : memref<8x128xi32, #tpu.memory_space<vmem>> -> memref<1x128xi32, #tpu.memory_space<vmem>>
        %dma_start3A_128 = tpu.memref_squeeze %dma_start3A_127 : memref<1x128xi32, #tpu.memory_space<vmem>> -> memref<128xi32, #tpu.memory_space<vmem>>
        %dma_start3A_129 = arith.constant 0 : i32
        %dma_start3A_130 = arith.constant 0 : i32
        %dma_start3A_131 = tpu.memref_slice %arg5[%dma_start3A_129, %dma_start3A_130] : memref<10000x128xf32, #tpu.memory_space<hbm>> -> memref<10000x128xf32, #tpu.memory_space<hbm>>
        tpu.enqueue_indirect_dma source(%dma_start3A_131 : memref<10000x128xf32, #tpu.memory_space<hbm>>) target(%arg10 : memref<128x128xf32, #tpu.memory_space<vmem>>) offsets(%dma_start3A_128 : memref<128xi32, #tpu.memory_space<vmem>>) semaphore(%run_scoped3A_126 : memref<!tpu.dma_semaphore, #tpu.memory_space<semaphore_mem>>)
        %dma_wait3A = arith.constant 0 : i32
        %dma_wait3A_132 = tpu.memref_slice %arg7[%run_scoped3A_80, %dma_wait3A] : memref<8x128xi32, #tpu.memory_space<vmem>> -> memref<1x128xi32, #tpu.memory_space<vmem>>
        %dma_wait3A_133 = tpu.memref_squeeze %dma_wait3A_132 : memref<1x128xi32, #tpu.memory_space<vmem>> -> memref<128xi32, #tpu.memory_space<vmem>>
        %dma_wait3A_134 = arith.constant 0 : i32
        %dma_wait3A_135 = arith.constant 0 : i32
        %dma_wait3A_136 = tpu.memref_slice %arg5[%dma_wait3A_134, %dma_wait3A_135] : memref<10000x128xf32, #tpu.memory_space<hbm>> -> memref<10000x128xf32, #tpu.memory_space<hbm>>
        tpu.wait_indirect_dma semaphore(%run_scoped3A_126 : memref<!tpu.dma_semaphore, #tpu.memory_space<semaphore_mem>>) src(%dma_wait3A_136 : memref<10000x128xf32, #tpu.memory_space<hbm>>) dst(%arg10 : memref<128x128xf32, #tpu.memory_space<vmem>>)
        tpu.yield
      }) : () -> ()
      %scan3A_81 = arith.constant 0 : i32
      %scan3A_82 = arith.constant 0 : i32
      %scan3A_83 = arith.constant 128 : i32
      %scan3A_84 = arith.addi %scan3A_82, %scan3A_83 : i32
      %scan3A_85 = arith.constant 1 : i32
      %scan3A_86 = scf.for %scan3A_126 = %scan3A_82 to %scan3A_84 step %scan3A_85 iter_args(%scan3A_127 = %scan3A_81) -> (i32)  : i32 {
        %add3A_128 = arith.constant 384 : i32
        %add3A_129 = arith.addi %add3A_128, %scan3A_126 : i32
        %mul3A_130 = arith.constant 4 : i32
        %mul3A_131 = arith.muli %add3A_129, %mul3A_130 : i32
        %add3A_132 = arith.constant 0 : i32
        %add3A_133 = arith.addi %mul3A_131, %add3A_132 : i32
        %broadcast_in_dim3A_134 = vector.broadcast %add3A_133 : i32 to vector<16xi32>
        %gather3A = tpu.vector_load_idx %arg9[%broadcast_in_dim3A_134] : memref<4096xf32, #tpu.memory_space<vmem>>[vector<16xi32>], vector<16xf32>,
        %get3A = arith.index_cast %scan3A_126 : i32 to index
        %get3A_135 = arith.constant 0 : index
        %get3A_136 = tpu.vector_load %arg10[%get3A, %get3A_135] {strides = array<i32>} : memref<128x128xf32, #tpu.memory_space<vmem>>, vector<16xf32>,
        %mul3A_137 = arith.mulf %get3A_136, %gather3A : vector<16xf32>
        %swap3A = arith.index_cast %scan3A_126 : i32 to index
        %swap3A_138 = arith.constant 0 : index
        %swap3A_139 = tpu.vector_load %arg10[%swap3A, %swap3A_138] {strides = array<i32>} : memref<128x128xf32, #tpu.memory_space<vmem>>, vector<16xf32>,
        tpu.vector_store %arg10[%swap3A, %swap3A_138], %mul3A_137 {strides = array<i32>} : memref<128x128xf32, #tpu.memory_space<vmem>>, vector<16xf32>,
        %get3A_140 = arith.index_cast %scan3A_126 : i32 to index
        %get3A_141 = arith.constant 16 : index
        %get3A_142 = tpu.vector_load %arg10[%get3A_140, %get3A_141] {strides = array<i32>} : memref<128x128xf32, #tpu.memory_space<vmem>>, vector<16xf32>,
        %mul3A_143 = arith.mulf %get3A_142, %gather3A : vector<16xf32>
        %swap3A_144 = arith.index_cast %scan3A_126 : i32 to index
        %swap3A_145 = arith.constant 16 : index
        %swap3A_146 = tpu.vector_load %arg10[%swap3A_144, %swap3A_145] {strides = array<i32>} : memref<128x128xf32, #tpu.memory_space<vmem>>, vector<16xf32>,
        tpu.vector_store %arg10[%swap3A_144, %swap3A_145], %mul3A_143 {strides = array<i32>} : memref<128x128xf32, #tpu.memory_space<vmem>>, vector<16xf32>,
        %add3A_147 = arith.constant 1 : i32
        %add3A_148 = arith.addi %mul3A_131, %add3A_147 : i32
        %broadcast_in_dim3A_149 = vector.broadcast %add3A_148 : i32 to vector<16xi32>
        %gather3A_150 = tpu.vector_load_idx %arg9[%broadcast_in_dim3A_149] : memref<4096xf32, #tpu.memory_space<vmem>>[vector<16xi32>], vector<16xf32>,
        %get3A_151 = arith.index_cast %scan3A_126 : i32 to index
        %get3A_152 = arith.constant 32 : index
        %get3A_153 = tpu.vector_load %arg10[%get3A_151, %get3A_152] {strides = array<i32>} : memref<128x128xf32, #tpu.memory_space<vmem>>, vector<16xf32>,
        %mul3A_154 = arith.mulf %get3A_153, %gather3A_150 : vector<16xf32>
        %swap3A_155 = arith.index_cast %scan3A_126 : i32 to index
        %swap3A_156 = arith.constant 32 : index
        %swap3A_157 = tpu.vector_load %arg10[%swap3A_155, %swap3A_156] {strides = array<i32>} : memref<128x128xf32, #tpu.memory_space<vmem>>, vector<16xf32>,
        tpu.vector_store %arg10[%swap3A_155, %swap3A_156], %mul3A_154 {strides = array<i32>} : memref<128x128xf32, #tpu.memory_space<vmem>>, vector<16xf32>,
        %get3A_158 = arith.index_cast %scan3A_126 : i32 to index
        %get3A_159 = arith.constant 48 : index
        %get3A_160 = tpu.vector_load %arg10[%get3A_158, %get3A_159] {strides = array<i32>} : memref<128x128xf32, #tpu.memory_space<vmem>>, vector<16xf32>,
        %mul3A_161 = arith.mulf %get3A_160, %gather3A_150 : vector<16xf32>
        %swap3A_162 = arith.index_cast %scan3A_126 : i32 to index
        %swap3A_163 = arith.constant 48 : index
        %swap3A_164 = tpu.vector_load %arg10[%swap3A_162, %swap3A_163] {strides = array<i32>} : memref<128x128xf32, #tpu.memory_space<vmem>>, vector<16xf32>,
        tpu.vector_store %arg10[%swap3A_162, %swap3A_163], %mul3A_161 {strides = array<i32>} : memref<128x128xf32, #tpu.memory_space<vmem>>, vector<16xf32>,
        %add3A_165 = arith.constant 2 : i32
        %add3A_166 = arith.addi %mul3A_131, %add3A_165 : i32
        %broadcast_in_dim3A_167 = vector.broadcast %add3A_166 : i32 to vector<16xi32>
        %gather3A_168 = tpu.vector_load_idx %arg9[%broadcast_in_dim3A_167] : memref<4096xf32, #tpu.memory_space<vmem>>[vector<16xi32>], vector<16xf32>,
        %get3A_169 = arith.index_cast %scan3A_126 : i32 to index
        %get3A_170 = arith.constant 64 : index
        %get3A_171 = tpu.vector_load %arg10[%get3A_169, %get3A_170] {strides = array<i32>} : memref<128x128xf32, #tpu.memory_space<vmem>>, vector<16xf32>,
        %mul3A_172 = arith.mulf %get3A_171, %gather3A_168 : vector<16xf32>
        %swap3A_173 = arith.index_cast %scan3A_126 : i32 to index
        %swap3A_174 = arith.constant 64 : index
        %swap3A_175 = tpu.vector_load %arg10[%swap3A_173, %swap3A_174] {strides = array<i32>} : memref<128x128xf32, #tpu.memory_space<vmem>>, vector<16xf32>,
        tpu.vector_store %arg10[%swap3A_173, %swap3A_174], %mul3A_172 {strides = array<i32>} : memref<128x128xf32, #tpu.memory_space<vmem>>, vector<16xf32>,
        %get3A_176 = arith.index_cast %scan3A_126 : i32 to index
        %get3A_177 = arith.constant 80 : index
        %get3A_178 = tpu.vector_load %arg10[%get3A_176, %get3A_177] {strides = array<i32>} : memref<128x128xf32, #tpu.memory_space<vmem>>, vector<16xf32>,
        %mul3A_179 = arith.mulf %get3A_178, %gather3A_168 : vector<16xf32>
        %swap3A_180 = arith.index_cast %scan3A_126 : i32 to index
        %swap3A_181 = arith.constant 80 : index
        %swap3A_182 = tpu.vector_load %arg10[%swap3A_180, %swap3A_181] {strides = array<i32>} : memref<128x128xf32, #tpu.memory_space<vmem>>, vector<16xf32>,
        tpu.vector_store %arg10[%swap3A_180, %swap3A_181], %mul3A_179 {strides = array<i32>} : memref<128x128xf32, #tpu.memory_space<vmem>>, vector<16xf32>,
        %add3A_183 = arith.constant 3 : i32
        %add3A_184 = arith.addi %mul3A_131, %add3A_183 : i32
        %broadcast_in_dim3A_185 = vector.broadcast %add3A_184 : i32 to vector<16xi32>
        %gather3A_186 = tpu.vector_load_idx %arg9[%broadcast_in_dim3A_185] : memref<4096xf32, #tpu.memory_space<vmem>>[vector<16xi32>], vector<16xf32>,
        %get3A_187 = arith.index_cast %scan3A_126 : i32 to index
        %get3A_188 = arith.constant 96 : index
        %get3A_189 = tpu.vector_load %arg10[%get3A_187, %get3A_188] {strides = array<i32>} : memref<128x128xf32, #tpu.memory_space<vmem>>, vector<16xf32>,
        %mul3A_190 = arith.mulf %get3A_189, %gather3A_186 : vector<16xf32>
        %swap3A_191 = arith.index_cast %scan3A_126 : i32 to index
        %swap3A_192 = arith.constant 96 : index
        %swap3A_193 = tpu.vector_load %arg10[%swap3A_191, %swap3A_192] {strides = array<i32>} : memref<128x128xf32, #tpu.memory_space<vmem>>, vector<16xf32>,
        tpu.vector_store %arg10[%swap3A_191, %swap3A_192], %mul3A_190 {strides = array<i32>} : memref<128x128xf32, #tpu.memory_space<vmem>>, vector<16xf32>,
        %get3A_194 = arith.index_cast %scan3A_126 : i32 to index
        %get3A_195 = arith.constant 112 : index
        %get3A_196 = tpu.vector_load %arg10[%get3A_194, %get3A_195] {strides = array<i32>} : memref<128x128xf32, #tpu.memory_space<vmem>>, vector<16xf32>,
        %mul3A_197 = arith.mulf %get3A_196, %gather3A_186 : vector<16xf32>
        %swap3A_198 = arith.index_cast %scan3A_126 : i32 to index
        %swap3A_199 = arith.constant 112 : index
        %swap3A_200 = tpu.vector_load %arg10[%swap3A_198, %swap3A_199] {strides = array<i32>} : memref<128x128xf32, #tpu.memory_space<vmem>>, vector<16xf32>,
        tpu.vector_store %arg10[%swap3A_198, %swap3A_199], %mul3A_197 {strides = array<i32>} : memref<128x128xf32, #tpu.memory_space<vmem>>, vector<16xf32>,
        %scan3A_201 = arith.constant 0 : i32
        scf.yield %scan3A_201 : i32
      }
      %scan3A_87 = arith.constant 128 : i32
      %run_scoped3A_88 = arith.constant 3 : i32
      "tpu.region"() ({
        %run_scoped3A_126 = tpu.sem_alloc : memref<!tpu.dma_semaphore, #tpu.memory_space<semaphore_mem>>
        %dma_start3A = arith.constant 0 : i32
        %dma_start3A_127 = tpu.memref_slice %arg8[%run_scoped3A_88, %dma_start3A] : memref<8x128xi32, #tpu.memory_space<vmem>> -> memref<1x128xi32, #tpu.memory_space<vmem>>
        %dma_start3A_128 = tpu.memref_squeeze %dma_start3A_127 : memref<1x128xi32, #tpu.memory_space<vmem>> -> memref<128xi32, #tpu.memory_space<vmem>>
        %dma_start3A_129 = arith.constant 0 : i32
        %dma_start3A_130 = arith.constant 0 : i32
        %dma_start3A_131 = tpu.memref_slice %arg12[%dma_start3A_129, %dma_start3A_130] : memref<10240x128xf32, #tpu.memory_space<vmem_shared>> -> memref<10240x128xf32, #tpu.memory_space<vmem_shared>>
        tpu.enqueue_indirect_dma source(%arg10 : memref<128x128xf32, #tpu.memory_space<vmem>>) target(%dma_start3A_131 : memref<10240x128xf32, #tpu.memory_space<vmem_shared>>) offsets(%dma_start3A_128 : memref<128xi32, #tpu.memory_space<vmem>>) semaphore(%run_scoped3A_126 : memref<!tpu.dma_semaphore, #tpu.memory_space<semaphore_mem>>) {add = true}
        %dma_wait3A = arith.constant 0 : i32
        %dma_wait3A_132 = tpu.memref_slice %arg8[%run_scoped3A_88, %dma_wait3A] : memref<8x128xi32, #tpu.memory_space<vmem>> -> memref<1x128xi32, #tpu.memory_space<vmem>>
        %dma_wait3A_133 = tpu.memref_squeeze %dma_wait3A_132 : memref<1x128xi32, #tpu.memory_space<vmem>> -> memref<128xi32, #tpu.memory_space<vmem>>
        %dma_wait3A_134 = arith.constant 0 : i32
        %dma_wait3A_135 = arith.constant 0 : i32
        %dma_wait3A_136 = tpu.memref_slice %arg12[%dma_wait3A_134, %dma_wait3A_135] : memref<10240x128xf32, #tpu.memory_space<vmem_shared>> -> memref<10240x128xf32, #tpu.memory_space<vmem_shared>>
        tpu.wait_indirect_dma semaphore(%run_scoped3A_126 : memref<!tpu.dma_semaphore, #tpu.memory_space<semaphore_mem>>) src(%arg10 : memref<128x128xf32, #tpu.memory_space<vmem>>) dst(%dma_wait3A_136 : memref<10240x128xf32, #tpu.memory_space<vmem_shared>>)
        tpu.yield
      }) : () -> ()
      %run_scoped3A_89 = arith.constant 4 : i32
      "tpu.region"() ({
        %run_scoped3A_126 = tpu.sem_alloc : memref<!tpu.dma_semaphore, #tpu.memory_space<semaphore_mem>>
        %dma_start3A = arith.constant 0 : i32
        %dma_start3A_127 = tpu.memref_slice %arg7[%run_scoped3A_89, %dma_start3A] : memref<8x128xi32, #tpu.memory_space<vmem>> -> memref<1x128xi32, #tpu.memory_space<vmem>>
        %dma_start3A_128 = tpu.memref_squeeze %dma_start3A_127 : memref<1x128xi32, #tpu.memory_space<vmem>> -> memref<128xi32, #tpu.memory_space<vmem>>
        %dma_start3A_129 = arith.constant 0 : i32
        %dma_start3A_130 = arith.constant 0 : i32
        %dma_start3A_131 = tpu.memref_slice %arg5[%dma_start3A_129, %dma_start3A_130] : memref<10000x128xf32, #tpu.memory_space<hbm>> -> memref<10000x128xf32, #tpu.memory_space<hbm>>
        tpu.enqueue_indirect_dma source(%dma_start3A_131 : memref<10000x128xf32, #tpu.memory_space<hbm>>) target(%arg10 : memref<128x128xf32, #tpu.memory_space<vmem>>) offsets(%dma_start3A_128 : memref<128xi32, #tpu.memory_space<vmem>>) semaphore(%run_scoped3A_126 : memref<!tpu.dma_semaphore, #tpu.memory_space<semaphore_mem>>)
        %dma_wait3A = arith.constant 0 : i32
        %dma_wait3A_132 = tpu.memref_slice %arg7[%run_scoped3A_89, %dma_wait3A] : memref<8x128xi32, #tpu.memory_space<vmem>> -> memref<1x128xi32, #tpu.memory_space<vmem>>
        %dma_wait3A_133 = tpu.memref_squeeze %dma_wait3A_132 : memref<1x128xi32, #tpu.memory_space<vmem>> -> memref<128xi32, #tpu.memory_space<vmem>>
        %dma_wait3A_134 = arith.constant 0 : i32
        %dma_wait3A_135 = arith.constant 0 : i32
        %dma_wait3A_136 = tpu.memref_slice %arg5[%dma_wait3A_134, %dma_wait3A_135] : memref<10000x128xf32, #tpu.memory_space<hbm>> -> memref<10000x128xf32, #tpu.memory_space<hbm>>
        tpu.wait_indirect_dma semaphore(%run_scoped3A_126 : memref<!tpu.dma_semaphore, #tpu.memory_space<semaphore_mem>>) src(%dma_wait3A_136 : memref<10000x128xf32, #tpu.memory_space<hbm>>) dst(%arg10 : memref<128x128xf32, #tpu.memory_space<vmem>>)
        tpu.yield
      }) : () -> ()
      %scan3A_90 = arith.constant 0 : i32
      %scan3A_91 = arith.constant 0 : i32
      %scan3A_92 = arith.constant 128 : i32
      %scan3A_93 = arith.addi %scan3A_91, %scan3A_92 : i32
      %scan3A_94 = arith.constant 1 : i32
      %scan3A_95 = scf.for %scan3A_126 = %scan3A_91 to %scan3A_93 step %scan3A_94 iter_args(%scan3A_127 = %scan3A_90) -> (i32)  : i32 {
        %add3A_128 = arith.constant 512 : i32
        %add3A_129 = arith.addi %add3A_128, %scan3A_126 : i32
        %mul3A_130 = arith.constant 4 : i32
        %mul3A_131 = arith.muli %add3A_129, %mul3A_130 : i32
        %add3A_132 = arith.constant 0 : i32
        %add3A_133 = arith.addi %mul3A_131, %add3A_132 : i32
        %broadcast_in_dim3A_134 = vector.broadcast %add3A_133 : i32 to vector<16xi32>
        %gather3A = tpu.vector_load_idx %arg9[%broadcast_in_dim3A_134] : memref<4096xf32, #tpu.memory_space<vmem>>[vector<16xi32>], vector<16xf32>,
        %get3A = arith.index_cast %scan3A_126 : i32 to index
        %get3A_135 = arith.constant 0 : index
        %get3A_136 = tpu.vector_load %arg10[%get3A, %get3A_135] {strides = array<i32>} : memref<128x128xf32, #tpu.memory_space<vmem>>, vector<16xf32>,
        %mul3A_137 = arith.mulf %get3A_136, %gather3A : vector<16xf32>
        %swap3A = arith.index_cast %scan3A_126 : i32 to index
        %swap3A_138 = arith.constant 0 : index
        %swap3A_139 = tpu.vector_load %arg10[%swap3A, %swap3A_138] {strides = array<i32>} : memref<128x128xf32, #tpu.memory_space<vmem>>, vector<16xf32>,
        tpu.vector_store %arg10[%swap3A, %swap3A_138], %mul3A_137 {strides = array<i32>} : memref<128x128xf32, #tpu.memory_space<vmem>>, vector<16xf32>,
        %get3A_140 = arith.index_cast %scan3A_126 : i32 to index
        %get3A_141 = arith.constant 16 : index
        %get3A_142 = tpu.vector_load %arg10[%get3A_140, %get3A_141] {strides = array<i32>} : memref<128x128xf32, #tpu.memory_space<vmem>>, vector<16xf32>,
        %mul3A_143 = arith.mulf %get3A_142, %gather3A : vector<16xf32>
        %swap3A_144 = arith.index_cast %scan3A_126 : i32 to index
        %swap3A_145 = arith.constant 16 : index
        %swap3A_146 = tpu.vector_load %arg10[%swap3A_144, %swap3A_145] {strides = array<i32>} : memref<128x128xf32, #tpu.memory_space<vmem>>, vector<16xf32>,
        tpu.vector_store %arg10[%swap3A_144, %swap3A_145], %mul3A_143 {strides = array<i32>} : memref<128x128xf32, #tpu.memory_space<vmem>>, vector<16xf32>,
        %add3A_147 = arith.constant 1 : i32
        %add3A_148 = arith.addi %mul3A_131, %add3A_147 : i32
        %broadcast_in_dim3A_149 = vector.broadcast %add3A_148 : i32 to vector<16xi32>
        %gather3A_150 = tpu.vector_load_idx %arg9[%broadcast_in_dim3A_149] : memref<4096xf32, #tpu.memory_space<vmem>>[vector<16xi32>], vector<16xf32>,
        %get3A_151 = arith.index_cast %scan3A_126 : i32 to index
        %get3A_152 = arith.constant 32 : index
        %get3A_153 = tpu.vector_load %arg10[%get3A_151, %get3A_152] {strides = array<i32>} : memref<128x128xf32, #tpu.memory_space<vmem>>, vector<16xf32>,
        %mul3A_154 = arith.mulf %get3A_153, %gather3A_150 : vector<16xf32>
        %swap3A_155 = arith.index_cast %scan3A_126 : i32 to index
        %swap3A_156 = arith.constant 32 : index
        %swap3A_157 = tpu.vector_load %arg10[%swap3A_155, %swap3A_156] {strides = array<i32>} : memref<128x128xf32, #tpu.memory_space<vmem>>, vector<16xf32>,
        tpu.vector_store %arg10[%swap3A_155, %swap3A_156], %mul3A_154 {strides = array<i32>} : memref<128x128xf32, #tpu.memory_space<vmem>>, vector<16xf32>,
        %get3A_158 = arith.index_cast %scan3A_126 : i32 to index
        %get3A_159 = arith.constant 48 : index
        %get3A_160 = tpu.vector_load %arg10[%get3A_158, %get3A_159] {strides = array<i32>} : memref<128x128xf32, #tpu.memory_space<vmem>>, vector<16xf32>,
        %mul3A_161 = arith.mulf %get3A_160, %gather3A_150 : vector<16xf32>
        %swap3A_162 = arith.index_cast %scan3A_126 : i32 to index
        %swap3A_163 = arith.constant 48 : index
        %swap3A_164 = tpu.vector_load %arg10[%swap3A_162, %swap3A_163] {strides = array<i32>} : memref<128x128xf32, #tpu.memory_space<vmem>>, vector<16xf32>,
        tpu.vector_store %arg10[%swap3A_162, %swap3A_163], %mul3A_161 {strides = array<i32>} : memref<128x128xf32, #tpu.memory_space<vmem>>, vector<16xf32>,
        %add3A_165 = arith.constant 2 : i32
        %add3A_166 = arith.addi %mul3A_131, %add3A_165 : i32
        %broadcast_in_dim3A_167 = vector.broadcast %add3A_166 : i32 to vector<16xi32>
        %gather3A_168 = tpu.vector_load_idx %arg9[%broadcast_in_dim3A_167] : memref<4096xf32, #tpu.memory_space<vmem>>[vector<16xi32>], vector<16xf32>,
        %get3A_169 = arith.index_cast %scan3A_126 : i32 to index
        %get3A_170 = arith.constant 64 : index
        %get3A_171 = tpu.vector_load %arg10[%get3A_169, %get3A_170] {strides = array<i32>} : memref<128x128xf32, #tpu.memory_space<vmem>>, vector<16xf32>,
        %mul3A_172 = arith.mulf %get3A_171, %gather3A_168 : vector<16xf32>
        %swap3A_173 = arith.index_cast %scan3A_126 : i32 to index
        %swap3A_174 = arith.constant 64 : index
        %swap3A_175 = tpu.vector_load %arg10[%swap3A_173, %swap3A_174] {strides = array<i32>} : memref<128x128xf32, #tpu.memory_space<vmem>>, vector<16xf32>,
        tpu.vector_store %arg10[%swap3A_173, %swap3A_174], %mul3A_172 {strides = array<i32>} : memref<128x128xf32, #tpu.memory_space<vmem>>, vector<16xf32>,
        %get3A_176 = arith.index_cast %scan3A_126 : i32 to index
        %get3A_177 = arith.constant 80 : index
        %get3A_178 = tpu.vector_load %arg10[%get3A_176, %get3A_177] {strides = array<i32>} : memref<128x128xf32, #tpu.memory_space<vmem>>, vector<16xf32>,
        %mul3A_179 = arith.mulf %get3A_178, %gather3A_168 : vector<16xf32>
        %swap3A_180 = arith.index_cast %scan3A_126 : i32 to index
        %swap3A_181 = arith.constant 80 : index
        %swap3A_182 = tpu.vector_load %arg10[%swap3A_180, %swap3A_181] {strides = array<i32>} : memref<128x128xf32, #tpu.memory_space<vmem>>, vector<16xf32>,
        tpu.vector_store %arg10[%swap3A_180, %swap3A_181], %mul3A_179 {strides = array<i32>} : memref<128x128xf32, #tpu.memory_space<vmem>>, vector<16xf32>,
        %add3A_183 = arith.constant 3 : i32
        %add3A_184 = arith.addi %mul3A_131, %add3A_183 : i32
        %broadcast_in_dim3A_185 = vector.broadcast %add3A_184 : i32 to vector<16xi32>
        %gather3A_186 = tpu.vector_load_idx %arg9[%broadcast_in_dim3A_185] : memref<4096xf32, #tpu.memory_space<vmem>>[vector<16xi32>], vector<16xf32>,
        %get3A_187 = arith.index_cast %scan3A_126 : i32 to index
        %get3A_188 = arith.constant 96 : index
        %get3A_189 = tpu.vector_load %arg10[%get3A_187, %get3A_188] {strides = array<i32>} : memref<128x128xf32, #tpu.memory_space<vmem>>, vector<16xf32>,
        %mul3A_190 = arith.mulf %get3A_189, %gather3A_186 : vector<16xf32>
        %swap3A_191 = arith.index_cast %scan3A_126 : i32 to index
        %swap3A_192 = arith.constant 96 : index
        %swap3A_193 = tpu.vector_load %arg10[%swap3A_191, %swap3A_192] {strides = array<i32>} : memref<128x128xf32, #tpu.memory_space<vmem>>, vector<16xf32>,
        tpu.vector_store %arg10[%swap3A_191, %swap3A_192], %mul3A_190 {strides = array<i32>} : memref<128x128xf32, #tpu.memory_space<vmem>>, vector<16xf32>,
        %get3A_194 = arith.index_cast %scan3A_126 : i32 to index
        %get3A_195 = arith.constant 112 : index
        %get3A_196 = tpu.vector_load %arg10[%get3A_194, %get3A_195] {strides = array<i32>} : memref<128x128xf32, #tpu.memory_space<vmem>>, vector<16xf32>,
        %mul3A_197 = arith.mulf %get3A_196, %gather3A_186 : vector<16xf32>
        %swap3A_198 = arith.index_cast %scan3A_126 : i32 to index
        %swap3A_199 = arith.constant 112 : index
        %swap3A_200 = tpu.vector_load %arg10[%swap3A_198, %swap3A_199] {strides = array<i32>} : memref<128x128xf32, #tpu.memory_space<vmem>>, vector<16xf32>,
        tpu.vector_store %arg10[%swap3A_198, %swap3A_199], %mul3A_197 {strides = array<i32>} : memref<128x128xf32, #tpu.memory_space<vmem>>, vector<16xf32>,
        %scan3A_201 = arith.constant 0 : i32
        scf.yield %scan3A_201 : i32
      }
      %scan3A_96 = arith.constant 128 : i32
      %run_scoped3A_97 = arith.constant 4 : i32
      "tpu.region"() ({
        %run_scoped3A_126 = tpu.sem_alloc : memref<!tpu.dma_semaphore, #tpu.memory_space<semaphore_mem>>
        %dma_start3A = arith.constant 0 : i32
        %dma_start3A_127 = tpu.memref_slice %arg8[%run_scoped3A_97, %dma_start3A] : memref<8x128xi32, #tpu.memory_space<vmem>> -> memref<1x128xi32, #tpu.memory_space<vmem>>
        %dma_start3A_128 = tpu.memref_squeeze %dma_start3A_127 : memref<1x128xi32, #tpu.memory_space<vmem>> -> memref<128xi32, #tpu.memory_space<vmem>>
        %dma_start3A_129 = arith.constant 0 : i32
        %dma_start3A_130 = arith.constant 0 : i32
        %dma_start3A_131 = tpu.memref_slice %arg12[%dma_start3A_129, %dma_start3A_130] : memref<10240x128xf32, #tpu.memory_space<vmem_shared>> -> memref<10240x128xf32, #tpu.memory_space<vmem_shared>>
        tpu.enqueue_indirect_dma source(%arg10 : memref<128x128xf32, #tpu.memory_space<vmem>>) target(%dma_start3A_131 : memref<10240x128xf32, #tpu.memory_space<vmem_shared>>) offsets(%dma_start3A_128 : memref<128xi32, #tpu.memory_space<vmem>>) semaphore(%run_scoped3A_126 : memref<!tpu.dma_semaphore, #tpu.memory_space<semaphore_mem>>) {add = true}
        %dma_wait3A = arith.constant 0 : i32
        %dma_wait3A_132 = tpu.memref_slice %arg8[%run_scoped3A_97, %dma_wait3A] : memref<8x128xi32, #tpu.memory_space<vmem>> -> memref<1x128xi32, #tpu.memory_space<vmem>>
        %dma_wait3A_133 = tpu.memref_squeeze %dma_wait3A_132 : memref<1x128xi32, #tpu.memory_space<vmem>> -> memref<128xi32, #tpu.memory_space<vmem>>
        %dma_wait3A_134 = arith.constant 0 : i32
        %dma_wait3A_135 = arith.constant 0 : i32
        %dma_wait3A_136 = tpu.memref_slice %arg12[%dma_wait3A_134, %dma_wait3A_135] : memref<10240x128xf32, #tpu.memory_space<vmem_shared>> -> memref<10240x128xf32, #tpu.memory_space<vmem_shared>>
        tpu.wait_indirect_dma semaphore(%run_scoped3A_126 : memref<!tpu.dma_semaphore, #tpu.memory_space<semaphore_mem>>) src(%arg10 : memref<128x128xf32, #tpu.memory_space<vmem>>) dst(%dma_wait3A_136 : memref<10240x128xf32, #tpu.memory_space<vmem_shared>>)
        tpu.yield
      }) : () -> ()
      %run_scoped3A_98 = arith.constant 5 : i32
      "tpu.region"() ({
        %run_scoped3A_126 = tpu.sem_alloc : memref<!tpu.dma_semaphore, #tpu.memory_space<semaphore_mem>>
        %dma_start3A = arith.constant 0 : i32
        %dma_start3A_127 = tpu.memref_slice %arg7[%run_scoped3A_98, %dma_start3A] : memref<8x128xi32, #tpu.memory_space<vmem>> -> memref<1x128xi32, #tpu.memory_space<vmem>>
        %dma_start3A_128 = tpu.memref_squeeze %dma_start3A_127 : memref<1x128xi32, #tpu.memory_space<vmem>> -> memref<128xi32, #tpu.memory_space<vmem>>
        %dma_start3A_129 = arith.constant 0 : i32
        %dma_start3A_130 = arith.constant 0 : i32
        %dma_start3A_131 = tpu.memref_slice %arg5[%dma_start3A_129, %dma_start3A_130] : memref<10000x128xf32, #tpu.memory_space<hbm>> -> memref<10000x128xf32, #tpu.memory_space<hbm>>
        tpu.enqueue_indirect_dma source(%dma_start3A_131 : memref<10000x128xf32, #tpu.memory_space<hbm>>) target(%arg10 : memref<128x128xf32, #tpu.memory_space<vmem>>) offsets(%dma_start3A_128 : memref<128xi32, #tpu.memory_space<vmem>>) semaphore(%run_scoped3A_126 : memref<!tpu.dma_semaphore, #tpu.memory_space<semaphore_mem>>)
        %dma_wait3A = arith.constant 0 : i32
        %dma_wait3A_132 = tpu.memref_slice %arg7[%run_scoped3A_98, %dma_wait3A] : memref<8x128xi32, #tpu.memory_space<vmem>> -> memref<1x128xi32, #tpu.memory_space<vmem>>
        %dma_wait3A_133 = tpu.memref_squeeze %dma_wait3A_132 : memref<1x128xi32, #tpu.memory_space<vmem>> -> memref<128xi32, #tpu.memory_space<vmem>>
        %dma_wait3A_134 = arith.constant 0 : i32
        %dma_wait3A_135 = arith.constant 0 : i32
        %dma_wait3A_136 = tpu.memref_slice %arg5[%dma_wait3A_134, %dma_wait3A_135] : memref<10000x128xf32, #tpu.memory_space<hbm>> -> memref<10000x128xf32, #tpu.memory_space<hbm>>
        tpu.wait_indirect_dma semaphore(%run_scoped3A_126 : memref<!tpu.dma_semaphore, #tpu.memory_space<semaphore_mem>>) src(%dma_wait3A_136 : memref<10000x128xf32, #tpu.memory_space<hbm>>) dst(%arg10 : memref<128x128xf32, #tpu.memory_space<vmem>>)
        tpu.yield
      }) : () -> ()
      %scan3A_99 = arith.constant 0 : i32
      %scan3A_100 = arith.constant 0 : i32
      %scan3A_101 = arith.constant 128 : i32
      %scan3A_102 = arith.addi %scan3A_100, %scan3A_101 : i32
      %scan3A_103 = arith.constant 1 : i32
      %scan3A_104 = scf.for %scan3A_126 = %scan3A_100 to %scan3A_102 step %scan3A_103 iter_args(%scan3A_127 = %scan3A_99) -> (i32)  : i32 {
        %add3A_128 = arith.constant 640 : i32
        %add3A_129 = arith.addi %add3A_128, %scan3A_126 : i32
        %mul3A_130 = arith.constant 4 : i32
        %mul3A_131 = arith.muli %add3A_129, %mul3A_130 : i32
        %add3A_132 = arith.constant 0 : i32
        %add3A_133 = arith.addi %mul3A_131, %add3A_132 : i32
        %broadcast_in_dim3A_134 = vector.broadcast %add3A_133 : i32 to vector<16xi32>
        %gather3A = tpu.vector_load_idx %arg9[%broadcast_in_dim3A_134] : memref<4096xf32, #tpu.memory_space<vmem>>[vector<16xi32>], vector<16xf32>,
        %get3A = arith.index_cast %scan3A_126 : i32 to index
        %get3A_135 = arith.constant 0 : index
        %get3A_136 = tpu.vector_load %arg10[%get3A, %get3A_135] {strides = array<i32>} : memref<128x128xf32, #tpu.memory_space<vmem>>, vector<16xf32>,
        %mul3A_137 = arith.mulf %get3A_136, %gather3A : vector<16xf32>
        %swap3A = arith.index_cast %scan3A_126 : i32 to index
        %swap3A_138 = arith.constant 0 : index
        %swap3A_139 = tpu.vector_load %arg10[%swap3A, %swap3A_138] {strides = array<i32>} : memref<128x128xf32, #tpu.memory_space<vmem>>, vector<16xf32>,
        tpu.vector_store %arg10[%swap3A, %swap3A_138], %mul3A_137 {strides = array<i32>} : memref<128x128xf32, #tpu.memory_space<vmem>>, vector<16xf32>,
        %get3A_140 = arith.index_cast %scan3A_126 : i32 to index
        %get3A_141 = arith.constant 16 : index
        %get3A_142 = tpu.vector_load %arg10[%get3A_140, %get3A_141] {strides = array<i32>} : memref<128x128xf32, #tpu.memory_space<vmem>>, vector<16xf32>,
        %mul3A_143 = arith.mulf %get3A_142, %gather3A : vector<16xf32>
        %swap3A_144 = arith.index_cast %scan3A_126 : i32 to index
        %swap3A_145 = arith.constant 16 : index
        %swap3A_146 = tpu.vector_load %arg10[%swap3A_144, %swap3A_145] {strides = array<i32>} : memref<128x128xf32, #tpu.memory_space<vmem>>, vector<16xf32>,
        tpu.vector_store %arg10[%swap3A_144, %swap3A_145], %mul3A_143 {strides = array<i32>} : memref<128x128xf32, #tpu.memory_space<vmem>>, vector<16xf32>,
        %add3A_147 = arith.constant 1 : i32
        %add3A_148 = arith.addi %mul3A_131, %add3A_147 : i32
        %broadcast_in_dim3A_149 = vector.broadcast %add3A_148 : i32 to vector<16xi32>
        %gather3A_150 = tpu.vector_load_idx %arg9[%broadcast_in_dim3A_149] : memref<4096xf32, #tpu.memory_space<vmem>>[vector<16xi32>], vector<16xf32>,
        %get3A_151 = arith.index_cast %scan3A_126 : i32 to index
        %get3A_152 = arith.constant 32 : index
        %get3A_153 = tpu.vector_load %arg10[%get3A_151, %get3A_152] {strides = array<i32>} : memref<128x128xf32, #tpu.memory_space<vmem>>, vector<16xf32>,
        %mul3A_154 = arith.mulf %get3A_153, %gather3A_150 : vector<16xf32>
        %swap3A_155 = arith.index_cast %scan3A_126 : i32 to index
        %swap3A_156 = arith.constant 32 : index
        %swap3A_157 = tpu.vector_load %arg10[%swap3A_155, %swap3A_156] {strides = array<i32>} : memref<128x128xf32, #tpu.memory_space<vmem>>, vector<16xf32>,
        tpu.vector_store %arg10[%swap3A_155, %swap3A_156], %mul3A_154 {strides = array<i32>} : memref<128x128xf32, #tpu.memory_space<vmem>>, vector<16xf32>,
        %get3A_158 = arith.index_cast %scan3A_126 : i32 to index
        %get3A_159 = arith.constant 48 : index
        %get3A_160 = tpu.vector_load %arg10[%get3A_158, %get3A_159] {strides = array<i32>} : memref<128x128xf32, #tpu.memory_space<vmem>>, vector<16xf32>,
        %mul3A_161 = arith.mulf %get3A_160, %gather3A_150 : vector<16xf32>
        %swap3A_162 = arith.index_cast %scan3A_126 : i32 to index
        %swap3A_163 = arith.constant 48 : index
        %swap3A_164 = tpu.vector_load %arg10[%swap3A_162, %swap3A_163] {strides = array<i32>} : memref<128x128xf32, #tpu.memory_space<vmem>>, vector<16xf32>,
        tpu.vector_store %arg10[%swap3A_162, %swap3A_163], %mul3A_161 {strides = array<i32>} : memref<128x128xf32, #tpu.memory_space<vmem>>, vector<16xf32>,
        %add3A_165 = arith.constant 2 : i32
        %add3A_166 = arith.addi %mul3A_131, %add3A_165 : i32
        %broadcast_in_dim3A_167 = vector.broadcast %add3A_166 : i32 to vector<16xi32>
        %gather3A_168 = tpu.vector_load_idx %arg9[%broadcast_in_dim3A_167] : memref<4096xf32, #tpu.memory_space<vmem>>[vector<16xi32>], vector<16xf32>,
        %get3A_169 = arith.index_cast %scan3A_126 : i32 to index
        %get3A_170 = arith.constant 64 : index
        %get3A_171 = tpu.vector_load %arg10[%get3A_169, %get3A_170] {strides = array<i32>} : memref<128x128xf32, #tpu.memory_space<vmem>>, vector<16xf32>,
        %mul3A_172 = arith.mulf %get3A_171, %gather3A_168 : vector<16xf32>
        %swap3A_173 = arith.index_cast %scan3A_126 : i32 to index
        %swap3A_174 = arith.constant 64 : index
        %swap3A_175 = tpu.vector_load %arg10[%swap3A_173, %swap3A_174] {strides = array<i32>} : memref<128x128xf32, #tpu.memory_space<vmem>>, vector<16xf32>,
        tpu.vector_store %arg10[%swap3A_173, %swap3A_174], %mul3A_172 {strides = array<i32>} : memref<128x128xf32, #tpu.memory_space<vmem>>, vector<16xf32>,
        %get3A_176 = arith.index_cast %scan3A_126 : i32 to index
        %get3A_177 = arith.constant 80 : index
        %get3A_178 = tpu.vector_load %arg10[%get3A_176, %get3A_177] {strides = array<i32>} : memref<128x128xf32, #tpu.memory_space<vmem>>, vector<16xf32>,
        %mul3A_179 = arith.mulf %get3A_178, %gather3A_168 : vector<16xf32>
        %swap3A_180 = arith.index_cast %scan3A_126 : i32 to index
        %swap3A_181 = arith.constant 80 : index
        %swap3A_182 = tpu.vector_load %arg10[%swap3A_180, %swap3A_181] {strides = array<i32>} : memref<128x128xf32, #tpu.memory_space<vmem>>, vector<16xf32>,
        tpu.vector_store %arg10[%swap3A_180, %swap3A_181], %mul3A_179 {strides = array<i32>} : memref<128x128xf32, #tpu.memory_space<vmem>>, vector<16xf32>,
        %add3A_183 = arith.constant 3 : i32
        %add3A_184 = arith.addi %mul3A_131, %add3A_183 : i32
        %broadcast_in_dim3A_185 = vector.broadcast %add3A_184 : i32 to vector<16xi32>
        %gather3A_186 = tpu.vector_load_idx %arg9[%broadcast_in_dim3A_185] : memref<4096xf32, #tpu.memory_space<vmem>>[vector<16xi32>], vector<16xf32>,
        %get3A_187 = arith.index_cast %scan3A_126 : i32 to index
        %get3A_188 = arith.constant 96 : index
        %get3A_189 = tpu.vector_load %arg10[%get3A_187, %get3A_188] {strides = array<i32>} : memref<128x128xf32, #tpu.memory_space<vmem>>, vector<16xf32>,
        %mul3A_190 = arith.mulf %get3A_189, %gather3A_186 : vector<16xf32>
        %swap3A_191 = arith.index_cast %scan3A_126 : i32 to index
        %swap3A_192 = arith.constant 96 : index
        %swap3A_193 = tpu.vector_load %arg10[%swap3A_191, %swap3A_192] {strides = array<i32>} : memref<128x128xf32, #tpu.memory_space<vmem>>, vector<16xf32>,
        tpu.vector_store %arg10[%swap3A_191, %swap3A_192], %mul3A_190 {strides = array<i32>} : memref<128x128xf32, #tpu.memory_space<vmem>>, vector<16xf32>,
        %get3A_194 = arith.index_cast %scan3A_126 : i32 to index
        %get3A_195 = arith.constant 112 : index
        %get3A_196 = tpu.vector_load %arg10[%get3A_194, %get3A_195] {strides = array<i32>} : memref<128x128xf32, #tpu.memory_space<vmem>>, vector<16xf32>,
        %mul3A_197 = arith.mulf %get3A_196, %gather3A_186 : vector<16xf32>
        %swap3A_198 = arith.index_cast %scan3A_126 : i32 to index
        %swap3A_199 = arith.constant 112 : index
        %swap3A_200 = tpu.vector_load %arg10[%swap3A_198, %swap3A_199] {strides = array<i32>} : memref<128x128xf32, #tpu.memory_space<vmem>>, vector<16xf32>,
        tpu.vector_store %arg10[%swap3A_198, %swap3A_199], %mul3A_197 {strides = array<i32>} : memref<128x128xf32, #tpu.memory_space<vmem>>, vector<16xf32>,
        %scan3A_201 = arith.constant 0 : i32
        scf.yield %scan3A_201 : i32
      }
      %scan3A_105 = arith.constant 128 : i32
      %run_scoped3A_106 = arith.constant 5 : i32
      "tpu.region"() ({
        %run_scoped3A_126 = tpu.sem_alloc : memref<!tpu.dma_semaphore, #tpu.memory_space<semaphore_mem>>
        %dma_start3A = arith.constant 0 : i32
        %dma_start3A_127 = tpu.memref_slice %arg8[%run_scoped3A_106, %dma_start3A] : memref<8x128xi32, #tpu.memory_space<vmem>> -> memref<1x128xi32, #tpu.memory_space<vmem>>
        %dma_start3A_128 = tpu.memref_squeeze %dma_start3A_127 : memref<1x128xi32, #tpu.memory_space<vmem>> -> memref<128xi32, #tpu.memory_space<vmem>>
        %dma_start3A_129 = arith.constant 0 : i32
        %dma_start3A_130 = arith.constant 0 : i32
        %dma_start3A_131 = tpu.memref_slice %arg12[%dma_start3A_129, %dma_start3A_130] : memref<10240x128xf32, #tpu.memory_space<vmem_shared>> -> memref<10240x128xf32, #tpu.memory_space<vmem_shared>>
        tpu.enqueue_indirect_dma source(%arg10 : memref<128x128xf32, #tpu.memory_space<vmem>>) target(%dma_start3A_131 : memref<10240x128xf32, #tpu.memory_space<vmem_shared>>) offsets(%dma_start3A_128 : memref<128xi32, #tpu.memory_space<vmem>>) semaphore(%run_scoped3A_126 : memref<!tpu.dma_semaphore, #tpu.memory_space<semaphore_mem>>) {add = true}
        %dma_wait3A = arith.constant 0 : i32
        %dma_wait3A_132 = tpu.memref_slice %arg8[%run_scoped3A_106, %dma_wait3A] : memref<8x128xi32, #tpu.memory_space<vmem>> -> memref<1x128xi32, #tpu.memory_space<vmem>>
        %dma_wait3A_133 = tpu.memref_squeeze %dma_wait3A_132 : memref<1x128xi32, #tpu.memory_space<vmem>> -> memref<128xi32, #tpu.memory_space<vmem>>
        %dma_wait3A_134 = arith.constant 0 : i32
        %dma_wait3A_135 = arith.constant 0 : i32
        %dma_wait3A_136 = tpu.memref_slice %arg12[%dma_wait3A_134, %dma_wait3A_135] : memref<10240x128xf32, #tpu.memory_space<vmem_shared>> -> memref<10240x128xf32, #tpu.memory_space<vmem_shared>>
        tpu.wait_indirect_dma semaphore(%run_scoped3A_126 : memref<!tpu.dma_semaphore, #tpu.memory_space<semaphore_mem>>) src(%arg10 : memref<128x128xf32, #tpu.memory_space<vmem>>) dst(%dma_wait3A_136 : memref<10240x128xf32, #tpu.memory_space<vmem_shared>>)
        tpu.yield
      }) : () -> ()
      %run_scoped3A_107 = arith.constant 6 : i32
      "tpu.region"() ({
        %run_scoped3A_126 = tpu.sem_alloc : memref<!tpu.dma_semaphore, #tpu.memory_space<semaphore_mem>>
        %dma_start3A = arith.constant 0 : i32
        %dma_start3A_127 = tpu.memref_slice %arg7[%run_scoped3A_107, %dma_start3A] : memref<8x128xi32, #tpu.memory_space<vmem>> -> memref<1x128xi32, #tpu.memory_space<vmem>>
        %dma_start3A_128 = tpu.memref_squeeze %dma_start3A_127 : memref<1x128xi32, #tpu.memory_space<vmem>> -> memref<128xi32, #tpu.memory_space<vmem>>
        %dma_start3A_129 = arith.constant 0 : i32
        %dma_start3A_130 = arith.constant 0 : i32
        %dma_start3A_131 = tpu.memref_slice %arg5[%dma_start3A_129, %dma_start3A_130] : memref<10000x128xf32, #tpu.memory_space<hbm>> -> memref<10000x128xf32, #tpu.memory_space<hbm>>
        tpu.enqueue_indirect_dma source(%dma_start3A_131 : memref<10000x128xf32, #tpu.memory_space<hbm>>) target(%arg10 : memref<128x128xf32, #tpu.memory_space<vmem>>) offsets(%dma_start3A_128 : memref<128xi32, #tpu.memory_space<vmem>>) semaphore(%run_scoped3A_126 : memref<!tpu.dma_semaphore, #tpu.memory_space<semaphore_mem>>)
        %dma_wait3A = arith.constant 0 : i32
        %dma_wait3A_132 = tpu.memref_slice %arg7[%run_scoped3A_107, %dma_wait3A] : memref<8x128xi32, #tpu.memory_space<vmem>> -> memref<1x128xi32, #tpu.memory_space<vmem>>
        %dma_wait3A_133 = tpu.memref_squeeze %dma_wait3A_132 : memref<1x128xi32, #tpu.memory_space<vmem>> -> memref<128xi32, #tpu.memory_space<vmem>>
        %dma_wait3A_134 = arith.constant 0 : i32
        %dma_wait3A_135 = arith.constant 0 : i32
        %dma_wait3A_136 = tpu.memref_slice %arg5[%dma_wait3A_134, %dma_wait3A_135] : memref<10000x128xf32, #tpu.memory_space<hbm>> -> memref<10000x128xf32, #tpu.memory_space<hbm>>
        tpu.wait_indirect_dma semaphore(%run_scoped3A_126 : memref<!tpu.dma_semaphore, #tpu.memory_space<semaphore_mem>>) src(%dma_wait3A_136 : memref<10000x128xf32, #tpu.memory_space<hbm>>) dst(%arg10 : memref<128x128xf32, #tpu.memory_space<vmem>>)
        tpu.yield
      }) : () -> ()
      %scan3A_108 = arith.constant 0 : i32
      %scan3A_109 = arith.constant 0 : i32
      %scan3A_110 = arith.constant 128 : i32
      %scan3A_111 = arith.addi %scan3A_109, %scan3A_110 : i32
      %scan3A_112 = arith.constant 1 : i32
      %scan3A_113 = scf.for %scan3A_126 = %scan3A_109 to %scan3A_111 step %scan3A_112 iter_args(%scan3A_127 = %scan3A_108) -> (i32)  : i32 {
        %add3A_128 = arith.constant 768 : i32
        %add3A_129 = arith.addi %add3A_128, %scan3A_126 : i32
        %mul3A_130 = arith.constant 4 : i32
        %mul3A_131 = arith.muli %add3A_129, %mul3A_130 : i32
        %add3A_132 = arith.constant 0 : i32
        %add3A_133 = arith.addi %mul3A_131, %add3A_132 : i32
        %broadcast_in_dim3A_134 = vector.broadcast %add3A_133 : i32 to vector<16xi32>
        %gather3A = tpu.vector_load_idx %arg9[%broadcast_in_dim3A_134] : memref<4096xf32, #tpu.memory_space<vmem>>[vector<16xi32>], vector<16xf32>,
        %get3A = arith.index_cast %scan3A_126 : i32 to index
        %get3A_135 = arith.constant 0 : index
        %get3A_136 = tpu.vector_load %arg10[%get3A, %get3A_135] {strides = array<i32>} : memref<128x128xf32, #tpu.memory_space<vmem>>, vector<16xf32>,
        %mul3A_137 = arith.mulf %get3A_136, %gather3A : vector<16xf32>
        %swap3A = arith.index_cast %scan3A_126 : i32 to index
        %swap3A_138 = arith.constant 0 : index
        %swap3A_139 = tpu.vector_load %arg10[%swap3A, %swap3A_138] {strides = array<i32>} : memref<128x128xf32, #tpu.memory_space<vmem>>, vector<16xf32>,
        tpu.vector_store %arg10[%swap3A, %swap3A_138], %mul3A_137 {strides = array<i32>} : memref<128x128xf32, #tpu.memory_space<vmem>>, vector<16xf32>,
        %get3A_140 = arith.index_cast %scan3A_126 : i32 to index
        %get3A_141 = arith.constant 16 : index
        %get3A_142 = tpu.vector_load %arg10[%get3A_140, %get3A_141] {strides = array<i32>} : memref<128x128xf32, #tpu.memory_space<vmem>>, vector<16xf32>,
        %mul3A_143 = arith.mulf %get3A_142, %gather3A : vector<16xf32>
        %swap3A_144 = arith.index_cast %scan3A_126 : i32 to index
        %swap3A_145 = arith.constant 16 : index
        %swap3A_146 = tpu.vector_load %arg10[%swap3A_144, %swap3A_145] {strides = array<i32>} : memref<128x128xf32, #tpu.memory_space<vmem>>, vector<16xf32>,
        tpu.vector_store %arg10[%swap3A_144, %swap3A_145], %mul3A_143 {strides = array<i32>} : memref<128x128xf32, #tpu.memory_space<vmem>>, vector<16xf32>,
        %add3A_147 = arith.constant 1 : i32
        %add3A_148 = arith.addi %mul3A_131, %add3A_147 : i32
        %broadcast_in_dim3A_149 = vector.broadcast %add3A_148 : i32 to vector<16xi32>
        %gather3A_150 = tpu.vector_load_idx %arg9[%broadcast_in_dim3A_149] : memref<4096xf32, #tpu.memory_space<vmem>>[vector<16xi32>], vector<16xf32>,
        %get3A_151 = arith.index_cast %scan3A_126 : i32 to index
        %get3A_152 = arith.constant 32 : index
        %get3A_153 = tpu.vector_load %arg10[%get3A_151, %get3A_152] {strides = array<i32>} : memref<128x128xf32, #tpu.memory_space<vmem>>, vector<16xf32>,
        %mul3A_154 = arith.mulf %get3A_153, %gather3A_150 : vector<16xf32>
        %swap3A_155 = arith.index_cast %scan3A_126 : i32 to index
        %swap3A_156 = arith.constant 32 : index
        %swap3A_157 = tpu.vector_load %arg10[%swap3A_155, %swap3A_156] {strides = array<i32>} : memref<128x128xf32, #tpu.memory_space<vmem>>, vector<16xf32>,
        tpu.vector_store %arg10[%swap3A_155, %swap3A_156], %mul3A_154 {strides = array<i32>} : memref<128x128xf32, #tpu.memory_space<vmem>>, vector<16xf32>,
        %get3A_158 = arith.index_cast %scan3A_126 : i32 to index
        %get3A_159 = arith.constant 48 : index
        %get3A_160 = tpu.vector_load %arg10[%get3A_158, %get3A_159] {strides = array<i32>} : memref<128x128xf32, #tpu.memory_space<vmem>>, vector<16xf32>,
        %mul3A_161 = arith.mulf %get3A_160, %gather3A_150 : vector<16xf32>
        %swap3A_162 = arith.index_cast %scan3A_126 : i32 to index
        %swap3A_163 = arith.constant 48 : index
        %swap3A_164 = tpu.vector_load %arg10[%swap3A_162, %swap3A_163] {strides = array<i32>} : memref<128x128xf32, #tpu.memory_space<vmem>>, vector<16xf32>,
        tpu.vector_store %arg10[%swap3A_162, %swap3A_163], %mul3A_161 {strides = array<i32>} : memref<128x128xf32, #tpu.memory_space<vmem>>, vector<16xf32>,
        %add3A_165 = arith.constant 2 : i32
        %add3A_166 = arith.addi %mul3A_131, %add3A_165 : i32
        %broadcast_in_dim3A_167 = vector.broadcast %add3A_166 : i32 to vector<16xi32>
        %gather3A_168 = tpu.vector_load_idx %arg9[%broadcast_in_dim3A_167] : memref<4096xf32, #tpu.memory_space<vmem>>[vector<16xi32>], vector<16xf32>,
        %get3A_169 = arith.index_cast %scan3A_126 : i32 to index
        %get3A_170 = arith.constant 64 : index
        %get3A_171 = tpu.vector_load %arg10[%get3A_169, %get3A_170] {strides = array<i32>} : memref<128x128xf32, #tpu.memory_space<vmem>>, vector<16xf32>,
        %mul3A_172 = arith.mulf %get3A_171, %gather3A_168 : vector<16xf32>
        %swap3A_173 = arith.index_cast %scan3A_126 : i32 to index
        %swap3A_174 = arith.constant 64 : index
        %swap3A_175 = tpu.vector_load %arg10[%swap3A_173, %swap3A_174] {strides = array<i32>} : memref<128x128xf32, #tpu.memory_space<vmem>>, vector<16xf32>,
        tpu.vector_store %arg10[%swap3A_173, %swap3A_174], %mul3A_172 {strides = array<i32>} : memref<128x128xf32, #tpu.memory_space<vmem>>, vector<16xf32>,
        %get3A_176 = arith.index_cast %scan3A_126 : i32 to index
        %get3A_177 = arith.constant 80 : index
        %get3A_178 = tpu.vector_load %arg10[%get3A_176, %get3A_177] {strides = array<i32>} : memref<128x128xf32, #tpu.memory_space<vmem>>, vector<16xf32>,
        %mul3A_179 = arith.mulf %get3A_178, %gather3A_168 : vector<16xf32>
        %swap3A_180 = arith.index_cast %scan3A_126 : i32 to index
        %swap3A_181 = arith.constant 80 : index
        %swap3A_182 = tpu.vector_load %arg10[%swap3A_180, %swap3A_181] {strides = array<i32>} : memref<128x128xf32, #tpu.memory_space<vmem>>, vector<16xf32>,
        tpu.vector_store %arg10[%swap3A_180, %swap3A_181], %mul3A_179 {strides = array<i32>} : memref<128x128xf32, #tpu.memory_space<vmem>>, vector<16xf32>,
        %add3A_183 = arith.constant 3 : i32
        %add3A_184 = arith.addi %mul3A_131, %add3A_183 : i32
        %broadcast_in_dim3A_185 = vector.broadcast %add3A_184 : i32 to vector<16xi32>
        %gather3A_186 = tpu.vector_load_idx %arg9[%broadcast_in_dim3A_185] : memref<4096xf32, #tpu.memory_space<vmem>>[vector<16xi32>], vector<16xf32>,
        %get3A_187 = arith.index_cast %scan3A_126 : i32 to index
        %get3A_188 = arith.constant 96 : index
        %get3A_189 = tpu.vector_load %arg10[%get3A_187, %get3A_188] {strides = array<i32>} : memref<128x128xf32, #tpu.memory_space<vmem>>, vector<16xf32>,
        %mul3A_190 = arith.mulf %get3A_189, %gather3A_186 : vector<16xf32>
        %swap3A_191 = arith.index_cast %scan3A_126 : i32 to index
        %swap3A_192 = arith.constant 96 : index
        %swap3A_193 = tpu.vector_load %arg10[%swap3A_191, %swap3A_192] {strides = array<i32>} : memref<128x128xf32, #tpu.memory_space<vmem>>, vector<16xf32>,
        tpu.vector_store %arg10[%swap3A_191, %swap3A_192], %mul3A_190 {strides = array<i32>} : memref<128x128xf32, #tpu.memory_space<vmem>>, vector<16xf32>,
        %get3A_194 = arith.index_cast %scan3A_126 : i32 to index
        %get3A_195 = arith.constant 112 : index
        %get3A_196 = tpu.vector_load %arg10[%get3A_194, %get3A_195] {strides = array<i32>} : memref<128x128xf32, #tpu.memory_space<vmem>>, vector<16xf32>,
        %mul3A_197 = arith.mulf %get3A_196, %gather3A_186 : vector<16xf32>
        %swap3A_198 = arith.index_cast %scan3A_126 : i32 to index
        %swap3A_199 = arith.constant 112 : index
        %swap3A_200 = tpu.vector_load %arg10[%swap3A_198, %swap3A_199] {strides = array<i32>} : memref<128x128xf32, #tpu.memory_space<vmem>>, vector<16xf32>,
        tpu.vector_store %arg10[%swap3A_198, %swap3A_199], %mul3A_197 {strides = array<i32>} : memref<128x128xf32, #tpu.memory_space<vmem>>, vector<16xf32>,
        %scan3A_201 = arith.constant 0 : i32
        scf.yield %scan3A_201 : i32
      }
      %scan3A_114 = arith.constant 128 : i32
      %run_scoped3A_115 = arith.constant 6 : i32
      "tpu.region"() ({
        %run_scoped3A_126 = tpu.sem_alloc : memref<!tpu.dma_semaphore, #tpu.memory_space<semaphore_mem>>
        %dma_start3A = arith.constant 0 : i32
        %dma_start3A_127 = tpu.memref_slice %arg8[%run_scoped3A_115, %dma_start3A] : memref<8x128xi32, #tpu.memory_space<vmem>> -> memref<1x128xi32, #tpu.memory_space<vmem>>
        %dma_start3A_128 = tpu.memref_squeeze %dma_start3A_127 : memref<1x128xi32, #tpu.memory_space<vmem>> -> memref<128xi32, #tpu.memory_space<vmem>>
        %dma_start3A_129 = arith.constant 0 : i32
        %dma_start3A_130 = arith.constant 0 : i32
        %dma_start3A_131 = tpu.memref_slice %arg12[%dma_start3A_129, %dma_start3A_130] : memref<10240x128xf32, #tpu.memory_space<vmem_shared>> -> memref<10240x128xf32, #tpu.memory_space<vmem_shared>>
        tpu.enqueue_indirect_dma source(%arg10 : memref<128x128xf32, #tpu.memory_space<vmem>>) target(%dma_start3A_131 : memref<10240x128xf32, #tpu.memory_space<vmem_shared>>) offsets(%dma_start3A_128 : memref<128xi32, #tpu.memory_space<vmem>>) semaphore(%run_scoped3A_126 : memref<!tpu.dma_semaphore, #tpu.memory_space<semaphore_mem>>) {add = true}
        %dma_wait3A = arith.constant 0 : i32
        %dma_wait3A_132 = tpu.memref_slice %arg8[%run_scoped3A_115, %dma_wait3A] : memref<8x128xi32, #tpu.memory_space<vmem>> -> memref<1x128xi32, #tpu.memory_space<vmem>>
        %dma_wait3A_133 = tpu.memref_squeeze %dma_wait3A_132 : memref<1x128xi32, #tpu.memory_space<vmem>> -> memref<128xi32, #tpu.memory_space<vmem>>
        %dma_wait3A_134 = arith.constant 0 : i32
        %dma_wait3A_135 = arith.constant 0 : i32
        %dma_wait3A_136 = tpu.memref_slice %arg12[%dma_wait3A_134, %dma_wait3A_135] : memref<10240x128xf32, #tpu.memory_space<vmem_shared>> -> memref<10240x128xf32, #tpu.memory_space<vmem_shared>>
        tpu.wait_indirect_dma semaphore(%run_scoped3A_126 : memref<!tpu.dma_semaphore, #tpu.memory_space<semaphore_mem>>) src(%arg10 : memref<128x128xf32, #tpu.memory_space<vmem>>) dst(%dma_wait3A_136 : memref<10240x128xf32, #tpu.memory_space<vmem_shared>>)
        tpu.yield
      }) : () -> ()
      %run_scoped3A_116 = arith.constant 7 : i32
      "tpu.region"() ({
        %run_scoped3A_126 = tpu.sem_alloc : memref<!tpu.dma_semaphore, #tpu.memory_space<semaphore_mem>>
        %dma_start3A = arith.constant 0 : i32
        %dma_start3A_127 = tpu.memref_slice %arg7[%run_scoped3A_116, %dma_start3A] : memref<8x128xi32, #tpu.memory_space<vmem>> -> memref<1x128xi32, #tpu.memory_space<vmem>>
        %dma_start3A_128 = tpu.memref_squeeze %dma_start3A_127 : memref<1x128xi32, #tpu.memory_space<vmem>> -> memref<128xi32, #tpu.memory_space<vmem>>
        %dma_start3A_129 = arith.constant 0 : i32
        %dma_start3A_130 = arith.constant 0 : i32
        %dma_start3A_131 = tpu.memref_slice %arg5[%dma_start3A_129, %dma_start3A_130] : memref<10000x128xf32, #tpu.memory_space<hbm>> -> memref<10000x128xf32, #tpu.memory_space<hbm>>
        tpu.enqueue_indirect_dma source(%dma_start3A_131 : memref<10000x128xf32, #tpu.memory_space<hbm>>) target(%arg10 : memref<128x128xf32, #tpu.memory_space<vmem>>) offsets(%dma_start3A_128 : memref<128xi32, #tpu.memory_space<vmem>>) semaphore(%run_scoped3A_126 : memref<!tpu.dma_semaphore, #tpu.memory_space<semaphore_mem>>)
        %dma_wait3A = arith.constant 0 : i32
        %dma_wait3A_132 = tpu.memref_slice %arg7[%run_scoped3A_116, %dma_wait3A] : memref<8x128xi32, #tpu.memory_space<vmem>> -> memref<1x128xi32, #tpu.memory_space<vmem>>
        %dma_wait3A_133 = tpu.memref_squeeze %dma_wait3A_132 : memref<1x128xi32, #tpu.memory_space<vmem>> -> memref<128xi32, #tpu.memory_space<vmem>>
        %dma_wait3A_134 = arith.constant 0 : i32
        %dma_wait3A_135 = arith.constant 0 : i32
        %dma_wait3A_136 = tpu.memref_slice %arg5[%dma_wait3A_134, %dma_wait3A_135] : memref<10000x128xf32, #tpu.memory_space<hbm>> -> memref<10000x128xf32, #tpu.memory_space<hbm>>
        tpu.wait_indirect_dma semaphore(%run_scoped3A_126 : memref<!tpu.dma_semaphore, #tpu.memory_space<semaphore_mem>>) src(%dma_wait3A_136 : memref<10000x128xf32, #tpu.memory_space<hbm>>) dst(%arg10 : memref<128x128xf32, #tpu.memory_space<vmem>>)
        tpu.yield
      }) : () -> ()
      %scan3A_117 = arith.constant 0 : i32
      %scan3A_118 = arith.constant 0 : i32
      %scan3A_119 = arith.constant 128 : i32
      %scan3A_120 = arith.addi %scan3A_118, %scan3A_119 : i32
      %scan3A_121 = arith.constant 1 : i32
      %scan3A_122 = scf.for %scan3A_126 = %scan3A_118 to %scan3A_120 step %scan3A_121 iter_args(%scan3A_127 = %scan3A_117) -> (i32)  : i32 {
        %add3A_128 = arith.constant 896 : i32
        %add3A_129 = arith.addi %add3A_128, %scan3A_126 : i32
        %mul3A_130 = arith.constant 4 : i32
        %mul3A_131 = arith.muli %add3A_129, %mul3A_130 : i32
        %add3A_132 = arith.constant 0 : i32
        %add3A_133 = arith.addi %mul3A_131, %add3A_132 : i32
        %broadcast_in_dim3A_134 = vector.broadcast %add3A_133 : i32 to vector<16xi32>
        %gather3A = tpu.vector_load_idx %arg9[%broadcast_in_dim3A_134] : memref<4096xf32, #tpu.memory_space<vmem>>[vector<16xi32>], vector<16xf32>,
        %get3A = arith.index_cast %scan3A_126 : i32 to index
        %get3A_135 = arith.constant 0 : index
        %get3A_136 = tpu.vector_load %arg10[%get3A, %get3A_135] {strides = array<i32>} : memref<128x128xf32, #tpu.memory_space<vmem>>, vector<16xf32>,
        %mul3A_137 = arith.mulf %get3A_136, %gather3A : vector<16xf32>
        %swap3A = arith.index_cast %scan3A_126 : i32 to index
        %swap3A_138 = arith.constant 0 : index
        %swap3A_139 = tpu.vector_load %arg10[%swap3A, %swap3A_138] {strides = array<i32>} : memref<128x128xf32, #tpu.memory_space<vmem>>, vector<16xf32>,
        tpu.vector_store %arg10[%swap3A, %swap3A_138], %mul3A_137 {strides = array<i32>} : memref<128x128xf32, #tpu.memory_space<vmem>>, vector<16xf32>,
        %get3A_140 = arith.index_cast %scan3A_126 : i32 to index
        %get3A_141 = arith.constant 16 : index
        %get3A_142 = tpu.vector_load %arg10[%get3A_140, %get3A_141] {strides = array<i32>} : memref<128x128xf32, #tpu.memory_space<vmem>>, vector<16xf32>,
        %mul3A_143 = arith.mulf %get3A_142, %gather3A : vector<16xf32>
        %swap3A_144 = arith.index_cast %scan3A_126 : i32 to index
        %swap3A_145 = arith.constant 16 : index
        %swap3A_146 = tpu.vector_load %arg10[%swap3A_144, %swap3A_145] {strides = array<i32>} : memref<128x128xf32, #tpu.memory_space<vmem>>, vector<16xf32>,
        tpu.vector_store %arg10[%swap3A_144, %swap3A_145], %mul3A_143 {strides = array<i32>} : memref<128x128xf32, #tpu.memory_space<vmem>>, vector<16xf32>,
        %add3A_147 = arith.constant 1 : i32
        %add3A_148 = arith.addi %mul3A_131, %add3A_147 : i32
        %broadcast_in_dim3A_149 = vector.broadcast %add3A_148 : i32 to vector<16xi32>
        %gather3A_150 = tpu.vector_load_idx %arg9[%broadcast_in_dim3A_149] : memref<4096xf32, #tpu.memory_space<vmem>>[vector<16xi32>], vector<16xf32>,
        %get3A_151 = arith.index_cast %scan3A_126 : i32 to index
        %get3A_152 = arith.constant 32 : index
        %get3A_153 = tpu.vector_load %arg10[%get3A_151, %get3A_152] {strides = array<i32>} : memref<128x128xf32, #tpu.memory_space<vmem>>, vector<16xf32>,
        %mul3A_154 = arith.mulf %get3A_153, %gather3A_150 : vector<16xf32>
        %swap3A_155 = arith.index_cast %scan3A_126 : i32 to index
        %swap3A_156 = arith.constant 32 : index
        %swap3A_157 = tpu.vector_load %arg10[%swap3A_155, %swap3A_156] {strides = array<i32>} : memref<128x128xf32, #tpu.memory_space<vmem>>, vector<16xf32>,
        tpu.vector_store %arg10[%swap3A_155, %swap3A_156], %mul3A_154 {strides = array<i32>} : memref<128x128xf32, #tpu.memory_space<vmem>>, vector<16xf32>,
        %get3A_158 = arith.index_cast %scan3A_126 : i32 to index
        %get3A_159 = arith.constant 48 : index
        %get3A_160 = tpu.vector_load %arg10[%get3A_158, %get3A_159] {strides = array<i32>} : memref<128x128xf32, #tpu.memory_space<vmem>>, vector<16xf32>,
        %mul3A_161 = arith.mulf %get3A_160, %gather3A_150 : vector<16xf32>
        %swap3A_162 = arith.index_cast %scan3A_126 : i32 to index
        %swap3A_163 = arith.constant 48 : index
        %swap3A_164 = tpu.vector_load %arg10[%swap3A_162, %swap3A_163] {strides = array<i32>} : memref<128x128xf32, #tpu.memory_space<vmem>>, vector<16xf32>,
        tpu.vector_store %arg10[%swap3A_162, %swap3A_163], %mul3A_161 {strides = array<i32>} : memref<128x128xf32, #tpu.memory_space<vmem>>, vector<16xf32>,
        %add3A_165 = arith.constant 2 : i32
        %add3A_166 = arith.addi %mul3A_131, %add3A_165 : i32
        %broadcast_in_dim3A_167 = vector.broadcast %add3A_166 : i32 to vector<16xi32>
        %gather3A_168 = tpu.vector_load_idx %arg9[%broadcast_in_dim3A_167] : memref<4096xf32, #tpu.memory_space<vmem>>[vector<16xi32>], vector<16xf32>,
        %get3A_169 = arith.index_cast %scan3A_126 : i32 to index
        %get3A_170 = arith.constant 64 : index
        %get3A_171 = tpu.vector_load %arg10[%get3A_169, %get3A_170] {strides = array<i32>} : memref<128x128xf32, #tpu.memory_space<vmem>>, vector<16xf32>,
        %mul3A_172 = arith.mulf %get3A_171, %gather3A_168 : vector<16xf32>
        %swap3A_173 = arith.index_cast %scan3A_126 : i32 to index
        %swap3A_174 = arith.constant 64 : index
        %swap3A_175 = tpu.vector_load %arg10[%swap3A_173, %swap3A_174] {strides = array<i32>} : memref<128x128xf32, #tpu.memory_space<vmem>>, vector<16xf32>,
        tpu.vector_store %arg10[%swap3A_173, %swap3A_174], %mul3A_172 {strides = array<i32>} : memref<128x128xf32, #tpu.memory_space<vmem>>, vector<16xf32>,
        %get3A_176 = arith.index_cast %scan3A_126 : i32 to index
        %get3A_177 = arith.constant 80 : index
        %get3A_178 = tpu.vector_load %arg10[%get3A_176, %get3A_177] {strides = array<i32>} : memref<128x128xf32, #tpu.memory_space<vmem>>, vector<16xf32>,
        %mul3A_179 = arith.mulf %get3A_178, %gather3A_168 : vector<16xf32>
        %swap3A_180 = arith.index_cast %scan3A_126 : i32 to index
        %swap3A_181 = arith.constant 80 : index
        %swap3A_182 = tpu.vector_load %arg10[%swap3A_180, %swap3A_181] {strides = array<i32>} : memref<128x128xf32, #tpu.memory_space<vmem>>, vector<16xf32>,
        tpu.vector_store %arg10[%swap3A_180, %swap3A_181], %mul3A_179 {strides = array<i32>} : memref<128x128xf32, #tpu.memory_space<vmem>>, vector<16xf32>,
        %add3A_183 = arith.constant 3 : i32
        %add3A_184 = arith.addi %mul3A_131, %add3A_183 : i32
        %broadcast_in_dim3A_185 = vector.broadcast %add3A_184 : i32 to vector<16xi32>
        %gather3A_186 = tpu.vector_load_idx %arg9[%broadcast_in_dim3A_185] : memref<4096xf32, #tpu.memory_space<vmem>>[vector<16xi32>], vector<16xf32>,
        %get3A_187 = arith.index_cast %scan3A_126 : i32 to index
        %get3A_188 = arith.constant 96 : index
        %get3A_189 = tpu.vector_load %arg10[%get3A_187, %get3A_188] {strides = array<i32>} : memref<128x128xf32, #tpu.memory_space<vmem>>, vector<16xf32>,
        %mul3A_190 = arith.mulf %get3A_189, %gather3A_186 : vector<16xf32>
        %swap3A_191 = arith.index_cast %scan3A_126 : i32 to index
        %swap3A_192 = arith.constant 96 : index
        %swap3A_193 = tpu.vector_load %arg10[%swap3A_191, %swap3A_192] {strides = array<i32>} : memref<128x128xf32, #tpu.memory_space<vmem>>, vector<16xf32>,
        tpu.vector_store %arg10[%swap3A_191, %swap3A_192], %mul3A_190 {strides = array<i32>} : memref<128x128xf32, #tpu.memory_space<vmem>>, vector<16xf32>,
        %get3A_194 = arith.index_cast %scan3A_126 : i32 to index
        %get3A_195 = arith.constant 112 : index
        %get3A_196 = tpu.vector_load %arg10[%get3A_194, %get3A_195] {strides = array<i32>} : memref<128x128xf32, #tpu.memory_space<vmem>>, vector<16xf32>,
        %mul3A_197 = arith.mulf %get3A_196, %gather3A_186 : vector<16xf32>
        %swap3A_198 = arith.index_cast %scan3A_126 : i32 to index
        %swap3A_199 = arith.constant 112 : index
        %swap3A_200 = tpu.vector_load %arg10[%swap3A_198, %swap3A_199] {strides = array<i32>} : memref<128x128xf32, #tpu.memory_space<vmem>>, vector<16xf32>,
        tpu.vector_store %arg10[%swap3A_198, %swap3A_199], %mul3A_197 {strides = array<i32>} : memref<128x128xf32, #tpu.memory_space<vmem>>, vector<16xf32>,
        %scan3A_201 = arith.constant 0 : i32
        scf.yield %scan3A_201 : i32
      }
      %scan3A_123 = arith.constant 128 : i32
      %run_scoped3A_124 = arith.constant 7 : i32
      "tpu.region"() ({
        %run_scoped3A_126 = tpu.sem_alloc : memref<!tpu.dma_semaphore, #tpu.memory_space<semaphore_mem>>
        %dma_start3A = arith.constant 0 : i32
        %dma_start3A_127 = tpu.memref_slice %arg8[%run_scoped3A_124, %dma_start3A] : memref<8x128xi32, #tpu.memory_space<vmem>> -> memref<1x128xi32, #tpu.memory_space<vmem>>
        %dma_start3A_128 = tpu.memref_squeeze %dma_start3A_127 : memref<1x128xi32, #tpu.memory_space<vmem>> -> memref<128xi32, #tpu.memory_space<vmem>>
        %dma_start3A_129 = arith.constant 0 : i32
        %dma_start3A_130 = arith.constant 0 : i32
        %dma_start3A_131 = tpu.memref_slice %arg12[%dma_start3A_129, %dma_start3A_130] : memref<10240x128xf32, #tpu.memory_space<vmem_shared>> -> memref<10240x128xf32, #tpu.memory_space<vmem_shared>>
        tpu.enqueue_indirect_dma source(%arg10 : memref<128x128xf32, #tpu.memory_space<vmem>>) target(%dma_start3A_131 : memref<10240x128xf32, #tpu.memory_space<vmem_shared>>) offsets(%dma_start3A_128 : memref<128xi32, #tpu.memory_space<vmem>>) semaphore(%run_scoped3A_126 : memref<!tpu.dma_semaphore, #tpu.memory_space<semaphore_mem>>) {add = true}
        %dma_wait3A = arith.constant 0 : i32
        %dma_wait3A_132 = tpu.memref_slice %arg8[%run_scoped3A_124, %dma_wait3A] : memref<8x128xi32, #tpu.memory_space<vmem>> -> memref<1x128xi32, #tpu.memory_space<vmem>>
        %dma_wait3A_133 = tpu.memref_squeeze %dma_wait3A_132 : memref<1x128xi32, #tpu.memory_space<vmem>> -> memref<128xi32, #tpu.memory_space<vmem>>
        %dma_wait3A_134 = arith.constant 0 : i32
        %dma_wait3A_135 = arith.constant 0 : i32
        %dma_wait3A_136 = tpu.memref_slice %arg12[%dma_wait3A_134, %dma_wait3A_135] : memref<10240x128xf32, #tpu.memory_space<vmem_shared>> -> memref<10240x128xf32, #tpu.memory_space<vmem_shared>>
        tpu.wait_indirect_dma semaphore(%run_scoped3A_126 : memref<!tpu.dma_semaphore, #tpu.memory_space<semaphore_mem>>) src(%arg10 : memref<128x128xf32, #tpu.memory_space<vmem>>) dst(%dma_wait3A_136 : memref<10240x128xf32, #tpu.memory_space<vmem_shared>>)
        tpu.yield
      }) : () -> ()
      %scan3A_125 = arith.constant 0 : i32
      scf.yield %scan3A_125 : i32
    }
    %scan3A_23 = arith.constant 11 : i32
    %barrier3A_24 = arith.constant 0 : index
    tpu.barrier barrier_id(%barrier3A_24)
    %mul3A_25 = arith.constant 640 : i32
    %mul3A_26 = arith.muli %arg1, %mul3A_25 : i32
    %mul3A_27 = arith.constant 10240 : i32
    %mul3A_28 = arith.muli %arg0, %mul3A_27 : i32
    %add3A_29 = arith.addi %mul3A_28, %mul3A_26 : i32
    "tpu.region"() ({
      %run_scoped3A = tpu.sem_alloc : memref<!tpu.dma_semaphore, #tpu.memory_space<semaphore_mem>>
      %dma_start3A = arith.constant 0 : i32
      %dma_start3A_30 = tpu.memref_slice %arg6[%add3A_29, %dma_start3A] : memref<20480x128xf32, #tpu.memory_space<hbm>> -> memref<640x128xf32, #tpu.memory_space<hbm>>
      %dma_start3A_31 = arith.constant 0 : i32
      %dma_start3A_32 = tpu.memref_slice %arg12[%mul3A_26, %dma_start3A_31] : memref<10240x128xf32, #tpu.memory_space<vmem_shared>> -> memref<640x128xf32, #tpu.memory_space<vmem_shared>>
      tpu.enqueue_dma source(%dma_start3A_32 : memref<640x128xf32, #tpu.memory_space<vmem_shared>>) target(%dma_start3A_30 : memref<640x128xf32, #tpu.memory_space<hbm>>) target_semaphore(%run_scoped3A : memref<!tpu.dma_semaphore, #tpu.memory_space<semaphore_mem>>)
      %dma_wait3A = arith.constant 0 : i32
      %dma_wait3A_33 = tpu.memref_slice %arg6[%add3A_29, %dma_wait3A] : memref<20480x128xf32, #tpu.memory_space<hbm>> -> memref<640x128xf32, #tpu.memory_space<hbm>>
      %dma_wait3A_34 = arith.constant 0 : i32
      %dma_wait3A_35 = tpu.memref_slice %arg12[%mul3A_26, %dma_wait3A_34] : memref<10240x128xf32, #tpu.memory_space<vmem_shared>> -> memref<640x128xf32, #tpu.memory_space<vmem_shared>>
      tpu.wait_dma2 semaphore(%run_scoped3A : memref<!tpu.dma_semaphore, #tpu.memory_space<semaphore_mem>>) src(%dma_wait3A_35 : memref<640x128xf32, #tpu.memory_space<vmem_shared>>) dst(%dma_wait3A_33 : memref<640x128xf32, #tpu.memory_space<hbm>>)
      tpu.yield
    }) : () -> ()
    return
  }
}

#map = affine_map<(d0, d1) -> (0)>
#map1 = affine_map<(d0, d1) -> (0, 0)>
module attributes {stable_mosaic.version = 14 : i64} {
  func.func @body(%arg0: i32, %arg1: i32, %arg2: memref<360448xi32, #tpu.memory_space<hbm>>, %arg3: memref<360448xi32, #tpu.memory_space<hbm>>, %arg4: memref<2816x128xi32, #tpu.memory_space<hbm>>, %arg5: memref<80000xf32, #tpu.memory_space<hbm>>, %arg6: memref<1441792xf32, #tpu.memory_space<hbm>>, %arg7: memref<20480x16xf32, #tpu.memory_space<hbm>>, %arg8: memref<80000xf32, #tpu.memory_space<vmem>>, %arg9: memref<1024xi32, #tpu.memory_space<vmem>>, %arg10: memref<1024xi32, #tpu.memory_space<vmem>>, %arg11: memref<8x128xi32, #tpu.memory_space<vmem>>, %arg12: memref<4096xf32, #tpu.memory_space<vmem>>, %arg13: memref<1024x16xf32, #tpu.memory_space<vmem>>, %arg14: memref<64x16xf32, #tpu.memory_space<vmem>>, %arg15: memref<10240x16xf32, #tpu.memory_space<vmem_shared>>) attributes {dimension_semantics = [#tpu.dimension_semantics<core_parallel>, #tpu.dimension_semantics<subcore_parallel>], iteration_bounds = array<i64: 2, 16>, scalar_prefetch = 0 : i64, scratch_operands = 8 : i64, tpu.core_type = #tpu.core_type<sc_vector_subcore>, window_params = [{transform_indices = #map}, {transform_indices = #map}, {transform_indices = #map1}, {transform_indices = #map}, {transform_indices = #map}, {transform_indices = #map1}]} {
    %mul3A = arith.constant 16 : i32
    %mul3A_0 = arith.muli %arg0, %mul3A : i32
    %add3A = arith.addi %mul3A_0, %arg1 : i32
    %iota3A = tpu.iota {dimensions = array<i32: 0>} : vector<16xi32>
    %broadcast_in_dim3A = arith.constant 0.000000e+00 : f32
    %broadcast_in_dim3A_1 = vector.broadcast %broadcast_in_dim3A : f32 to vector<16xf32>
    %scan3A = arith.constant 0 : i32
    %scan3A_2 = arith.constant 0 : i32
    %scan3A_3 = arith.constant 64 : i32
    %scan3A_4 = arith.addi %scan3A_2, %scan3A_3 : i32
    %scan3A_5 = arith.constant 1 : i32
    %scan3A_6 = scf.for %scan3A_39 = %scan3A_2 to %scan3A_4 step %scan3A_5 iter_args(%scan3A_40 = %scan3A) -> (i32)  : i32 {
      %swap3A = arith.index_cast %scan3A_39 : i32 to index
      %swap3A_41 = arith.constant 0 : index
      %swap3A_42 = tpu.vector_load %arg14[%swap3A, %swap3A_41] {strides = array<i32>} : memref<64x16xf32, #tpu.memory_space<vmem>>, vector<16xf32>,
      tpu.vector_store %arg14[%swap3A, %swap3A_41], %broadcast_in_dim3A_1 {strides = array<i32>} : memref<64x16xf32, #tpu.memory_space<vmem>>, vector<16xf32>,
      %scan3A_43 = arith.constant 0 : i32
      scf.yield %scan3A_43 : i32
    }
    %scan3A_7 = arith.constant 64 : i32
    %broadcast_in_dim3A_8 = arith.constant 0.000000e+00 : f32
    %broadcast_in_dim3A_9 = vector.broadcast %broadcast_in_dim3A_8 : f32 to vector<16xf32>
    %scan3A_10 = arith.constant 0 : i32
    %scan3A_11 = arith.constant 0 : i32
    %scan3A_12 = arith.constant 1024 : i32
    %scan3A_13 = arith.addi %scan3A_11, %scan3A_12 : i32
    %scan3A_14 = arith.constant 1 : i32
    %scan3A_15 = scf.for %scan3A_39 = %scan3A_11 to %scan3A_13 step %scan3A_14 iter_args(%scan3A_40 = %scan3A_10) -> (i32)  : i32 {
      %swap3A = arith.index_cast %scan3A_39 : i32 to index
      %swap3A_41 = arith.constant 0 : index
      %swap3A_42 = tpu.vector_load %arg13[%swap3A, %swap3A_41] {strides = array<i32>} : memref<1024x16xf32, #tpu.memory_space<vmem>>, vector<16xf32>,
      tpu.vector_store %arg13[%swap3A, %swap3A_41], %broadcast_in_dim3A_9 {strides = array<i32>} : memref<1024x16xf32, #tpu.memory_space<vmem>>, vector<16xf32>,
      %scan3A_43 = arith.constant 0 : i32
      scf.yield %scan3A_43 : i32
    }
    %scan3A_16 = arith.constant 1024 : i32
    %scan3A_17 = arith.constant 0 : i32
    %scan3A_18 = arith.constant 0 : i32
    %scan3A_19 = arith.constant 10 : i32
    %scan3A_20 = arith.addi %scan3A_18, %scan3A_19 : i32
    %scan3A_21 = arith.constant 1 : i32
    %scan3A_22 = scf.for %scan3A_39 = %scan3A_18 to %scan3A_20 step %scan3A_21 iter_args(%scan3A_40 = %scan3A_17) -> (i32)  : i32 {
      %mul3A_41 = arith.constant 640 : i32
      %mul3A_42 = arith.muli %arg1, %mul3A_41 : i32
      %mul3A_43 = arith.constant 64 : i32
      %mul3A_44 = arith.muli %scan3A_39, %mul3A_43 : i32
      %add3A_45 = arith.addi %mul3A_42, %mul3A_44 : i32
      "tpu.region"() ({
        %run_scoped3A = tpu.sem_alloc : memref<!tpu.dma_semaphore, #tpu.memory_space<semaphore_mem>>
        %dma_start3A = arith.constant 0 : i32
        %dma_start3A_47 = tpu.memref_slice %arg15[%add3A_45, %dma_start3A] : memref<10240x16xf32, #tpu.memory_space<vmem_shared>> -> memref<64x16xf32, #tpu.memory_space<vmem_shared>>
        %dma_start3A_48 = arith.constant 0 : i32
        %dma_start3A_49 = tpu.memref_slice %arg15[%add3A_45, %dma_start3A_48] : memref<10240x16xf32, #tpu.memory_space<vmem_shared>> -> memref<64x16xf32, #tpu.memory_space<vmem_shared>>
        tpu.enqueue_dma source(%arg14 : memref<64x16xf32, #tpu.memory_space<vmem>>) target(%dma_start3A_49 : memref<64x16xf32, #tpu.memory_space<vmem_shared>>) target_semaphore(%run_scoped3A : memref<!tpu.dma_semaphore, #tpu.memory_space<semaphore_mem>>)
        %dma_wait3A = arith.constant 0 : i32
        %dma_wait3A_50 = tpu.memref_slice %arg15[%add3A_45, %dma_wait3A] : memref<10240x16xf32, #tpu.memory_space<vmem_shared>> -> memref<64x16xf32, #tpu.memory_space<vmem_shared>>
        %dma_wait3A_51 = arith.constant 0 : i32
        %dma_wait3A_52 = tpu.memref_slice %arg15[%add3A_45, %dma_wait3A_51] : memref<10240x16xf32, #tpu.memory_space<vmem_shared>> -> memref<64x16xf32, #tpu.memory_space<vmem_shared>>
        tpu.wait_dma2 semaphore(%run_scoped3A : memref<!tpu.dma_semaphore, #tpu.memory_space<semaphore_mem>>) src(%arg14 : memref<64x16xf32, #tpu.memory_space<vmem>>) dst(%dma_wait3A_52 : memref<64x16xf32, #tpu.memory_space<vmem_shared>>)
        tpu.yield
      }) : () -> ()
      %scan3A_46 = arith.constant 0 : i32
      scf.yield %scan3A_46 : i32
    }
    %scan3A_23 = arith.constant 10 : i32
    %barrier3A = arith.constant 0 : index
    tpu.barrier barrier_id(%barrier3A)
    "tpu.region"() ({
      %run_scoped3A = tpu.sem_alloc : memref<!tpu.dma_semaphore, #tpu.memory_space<semaphore_mem>>
      tpu.enqueue_dma source(%arg5 : memref<80000xf32, #tpu.memory_space<hbm>>) target(%arg8 : memref<80000xf32, #tpu.memory_space<vmem>>) target_semaphore(%run_scoped3A : memref<!tpu.dma_semaphore, #tpu.memory_space<semaphore_mem>>)
      tpu.wait_dma2 semaphore(%run_scoped3A : memref<!tpu.dma_semaphore, #tpu.memory_space<semaphore_mem>>) src(%arg5 : memref<80000xf32, #tpu.memory_space<hbm>>) dst(%arg8 : memref<80000xf32, #tpu.memory_space<vmem>>)
      tpu.yield
    }) : () -> ()
    %mul3A_24 = arith.constant 11264 : i32
    %mul3A_25 = arith.muli %add3A, %mul3A_24 : i32
    %scan3A_26 = arith.constant 0 : i32
    %scan3A_27 = arith.constant 0 : i32
    %scan3A_28 = arith.constant 11 : i32
    %scan3A_29 = arith.addi %scan3A_27, %scan3A_28 : i32
    %scan3A_30 = arith.constant 1 : i32
    %scan3A_31 = scf.for %scan3A_39 = %scan3A_27 to %scan3A_29 step %scan3A_30 iter_args(%scan3A_40 = %scan3A_26) -> (i32)  : i32 {
      %mul3A_41 = arith.constant 1024 : i32
      %mul3A_42 = arith.muli %scan3A_39, %mul3A_41 : i32
      %add3A_43 = arith.addi %mul3A_25, %mul3A_42 : i32
      %multiple_of3A = tpu.assume_multiple %add3A_43, 1024 : i32
      %jit3A = arith.constant 128 : i32
      %div3A = arith.divsi %multiple_of3A, %jit3A : i32
      %sign3A = arith.constant 0 : i32
      %sign3A_44 = arith.cmpi sgt, %multiple_of3A, %sign3A : i32
      %sign3A_45 = arith.extui %sign3A_44 : i1 to i32
      %sign3A_46 = arith.constant 0 : i32
      %sign3A_47 = arith.cmpi slt, %multiple_of3A, %sign3A_46 : i32
      %sign3A_48 = arith.extui %sign3A_47 : i1 to i32
      %sign3A_49 = arith.subi %sign3A_45, %sign3A_48 : i32
      %sign3A_50 = arith.constant 0 : i32
      %sign3A_51 = arith.cmpi sgt, %jit3A, %sign3A_50 : i32
      %sign3A_52 = arith.extui %sign3A_51 : i1 to i32
      %sign3A_53 = arith.constant 0 : i32
      %sign3A_54 = arith.cmpi slt, %jit3A, %sign3A_53 : i32
      %sign3A_55 = arith.extui %sign3A_54 : i1 to i32
      %sign3A_56 = arith.subi %sign3A_52, %sign3A_55 : i32
      %ne3A = arith.cmpi ne, %sign3A_49, %sign3A_56 : i32
      %rem3A = arith.remsi %multiple_of3A, %jit3A : i32
      %ne3A_57 = arith.constant 0 : i32
      %ne3A_58 = arith.cmpi ne, %rem3A, %ne3A_57 : i32
      %and3A = arith.andi %ne3A, %ne3A_58 : i1
      %sub3A = arith.constant 1 : i32
      %sub3A_59 = arith.subi %div3A, %sub3A : i32
      %select_n3A = arith.select %and3A, %sub3A_59, %div3A : i32
      %multiple_of3A_60 = tpu.assume_multiple %select_n3A, 8 : i32
      "tpu.region"() ({
        %run_scoped3A_78 = tpu.sem_alloc : memref<!tpu.dma_semaphore, #tpu.memory_space<semaphore_mem>>
        %dma_start3A = tpu.memref_slice %arg2[%multiple_of3A] : memref<360448xi32, #tpu.memory_space<hbm>> -> memref<1024xi32, #tpu.memory_space<hbm>>
        %dma_start3A_79 = tpu.memref_slice %arg2[%multiple_of3A] : memref<360448xi32, #tpu.memory_space<hbm>> -> memref<1024xi32, #tpu.memory_space<hbm>>
        tpu.enqueue_dma source(%dma_start3A_79 : memref<1024xi32, #tpu.memory_space<hbm>>) target(%arg9 : memref<1024xi32, #tpu.memory_space<vmem>>) target_semaphore(%run_scoped3A_78 : memref<!tpu.dma_semaphore, #tpu.memory_space<semaphore_mem>>)
        %dma_wait3A = tpu.memref_slice %arg2[%multiple_of3A] : memref<360448xi32, #tpu.memory_space<hbm>> -> memref<1024xi32, #tpu.memory_space<hbm>>
        %dma_wait3A_80 = tpu.memref_slice %arg2[%multiple_of3A] : memref<360448xi32, #tpu.memory_space<hbm>> -> memref<1024xi32, #tpu.memory_space<hbm>>
        tpu.wait_dma2 semaphore(%run_scoped3A_78 : memref<!tpu.dma_semaphore, #tpu.memory_space<semaphore_mem>>) src(%dma_wait3A_80 : memref<1024xi32, #tpu.memory_space<hbm>>) dst(%arg9 : memref<1024xi32, #tpu.memory_space<vmem>>)
        tpu.yield
      }) : () -> ()
      "tpu.region"() ({
        %run_scoped3A_78 = tpu.sem_alloc : memref<!tpu.dma_semaphore, #tpu.memory_space<semaphore_mem>>
        %dma_start3A = tpu.memref_slice %arg3[%multiple_of3A] : memref<360448xi32, #tpu.memory_space<hbm>> -> memref<1024xi32, #tpu.memory_space<hbm>>
        %dma_start3A_79 = tpu.memref_slice %arg3[%multiple_of3A] : memref<360448xi32, #tpu.memory_space<hbm>> -> memref<1024xi32, #tpu.memory_space<hbm>>
        tpu.enqueue_dma source(%dma_start3A_79 : memref<1024xi32, #tpu.memory_space<hbm>>) target(%arg10 : memref<1024xi32, #tpu.memory_space<vmem>>) target_semaphore(%run_scoped3A_78 : memref<!tpu.dma_semaphore, #tpu.memory_space<semaphore_mem>>)
        %dma_wait3A = tpu.memref_slice %arg3[%multiple_of3A] : memref<360448xi32, #tpu.memory_space<hbm>> -> memref<1024xi32, #tpu.memory_space<hbm>>
        %dma_wait3A_80 = tpu.memref_slice %arg3[%multiple_of3A] : memref<360448xi32, #tpu.memory_space<hbm>> -> memref<1024xi32, #tpu.memory_space<hbm>>
        tpu.wait_dma2 semaphore(%run_scoped3A_78 : memref<!tpu.dma_semaphore, #tpu.memory_space<semaphore_mem>>) src(%dma_wait3A_80 : memref<1024xi32, #tpu.memory_space<hbm>>) dst(%arg10 : memref<1024xi32, #tpu.memory_space<vmem>>)
        tpu.yield
      }) : () -> ()
      "tpu.region"() ({
        %run_scoped3A_78 = tpu.sem_alloc : memref<!tpu.dma_semaphore, #tpu.memory_space<semaphore_mem>>
        %dma_start3A = arith.constant 0 : i32
        %dma_start3A_79 = tpu.memref_slice %arg4[%multiple_of3A_60, %dma_start3A] : memref<2816x128xi32, #tpu.memory_space<hbm>> -> memref<8x128xi32, #tpu.memory_space<hbm>>
        %dma_start3A_80 = arith.constant 0 : i32
        %dma_start3A_81 = tpu.memref_slice %arg4[%multiple_of3A_60, %dma_start3A_80] : memref<2816x128xi32, #tpu.memory_space<hbm>> -> memref<8x128xi32, #tpu.memory_space<hbm>>
        tpu.enqueue_dma source(%dma_start3A_81 : memref<8x128xi32, #tpu.memory_space<hbm>>) target(%arg11 : memref<8x128xi32, #tpu.memory_space<vmem>>) target_semaphore(%run_scoped3A_78 : memref<!tpu.dma_semaphore, #tpu.memory_space<semaphore_mem>>)
        %dma_wait3A = arith.constant 0 : i32
        %dma_wait3A_82 = tpu.memref_slice %arg4[%multiple_of3A_60, %dma_wait3A] : memref<2816x128xi32, #tpu.memory_space<hbm>> -> memref<8x128xi32, #tpu.memory_space<hbm>>
        %dma_wait3A_83 = arith.constant 0 : i32
        %dma_wait3A_84 = tpu.memref_slice %arg4[%multiple_of3A_60, %dma_wait3A_83] : memref<2816x128xi32, #tpu.memory_space<hbm>> -> memref<8x128xi32, #tpu.memory_space<hbm>>
        tpu.wait_dma2 semaphore(%run_scoped3A_78 : memref<!tpu.dma_semaphore, #tpu.memory_space<semaphore_mem>>) src(%dma_wait3A_84 : memref<8x128xi32, #tpu.memory_space<hbm>>) dst(%arg11 : memref<8x128xi32, #tpu.memory_space<vmem>>)
        tpu.yield
      }) : () -> ()
      %scan3A_61 = arith.constant 0 : i32
      %scan3A_62 = arith.constant 0 : i32
      %scan3A_63 = arith.constant 256 : i32
      %scan3A_64 = arith.addi %scan3A_62, %scan3A_63 : i32
      %scan3A_65 = arith.constant 1 : i32
      %scan3A_66 = scf.for %scan3A_78 = %scan3A_62 to %scan3A_64 step %scan3A_65 iter_args(%scan3A_79 = %scan3A_61) -> (i32)  : i32 {
        %mul3A_80 = arith.constant 16 : i32
        %mul3A_81 = arith.muli %scan3A_78, %mul3A_80 : i32
        %add3A_82 = vector.broadcast %mul3A_81 : i32 to vector<16xi32>
        %add3A_83 = arith.addi %add3A_82, %iota3A : vector<16xi32>
        %shift_right_logical3A = arith.constant 2 : i32
        %shift_right_logical3A_84 = vector.broadcast %shift_right_logical3A : i32 to vector<16xi32>
        %shift_right_logical3A_85 = arith.shrui %add3A_83, %shift_right_logical3A_84 : vector<16xi32>
        %and3A_86 = arith.constant 3 : i32
        %and3A_87 = vector.broadcast %and3A_86 : i32 to vector<16xi32>
        %and3A_88 = arith.andi %add3A_83, %and3A_87 : vector<16xi32>
        %gather3A = tpu.vector_load_idx %arg9[%shift_right_logical3A_85] : memref<1024xi32, #tpu.memory_space<vmem>>[vector<16xi32>], vector<16xi32>,
        %gather3A_89 = tpu.vector_load_idx %arg10[%shift_right_logical3A_85] : memref<1024xi32, #tpu.memory_space<vmem>>[vector<16xi32>], vector<16xi32>,
        %mul3A_90 = arith.constant 8 : i32
        %mul3A_91 = vector.broadcast %mul3A_90 : i32 to vector<16xi32>
        %mul3A_92 = arith.muli %gather3A, %mul3A_91 : vector<16xi32>
        %add3A_93 = arith.addi %mul3A_92, %and3A_88 : vector<16xi32>
        %gather3A_94 = tpu.vector_load_idx %arg8[%add3A_93] : memref<80000xf32, #tpu.memory_space<vmem>>[vector<16xi32>], vector<16xf32>,
        %mul3A_95 = arith.constant 8 : i32
        %mul3A_96 = vector.broadcast %mul3A_95 : i32 to vector<16xi32>
        %mul3A_97 = arith.muli %gather3A_89, %mul3A_96 : vector<16xi32>
        %add3A_98 = arith.constant 4 : i32
        %add3A_99 = vector.broadcast %add3A_98 : i32 to vector<16xi32>
        %add3A_100 = arith.addi %mul3A_97, %add3A_99 : vector<16xi32>
        %add3A_101 = arith.addi %add3A_100, %and3A_88 : vector<16xi32>
        %gather3A_102 = tpu.vector_load_idx %arg8[%add3A_101] : memref<80000xf32, #tpu.memory_space<vmem>>[vector<16xi32>], vector<16xf32>,
        %add3A_103 = arith.addf %gather3A_94, %gather3A_102 : vector<16xf32>
        %ge3A = arith.constant 0.000000e+00 : f32
        %ge3A_104 = vector.broadcast %ge3A : f32 to vector<16xf32>
        %ge3A_105 = arith.cmpf oge, %add3A_103, %ge3A_104 : vector<16xf32>
        %mul3A_106 = arith.constant 2.000000e-01 : f32
        %mul3A_107 = vector.broadcast %mul3A_106 : f32 to vector<16xf32>
        %mul3A_108 = arith.mulf %add3A_103, %mul3A_107 : vector<16xf32>
        %select_n3A_109 = arith.select %ge3A_105, %add3A_103, %mul3A_108 : vector<16xi1>, vector<16xf32>
        %exp3A = math.exp %select_n3A_109 : vector<16xf32>
        %mul3A_110 = arith.constant 16 : i32
        %mul3A_111 = arith.muli %scan3A_78, %mul3A_110 : i32
        %swap3A = arith.index_cast %mul3A_111 : i32 to index
        %swap3A_112 = tpu.vector_load %arg12[%swap3A] {strides = array<i32>} : memref<4096xf32, #tpu.memory_space<vmem>>, vector<16xf32>,
        tpu.vector_store %arg12[%swap3A], %exp3A {strides = array<i32>} : memref<4096xf32, #tpu.memory_space<vmem>>, vector<16xf32>,
        tpu.vector_store_idx %arg13[%shift_right_logical3A_85, %and3A_88], %exp3A : memref<1024x16xf32, #tpu.memory_space<vmem>>[vector<16xi32>, vector<16xi32>], vector<16xf32>,
        %scan3A_113 = arith.constant 0 : i32
        scf.yield %scan3A_113 : i32
      }
      %scan3A_67 = arith.constant 256 : i32
      %mul3A_68 = arith.constant 4 : i32
      %mul3A_69 = arith.muli %multiple_of3A, %mul3A_68 : i32
      "tpu.region"() ({
        %run_scoped3A_78 = tpu.sem_alloc : memref<!tpu.dma_semaphore, #tpu.memory_space<semaphore_mem>>
        %dma_start3A = tpu.memref_slice %arg6[%mul3A_69] : memref<1441792xf32, #tpu.memory_space<hbm>> -> memref<4096xf32, #tpu.memory_space<hbm>>
        %dma_start3A_79 = tpu.memref_slice %arg6[%mul3A_69] : memref<1441792xf32, #tpu.memory_space<hbm>> -> memref<4096xf32, #tpu.memory_space<hbm>>
        tpu.enqueue_dma source(%arg12 : memref<4096xf32, #tpu.memory_space<vmem>>) target(%dma_start3A_79 : memref<4096xf32, #tpu.memory_space<hbm>>) target_semaphore(%run_scoped3A_78 : memref<!tpu.dma_semaphore, #tpu.memory_space<semaphore_mem>>)
        %dma_wait3A = tpu.memref_slice %arg6[%mul3A_69] : memref<1441792xf32, #tpu.memory_space<hbm>> -> memref<4096xf32, #tpu.memory_space<hbm>>
        %dma_wait3A_80 = tpu.memref_slice %arg6[%mul3A_69] : memref<1441792xf32, #tpu.memory_space<hbm>> -> memref<4096xf32, #tpu.memory_space<hbm>>
        tpu.wait_dma2 semaphore(%run_scoped3A_78 : memref<!tpu.dma_semaphore, #tpu.memory_space<semaphore_mem>>) src(%arg12 : memref<4096xf32, #tpu.memory_space<vmem>>) dst(%dma_wait3A_80 : memref<4096xf32, #tpu.memory_space<hbm>>)
        tpu.yield
      }) : () -> ()
      %run_scoped3A = arith.constant 0 : i32
      "tpu.region"() ({
        %run_scoped3A_78 = tpu.sem_alloc : memref<!tpu.dma_semaphore, #tpu.memory_space<semaphore_mem>>
        %dma_start3A = arith.constant 0 : i32
        %dma_start3A_79 = arith.constant 0 : i32
        %dma_start3A_80 = tpu.memref_slice %arg13[%dma_start3A, %dma_start3A_79] : memref<1024x16xf32, #tpu.memory_space<vmem>> -> memref<128x16xf32, #tpu.memory_space<vmem>>
        %dma_start3A_81 = arith.constant 0 : i32
        %dma_start3A_82 = tpu.memref_slice %arg11[%run_scoped3A, %dma_start3A_81] : memref<8x128xi32, #tpu.memory_space<vmem>> -> memref<1x128xi32, #tpu.memory_space<vmem>>
        %dma_start3A_83 = tpu.memref_squeeze %dma_start3A_82 : memref<1x128xi32, #tpu.memory_space<vmem>> -> memref<128xi32, #tpu.memory_space<vmem>>
        %dma_start3A_84 = arith.constant 0 : i32
        %dma_start3A_85 = arith.constant 0 : i32
        %dma_start3A_86 = tpu.memref_slice %arg15[%dma_start3A_84, %dma_start3A_85] : memref<10240x16xf32, #tpu.memory_space<vmem_shared>> -> memref<10240x16xf32, #tpu.memory_space<vmem_shared>>
        tpu.enqueue_indirect_dma source(%dma_start3A_80 : memref<128x16xf32, #tpu.memory_space<vmem>>) target(%dma_start3A_86 : memref<10240x16xf32, #tpu.memory_space<vmem_shared>>) offsets(%dma_start3A_83 : memref<128xi32, #tpu.memory_space<vmem>>) semaphore(%run_scoped3A_78 : memref<!tpu.dma_semaphore, #tpu.memory_space<semaphore_mem>>) {add = true}
        %dma_wait3A = arith.constant 0 : i32
        %dma_wait3A_87 = arith.constant 0 : i32
        %dma_wait3A_88 = tpu.memref_slice %arg13[%dma_wait3A, %dma_wait3A_87] : memref<1024x16xf32, #tpu.memory_space<vmem>> -> memref<128x16xf32, #tpu.memory_space<vmem>>
        %dma_wait3A_89 = arith.constant 0 : i32
        %dma_wait3A_90 = tpu.memref_slice %arg11[%run_scoped3A, %dma_wait3A_89] : memref<8x128xi32, #tpu.memory_space<vmem>> -> memref<1x128xi32, #tpu.memory_space<vmem>>
        %dma_wait3A_91 = tpu.memref_squeeze %dma_wait3A_90 : memref<1x128xi32, #tpu.memory_space<vmem>> -> memref<128xi32, #tpu.memory_space<vmem>>
        %dma_wait3A_92 = arith.constant 0 : i32
        %dma_wait3A_93 = arith.constant 0 : i32
        %dma_wait3A_94 = tpu.memref_slice %arg15[%dma_wait3A_92, %dma_wait3A_93] : memref<10240x16xf32, #tpu.memory_space<vmem_shared>> -> memref<10240x16xf32, #tpu.memory_space<vmem_shared>>
        tpu.wait_indirect_dma semaphore(%run_scoped3A_78 : memref<!tpu.dma_semaphore, #tpu.memory_space<semaphore_mem>>) src(%dma_wait3A_88 : memref<128x16xf32, #tpu.memory_space<vmem>>) dst(%dma_wait3A_94 : memref<10240x16xf32, #tpu.memory_space<vmem_shared>>)
        tpu.yield
      }) : () -> ()
      %run_scoped3A_70 = arith.constant 1 : i32
      "tpu.region"() ({
        %run_scoped3A_78 = tpu.sem_alloc : memref<!tpu.dma_semaphore, #tpu.memory_space<semaphore_mem>>
        %dma_start3A = arith.constant 128 : i32
        %dma_start3A_79 = arith.constant 0 : i32
        %dma_start3A_80 = tpu.memref_slice %arg13[%dma_start3A, %dma_start3A_79] : memref<1024x16xf32, #tpu.memory_space<vmem>> -> memref<128x16xf32, #tpu.memory_space<vmem>>
        %dma_start3A_81 = arith.constant 0 : i32
        %dma_start3A_82 = tpu.memref_slice %arg11[%run_scoped3A_70, %dma_start3A_81] : memref<8x128xi32, #tpu.memory_space<vmem>> -> memref<1x128xi32, #tpu.memory_space<vmem>>
        %dma_start3A_83 = tpu.memref_squeeze %dma_start3A_82 : memref<1x128xi32, #tpu.memory_space<vmem>> -> memref<128xi32, #tpu.memory_space<vmem>>
        %dma_start3A_84 = arith.constant 0 : i32
        %dma_start3A_85 = arith.constant 0 : i32
        %dma_start3A_86 = tpu.memref_slice %arg15[%dma_start3A_84, %dma_start3A_85] : memref<10240x16xf32, #tpu.memory_space<vmem_shared>> -> memref<10240x16xf32, #tpu.memory_space<vmem_shared>>
        tpu.enqueue_indirect_dma source(%dma_start3A_80 : memref<128x16xf32, #tpu.memory_space<vmem>>) target(%dma_start3A_86 : memref<10240x16xf32, #tpu.memory_space<vmem_shared>>) offsets(%dma_start3A_83 : memref<128xi32, #tpu.memory_space<vmem>>) semaphore(%run_scoped3A_78 : memref<!tpu.dma_semaphore, #tpu.memory_space<semaphore_mem>>) {add = true}
        %dma_wait3A = arith.constant 128 : i32
        %dma_wait3A_87 = arith.constant 0 : i32
        %dma_wait3A_88 = tpu.memref_slice %arg13[%dma_wait3A, %dma_wait3A_87] : memref<1024x16xf32, #tpu.memory_space<vmem>> -> memref<128x16xf32, #tpu.memory_space<vmem>>
        %dma_wait3A_89 = arith.constant 0 : i32
        %dma_wait3A_90 = tpu.memref_slice %arg11[%run_scoped3A_70, %dma_wait3A_89] : memref<8x128xi32, #tpu.memory_space<vmem>> -> memref<1x128xi32, #tpu.memory_space<vmem>>
        %dma_wait3A_91 = tpu.memref_squeeze %dma_wait3A_90 : memref<1x128xi32, #tpu.memory_space<vmem>> -> memref<128xi32, #tpu.memory_space<vmem>>
        %dma_wait3A_92 = arith.constant 0 : i32
        %dma_wait3A_93 = arith.constant 0 : i32
        %dma_wait3A_94 = tpu.memref_slice %arg15[%dma_wait3A_92, %dma_wait3A_93] : memref<10240x16xf32, #tpu.memory_space<vmem_shared>> -> memref<10240x16xf32, #tpu.memory_space<vmem_shared>>
        tpu.wait_indirect_dma semaphore(%run_scoped3A_78 : memref<!tpu.dma_semaphore, #tpu.memory_space<semaphore_mem>>) src(%dma_wait3A_88 : memref<128x16xf32, #tpu.memory_space<vmem>>) dst(%dma_wait3A_94 : memref<10240x16xf32, #tpu.memory_space<vmem_shared>>)
        tpu.yield
      }) : () -> ()
      %run_scoped3A_71 = arith.constant 2 : i32
      "tpu.region"() ({
        %run_scoped3A_78 = tpu.sem_alloc : memref<!tpu.dma_semaphore, #tpu.memory_space<semaphore_mem>>
        %dma_start3A = arith.constant 256 : i32
        %dma_start3A_79 = arith.constant 0 : i32
        %dma_start3A_80 = tpu.memref_slice %arg13[%dma_start3A, %dma_start3A_79] : memref<1024x16xf32, #tpu.memory_space<vmem>> -> memref<128x16xf32, #tpu.memory_space<vmem>>
        %dma_start3A_81 = arith.constant 0 : i32
        %dma_start3A_82 = tpu.memref_slice %arg11[%run_scoped3A_71, %dma_start3A_81] : memref<8x128xi32, #tpu.memory_space<vmem>> -> memref<1x128xi32, #tpu.memory_space<vmem>>
        %dma_start3A_83 = tpu.memref_squeeze %dma_start3A_82 : memref<1x128xi32, #tpu.memory_space<vmem>> -> memref<128xi32, #tpu.memory_space<vmem>>
        %dma_start3A_84 = arith.constant 0 : i32
        %dma_start3A_85 = arith.constant 0 : i32
        %dma_start3A_86 = tpu.memref_slice %arg15[%dma_start3A_84, %dma_start3A_85] : memref<10240x16xf32, #tpu.memory_space<vmem_shared>> -> memref<10240x16xf32, #tpu.memory_space<vmem_shared>>
        tpu.enqueue_indirect_dma source(%dma_start3A_80 : memref<128x16xf32, #tpu.memory_space<vmem>>) target(%dma_start3A_86 : memref<10240x16xf32, #tpu.memory_space<vmem_shared>>) offsets(%dma_start3A_83 : memref<128xi32, #tpu.memory_space<vmem>>) semaphore(%run_scoped3A_78 : memref<!tpu.dma_semaphore, #tpu.memory_space<semaphore_mem>>) {add = true}
        %dma_wait3A = arith.constant 256 : i32
        %dma_wait3A_87 = arith.constant 0 : i32
        %dma_wait3A_88 = tpu.memref_slice %arg13[%dma_wait3A, %dma_wait3A_87] : memref<1024x16xf32, #tpu.memory_space<vmem>> -> memref<128x16xf32, #tpu.memory_space<vmem>>
        %dma_wait3A_89 = arith.constant 0 : i32
        %dma_wait3A_90 = tpu.memref_slice %arg11[%run_scoped3A_71, %dma_wait3A_89] : memref<8x128xi32, #tpu.memory_space<vmem>> -> memref<1x128xi32, #tpu.memory_space<vmem>>
        %dma_wait3A_91 = tpu.memref_squeeze %dma_wait3A_90 : memref<1x128xi32, #tpu.memory_space<vmem>> -> memref<128xi32, #tpu.memory_space<vmem>>
        %dma_wait3A_92 = arith.constant 0 : i32
        %dma_wait3A_93 = arith.constant 0 : i32
        %dma_wait3A_94 = tpu.memref_slice %arg15[%dma_wait3A_92, %dma_wait3A_93] : memref<10240x16xf32, #tpu.memory_space<vmem_shared>> -> memref<10240x16xf32, #tpu.memory_space<vmem_shared>>
        tpu.wait_indirect_dma semaphore(%run_scoped3A_78 : memref<!tpu.dma_semaphore, #tpu.memory_space<semaphore_mem>>) src(%dma_wait3A_88 : memref<128x16xf32, #tpu.memory_space<vmem>>) dst(%dma_wait3A_94 : memref<10240x16xf32, #tpu.memory_space<vmem_shared>>)
        tpu.yield
      }) : () -> ()
      %run_scoped3A_72 = arith.constant 3 : i32
      "tpu.region"() ({
        %run_scoped3A_78 = tpu.sem_alloc : memref<!tpu.dma_semaphore, #tpu.memory_space<semaphore_mem>>
        %dma_start3A = arith.constant 384 : i32
        %dma_start3A_79 = arith.constant 0 : i32
        %dma_start3A_80 = tpu.memref_slice %arg13[%dma_start3A, %dma_start3A_79] : memref<1024x16xf32, #tpu.memory_space<vmem>> -> memref<128x16xf32, #tpu.memory_space<vmem>>
        %dma_start3A_81 = arith.constant 0 : i32
        %dma_start3A_82 = tpu.memref_slice %arg11[%run_scoped3A_72, %dma_start3A_81] : memref<8x128xi32, #tpu.memory_space<vmem>> -> memref<1x128xi32, #tpu.memory_space<vmem>>
        %dma_start3A_83 = tpu.memref_squeeze %dma_start3A_82 : memref<1x128xi32, #tpu.memory_space<vmem>> -> memref<128xi32, #tpu.memory_space<vmem>>
        %dma_start3A_84 = arith.constant 0 : i32
        %dma_start3A_85 = arith.constant 0 : i32
        %dma_start3A_86 = tpu.memref_slice %arg15[%dma_start3A_84, %dma_start3A_85] : memref<10240x16xf32, #tpu.memory_space<vmem_shared>> -> memref<10240x16xf32, #tpu.memory_space<vmem_shared>>
        tpu.enqueue_indirect_dma source(%dma_start3A_80 : memref<128x16xf32, #tpu.memory_space<vmem>>) target(%dma_start3A_86 : memref<10240x16xf32, #tpu.memory_space<vmem_shared>>) offsets(%dma_start3A_83 : memref<128xi32, #tpu.memory_space<vmem>>) semaphore(%run_scoped3A_78 : memref<!tpu.dma_semaphore, #tpu.memory_space<semaphore_mem>>) {add = true}
        %dma_wait3A = arith.constant 384 : i32
        %dma_wait3A_87 = arith.constant 0 : i32
        %dma_wait3A_88 = tpu.memref_slice %arg13[%dma_wait3A, %dma_wait3A_87] : memref<1024x16xf32, #tpu.memory_space<vmem>> -> memref<128x16xf32, #tpu.memory_space<vmem>>
        %dma_wait3A_89 = arith.constant 0 : i32
        %dma_wait3A_90 = tpu.memref_slice %arg11[%run_scoped3A_72, %dma_wait3A_89] : memref<8x128xi32, #tpu.memory_space<vmem>> -> memref<1x128xi32, #tpu.memory_space<vmem>>
        %dma_wait3A_91 = tpu.memref_squeeze %dma_wait3A_90 : memref<1x128xi32, #tpu.memory_space<vmem>> -> memref<128xi32, #tpu.memory_space<vmem>>
        %dma_wait3A_92 = arith.constant 0 : i32
        %dma_wait3A_93 = arith.constant 0 : i32
        %dma_wait3A_94 = tpu.memref_slice %arg15[%dma_wait3A_92, %dma_wait3A_93] : memref<10240x16xf32, #tpu.memory_space<vmem_shared>> -> memref<10240x16xf32, #tpu.memory_space<vmem_shared>>
        tpu.wait_indirect_dma semaphore(%run_scoped3A_78 : memref<!tpu.dma_semaphore, #tpu.memory_space<semaphore_mem>>) src(%dma_wait3A_88 : memref<128x16xf32, #tpu.memory_space<vmem>>) dst(%dma_wait3A_94 : memref<10240x16xf32, #tpu.memory_space<vmem_shared>>)
        tpu.yield
      }) : () -> ()
      %run_scoped3A_73 = arith.constant 4 : i32
      "tpu.region"() ({
        %run_scoped3A_78 = tpu.sem_alloc : memref<!tpu.dma_semaphore, #tpu.memory_space<semaphore_mem>>
        %dma_start3A = arith.constant 512 : i32
        %dma_start3A_79 = arith.constant 0 : i32
        %dma_start3A_80 = tpu.memref_slice %arg13[%dma_start3A, %dma_start3A_79] : memref<1024x16xf32, #tpu.memory_space<vmem>> -> memref<128x16xf32, #tpu.memory_space<vmem>>
        %dma_start3A_81 = arith.constant 0 : i32
        %dma_start3A_82 = tpu.memref_slice %arg11[%run_scoped3A_73, %dma_start3A_81] : memref<8x128xi32, #tpu.memory_space<vmem>> -> memref<1x128xi32, #tpu.memory_space<vmem>>
        %dma_start3A_83 = tpu.memref_squeeze %dma_start3A_82 : memref<1x128xi32, #tpu.memory_space<vmem>> -> memref<128xi32, #tpu.memory_space<vmem>>
        %dma_start3A_84 = arith.constant 0 : i32
        %dma_start3A_85 = arith.constant 0 : i32
        %dma_start3A_86 = tpu.memref_slice %arg15[%dma_start3A_84, %dma_start3A_85] : memref<10240x16xf32, #tpu.memory_space<vmem_shared>> -> memref<10240x16xf32, #tpu.memory_space<vmem_shared>>
        tpu.enqueue_indirect_dma source(%dma_start3A_80 : memref<128x16xf32, #tpu.memory_space<vmem>>) target(%dma_start3A_86 : memref<10240x16xf32, #tpu.memory_space<vmem_shared>>) offsets(%dma_start3A_83 : memref<128xi32, #tpu.memory_space<vmem>>) semaphore(%run_scoped3A_78 : memref<!tpu.dma_semaphore, #tpu.memory_space<semaphore_mem>>) {add = true}
        %dma_wait3A = arith.constant 512 : i32
        %dma_wait3A_87 = arith.constant 0 : i32
        %dma_wait3A_88 = tpu.memref_slice %arg13[%dma_wait3A, %dma_wait3A_87] : memref<1024x16xf32, #tpu.memory_space<vmem>> -> memref<128x16xf32, #tpu.memory_space<vmem>>
        %dma_wait3A_89 = arith.constant 0 : i32
        %dma_wait3A_90 = tpu.memref_slice %arg11[%run_scoped3A_73, %dma_wait3A_89] : memref<8x128xi32, #tpu.memory_space<vmem>> -> memref<1x128xi32, #tpu.memory_space<vmem>>
        %dma_wait3A_91 = tpu.memref_squeeze %dma_wait3A_90 : memref<1x128xi32, #tpu.memory_space<vmem>> -> memref<128xi32, #tpu.memory_space<vmem>>
        %dma_wait3A_92 = arith.constant 0 : i32
        %dma_wait3A_93 = arith.constant 0 : i32
        %dma_wait3A_94 = tpu.memref_slice %arg15[%dma_wait3A_92, %dma_wait3A_93] : memref<10240x16xf32, #tpu.memory_space<vmem_shared>> -> memref<10240x16xf32, #tpu.memory_space<vmem_shared>>
        tpu.wait_indirect_dma semaphore(%run_scoped3A_78 : memref<!tpu.dma_semaphore, #tpu.memory_space<semaphore_mem>>) src(%dma_wait3A_88 : memref<128x16xf32, #tpu.memory_space<vmem>>) dst(%dma_wait3A_94 : memref<10240x16xf32, #tpu.memory_space<vmem_shared>>)
        tpu.yield
      }) : () -> ()
      %run_scoped3A_74 = arith.constant 5 : i32
      "tpu.region"() ({
        %run_scoped3A_78 = tpu.sem_alloc : memref<!tpu.dma_semaphore, #tpu.memory_space<semaphore_mem>>
        %dma_start3A = arith.constant 640 : i32
        %dma_start3A_79 = arith.constant 0 : i32
        %dma_start3A_80 = tpu.memref_slice %arg13[%dma_start3A, %dma_start3A_79] : memref<1024x16xf32, #tpu.memory_space<vmem>> -> memref<128x16xf32, #tpu.memory_space<vmem>>
        %dma_start3A_81 = arith.constant 0 : i32
        %dma_start3A_82 = tpu.memref_slice %arg11[%run_scoped3A_74, %dma_start3A_81] : memref<8x128xi32, #tpu.memory_space<vmem>> -> memref<1x128xi32, #tpu.memory_space<vmem>>
        %dma_start3A_83 = tpu.memref_squeeze %dma_start3A_82 : memref<1x128xi32, #tpu.memory_space<vmem>> -> memref<128xi32, #tpu.memory_space<vmem>>
        %dma_start3A_84 = arith.constant 0 : i32
        %dma_start3A_85 = arith.constant 0 : i32
        %dma_start3A_86 = tpu.memref_slice %arg15[%dma_start3A_84, %dma_start3A_85] : memref<10240x16xf32, #tpu.memory_space<vmem_shared>> -> memref<10240x16xf32, #tpu.memory_space<vmem_shared>>
        tpu.enqueue_indirect_dma source(%dma_start3A_80 : memref<128x16xf32, #tpu.memory_space<vmem>>) target(%dma_start3A_86 : memref<10240x16xf32, #tpu.memory_space<vmem_shared>>) offsets(%dma_start3A_83 : memref<128xi32, #tpu.memory_space<vmem>>) semaphore(%run_scoped3A_78 : memref<!tpu.dma_semaphore, #tpu.memory_space<semaphore_mem>>) {add = true}
        %dma_wait3A = arith.constant 640 : i32
        %dma_wait3A_87 = arith.constant 0 : i32
        %dma_wait3A_88 = tpu.memref_slice %arg13[%dma_wait3A, %dma_wait3A_87] : memref<1024x16xf32, #tpu.memory_space<vmem>> -> memref<128x16xf32, #tpu.memory_space<vmem>>
        %dma_wait3A_89 = arith.constant 0 : i32
        %dma_wait3A_90 = tpu.memref_slice %arg11[%run_scoped3A_74, %dma_wait3A_89] : memref<8x128xi32, #tpu.memory_space<vmem>> -> memref<1x128xi32, #tpu.memory_space<vmem>>
        %dma_wait3A_91 = tpu.memref_squeeze %dma_wait3A_90 : memref<1x128xi32, #tpu.memory_space<vmem>> -> memref<128xi32, #tpu.memory_space<vmem>>
        %dma_wait3A_92 = arith.constant 0 : i32
        %dma_wait3A_93 = arith.constant 0 : i32
        %dma_wait3A_94 = tpu.memref_slice %arg15[%dma_wait3A_92, %dma_wait3A_93] : memref<10240x16xf32, #tpu.memory_space<vmem_shared>> -> memref<10240x16xf32, #tpu.memory_space<vmem_shared>>
        tpu.wait_indirect_dma semaphore(%run_scoped3A_78 : memref<!tpu.dma_semaphore, #tpu.memory_space<semaphore_mem>>) src(%dma_wait3A_88 : memref<128x16xf32, #tpu.memory_space<vmem>>) dst(%dma_wait3A_94 : memref<10240x16xf32, #tpu.memory_space<vmem_shared>>)
        tpu.yield
      }) : () -> ()
      %run_scoped3A_75 = arith.constant 6 : i32
      "tpu.region"() ({
        %run_scoped3A_78 = tpu.sem_alloc : memref<!tpu.dma_semaphore, #tpu.memory_space<semaphore_mem>>
        %dma_start3A = arith.constant 768 : i32
        %dma_start3A_79 = arith.constant 0 : i32
        %dma_start3A_80 = tpu.memref_slice %arg13[%dma_start3A, %dma_start3A_79] : memref<1024x16xf32, #tpu.memory_space<vmem>> -> memref<128x16xf32, #tpu.memory_space<vmem>>
        %dma_start3A_81 = arith.constant 0 : i32
        %dma_start3A_82 = tpu.memref_slice %arg11[%run_scoped3A_75, %dma_start3A_81] : memref<8x128xi32, #tpu.memory_space<vmem>> -> memref<1x128xi32, #tpu.memory_space<vmem>>
        %dma_start3A_83 = tpu.memref_squeeze %dma_start3A_82 : memref<1x128xi32, #tpu.memory_space<vmem>> -> memref<128xi32, #tpu.memory_space<vmem>>
        %dma_start3A_84 = arith.constant 0 : i32
        %dma_start3A_85 = arith.constant 0 : i32
        %dma_start3A_86 = tpu.memref_slice %arg15[%dma_start3A_84, %dma_start3A_85] : memref<10240x16xf32, #tpu.memory_space<vmem_shared>> -> memref<10240x16xf32, #tpu.memory_space<vmem_shared>>
        tpu.enqueue_indirect_dma source(%dma_start3A_80 : memref<128x16xf32, #tpu.memory_space<vmem>>) target(%dma_start3A_86 : memref<10240x16xf32, #tpu.memory_space<vmem_shared>>) offsets(%dma_start3A_83 : memref<128xi32, #tpu.memory_space<vmem>>) semaphore(%run_scoped3A_78 : memref<!tpu.dma_semaphore, #tpu.memory_space<semaphore_mem>>) {add = true}
        %dma_wait3A = arith.constant 768 : i32
        %dma_wait3A_87 = arith.constant 0 : i32
        %dma_wait3A_88 = tpu.memref_slice %arg13[%dma_wait3A, %dma_wait3A_87] : memref<1024x16xf32, #tpu.memory_space<vmem>> -> memref<128x16xf32, #tpu.memory_space<vmem>>
        %dma_wait3A_89 = arith.constant 0 : i32
        %dma_wait3A_90 = tpu.memref_slice %arg11[%run_scoped3A_75, %dma_wait3A_89] : memref<8x128xi32, #tpu.memory_space<vmem>> -> memref<1x128xi32, #tpu.memory_space<vmem>>
        %dma_wait3A_91 = tpu.memref_squeeze %dma_wait3A_90 : memref<1x128xi32, #tpu.memory_space<vmem>> -> memref<128xi32, #tpu.memory_space<vmem>>
        %dma_wait3A_92 = arith.constant 0 : i32
        %dma_wait3A_93 = arith.constant 0 : i32
        %dma_wait3A_94 = tpu.memref_slice %arg15[%dma_wait3A_92, %dma_wait3A_93] : memref<10240x16xf32, #tpu.memory_space<vmem_shared>> -> memref<10240x16xf32, #tpu.memory_space<vmem_shared>>
        tpu.wait_indirect_dma semaphore(%run_scoped3A_78 : memref<!tpu.dma_semaphore, #tpu.memory_space<semaphore_mem>>) src(%dma_wait3A_88 : memref<128x16xf32, #tpu.memory_space<vmem>>) dst(%dma_wait3A_94 : memref<10240x16xf32, #tpu.memory_space<vmem_shared>>)
        tpu.yield
      }) : () -> ()
      %run_scoped3A_76 = arith.constant 7 : i32
      "tpu.region"() ({
        %run_scoped3A_78 = tpu.sem_alloc : memref<!tpu.dma_semaphore, #tpu.memory_space<semaphore_mem>>
        %dma_start3A = arith.constant 896 : i32
        %dma_start3A_79 = arith.constant 0 : i32
        %dma_start3A_80 = tpu.memref_slice %arg13[%dma_start3A, %dma_start3A_79] : memref<1024x16xf32, #tpu.memory_space<vmem>> -> memref<128x16xf32, #tpu.memory_space<vmem>>
        %dma_start3A_81 = arith.constant 0 : i32
        %dma_start3A_82 = tpu.memref_slice %arg11[%run_scoped3A_76, %dma_start3A_81] : memref<8x128xi32, #tpu.memory_space<vmem>> -> memref<1x128xi32, #tpu.memory_space<vmem>>
        %dma_start3A_83 = tpu.memref_squeeze %dma_start3A_82 : memref<1x128xi32, #tpu.memory_space<vmem>> -> memref<128xi32, #tpu.memory_space<vmem>>
        %dma_start3A_84 = arith.constant 0 : i32
        %dma_start3A_85 = arith.constant 0 : i32
        %dma_start3A_86 = tpu.memref_slice %arg15[%dma_start3A_84, %dma_start3A_85] : memref<10240x16xf32, #tpu.memory_space<vmem_shared>> -> memref<10240x16xf32, #tpu.memory_space<vmem_shared>>
        tpu.enqueue_indirect_dma source(%dma_start3A_80 : memref<128x16xf32, #tpu.memory_space<vmem>>) target(%dma_start3A_86 : memref<10240x16xf32, #tpu.memory_space<vmem_shared>>) offsets(%dma_start3A_83 : memref<128xi32, #tpu.memory_space<vmem>>) semaphore(%run_scoped3A_78 : memref<!tpu.dma_semaphore, #tpu.memory_space<semaphore_mem>>) {add = true}
        %dma_wait3A = arith.constant 896 : i32
        %dma_wait3A_87 = arith.constant 0 : i32
        %dma_wait3A_88 = tpu.memref_slice %arg13[%dma_wait3A, %dma_wait3A_87] : memref<1024x16xf32, #tpu.memory_space<vmem>> -> memref<128x16xf32, #tpu.memory_space<vmem>>
        %dma_wait3A_89 = arith.constant 0 : i32
        %dma_wait3A_90 = tpu.memref_slice %arg11[%run_scoped3A_76, %dma_wait3A_89] : memref<8x128xi32, #tpu.memory_space<vmem>> -> memref<1x128xi32, #tpu.memory_space<vmem>>
        %dma_wait3A_91 = tpu.memref_squeeze %dma_wait3A_90 : memref<1x128xi32, #tpu.memory_space<vmem>> -> memref<128xi32, #tpu.memory_space<vmem>>
        %dma_wait3A_92 = arith.constant 0 : i32
        %dma_wait3A_93 = arith.constant 0 : i32
        %dma_wait3A_94 = tpu.memref_slice %arg15[%dma_wait3A_92, %dma_wait3A_93] : memref<10240x16xf32, #tpu.memory_space<vmem_shared>> -> memref<10240x16xf32, #tpu.memory_space<vmem_shared>>
        tpu.wait_indirect_dma semaphore(%run_scoped3A_78 : memref<!tpu.dma_semaphore, #tpu.memory_space<semaphore_mem>>) src(%dma_wait3A_88 : memref<128x16xf32, #tpu.memory_space<vmem>>) dst(%dma_wait3A_94 : memref<10240x16xf32, #tpu.memory_space<vmem_shared>>)
        tpu.yield
      }) : () -> ()
      %scan3A_77 = arith.constant 0 : i32
      scf.yield %scan3A_77 : i32
    }
    %scan3A_32 = arith.constant 11 : i32
    %barrier3A_33 = arith.constant 0 : index
    tpu.barrier barrier_id(%barrier3A_33)
    %mul3A_34 = arith.constant 640 : i32
    %mul3A_35 = arith.muli %arg1, %mul3A_34 : i32
    %mul3A_36 = arith.constant 10240 : i32
    %mul3A_37 = arith.muli %arg0, %mul3A_36 : i32
    %add3A_38 = arith.addi %mul3A_37, %mul3A_35 : i32
    "tpu.region"() ({
      %run_scoped3A = tpu.sem_alloc : memref<!tpu.dma_semaphore, #tpu.memory_space<semaphore_mem>>
      %dma_start3A = arith.constant 0 : i32
      %dma_start3A_39 = tpu.memref_slice %arg7[%add3A_38, %dma_start3A] : memref<20480x16xf32, #tpu.memory_space<hbm>> -> memref<640x16xf32, #tpu.memory_space<hbm>>
      %dma_start3A_40 = arith.constant 0 : i32
      %dma_start3A_41 = tpu.memref_slice %arg15[%mul3A_35, %dma_start3A_40] : memref<10240x16xf32, #tpu.memory_space<vmem_shared>> -> memref<640x16xf32, #tpu.memory_space<vmem_shared>>
      tpu.enqueue_dma source(%dma_start3A_41 : memref<640x16xf32, #tpu.memory_space<vmem_shared>>) target(%dma_start3A_39 : memref<640x16xf32, #tpu.memory_space<hbm>>) target_semaphore(%run_scoped3A : memref<!tpu.dma_semaphore, #tpu.memory_space<semaphore_mem>>)
      %dma_wait3A = arith.constant 0 : i32
      %dma_wait3A_42 = tpu.memref_slice %arg7[%add3A_38, %dma_wait3A] : memref<20480x16xf32, #tpu.memory_space<hbm>> -> memref<640x16xf32, #tpu.memory_space<hbm>>
      %dma_wait3A_43 = arith.constant 0 : i32
      %dma_wait3A_44 = tpu.memref_slice %arg15[%mul3A_35, %dma_wait3A_43] : memref<10240x16xf32, #tpu.memory_space<vmem_shared>> -> memref<640x16xf32, #tpu.memory_space<vmem_shared>>
      tpu.wait_dma2 semaphore(%run_scoped3A : memref<!tpu.dma_semaphore, #tpu.memory_space<semaphore_mem>>) src(%dma_wait3A_44 : memref<640x16xf32, #tpu.memory_space<vmem_shared>>) dst(%dma_wait3A_42 : memref<640x16xf32, #tpu.memory_space<hbm>>)
      tpu.yield
    }) : () -> ()
    return
  }
}

#map = affine_map<(d0, d1) -> (0)>
#map1 = affine_map<(d0, d1) -> (0, 0)>
module attributes {stable_mosaic.version = 14 : i64} {
  func.func @body(%arg0: i32, %arg1: i32, %arg2: memref<360448xi32, #tpu.memory_space<hbm>>, %arg3: memref<360448xi32, #tpu.memory_space<hbm>>, %arg4: memref<2816x128xi32, #tpu.memory_space<hbm>>, %arg5: memref<80000xf32, #tpu.memory_space<hbm>>, %arg6: memref<360448xf32, #tpu.memory_space<hbm>>, %arg7: memref<20480x16xf32, #tpu.memory_space<hbm>>, %arg8: memref<80000xf32, #tpu.memory_space<vmem>>, %arg9: memref<1024xi32, #tpu.memory_space<vmem>>, %arg10: memref<1024xi32, #tpu.memory_space<vmem>>, %arg11: memref<8x128xi32, #tpu.memory_space<vmem>>, %arg12: memref<1024xf32, #tpu.memory_space<vmem>>, %arg13: memref<1024x16xf32, #tpu.memory_space<vmem>>, %arg14: memref<64x16xf32, #tpu.memory_space<vmem>>, %arg15: memref<10240x16xf32, #tpu.memory_space<vmem_shared>>) attributes {dimension_semantics = [#tpu.dimension_semantics<core_parallel>, #tpu.dimension_semantics<subcore_parallel>], iteration_bounds = array<i64: 2, 16>, scalar_prefetch = 0 : i64, scratch_operands = 8 : i64, tpu.core_type = #tpu.core_type<sc_vector_subcore>, window_params = [{transform_indices = #map}, {transform_indices = #map}, {transform_indices = #map1}, {transform_indices = #map}, {transform_indices = #map}, {transform_indices = #map1}]} {
    %mul3A = arith.constant 16 : i32
    %mul3A_0 = arith.muli %arg0, %mul3A : i32
    %add3A = arith.addi %mul3A_0, %arg1 : i32
    %iota3A = tpu.iota {dimensions = array<i32: 0>} : vector<16xi32>
    %broadcast_in_dim3A = arith.constant 0.000000e+00 : f32
    %broadcast_in_dim3A_1 = vector.broadcast %broadcast_in_dim3A : f32 to vector<16xf32>
    %scan3A = arith.constant 0 : i32
    %scan3A_2 = arith.constant 0 : i32
    %scan3A_3 = arith.constant 64 : i32
    %scan3A_4 = arith.addi %scan3A_2, %scan3A_3 : i32
    %scan3A_5 = arith.constant 1 : i32
    %scan3A_6 = scf.for %scan3A_39 = %scan3A_2 to %scan3A_4 step %scan3A_5 iter_args(%scan3A_40 = %scan3A) -> (i32)  : i32 {
      %swap3A = arith.index_cast %scan3A_39 : i32 to index
      %swap3A_41 = arith.constant 0 : index
      %swap3A_42 = tpu.vector_load %arg14[%swap3A, %swap3A_41] {strides = array<i32>} : memref<64x16xf32, #tpu.memory_space<vmem>>, vector<16xf32>,
      tpu.vector_store %arg14[%swap3A, %swap3A_41], %broadcast_in_dim3A_1 {strides = array<i32>} : memref<64x16xf32, #tpu.memory_space<vmem>>, vector<16xf32>,
      %scan3A_43 = arith.constant 0 : i32
      scf.yield %scan3A_43 : i32
    }
    %scan3A_7 = arith.constant 64 : i32
    %broadcast_in_dim3A_8 = arith.constant 0.000000e+00 : f32
    %broadcast_in_dim3A_9 = vector.broadcast %broadcast_in_dim3A_8 : f32 to vector<16xf32>
    %scan3A_10 = arith.constant 0 : i32
    %scan3A_11 = arith.constant 0 : i32
    %scan3A_12 = arith.constant 1024 : i32
    %scan3A_13 = arith.addi %scan3A_11, %scan3A_12 : i32
    %scan3A_14 = arith.constant 1 : i32
    %scan3A_15 = scf.for %scan3A_39 = %scan3A_11 to %scan3A_13 step %scan3A_14 iter_args(%scan3A_40 = %scan3A_10) -> (i32)  : i32 {
      %swap3A = arith.index_cast %scan3A_39 : i32 to index
      %swap3A_41 = arith.constant 0 : index
      %swap3A_42 = tpu.vector_load %arg13[%swap3A, %swap3A_41] {strides = array<i32>} : memref<1024x16xf32, #tpu.memory_space<vmem>>, vector<16xf32>,
      tpu.vector_store %arg13[%swap3A, %swap3A_41], %broadcast_in_dim3A_9 {strides = array<i32>} : memref<1024x16xf32, #tpu.memory_space<vmem>>, vector<16xf32>,
      %scan3A_43 = arith.constant 0 : i32
      scf.yield %scan3A_43 : i32
    }
    %scan3A_16 = arith.constant 1024 : i32
    %scan3A_17 = arith.constant 0 : i32
    %scan3A_18 = arith.constant 0 : i32
    %scan3A_19 = arith.constant 10 : i32
    %scan3A_20 = arith.addi %scan3A_18, %scan3A_19 : i32
    %scan3A_21 = arith.constant 1 : i32
    %scan3A_22 = scf.for %scan3A_39 = %scan3A_18 to %scan3A_20 step %scan3A_21 iter_args(%scan3A_40 = %scan3A_17) -> (i32)  : i32 {
      %mul3A_41 = arith.constant 640 : i32
      %mul3A_42 = arith.muli %arg1, %mul3A_41 : i32
      %mul3A_43 = arith.constant 64 : i32
      %mul3A_44 = arith.muli %scan3A_39, %mul3A_43 : i32
      %add3A_45 = arith.addi %mul3A_42, %mul3A_44 : i32
      "tpu.region"() ({
        %run_scoped3A = tpu.sem_alloc : memref<!tpu.dma_semaphore, #tpu.memory_space<semaphore_mem>>
        %dma_start3A = arith.constant 0 : i32
        %dma_start3A_47 = tpu.memref_slice %arg15[%add3A_45, %dma_start3A] : memref<10240x16xf32, #tpu.memory_space<vmem_shared>> -> memref<64x16xf32, #tpu.memory_space<vmem_shared>>
        %dma_start3A_48 = arith.constant 0 : i32
        %dma_start3A_49 = tpu.memref_slice %arg15[%add3A_45, %dma_start3A_48] : memref<10240x16xf32, #tpu.memory_space<vmem_shared>> -> memref<64x16xf32, #tpu.memory_space<vmem_shared>>
        tpu.enqueue_dma source(%arg14 : memref<64x16xf32, #tpu.memory_space<vmem>>) target(%dma_start3A_49 : memref<64x16xf32, #tpu.memory_space<vmem_shared>>) target_semaphore(%run_scoped3A : memref<!tpu.dma_semaphore, #tpu.memory_space<semaphore_mem>>)
        %dma_wait3A = arith.constant 0 : i32
        %dma_wait3A_50 = tpu.memref_slice %arg15[%add3A_45, %dma_wait3A] : memref<10240x16xf32, #tpu.memory_space<vmem_shared>> -> memref<64x16xf32, #tpu.memory_space<vmem_shared>>
        %dma_wait3A_51 = arith.constant 0 : i32
        %dma_wait3A_52 = tpu.memref_slice %arg15[%add3A_45, %dma_wait3A_51] : memref<10240x16xf32, #tpu.memory_space<vmem_shared>> -> memref<64x16xf32, #tpu.memory_space<vmem_shared>>
        tpu.wait_dma2 semaphore(%run_scoped3A : memref<!tpu.dma_semaphore, #tpu.memory_space<semaphore_mem>>) src(%arg14 : memref<64x16xf32, #tpu.memory_space<vmem>>) dst(%dma_wait3A_52 : memref<64x16xf32, #tpu.memory_space<vmem_shared>>)
        tpu.yield
      }) : () -> ()
      %scan3A_46 = arith.constant 0 : i32
      scf.yield %scan3A_46 : i32
    }
    %scan3A_23 = arith.constant 10 : i32
    %barrier3A = arith.constant 0 : index
    tpu.barrier barrier_id(%barrier3A)
    "tpu.region"() ({
      %run_scoped3A = tpu.sem_alloc : memref<!tpu.dma_semaphore, #tpu.memory_space<semaphore_mem>>
      tpu.enqueue_dma source(%arg5 : memref<80000xf32, #tpu.memory_space<hbm>>) target(%arg8 : memref<80000xf32, #tpu.memory_space<vmem>>) target_semaphore(%run_scoped3A : memref<!tpu.dma_semaphore, #tpu.memory_space<semaphore_mem>>)
      tpu.wait_dma2 semaphore(%run_scoped3A : memref<!tpu.dma_semaphore, #tpu.memory_space<semaphore_mem>>) src(%arg5 : memref<80000xf32, #tpu.memory_space<hbm>>) dst(%arg8 : memref<80000xf32, #tpu.memory_space<vmem>>)
      tpu.yield
    }) : () -> ()
    %mul3A_24 = arith.constant 11264 : i32
    %mul3A_25 = arith.muli %add3A, %mul3A_24 : i32
    %scan3A_26 = arith.constant 0 : i32
    %scan3A_27 = arith.constant 0 : i32
    %scan3A_28 = arith.constant 11 : i32
    %scan3A_29 = arith.addi %scan3A_27, %scan3A_28 : i32
    %scan3A_30 = arith.constant 1 : i32
    %scan3A_31 = scf.for %scan3A_39 = %scan3A_27 to %scan3A_29 step %scan3A_30 iter_args(%scan3A_40 = %scan3A_26) -> (i32)  : i32 {
      %mul3A_41 = arith.constant 1024 : i32
      %mul3A_42 = arith.muli %scan3A_39, %mul3A_41 : i32
      %add3A_43 = arith.addi %mul3A_25, %mul3A_42 : i32
      %multiple_of3A = tpu.assume_multiple %add3A_43, 1024 : i32
      %jit3A = arith.constant 128 : i32
      %div3A = arith.divsi %multiple_of3A, %jit3A : i32
      %sign3A = arith.constant 0 : i32
      %sign3A_44 = arith.cmpi sgt, %multiple_of3A, %sign3A : i32
      %sign3A_45 = arith.extui %sign3A_44 : i1 to i32
      %sign3A_46 = arith.constant 0 : i32
      %sign3A_47 = arith.cmpi slt, %multiple_of3A, %sign3A_46 : i32
      %sign3A_48 = arith.extui %sign3A_47 : i1 to i32
      %sign3A_49 = arith.subi %sign3A_45, %sign3A_48 : i32
      %sign3A_50 = arith.constant 0 : i32
      %sign3A_51 = arith.cmpi sgt, %jit3A, %sign3A_50 : i32
      %sign3A_52 = arith.extui %sign3A_51 : i1 to i32
      %sign3A_53 = arith.constant 0 : i32
      %sign3A_54 = arith.cmpi slt, %jit3A, %sign3A_53 : i32
      %sign3A_55 = arith.extui %sign3A_54 : i1 to i32
      %sign3A_56 = arith.subi %sign3A_52, %sign3A_55 : i32
      %ne3A = arith.cmpi ne, %sign3A_49, %sign3A_56 : i32
      %rem3A = arith.remsi %multiple_of3A, %jit3A : i32
      %ne3A_57 = arith.constant 0 : i32
      %ne3A_58 = arith.cmpi ne, %rem3A, %ne3A_57 : i32
      %and3A = arith.andi %ne3A, %ne3A_58 : i1
      %sub3A = arith.constant 1 : i32
      %sub3A_59 = arith.subi %div3A, %sub3A : i32
      %select_n3A = arith.select %and3A, %sub3A_59, %div3A : i32
      %multiple_of3A_60 = tpu.assume_multiple %select_n3A, 8 : i32
      "tpu.region"() ({
        %run_scoped3A_78 = tpu.sem_alloc : memref<!tpu.dma_semaphore, #tpu.memory_space<semaphore_mem>>
        %dma_start3A = tpu.memref_slice %arg2[%multiple_of3A] : memref<360448xi32, #tpu.memory_space<hbm>> -> memref<1024xi32, #tpu.memory_space<hbm>>
        %dma_start3A_79 = tpu.memref_slice %arg2[%multiple_of3A] : memref<360448xi32, #tpu.memory_space<hbm>> -> memref<1024xi32, #tpu.memory_space<hbm>>
        tpu.enqueue_dma source(%dma_start3A_79 : memref<1024xi32, #tpu.memory_space<hbm>>) target(%arg9 : memref<1024xi32, #tpu.memory_space<vmem>>) target_semaphore(%run_scoped3A_78 : memref<!tpu.dma_semaphore, #tpu.memory_space<semaphore_mem>>)
        %dma_wait3A = tpu.memref_slice %arg2[%multiple_of3A] : memref<360448xi32, #tpu.memory_space<hbm>> -> memref<1024xi32, #tpu.memory_space<hbm>>
        %dma_wait3A_80 = tpu.memref_slice %arg2[%multiple_of3A] : memref<360448xi32, #tpu.memory_space<hbm>> -> memref<1024xi32, #tpu.memory_space<hbm>>
        tpu.wait_dma2 semaphore(%run_scoped3A_78 : memref<!tpu.dma_semaphore, #tpu.memory_space<semaphore_mem>>) src(%dma_wait3A_80 : memref<1024xi32, #tpu.memory_space<hbm>>) dst(%arg9 : memref<1024xi32, #tpu.memory_space<vmem>>)
        tpu.yield
      }) : () -> ()
      "tpu.region"() ({
        %run_scoped3A_78 = tpu.sem_alloc : memref<!tpu.dma_semaphore, #tpu.memory_space<semaphore_mem>>
        %dma_start3A = tpu.memref_slice %arg3[%multiple_of3A] : memref<360448xi32, #tpu.memory_space<hbm>> -> memref<1024xi32, #tpu.memory_space<hbm>>
        %dma_start3A_79 = tpu.memref_slice %arg3[%multiple_of3A] : memref<360448xi32, #tpu.memory_space<hbm>> -> memref<1024xi32, #tpu.memory_space<hbm>>
        tpu.enqueue_dma source(%dma_start3A_79 : memref<1024xi32, #tpu.memory_space<hbm>>) target(%arg10 : memref<1024xi32, #tpu.memory_space<vmem>>) target_semaphore(%run_scoped3A_78 : memref<!tpu.dma_semaphore, #tpu.memory_space<semaphore_mem>>)
        %dma_wait3A = tpu.memref_slice %arg3[%multiple_of3A] : memref<360448xi32, #tpu.memory_space<hbm>> -> memref<1024xi32, #tpu.memory_space<hbm>>
        %dma_wait3A_80 = tpu.memref_slice %arg3[%multiple_of3A] : memref<360448xi32, #tpu.memory_space<hbm>> -> memref<1024xi32, #tpu.memory_space<hbm>>
        tpu.wait_dma2 semaphore(%run_scoped3A_78 : memref<!tpu.dma_semaphore, #tpu.memory_space<semaphore_mem>>) src(%dma_wait3A_80 : memref<1024xi32, #tpu.memory_space<hbm>>) dst(%arg10 : memref<1024xi32, #tpu.memory_space<vmem>>)
        tpu.yield
      }) : () -> ()
      "tpu.region"() ({
        %run_scoped3A_78 = tpu.sem_alloc : memref<!tpu.dma_semaphore, #tpu.memory_space<semaphore_mem>>
        %dma_start3A = arith.constant 0 : i32
        %dma_start3A_79 = tpu.memref_slice %arg4[%multiple_of3A_60, %dma_start3A] : memref<2816x128xi32, #tpu.memory_space<hbm>> -> memref<8x128xi32, #tpu.memory_space<hbm>>
        %dma_start3A_80 = arith.constant 0 : i32
        %dma_start3A_81 = tpu.memref_slice %arg4[%multiple_of3A_60, %dma_start3A_80] : memref<2816x128xi32, #tpu.memory_space<hbm>> -> memref<8x128xi32, #tpu.memory_space<hbm>>
        tpu.enqueue_dma source(%dma_start3A_81 : memref<8x128xi32, #tpu.memory_space<hbm>>) target(%arg11 : memref<8x128xi32, #tpu.memory_space<vmem>>) target_semaphore(%run_scoped3A_78 : memref<!tpu.dma_semaphore, #tpu.memory_space<semaphore_mem>>)
        %dma_wait3A = arith.constant 0 : i32
        %dma_wait3A_82 = tpu.memref_slice %arg4[%multiple_of3A_60, %dma_wait3A] : memref<2816x128xi32, #tpu.memory_space<hbm>> -> memref<8x128xi32, #tpu.memory_space<hbm>>
        %dma_wait3A_83 = arith.constant 0 : i32
        %dma_wait3A_84 = tpu.memref_slice %arg4[%multiple_of3A_60, %dma_wait3A_83] : memref<2816x128xi32, #tpu.memory_space<hbm>> -> memref<8x128xi32, #tpu.memory_space<hbm>>
        tpu.wait_dma2 semaphore(%run_scoped3A_78 : memref<!tpu.dma_semaphore, #tpu.memory_space<semaphore_mem>>) src(%dma_wait3A_84 : memref<8x128xi32, #tpu.memory_space<hbm>>) dst(%arg11 : memref<8x128xi32, #tpu.memory_space<vmem>>)
        tpu.yield
      }) : () -> ()
      %scan3A_61 = arith.constant 0 : i32
      %scan3A_62 = arith.constant 0 : i32
      %scan3A_63 = arith.constant 64 : i32
      %scan3A_64 = arith.addi %scan3A_62, %scan3A_63 : i32
      %scan3A_65 = arith.constant 1 : i32
      %scan3A_66 = scf.for %scan3A_78 = %scan3A_62 to %scan3A_64 step %scan3A_65 iter_args(%scan3A_79 = %scan3A_61) -> (i32)  : i32 {
        %mul3A_80 = arith.constant 16 : i32
        %mul3A_81 = arith.muli %scan3A_78, %mul3A_80 : i32
        %add3A_82 = vector.broadcast %mul3A_81 : i32 to vector<16xi32>
        %add3A_83 = arith.addi %add3A_82, %iota3A : vector<16xi32>
        %shift_right_logical3A = arith.constant 0 : i32
        %shift_right_logical3A_84 = vector.broadcast %shift_right_logical3A : i32 to vector<16xi32>
        %shift_right_logical3A_85 = arith.shrui %add3A_83, %shift_right_logical3A_84 : vector<16xi32>
        %and3A_86 = arith.constant 0 : i32
        %and3A_87 = vector.broadcast %and3A_86 : i32 to vector<16xi32>
        %and3A_88 = arith.andi %add3A_83, %and3A_87 : vector<16xi32>
        %gather3A = tpu.vector_load_idx %arg9[%shift_right_logical3A_85] : memref<1024xi32, #tpu.memory_space<vmem>>[vector<16xi32>], vector<16xi32>,
        %gather3A_89 = tpu.vector_load_idx %arg10[%shift_right_logical3A_85] : memref<1024xi32, #tpu.memory_space<vmem>>[vector<16xi32>], vector<16xi32>,
        %mul3A_90 = arith.constant 8 : i32
        %mul3A_91 = vector.broadcast %mul3A_90 : i32 to vector<16xi32>
        %mul3A_92 = arith.muli %gather3A, %mul3A_91 : vector<16xi32>
        %add3A_93 = arith.addi %mul3A_92, %and3A_88 : vector<16xi32>
        %gather3A_94 = tpu.vector_load_idx %arg8[%add3A_93] : memref<80000xf32, #tpu.memory_space<vmem>>[vector<16xi32>], vector<16xf32>,
        %mul3A_95 = arith.constant 8 : i32
        %mul3A_96 = vector.broadcast %mul3A_95 : i32 to vector<16xi32>
        %mul3A_97 = arith.muli %gather3A_89, %mul3A_96 : vector<16xi32>
        %add3A_98 = arith.constant 4 : i32
        %add3A_99 = vector.broadcast %add3A_98 : i32 to vector<16xi32>
        %add3A_100 = arith.addi %mul3A_97, %add3A_99 : vector<16xi32>
        %add3A_101 = arith.addi %add3A_100, %and3A_88 : vector<16xi32>
        %gather3A_102 = tpu.vector_load_idx %arg8[%add3A_101] : memref<80000xf32, #tpu.memory_space<vmem>>[vector<16xi32>], vector<16xf32>,
        %add3A_103 = arith.addf %gather3A_94, %gather3A_102 : vector<16xf32>
        %ge3A = arith.constant 0.000000e+00 : f32
        %ge3A_104 = vector.broadcast %ge3A : f32 to vector<16xf32>
        %ge3A_105 = arith.cmpf oge, %add3A_103, %ge3A_104 : vector<16xf32>
        %mul3A_106 = arith.constant 2.000000e-01 : f32
        %mul3A_107 = vector.broadcast %mul3A_106 : f32 to vector<16xf32>
        %mul3A_108 = arith.mulf %add3A_103, %mul3A_107 : vector<16xf32>
        %select_n3A_109 = arith.select %ge3A_105, %add3A_103, %mul3A_108 : vector<16xi1>, vector<16xf32>
        %exp3A = math.exp %select_n3A_109 : vector<16xf32>
        %mul3A_110 = arith.constant 16 : i32
        %mul3A_111 = arith.muli %scan3A_78, %mul3A_110 : i32
        %swap3A = arith.index_cast %mul3A_111 : i32 to index
        %swap3A_112 = tpu.vector_load %arg12[%swap3A] {strides = array<i32>} : memref<1024xf32, #tpu.memory_space<vmem>>, vector<16xf32>,
        tpu.vector_store %arg12[%swap3A], %exp3A {strides = array<i32>} : memref<1024xf32, #tpu.memory_space<vmem>>, vector<16xf32>,
        tpu.vector_store_idx %arg13[%shift_right_logical3A_85, %and3A_88], %exp3A : memref<1024x16xf32, #tpu.memory_space<vmem>>[vector<16xi32>, vector<16xi32>], vector<16xf32>,
        %scan3A_113 = arith.constant 0 : i32
        scf.yield %scan3A_113 : i32
      }
      %scan3A_67 = arith.constant 64 : i32
      %mul3A_68 = arith.constant 1 : i32
      %mul3A_69 = arith.muli %multiple_of3A, %mul3A_68 : i32
      "tpu.region"() ({
        %run_scoped3A_78 = tpu.sem_alloc : memref<!tpu.dma_semaphore, #tpu.memory_space<semaphore_mem>>
        %dma_start3A = tpu.memref_slice %arg6[%mul3A_69] : memref<360448xf32, #tpu.memory_space<hbm>> -> memref<1024xf32, #tpu.memory_space<hbm>>
        %dma_start3A_79 = tpu.memref_slice %arg6[%mul3A_69] : memref<360448xf32, #tpu.memory_space<hbm>> -> memref<1024xf32, #tpu.memory_space<hbm>>
        tpu.enqueue_dma source(%arg12 : memref<1024xf32, #tpu.memory_space<vmem>>) target(%dma_start3A_79 : memref<1024xf32, #tpu.memory_space<hbm>>) target_semaphore(%run_scoped3A_78 : memref<!tpu.dma_semaphore, #tpu.memory_space<semaphore_mem>>)
        %dma_wait3A = tpu.memref_slice %arg6[%mul3A_69] : memref<360448xf32, #tpu.memory_space<hbm>> -> memref<1024xf32, #tpu.memory_space<hbm>>
        %dma_wait3A_80 = tpu.memref_slice %arg6[%mul3A_69] : memref<360448xf32, #tpu.memory_space<hbm>> -> memref<1024xf32, #tpu.memory_space<hbm>>
        tpu.wait_dma2 semaphore(%run_scoped3A_78 : memref<!tpu.dma_semaphore, #tpu.memory_space<semaphore_mem>>) src(%arg12 : memref<1024xf32, #tpu.memory_space<vmem>>) dst(%dma_wait3A_80 : memref<1024xf32, #tpu.memory_space<hbm>>)
        tpu.yield
      }) : () -> ()
      %run_scoped3A = arith.constant 0 : i32
      "tpu.region"() ({
        %run_scoped3A_78 = tpu.sem_alloc : memref<!tpu.dma_semaphore, #tpu.memory_space<semaphore_mem>>
        %dma_start3A = arith.constant 0 : i32
        %dma_start3A_79 = arith.constant 0 : i32
        %dma_start3A_80 = tpu.memref_slice %arg13[%dma_start3A, %dma_start3A_79] : memref<1024x16xf32, #tpu.memory_space<vmem>> -> memref<128x16xf32, #tpu.memory_space<vmem>>
        %dma_start3A_81 = arith.constant 0 : i32
        %dma_start3A_82 = tpu.memref_slice %arg11[%run_scoped3A, %dma_start3A_81] : memref<8x128xi32, #tpu.memory_space<vmem>> -> memref<1x128xi32, #tpu.memory_space<vmem>>
        %dma_start3A_83 = tpu.memref_squeeze %dma_start3A_82 : memref<1x128xi32, #tpu.memory_space<vmem>> -> memref<128xi32, #tpu.memory_space<vmem>>
        %dma_start3A_84 = arith.constant 0 : i32
        %dma_start3A_85 = arith.constant 0 : i32
        %dma_start3A_86 = tpu.memref_slice %arg15[%dma_start3A_84, %dma_start3A_85] : memref<10240x16xf32, #tpu.memory_space<vmem_shared>> -> memref<10240x16xf32, #tpu.memory_space<vmem_shared>>
        tpu.enqueue_indirect_dma source(%dma_start3A_80 : memref<128x16xf32, #tpu.memory_space<vmem>>) target(%dma_start3A_86 : memref<10240x16xf32, #tpu.memory_space<vmem_shared>>) offsets(%dma_start3A_83 : memref<128xi32, #tpu.memory_space<vmem>>) semaphore(%run_scoped3A_78 : memref<!tpu.dma_semaphore, #tpu.memory_space<semaphore_mem>>) {add = true}
        %dma_wait3A = arith.constant 0 : i32
        %dma_wait3A_87 = arith.constant 0 : i32
        %dma_wait3A_88 = tpu.memref_slice %arg13[%dma_wait3A, %dma_wait3A_87] : memref<1024x16xf32, #tpu.memory_space<vmem>> -> memref<128x16xf32, #tpu.memory_space<vmem>>
        %dma_wait3A_89 = arith.constant 0 : i32
        %dma_wait3A_90 = tpu.memref_slice %arg11[%run_scoped3A, %dma_wait3A_89] : memref<8x128xi32, #tpu.memory_space<vmem>> -> memref<1x128xi32, #tpu.memory_space<vmem>>
        %dma_wait3A_91 = tpu.memref_squeeze %dma_wait3A_90 : memref<1x128xi32, #tpu.memory_space<vmem>> -> memref<128xi32, #tpu.memory_space<vmem>>
        %dma_wait3A_92 = arith.constant 0 : i32
        %dma_wait3A_93 = arith.constant 0 : i32
        %dma_wait3A_94 = tpu.memref_slice %arg15[%dma_wait3A_92, %dma_wait3A_93] : memref<10240x16xf32, #tpu.memory_space<vmem_shared>> -> memref<10240x16xf32, #tpu.memory_space<vmem_shared>>
        tpu.wait_indirect_dma semaphore(%run_scoped3A_78 : memref<!tpu.dma_semaphore, #tpu.memory_space<semaphore_mem>>) src(%dma_wait3A_88 : memref<128x16xf32, #tpu.memory_space<vmem>>) dst(%dma_wait3A_94 : memref<10240x16xf32, #tpu.memory_space<vmem_shared>>)
        tpu.yield
      }) : () -> ()
      %run_scoped3A_70 = arith.constant 1 : i32
      "tpu.region"() ({
        %run_scoped3A_78 = tpu.sem_alloc : memref<!tpu.dma_semaphore, #tpu.memory_space<semaphore_mem>>
        %dma_start3A = arith.constant 128 : i32
        %dma_start3A_79 = arith.constant 0 : i32
        %dma_start3A_80 = tpu.memref_slice %arg13[%dma_start3A, %dma_start3A_79] : memref<1024x16xf32, #tpu.memory_space<vmem>> -> memref<128x16xf32, #tpu.memory_space<vmem>>
        %dma_start3A_81 = arith.constant 0 : i32
        %dma_start3A_82 = tpu.memref_slice %arg11[%run_scoped3A_70, %dma_start3A_81] : memref<8x128xi32, #tpu.memory_space<vmem>> -> memref<1x128xi32, #tpu.memory_space<vmem>>
        %dma_start3A_83 = tpu.memref_squeeze %dma_start3A_82 : memref<1x128xi32, #tpu.memory_space<vmem>> -> memref<128xi32, #tpu.memory_space<vmem>>
        %dma_start3A_84 = arith.constant 0 : i32
        %dma_start3A_85 = arith.constant 0 : i32
        %dma_start3A_86 = tpu.memref_slice %arg15[%dma_start3A_84, %dma_start3A_85] : memref<10240x16xf32, #tpu.memory_space<vmem_shared>> -> memref<10240x16xf32, #tpu.memory_space<vmem_shared>>
        tpu.enqueue_indirect_dma source(%dma_start3A_80 : memref<128x16xf32, #tpu.memory_space<vmem>>) target(%dma_start3A_86 : memref<10240x16xf32, #tpu.memory_space<vmem_shared>>) offsets(%dma_start3A_83 : memref<128xi32, #tpu.memory_space<vmem>>) semaphore(%run_scoped3A_78 : memref<!tpu.dma_semaphore, #tpu.memory_space<semaphore_mem>>) {add = true}
        %dma_wait3A = arith.constant 128 : i32
        %dma_wait3A_87 = arith.constant 0 : i32
        %dma_wait3A_88 = tpu.memref_slice %arg13[%dma_wait3A, %dma_wait3A_87] : memref<1024x16xf32, #tpu.memory_space<vmem>> -> memref<128x16xf32, #tpu.memory_space<vmem>>
        %dma_wait3A_89 = arith.constant 0 : i32
        %dma_wait3A_90 = tpu.memref_slice %arg11[%run_scoped3A_70, %dma_wait3A_89] : memref<8x128xi32, #tpu.memory_space<vmem>> -> memref<1x128xi32, #tpu.memory_space<vmem>>
        %dma_wait3A_91 = tpu.memref_squeeze %dma_wait3A_90 : memref<1x128xi32, #tpu.memory_space<vmem>> -> memref<128xi32, #tpu.memory_space<vmem>>
        %dma_wait3A_92 = arith.constant 0 : i32
        %dma_wait3A_93 = arith.constant 0 : i32
        %dma_wait3A_94 = tpu.memref_slice %arg15[%dma_wait3A_92, %dma_wait3A_93] : memref<10240x16xf32, #tpu.memory_space<vmem_shared>> -> memref<10240x16xf32, #tpu.memory_space<vmem_shared>>
        tpu.wait_indirect_dma semaphore(%run_scoped3A_78 : memref<!tpu.dma_semaphore, #tpu.memory_space<semaphore_mem>>) src(%dma_wait3A_88 : memref<128x16xf32, #tpu.memory_space<vmem>>) dst(%dma_wait3A_94 : memref<10240x16xf32, #tpu.memory_space<vmem_shared>>)
        tpu.yield
      }) : () -> ()
      %run_scoped3A_71 = arith.constant 2 : i32
      "tpu.region"() ({
        %run_scoped3A_78 = tpu.sem_alloc : memref<!tpu.dma_semaphore, #tpu.memory_space<semaphore_mem>>
        %dma_start3A = arith.constant 256 : i32
        %dma_start3A_79 = arith.constant 0 : i32
        %dma_start3A_80 = tpu.memref_slice %arg13[%dma_start3A, %dma_start3A_79] : memref<1024x16xf32, #tpu.memory_space<vmem>> -> memref<128x16xf32, #tpu.memory_space<vmem>>
        %dma_start3A_81 = arith.constant 0 : i32
        %dma_start3A_82 = tpu.memref_slice %arg11[%run_scoped3A_71, %dma_start3A_81] : memref<8x128xi32, #tpu.memory_space<vmem>> -> memref<1x128xi32, #tpu.memory_space<vmem>>
        %dma_start3A_83 = tpu.memref_squeeze %dma_start3A_82 : memref<1x128xi32, #tpu.memory_space<vmem>> -> memref<128xi32, #tpu.memory_space<vmem>>
        %dma_start3A_84 = arith.constant 0 : i32
        %dma_start3A_85 = arith.constant 0 : i32
        %dma_start3A_86 = tpu.memref_slice %arg15[%dma_start3A_84, %dma_start3A_85] : memref<10240x16xf32, #tpu.memory_space<vmem_shared>> -> memref<10240x16xf32, #tpu.memory_space<vmem_shared>>
        tpu.enqueue_indirect_dma source(%dma_start3A_80 : memref<128x16xf32, #tpu.memory_space<vmem>>) target(%dma_start3A_86 : memref<10240x16xf32, #tpu.memory_space<vmem_shared>>) offsets(%dma_start3A_83 : memref<128xi32, #tpu.memory_space<vmem>>) semaphore(%run_scoped3A_78 : memref<!tpu.dma_semaphore, #tpu.memory_space<semaphore_mem>>) {add = true}
        %dma_wait3A = arith.constant 256 : i32
        %dma_wait3A_87 = arith.constant 0 : i32
        %dma_wait3A_88 = tpu.memref_slice %arg13[%dma_wait3A, %dma_wait3A_87] : memref<1024x16xf32, #tpu.memory_space<vmem>> -> memref<128x16xf32, #tpu.memory_space<vmem>>
        %dma_wait3A_89 = arith.constant 0 : i32
        %dma_wait3A_90 = tpu.memref_slice %arg11[%run_scoped3A_71, %dma_wait3A_89] : memref<8x128xi32, #tpu.memory_space<vmem>> -> memref<1x128xi32, #tpu.memory_space<vmem>>
        %dma_wait3A_91 = tpu.memref_squeeze %dma_wait3A_90 : memref<1x128xi32, #tpu.memory_space<vmem>> -> memref<128xi32, #tpu.memory_space<vmem>>
        %dma_wait3A_92 = arith.constant 0 : i32
        %dma_wait3A_93 = arith.constant 0 : i32
        %dma_wait3A_94 = tpu.memref_slice %arg15[%dma_wait3A_92, %dma_wait3A_93] : memref<10240x16xf32, #tpu.memory_space<vmem_shared>> -> memref<10240x16xf32, #tpu.memory_space<vmem_shared>>
        tpu.wait_indirect_dma semaphore(%run_scoped3A_78 : memref<!tpu.dma_semaphore, #tpu.memory_space<semaphore_mem>>) src(%dma_wait3A_88 : memref<128x16xf32, #tpu.memory_space<vmem>>) dst(%dma_wait3A_94 : memref<10240x16xf32, #tpu.memory_space<vmem_shared>>)
        tpu.yield
      }) : () -> ()
      %run_scoped3A_72 = arith.constant 3 : i32
      "tpu.region"() ({
        %run_scoped3A_78 = tpu.sem_alloc : memref<!tpu.dma_semaphore, #tpu.memory_space<semaphore_mem>>
        %dma_start3A = arith.constant 384 : i32
        %dma_start3A_79 = arith.constant 0 : i32
        %dma_start3A_80 = tpu.memref_slice %arg13[%dma_start3A, %dma_start3A_79] : memref<1024x16xf32, #tpu.memory_space<vmem>> -> memref<128x16xf32, #tpu.memory_space<vmem>>
        %dma_start3A_81 = arith.constant 0 : i32
        %dma_start3A_82 = tpu.memref_slice %arg11[%run_scoped3A_72, %dma_start3A_81] : memref<8x128xi32, #tpu.memory_space<vmem>> -> memref<1x128xi32, #tpu.memory_space<vmem>>
        %dma_start3A_83 = tpu.memref_squeeze %dma_start3A_82 : memref<1x128xi32, #tpu.memory_space<vmem>> -> memref<128xi32, #tpu.memory_space<vmem>>
        %dma_start3A_84 = arith.constant 0 : i32
        %dma_start3A_85 = arith.constant 0 : i32
        %dma_start3A_86 = tpu.memref_slice %arg15[%dma_start3A_84, %dma_start3A_85] : memref<10240x16xf32, #tpu.memory_space<vmem_shared>> -> memref<10240x16xf32, #tpu.memory_space<vmem_shared>>
        tpu.enqueue_indirect_dma source(%dma_start3A_80 : memref<128x16xf32, #tpu.memory_space<vmem>>) target(%dma_start3A_86 : memref<10240x16xf32, #tpu.memory_space<vmem_shared>>) offsets(%dma_start3A_83 : memref<128xi32, #tpu.memory_space<vmem>>) semaphore(%run_scoped3A_78 : memref<!tpu.dma_semaphore, #tpu.memory_space<semaphore_mem>>) {add = true}
        %dma_wait3A = arith.constant 384 : i32
        %dma_wait3A_87 = arith.constant 0 : i32
        %dma_wait3A_88 = tpu.memref_slice %arg13[%dma_wait3A, %dma_wait3A_87] : memref<1024x16xf32, #tpu.memory_space<vmem>> -> memref<128x16xf32, #tpu.memory_space<vmem>>
        %dma_wait3A_89 = arith.constant 0 : i32
        %dma_wait3A_90 = tpu.memref_slice %arg11[%run_scoped3A_72, %dma_wait3A_89] : memref<8x128xi32, #tpu.memory_space<vmem>> -> memref<1x128xi32, #tpu.memory_space<vmem>>
        %dma_wait3A_91 = tpu.memref_squeeze %dma_wait3A_90 : memref<1x128xi32, #tpu.memory_space<vmem>> -> memref<128xi32, #tpu.memory_space<vmem>>
        %dma_wait3A_92 = arith.constant 0 : i32
        %dma_wait3A_93 = arith.constant 0 : i32
        %dma_wait3A_94 = tpu.memref_slice %arg15[%dma_wait3A_92, %dma_wait3A_93] : memref<10240x16xf32, #tpu.memory_space<vmem_shared>> -> memref<10240x16xf32, #tpu.memory_space<vmem_shared>>
        tpu.wait_indirect_dma semaphore(%run_scoped3A_78 : memref<!tpu.dma_semaphore, #tpu.memory_space<semaphore_mem>>) src(%dma_wait3A_88 : memref<128x16xf32, #tpu.memory_space<vmem>>) dst(%dma_wait3A_94 : memref<10240x16xf32, #tpu.memory_space<vmem_shared>>)
        tpu.yield
      }) : () -> ()
      %run_scoped3A_73 = arith.constant 4 : i32
      "tpu.region"() ({
        %run_scoped3A_78 = tpu.sem_alloc : memref<!tpu.dma_semaphore, #tpu.memory_space<semaphore_mem>>
        %dma_start3A = arith.constant 512 : i32
        %dma_start3A_79 = arith.constant 0 : i32
        %dma_start3A_80 = tpu.memref_slice %arg13[%dma_start3A, %dma_start3A_79] : memref<1024x16xf32, #tpu.memory_space<vmem>> -> memref<128x16xf32, #tpu.memory_space<vmem>>
        %dma_start3A_81 = arith.constant 0 : i32
        %dma_start3A_82 = tpu.memref_slice %arg11[%run_scoped3A_73, %dma_start3A_81] : memref<8x128xi32, #tpu.memory_space<vmem>> -> memref<1x128xi32, #tpu.memory_space<vmem>>
        %dma_start3A_83 = tpu.memref_squeeze %dma_start3A_82 : memref<1x128xi32, #tpu.memory_space<vmem>> -> memref<128xi32, #tpu.memory_space<vmem>>
        %dma_start3A_84 = arith.constant 0 : i32
        %dma_start3A_85 = arith.constant 0 : i32
        %dma_start3A_86 = tpu.memref_slice %arg15[%dma_start3A_84, %dma_start3A_85] : memref<10240x16xf32, #tpu.memory_space<vmem_shared>> -> memref<10240x16xf32, #tpu.memory_space<vmem_shared>>
        tpu.enqueue_indirect_dma source(%dma_start3A_80 : memref<128x16xf32, #tpu.memory_space<vmem>>) target(%dma_start3A_86 : memref<10240x16xf32, #tpu.memory_space<vmem_shared>>) offsets(%dma_start3A_83 : memref<128xi32, #tpu.memory_space<vmem>>) semaphore(%run_scoped3A_78 : memref<!tpu.dma_semaphore, #tpu.memory_space<semaphore_mem>>) {add = true}
        %dma_wait3A = arith.constant 512 : i32
        %dma_wait3A_87 = arith.constant 0 : i32
        %dma_wait3A_88 = tpu.memref_slice %arg13[%dma_wait3A, %dma_wait3A_87] : memref<1024x16xf32, #tpu.memory_space<vmem>> -> memref<128x16xf32, #tpu.memory_space<vmem>>
        %dma_wait3A_89 = arith.constant 0 : i32
        %dma_wait3A_90 = tpu.memref_slice %arg11[%run_scoped3A_73, %dma_wait3A_89] : memref<8x128xi32, #tpu.memory_space<vmem>> -> memref<1x128xi32, #tpu.memory_space<vmem>>
        %dma_wait3A_91 = tpu.memref_squeeze %dma_wait3A_90 : memref<1x128xi32, #tpu.memory_space<vmem>> -> memref<128xi32, #tpu.memory_space<vmem>>
        %dma_wait3A_92 = arith.constant 0 : i32
        %dma_wait3A_93 = arith.constant 0 : i32
        %dma_wait3A_94 = tpu.memref_slice %arg15[%dma_wait3A_92, %dma_wait3A_93] : memref<10240x16xf32, #tpu.memory_space<vmem_shared>> -> memref<10240x16xf32, #tpu.memory_space<vmem_shared>>
        tpu.wait_indirect_dma semaphore(%run_scoped3A_78 : memref<!tpu.dma_semaphore, #tpu.memory_space<semaphore_mem>>) src(%dma_wait3A_88 : memref<128x16xf32, #tpu.memory_space<vmem>>) dst(%dma_wait3A_94 : memref<10240x16xf32, #tpu.memory_space<vmem_shared>>)
        tpu.yield
      }) : () -> ()
      %run_scoped3A_74 = arith.constant 5 : i32
      "tpu.region"() ({
        %run_scoped3A_78 = tpu.sem_alloc : memref<!tpu.dma_semaphore, #tpu.memory_space<semaphore_mem>>
        %dma_start3A = arith.constant 640 : i32
        %dma_start3A_79 = arith.constant 0 : i32
        %dma_start3A_80 = tpu.memref_slice %arg13[%dma_start3A, %dma_start3A_79] : memref<1024x16xf32, #tpu.memory_space<vmem>> -> memref<128x16xf32, #tpu.memory_space<vmem>>
        %dma_start3A_81 = arith.constant 0 : i32
        %dma_start3A_82 = tpu.memref_slice %arg11[%run_scoped3A_74, %dma_start3A_81] : memref<8x128xi32, #tpu.memory_space<vmem>> -> memref<1x128xi32, #tpu.memory_space<vmem>>
        %dma_start3A_83 = tpu.memref_squeeze %dma_start3A_82 : memref<1x128xi32, #tpu.memory_space<vmem>> -> memref<128xi32, #tpu.memory_space<vmem>>
        %dma_start3A_84 = arith.constant 0 : i32
        %dma_start3A_85 = arith.constant 0 : i32
        %dma_start3A_86 = tpu.memref_slice %arg15[%dma_start3A_84, %dma_start3A_85] : memref<10240x16xf32, #tpu.memory_space<vmem_shared>> -> memref<10240x16xf32, #tpu.memory_space<vmem_shared>>
        tpu.enqueue_indirect_dma source(%dma_start3A_80 : memref<128x16xf32, #tpu.memory_space<vmem>>) target(%dma_start3A_86 : memref<10240x16xf32, #tpu.memory_space<vmem_shared>>) offsets(%dma_start3A_83 : memref<128xi32, #tpu.memory_space<vmem>>) semaphore(%run_scoped3A_78 : memref<!tpu.dma_semaphore, #tpu.memory_space<semaphore_mem>>) {add = true}
        %dma_wait3A = arith.constant 640 : i32
        %dma_wait3A_87 = arith.constant 0 : i32
        %dma_wait3A_88 = tpu.memref_slice %arg13[%dma_wait3A, %dma_wait3A_87] : memref<1024x16xf32, #tpu.memory_space<vmem>> -> memref<128x16xf32, #tpu.memory_space<vmem>>
        %dma_wait3A_89 = arith.constant 0 : i32
        %dma_wait3A_90 = tpu.memref_slice %arg11[%run_scoped3A_74, %dma_wait3A_89] : memref<8x128xi32, #tpu.memory_space<vmem>> -> memref<1x128xi32, #tpu.memory_space<vmem>>
        %dma_wait3A_91 = tpu.memref_squeeze %dma_wait3A_90 : memref<1x128xi32, #tpu.memory_space<vmem>> -> memref<128xi32, #tpu.memory_space<vmem>>
        %dma_wait3A_92 = arith.constant 0 : i32
        %dma_wait3A_93 = arith.constant 0 : i32
        %dma_wait3A_94 = tpu.memref_slice %arg15[%dma_wait3A_92, %dma_wait3A_93] : memref<10240x16xf32, #tpu.memory_space<vmem_shared>> -> memref<10240x16xf32, #tpu.memory_space<vmem_shared>>
        tpu.wait_indirect_dma semaphore(%run_scoped3A_78 : memref<!tpu.dma_semaphore, #tpu.memory_space<semaphore_mem>>) src(%dma_wait3A_88 : memref<128x16xf32, #tpu.memory_space<vmem>>) dst(%dma_wait3A_94 : memref<10240x16xf32, #tpu.memory_space<vmem_shared>>)
        tpu.yield
      }) : () -> ()
      %run_scoped3A_75 = arith.constant 6 : i32
      "tpu.region"() ({
        %run_scoped3A_78 = tpu.sem_alloc : memref<!tpu.dma_semaphore, #tpu.memory_space<semaphore_mem>>
        %dma_start3A = arith.constant 768 : i32
        %dma_start3A_79 = arith.constant 0 : i32
        %dma_start3A_80 = tpu.memref_slice %arg13[%dma_start3A, %dma_start3A_79] : memref<1024x16xf32, #tpu.memory_space<vmem>> -> memref<128x16xf32, #tpu.memory_space<vmem>>
        %dma_start3A_81 = arith.constant 0 : i32
        %dma_start3A_82 = tpu.memref_slice %arg11[%run_scoped3A_75, %dma_start3A_81] : memref<8x128xi32, #tpu.memory_space<vmem>> -> memref<1x128xi32, #tpu.memory_space<vmem>>
        %dma_start3A_83 = tpu.memref_squeeze %dma_start3A_82 : memref<1x128xi32, #tpu.memory_space<vmem>> -> memref<128xi32, #tpu.memory_space<vmem>>
        %dma_start3A_84 = arith.constant 0 : i32
        %dma_start3A_85 = arith.constant 0 : i32
        %dma_start3A_86 = tpu.memref_slice %arg15[%dma_start3A_84, %dma_start3A_85] : memref<10240x16xf32, #tpu.memory_space<vmem_shared>> -> memref<10240x16xf32, #tpu.memory_space<vmem_shared>>
        tpu.enqueue_indirect_dma source(%dma_start3A_80 : memref<128x16xf32, #tpu.memory_space<vmem>>) target(%dma_start3A_86 : memref<10240x16xf32, #tpu.memory_space<vmem_shared>>) offsets(%dma_start3A_83 : memref<128xi32, #tpu.memory_space<vmem>>) semaphore(%run_scoped3A_78 : memref<!tpu.dma_semaphore, #tpu.memory_space<semaphore_mem>>) {add = true}
        %dma_wait3A = arith.constant 768 : i32
        %dma_wait3A_87 = arith.constant 0 : i32
        %dma_wait3A_88 = tpu.memref_slice %arg13[%dma_wait3A, %dma_wait3A_87] : memref<1024x16xf32, #tpu.memory_space<vmem>> -> memref<128x16xf32, #tpu.memory_space<vmem>>
        %dma_wait3A_89 = arith.constant 0 : i32
        %dma_wait3A_90 = tpu.memref_slice %arg11[%run_scoped3A_75, %dma_wait3A_89] : memref<8x128xi32, #tpu.memory_space<vmem>> -> memref<1x128xi32, #tpu.memory_space<vmem>>
        %dma_wait3A_91 = tpu.memref_squeeze %dma_wait3A_90 : memref<1x128xi32, #tpu.memory_space<vmem>> -> memref<128xi32, #tpu.memory_space<vmem>>
        %dma_wait3A_92 = arith.constant 0 : i32
        %dma_wait3A_93 = arith.constant 0 : i32
        %dma_wait3A_94 = tpu.memref_slice %arg15[%dma_wait3A_92, %dma_wait3A_93] : memref<10240x16xf32, #tpu.memory_space<vmem_shared>> -> memref<10240x16xf32, #tpu.memory_space<vmem_shared>>
        tpu.wait_indirect_dma semaphore(%run_scoped3A_78 : memref<!tpu.dma_semaphore, #tpu.memory_space<semaphore_mem>>) src(%dma_wait3A_88 : memref<128x16xf32, #tpu.memory_space<vmem>>) dst(%dma_wait3A_94 : memref<10240x16xf32, #tpu.memory_space<vmem_shared>>)
        tpu.yield
      }) : () -> ()
      %run_scoped3A_76 = arith.constant 7 : i32
      "tpu.region"() ({
        %run_scoped3A_78 = tpu.sem_alloc : memref<!tpu.dma_semaphore, #tpu.memory_space<semaphore_mem>>
        %dma_start3A = arith.constant 896 : i32
        %dma_start3A_79 = arith.constant 0 : i32
        %dma_start3A_80 = tpu.memref_slice %arg13[%dma_start3A, %dma_start3A_79] : memref<1024x16xf32, #tpu.memory_space<vmem>> -> memref<128x16xf32, #tpu.memory_space<vmem>>
        %dma_start3A_81 = arith.constant 0 : i32
        %dma_start3A_82 = tpu.memref_slice %arg11[%run_scoped3A_76, %dma_start3A_81] : memref<8x128xi32, #tpu.memory_space<vmem>> -> memref<1x128xi32, #tpu.memory_space<vmem>>
        %dma_start3A_83 = tpu.memref_squeeze %dma_start3A_82 : memref<1x128xi32, #tpu.memory_space<vmem>> -> memref<128xi32, #tpu.memory_space<vmem>>
        %dma_start3A_84 = arith.constant 0 : i32
        %dma_start3A_85 = arith.constant 0 : i32
        %dma_start3A_86 = tpu.memref_slice %arg15[%dma_start3A_84, %dma_start3A_85] : memref<10240x16xf32, #tpu.memory_space<vmem_shared>> -> memref<10240x16xf32, #tpu.memory_space<vmem_shared>>
        tpu.enqueue_indirect_dma source(%dma_start3A_80 : memref<128x16xf32, #tpu.memory_space<vmem>>) target(%dma_start3A_86 : memref<10240x16xf32, #tpu.memory_space<vmem_shared>>) offsets(%dma_start3A_83 : memref<128xi32, #tpu.memory_space<vmem>>) semaphore(%run_scoped3A_78 : memref<!tpu.dma_semaphore, #tpu.memory_space<semaphore_mem>>) {add = true}
        %dma_wait3A = arith.constant 896 : i32
        %dma_wait3A_87 = arith.constant 0 : i32
        %dma_wait3A_88 = tpu.memref_slice %arg13[%dma_wait3A, %dma_wait3A_87] : memref<1024x16xf32, #tpu.memory_space<vmem>> -> memref<128x16xf32, #tpu.memory_space<vmem>>
        %dma_wait3A_89 = arith.constant 0 : i32
        %dma_wait3A_90 = tpu.memref_slice %arg11[%run_scoped3A_76, %dma_wait3A_89] : memref<8x128xi32, #tpu.memory_space<vmem>> -> memref<1x128xi32, #tpu.memory_space<vmem>>
        %dma_wait3A_91 = tpu.memref_squeeze %dma_wait3A_90 : memref<1x128xi32, #tpu.memory_space<vmem>> -> memref<128xi32, #tpu.memory_space<vmem>>
        %dma_wait3A_92 = arith.constant 0 : i32
        %dma_wait3A_93 = arith.constant 0 : i32
        %dma_wait3A_94 = tpu.memref_slice %arg15[%dma_wait3A_92, %dma_wait3A_93] : memref<10240x16xf32, #tpu.memory_space<vmem_shared>> -> memref<10240x16xf32, #tpu.memory_space<vmem_shared>>
        tpu.wait_indirect_dma semaphore(%run_scoped3A_78 : memref<!tpu.dma_semaphore, #tpu.memory_space<semaphore_mem>>) src(%dma_wait3A_88 : memref<128x16xf32, #tpu.memory_space<vmem>>) dst(%dma_wait3A_94 : memref<10240x16xf32, #tpu.memory_space<vmem_shared>>)
        tpu.yield
      }) : () -> ()
      %scan3A_77 = arith.constant 0 : i32
      scf.yield %scan3A_77 : i32
    }
    %scan3A_32 = arith.constant 11 : i32
    %barrier3A_33 = arith.constant 0 : index
    tpu.barrier barrier_id(%barrier3A_33)
    %mul3A_34 = arith.constant 640 : i32
    %mul3A_35 = arith.muli %arg1, %mul3A_34 : i32
    %mul3A_36 = arith.constant 10240 : i32
    %mul3A_37 = arith.muli %arg0, %mul3A_36 : i32
    %add3A_38 = arith.addi %mul3A_37, %mul3A_35 : i32
    "tpu.region"() ({
      %run_scoped3A = tpu.sem_alloc : memref<!tpu.dma_semaphore, #tpu.memory_space<semaphore_mem>>
      %dma_start3A = arith.constant 0 : i32
      %dma_start3A_39 = tpu.memref_slice %arg7[%add3A_38, %dma_start3A] : memref<20480x16xf32, #tpu.memory_space<hbm>> -> memref<640x16xf32, #tpu.memory_space<hbm>>
      %dma_start3A_40 = arith.constant 0 : i32
      %dma_start3A_41 = tpu.memref_slice %arg15[%mul3A_35, %dma_start3A_40] : memref<10240x16xf32, #tpu.memory_space<vmem_shared>> -> memref<640x16xf32, #tpu.memory_space<vmem_shared>>
      tpu.enqueue_dma source(%dma_start3A_41 : memref<640x16xf32, #tpu.memory_space<vmem_shared>>) target(%dma_start3A_39 : memref<640x16xf32, #tpu.memory_space<hbm>>) target_semaphore(%run_scoped3A : memref<!tpu.dma_semaphore, #tpu.memory_space<semaphore_mem>>)
      %dma_wait3A = arith.constant 0 : i32
      %dma_wait3A_42 = tpu.memref_slice %arg7[%add3A_38, %dma_wait3A] : memref<20480x16xf32, #tpu.memory_space<hbm>> -> memref<640x16xf32, #tpu.memory_space<hbm>>
      %dma_wait3A_43 = arith.constant 0 : i32
      %dma_wait3A_44 = tpu.memref_slice %arg15[%mul3A_35, %dma_wait3A_43] : memref<10240x16xf32, #tpu.memory_space<vmem_shared>> -> memref<640x16xf32, #tpu.memory_space<vmem_shared>>
      tpu.wait_dma2 semaphore(%run_scoped3A : memref<!tpu.dma_semaphore, #tpu.memory_space<semaphore_mem>>) src(%dma_wait3A_44 : memref<640x16xf32, #tpu.memory_space<vmem_shared>>) dst(%dma_wait3A_42 : memref<640x16xf32, #tpu.memory_space<hbm>>)
      tpu.yield
    }) : () -> ()
    return
  }
}

#map = affine_map<(d0, d1) -> (0, 0)>
#map1 = affine_map<(d0, d1) -> (0)>
module attributes {stable_mosaic.version = 14 : i64} {
  func.func @body(%arg0: i32, %arg1: i32, %arg2: memref<2816x128xi32, #tpu.memory_space<hbm>>, %arg3: memref<2816x128xi32, #tpu.memory_space<hbm>>, %arg4: memref<360448xf32, #tpu.memory_space<hbm>>, %arg5: memref<10000x128xf32, #tpu.memory_space<hbm>>, %arg6: memref<20480x128xf32, #tpu.memory_space<hbm>>, %arg7: memref<8x128xi32, #tpu.memory_space<vmem>>, %arg8: memref<8x128xi32, #tpu.memory_space<vmem>>, %arg9: memref<1024xf32, #tpu.memory_space<vmem>>, %arg10: memref<128x128xf32, #tpu.memory_space<vmem>>, %arg11: memref<64x128xf32, #tpu.memory_space<vmem>>, %arg12: memref<10240x128xf32, #tpu.memory_space<vmem_shared>>) attributes {dimension_semantics = [#tpu.dimension_semantics<core_parallel>, #tpu.dimension_semantics<subcore_parallel>], iteration_bounds = array<i64: 2, 16>, scalar_prefetch = 0 : i64, scratch_operands = 6 : i64, tpu.core_type = #tpu.core_type<sc_vector_subcore>, window_params = [{transform_indices = #map}, {transform_indices = #map}, {transform_indices = #map1}, {transform_indices = #map}, {transform_indices = #map}]} {
    %mul3A = arith.constant 16 : i32
    %mul3A_0 = arith.muli %arg0, %mul3A : i32
    %add3A = arith.addi %mul3A_0, %arg1 : i32
    %broadcast_in_dim3A = arith.constant 0.000000e+00 : f32
    %broadcast_in_dim3A_1 = vector.broadcast %broadcast_in_dim3A : f32 to vector<16xf32>
    %scan3A = arith.constant 0 : i32
    %scan3A_2 = arith.constant 0 : i32
    %scan3A_3 = arith.constant 64 : i32
    %scan3A_4 = arith.addi %scan3A_2, %scan3A_3 : i32
    %scan3A_5 = arith.constant 1 : i32
    %scan3A_6 = scf.for %scan3A_30 = %scan3A_2 to %scan3A_4 step %scan3A_5 iter_args(%scan3A_31 = %scan3A) -> (i32)  : i32 {
      %swap3A = arith.index_cast %scan3A_30 : i32 to index
      %swap3A_32 = arith.constant 0 : index
      %swap3A_33 = tpu.vector_load %arg11[%swap3A, %swap3A_32] {strides = array<i32>} : memref<64x128xf32, #tpu.memory_space<vmem>>, vector<16xf32>,
      tpu.vector_store %arg11[%swap3A, %swap3A_32], %broadcast_in_dim3A_1 {strides = array<i32>} : memref<64x128xf32, #tpu.memory_space<vmem>>, vector<16xf32>,
      %swap3A_34 = arith.index_cast %scan3A_30 : i32 to index
      %swap3A_35 = arith.constant 16 : index
      %swap3A_36 = tpu.vector_load %arg11[%swap3A_34, %swap3A_35] {strides = array<i32>} : memref<64x128xf32, #tpu.memory_space<vmem>>, vector<16xf32>,
      tpu.vector_store %arg11[%swap3A_34, %swap3A_35], %broadcast_in_dim3A_1 {strides = array<i32>} : memref<64x128xf32, #tpu.memory_space<vmem>>, vector<16xf32>,
      %swap3A_37 = arith.index_cast %scan3A_30 : i32 to index
      %swap3A_38 = arith.constant 32 : index
      %swap3A_39 = tpu.vector_load %arg11[%swap3A_37, %swap3A_38] {strides = array<i32>} : memref<64x128xf32, #tpu.memory_space<vmem>>, vector<16xf32>,
      tpu.vector_store %arg11[%swap3A_37, %swap3A_38], %broadcast_in_dim3A_1 {strides = array<i32>} : memref<64x128xf32, #tpu.memory_space<vmem>>, vector<16xf32>,
      %swap3A_40 = arith.index_cast %scan3A_30 : i32 to index
      %swap3A_41 = arith.constant 48 : index
      %swap3A_42 = tpu.vector_load %arg11[%swap3A_40, %swap3A_41] {strides = array<i32>} : memref<64x128xf32, #tpu.memory_space<vmem>>, vector<16xf32>,
      tpu.vector_store %arg11[%swap3A_40, %swap3A_41], %broadcast_in_dim3A_1 {strides = array<i32>} : memref<64x128xf32, #tpu.memory_space<vmem>>, vector<16xf32>,
      %swap3A_43 = arith.index_cast %scan3A_30 : i32 to index
      %swap3A_44 = arith.constant 64 : index
      %swap3A_45 = tpu.vector_load %arg11[%swap3A_43, %swap3A_44] {strides = array<i32>} : memref<64x128xf32, #tpu.memory_space<vmem>>, vector<16xf32>,
      tpu.vector_store %arg11[%swap3A_43, %swap3A_44], %broadcast_in_dim3A_1 {strides = array<i32>} : memref<64x128xf32, #tpu.memory_space<vmem>>, vector<16xf32>,
      %swap3A_46 = arith.index_cast %scan3A_30 : i32 to index
      %swap3A_47 = arith.constant 80 : index
      %swap3A_48 = tpu.vector_load %arg11[%swap3A_46, %swap3A_47] {strides = array<i32>} : memref<64x128xf32, #tpu.memory_space<vmem>>, vector<16xf32>,
      tpu.vector_store %arg11[%swap3A_46, %swap3A_47], %broadcast_in_dim3A_1 {strides = array<i32>} : memref<64x128xf32, #tpu.memory_space<vmem>>, vector<16xf32>,
      %swap3A_49 = arith.index_cast %scan3A_30 : i32 to index
      %swap3A_50 = arith.constant 96 : index
      %swap3A_51 = tpu.vector_load %arg11[%swap3A_49, %swap3A_50] {strides = array<i32>} : memref<64x128xf32, #tpu.memory_space<vmem>>, vector<16xf32>,
      tpu.vector_store %arg11[%swap3A_49, %swap3A_50], %broadcast_in_dim3A_1 {strides = array<i32>} : memref<64x128xf32, #tpu.memory_space<vmem>>, vector<16xf32>,
      %swap3A_52 = arith.index_cast %scan3A_30 : i32 to index
      %swap3A_53 = arith.constant 112 : index
      %swap3A_54 = tpu.vector_load %arg11[%swap3A_52, %swap3A_53] {strides = array<i32>} : memref<64x128xf32, #tpu.memory_space<vmem>>, vector<16xf32>,
      tpu.vector_store %arg11[%swap3A_52, %swap3A_53], %broadcast_in_dim3A_1 {strides = array<i32>} : memref<64x128xf32, #tpu.memory_space<vmem>>, vector<16xf32>,
      %scan3A_55 = arith.constant 0 : i32
      scf.yield %scan3A_55 : i32
    }
    %scan3A_7 = arith.constant 64 : i32
    %scan3A_8 = arith.constant 0 : i32
    %scan3A_9 = arith.constant 0 : i32
    %scan3A_10 = arith.constant 10 : i32
    %scan3A_11 = arith.addi %scan3A_9, %scan3A_10 : i32
    %scan3A_12 = arith.constant 1 : i32
    %scan3A_13 = scf.for %scan3A_30 = %scan3A_9 to %scan3A_11 step %scan3A_12 iter_args(%scan3A_31 = %scan3A_8) -> (i32)  : i32 {
      %mul3A_32 = arith.constant 640 : i32
      %mul3A_33 = arith.muli %arg1, %mul3A_32 : i32
      %mul3A_34 = arith.constant 64 : i32
      %mul3A_35 = arith.muli %scan3A_30, %mul3A_34 : i32
      %add3A_36 = arith.addi %mul3A_33, %mul3A_35 : i32
      "tpu.region"() ({
        %run_scoped3A = tpu.sem_alloc : memref<!tpu.dma_semaphore, #tpu.memory_space<semaphore_mem>>
        %dma_start3A = arith.constant 0 : i32
        %dma_start3A_38 = tpu.memref_slice %arg12[%add3A_36, %dma_start3A] : memref<10240x128xf32, #tpu.memory_space<vmem_shared>> -> memref<64x128xf32, #tpu.memory_space<vmem_shared>>
        %dma_start3A_39 = arith.constant 0 : i32
        %dma_start3A_40 = tpu.memref_slice %arg12[%add3A_36, %dma_start3A_39] : memref<10240x128xf32, #tpu.memory_space<vmem_shared>> -> memref<64x128xf32, #tpu.memory_space<vmem_shared>>
        tpu.enqueue_dma source(%arg11 : memref<64x128xf32, #tpu.memory_space<vmem>>) target(%dma_start3A_40 : memref<64x128xf32, #tpu.memory_space<vmem_shared>>) target_semaphore(%run_scoped3A : memref<!tpu.dma_semaphore, #tpu.memory_space<semaphore_mem>>)
        %dma_wait3A = arith.constant 0 : i32
        %dma_wait3A_41 = tpu.memref_slice %arg12[%add3A_36, %dma_wait3A] : memref<10240x128xf32, #tpu.memory_space<vmem_shared>> -> memref<64x128xf32, #tpu.memory_space<vmem_shared>>
        %dma_wait3A_42 = arith.constant 0 : i32
        %dma_wait3A_43 = tpu.memref_slice %arg12[%add3A_36, %dma_wait3A_42] : memref<10240x128xf32, #tpu.memory_space<vmem_shared>> -> memref<64x128xf32, #tpu.memory_space<vmem_shared>>
        tpu.wait_dma2 semaphore(%run_scoped3A : memref<!tpu.dma_semaphore, #tpu.memory_space<semaphore_mem>>) src(%arg11 : memref<64x128xf32, #tpu.memory_space<vmem>>) dst(%dma_wait3A_43 : memref<64x128xf32, #tpu.memory_space<vmem_shared>>)
        tpu.yield
      }) : () -> ()
      %scan3A_37 = arith.constant 0 : i32
      scf.yield %scan3A_37 : i32
    }
    %scan3A_14 = arith.constant 10 : i32
    %barrier3A = arith.constant 0 : index
    tpu.barrier barrier_id(%barrier3A)
    %mul3A_15 = arith.constant 11264 : i32
    %mul3A_16 = arith.muli %add3A, %mul3A_15 : i32
    %scan3A_17 = arith.constant 0 : i32
    %scan3A_18 = arith.constant 0 : i32
    %scan3A_19 = arith.constant 11 : i32
    %scan3A_20 = arith.addi %scan3A_18, %scan3A_19 : i32
    %scan3A_21 = arith.constant 1 : i32
    %scan3A_22 = scf.for %scan3A_30 = %scan3A_18 to %scan3A_20 step %scan3A_21 iter_args(%scan3A_31 = %scan3A_17) -> (i32)  : i32 {
      %mul3A_32 = arith.constant 1024 : i32
      %mul3A_33 = arith.muli %scan3A_30, %mul3A_32 : i32
      %add3A_34 = arith.addi %mul3A_16, %mul3A_33 : i32
      %multiple_of3A = tpu.assume_multiple %add3A_34, 1024 : i32
      %jit3A = arith.constant 128 : i32
      %div3A = arith.divsi %multiple_of3A, %jit3A : i32
      %sign3A = arith.constant 0 : i32
      %sign3A_35 = arith.cmpi sgt, %multiple_of3A, %sign3A : i32
      %sign3A_36 = arith.extui %sign3A_35 : i1 to i32
      %sign3A_37 = arith.constant 0 : i32
      %sign3A_38 = arith.cmpi slt, %multiple_of3A, %sign3A_37 : i32
      %sign3A_39 = arith.extui %sign3A_38 : i1 to i32
      %sign3A_40 = arith.subi %sign3A_36, %sign3A_39 : i32
      %sign3A_41 = arith.constant 0 : i32
      %sign3A_42 = arith.cmpi sgt, %jit3A, %sign3A_41 : i32
      %sign3A_43 = arith.extui %sign3A_42 : i1 to i32
      %sign3A_44 = arith.constant 0 : i32
      %sign3A_45 = arith.cmpi slt, %jit3A, %sign3A_44 : i32
      %sign3A_46 = arith.extui %sign3A_45 : i1 to i32
      %sign3A_47 = arith.subi %sign3A_43, %sign3A_46 : i32
      %ne3A = arith.cmpi ne, %sign3A_40, %sign3A_47 : i32
      %rem3A = arith.remsi %multiple_of3A, %jit3A : i32
      %ne3A_48 = arith.constant 0 : i32
      %ne3A_49 = arith.cmpi ne, %rem3A, %ne3A_48 : i32
      %and3A = arith.andi %ne3A, %ne3A_49 : i1
      %sub3A = arith.constant 1 : i32
      %sub3A_50 = arith.subi %div3A, %sub3A : i32
      %select_n3A = arith.select %and3A, %sub3A_50, %div3A : i32
      %multiple_of3A_51 = tpu.assume_multiple %select_n3A, 8 : i32
      "tpu.region"() ({
        %run_scoped3A_126 = tpu.sem_alloc : memref<!tpu.dma_semaphore, #tpu.memory_space<semaphore_mem>>
        %dma_start3A = arith.constant 0 : i32
        %dma_start3A_127 = tpu.memref_slice %arg2[%multiple_of3A_51, %dma_start3A] : memref<2816x128xi32, #tpu.memory_space<hbm>> -> memref<8x128xi32, #tpu.memory_space<hbm>>
        %dma_start3A_128 = arith.constant 0 : i32
        %dma_start3A_129 = tpu.memref_slice %arg2[%multiple_of3A_51, %dma_start3A_128] : memref<2816x128xi32, #tpu.memory_space<hbm>> -> memref<8x128xi32, #tpu.memory_space<hbm>>
        tpu.enqueue_dma source(%dma_start3A_129 : memref<8x128xi32, #tpu.memory_space<hbm>>) target(%arg7 : memref<8x128xi32, #tpu.memory_space<vmem>>) target_semaphore(%run_scoped3A_126 : memref<!tpu.dma_semaphore, #tpu.memory_space<semaphore_mem>>)
        %dma_wait3A = arith.constant 0 : i32
        %dma_wait3A_130 = tpu.memref_slice %arg2[%multiple_of3A_51, %dma_wait3A] : memref<2816x128xi32, #tpu.memory_space<hbm>> -> memref<8x128xi32, #tpu.memory_space<hbm>>
        %dma_wait3A_131 = arith.constant 0 : i32
        %dma_wait3A_132 = tpu.memref_slice %arg2[%multiple_of3A_51, %dma_wait3A_131] : memref<2816x128xi32, #tpu.memory_space<hbm>> -> memref<8x128xi32, #tpu.memory_space<hbm>>
        tpu.wait_dma2 semaphore(%run_scoped3A_126 : memref<!tpu.dma_semaphore, #tpu.memory_space<semaphore_mem>>) src(%dma_wait3A_132 : memref<8x128xi32, #tpu.memory_space<hbm>>) dst(%arg7 : memref<8x128xi32, #tpu.memory_space<vmem>>)
        tpu.yield
      }) : () -> ()
      "tpu.region"() ({
        %run_scoped3A_126 = tpu.sem_alloc : memref<!tpu.dma_semaphore, #tpu.memory_space<semaphore_mem>>
        %dma_start3A = arith.constant 0 : i32
        %dma_start3A_127 = tpu.memref_slice %arg3[%multiple_of3A_51, %dma_start3A] : memref<2816x128xi32, #tpu.memory_space<hbm>> -> memref<8x128xi32, #tpu.memory_space<hbm>>
        %dma_start3A_128 = arith.constant 0 : i32
        %dma_start3A_129 = tpu.memref_slice %arg3[%multiple_of3A_51, %dma_start3A_128] : memref<2816x128xi32, #tpu.memory_space<hbm>> -> memref<8x128xi32, #tpu.memory_space<hbm>>
        tpu.enqueue_dma source(%dma_start3A_129 : memref<8x128xi32, #tpu.memory_space<hbm>>) target(%arg8 : memref<8x128xi32, #tpu.memory_space<vmem>>) target_semaphore(%run_scoped3A_126 : memref<!tpu.dma_semaphore, #tpu.memory_space<semaphore_mem>>)
        %dma_wait3A = arith.constant 0 : i32
        %dma_wait3A_130 = tpu.memref_slice %arg3[%multiple_of3A_51, %dma_wait3A] : memref<2816x128xi32, #tpu.memory_space<hbm>> -> memref<8x128xi32, #tpu.memory_space<hbm>>
        %dma_wait3A_131 = arith.constant 0 : i32
        %dma_wait3A_132 = tpu.memref_slice %arg3[%multiple_of3A_51, %dma_wait3A_131] : memref<2816x128xi32, #tpu.memory_space<hbm>> -> memref<8x128xi32, #tpu.memory_space<hbm>>
        tpu.wait_dma2 semaphore(%run_scoped3A_126 : memref<!tpu.dma_semaphore, #tpu.memory_space<semaphore_mem>>) src(%dma_wait3A_132 : memref<8x128xi32, #tpu.memory_space<hbm>>) dst(%arg8 : memref<8x128xi32, #tpu.memory_space<vmem>>)
        tpu.yield
      }) : () -> ()
      %mul3A_52 = arith.constant 1 : i32
      %mul3A_53 = arith.muli %multiple_of3A, %mul3A_52 : i32
      "tpu.region"() ({
        %run_scoped3A_126 = tpu.sem_alloc : memref<!tpu.dma_semaphore, #tpu.memory_space<semaphore_mem>>
        %dma_start3A = tpu.memref_slice %arg4[%mul3A_53] : memref<360448xf32, #tpu.memory_space<hbm>> -> memref<1024xf32, #tpu.memory_space<hbm>>
        %dma_start3A_127 = tpu.memref_slice %arg4[%mul3A_53] : memref<360448xf32, #tpu.memory_space<hbm>> -> memref<1024xf32, #tpu.memory_space<hbm>>
        tpu.enqueue_dma source(%dma_start3A_127 : memref<1024xf32, #tpu.memory_space<hbm>>) target(%arg9 : memref<1024xf32, #tpu.memory_space<vmem>>) target_semaphore(%run_scoped3A_126 : memref<!tpu.dma_semaphore, #tpu.memory_space<semaphore_mem>>)
        %dma_wait3A = tpu.memref_slice %arg4[%mul3A_53] : memref<360448xf32, #tpu.memory_space<hbm>> -> memref<1024xf32, #tpu.memory_space<hbm>>
        %dma_wait3A_128 = tpu.memref_slice %arg4[%mul3A_53] : memref<360448xf32, #tpu.memory_space<hbm>> -> memref<1024xf32, #tpu.memory_space<hbm>>
        tpu.wait_dma2 semaphore(%run_scoped3A_126 : memref<!tpu.dma_semaphore, #tpu.memory_space<semaphore_mem>>) src(%dma_wait3A_128 : memref<1024xf32, #tpu.memory_space<hbm>>) dst(%arg9 : memref<1024xf32, #tpu.memory_space<vmem>>)
        tpu.yield
      }) : () -> ()
      %run_scoped3A = arith.constant 0 : i32
      "tpu.region"() ({
        %run_scoped3A_126 = tpu.sem_alloc : memref<!tpu.dma_semaphore, #tpu.memory_space<semaphore_mem>>
        %dma_start3A = arith.constant 0 : i32
        %dma_start3A_127 = tpu.memref_slice %arg7[%run_scoped3A, %dma_start3A] : memref<8x128xi32, #tpu.memory_space<vmem>> -> memref<1x128xi32, #tpu.memory_space<vmem>>
        %dma_start3A_128 = tpu.memref_squeeze %dma_start3A_127 : memref<1x128xi32, #tpu.memory_space<vmem>> -> memref<128xi32, #tpu.memory_space<vmem>>
        %dma_start3A_129 = arith.constant 0 : i32
        %dma_start3A_130 = arith.constant 0 : i32
        %dma_start3A_131 = tpu.memref_slice %arg5[%dma_start3A_129, %dma_start3A_130] : memref<10000x128xf32, #tpu.memory_space<hbm>> -> memref<10000x128xf32, #tpu.memory_space<hbm>>
        tpu.enqueue_indirect_dma source(%dma_start3A_131 : memref<10000x128xf32, #tpu.memory_space<hbm>>) target(%arg10 : memref<128x128xf32, #tpu.memory_space<vmem>>) offsets(%dma_start3A_128 : memref<128xi32, #tpu.memory_space<vmem>>) semaphore(%run_scoped3A_126 : memref<!tpu.dma_semaphore, #tpu.memory_space<semaphore_mem>>)
        %dma_wait3A = arith.constant 0 : i32
        %dma_wait3A_132 = tpu.memref_slice %arg7[%run_scoped3A, %dma_wait3A] : memref<8x128xi32, #tpu.memory_space<vmem>> -> memref<1x128xi32, #tpu.memory_space<vmem>>
        %dma_wait3A_133 = tpu.memref_squeeze %dma_wait3A_132 : memref<1x128xi32, #tpu.memory_space<vmem>> -> memref<128xi32, #tpu.memory_space<vmem>>
        %dma_wait3A_134 = arith.constant 0 : i32
        %dma_wait3A_135 = arith.constant 0 : i32
        %dma_wait3A_136 = tpu.memref_slice %arg5[%dma_wait3A_134, %dma_wait3A_135] : memref<10000x128xf32, #tpu.memory_space<hbm>> -> memref<10000x128xf32, #tpu.memory_space<hbm>>
        tpu.wait_indirect_dma semaphore(%run_scoped3A_126 : memref<!tpu.dma_semaphore, #tpu.memory_space<semaphore_mem>>) src(%dma_wait3A_136 : memref<10000x128xf32, #tpu.memory_space<hbm>>) dst(%arg10 : memref<128x128xf32, #tpu.memory_space<vmem>>)
        tpu.yield
      }) : () -> ()
      %scan3A_54 = arith.constant 0 : i32
      %scan3A_55 = arith.constant 0 : i32
      %scan3A_56 = arith.constant 128 : i32
      %scan3A_57 = arith.addi %scan3A_55, %scan3A_56 : i32
      %scan3A_58 = arith.constant 1 : i32
      %scan3A_59 = scf.for %scan3A_126 = %scan3A_55 to %scan3A_57 step %scan3A_58 iter_args(%scan3A_127 = %scan3A_54) -> (i32)  : i32 {
        %add3A_128 = arith.constant 0 : i32
        %add3A_129 = arith.addi %add3A_128, %scan3A_126 : i32
        %broadcast_in_dim3A_130 = vector.broadcast %add3A_129 : i32 to vector<16xi32>
        %gather3A = tpu.vector_load_idx %arg9[%broadcast_in_dim3A_130] : memref<1024xf32, #tpu.memory_space<vmem>>[vector<16xi32>], vector<16xf32>,
        %get3A = arith.index_cast %scan3A_126 : i32 to index
        %get3A_131 = arith.constant 0 : index
        %get3A_132 = tpu.vector_load %arg10[%get3A, %get3A_131] {strides = array<i32>} : memref<128x128xf32, #tpu.memory_space<vmem>>, vector<16xf32>,
        %mul3A_133 = arith.mulf %get3A_132, %gather3A : vector<16xf32>
        %swap3A = arith.index_cast %scan3A_126 : i32 to index
        %swap3A_134 = arith.constant 0 : index
        %swap3A_135 = tpu.vector_load %arg10[%swap3A, %swap3A_134] {strides = array<i32>} : memref<128x128xf32, #tpu.memory_space<vmem>>, vector<16xf32>,
        tpu.vector_store %arg10[%swap3A, %swap3A_134], %mul3A_133 {strides = array<i32>} : memref<128x128xf32, #tpu.memory_space<vmem>>, vector<16xf32>,
        %get3A_136 = arith.index_cast %scan3A_126 : i32 to index
        %get3A_137 = arith.constant 16 : index
        %get3A_138 = tpu.vector_load %arg10[%get3A_136, %get3A_137] {strides = array<i32>} : memref<128x128xf32, #tpu.memory_space<vmem>>, vector<16xf32>,
        %mul3A_139 = arith.mulf %get3A_138, %gather3A : vector<16xf32>
        %swap3A_140 = arith.index_cast %scan3A_126 : i32 to index
        %swap3A_141 = arith.constant 16 : index
        %swap3A_142 = tpu.vector_load %arg10[%swap3A_140, %swap3A_141] {strides = array<i32>} : memref<128x128xf32, #tpu.memory_space<vmem>>, vector<16xf32>,
        tpu.vector_store %arg10[%swap3A_140, %swap3A_141], %mul3A_139 {strides = array<i32>} : memref<128x128xf32, #tpu.memory_space<vmem>>, vector<16xf32>,
        %get3A_143 = arith.index_cast %scan3A_126 : i32 to index
        %get3A_144 = arith.constant 32 : index
        %get3A_145 = tpu.vector_load %arg10[%get3A_143, %get3A_144] {strides = array<i32>} : memref<128x128xf32, #tpu.memory_space<vmem>>, vector<16xf32>,
        %mul3A_146 = arith.mulf %get3A_145, %gather3A : vector<16xf32>
        %swap3A_147 = arith.index_cast %scan3A_126 : i32 to index
        %swap3A_148 = arith.constant 32 : index
        %swap3A_149 = tpu.vector_load %arg10[%swap3A_147, %swap3A_148] {strides = array<i32>} : memref<128x128xf32, #tpu.memory_space<vmem>>, vector<16xf32>,
        tpu.vector_store %arg10[%swap3A_147, %swap3A_148], %mul3A_146 {strides = array<i32>} : memref<128x128xf32, #tpu.memory_space<vmem>>, vector<16xf32>,
        %get3A_150 = arith.index_cast %scan3A_126 : i32 to index
        %get3A_151 = arith.constant 48 : index
        %get3A_152 = tpu.vector_load %arg10[%get3A_150, %get3A_151] {strides = array<i32>} : memref<128x128xf32, #tpu.memory_space<vmem>>, vector<16xf32>,
        %mul3A_153 = arith.mulf %get3A_152, %gather3A : vector<16xf32>
        %swap3A_154 = arith.index_cast %scan3A_126 : i32 to index
        %swap3A_155 = arith.constant 48 : index
        %swap3A_156 = tpu.vector_load %arg10[%swap3A_154, %swap3A_155] {strides = array<i32>} : memref<128x128xf32, #tpu.memory_space<vmem>>, vector<16xf32>,
        tpu.vector_store %arg10[%swap3A_154, %swap3A_155], %mul3A_153 {strides = array<i32>} : memref<128x128xf32, #tpu.memory_space<vmem>>, vector<16xf32>,
        %get3A_157 = arith.index_cast %scan3A_126 : i32 to index
        %get3A_158 = arith.constant 64 : index
        %get3A_159 = tpu.vector_load %arg10[%get3A_157, %get3A_158] {strides = array<i32>} : memref<128x128xf32, #tpu.memory_space<vmem>>, vector<16xf32>,
        %mul3A_160 = arith.mulf %get3A_159, %gather3A : vector<16xf32>
        %swap3A_161 = arith.index_cast %scan3A_126 : i32 to index
        %swap3A_162 = arith.constant 64 : index
        %swap3A_163 = tpu.vector_load %arg10[%swap3A_161, %swap3A_162] {strides = array<i32>} : memref<128x128xf32, #tpu.memory_space<vmem>>, vector<16xf32>,
        tpu.vector_store %arg10[%swap3A_161, %swap3A_162], %mul3A_160 {strides = array<i32>} : memref<128x128xf32, #tpu.memory_space<vmem>>, vector<16xf32>,
        %get3A_164 = arith.index_cast %scan3A_126 : i32 to index
        %get3A_165 = arith.constant 80 : index
        %get3A_166 = tpu.vector_load %arg10[%get3A_164, %get3A_165] {strides = array<i32>} : memref<128x128xf32, #tpu.memory_space<vmem>>, vector<16xf32>,
        %mul3A_167 = arith.mulf %get3A_166, %gather3A : vector<16xf32>
        %swap3A_168 = arith.index_cast %scan3A_126 : i32 to index
        %swap3A_169 = arith.constant 80 : index
        %swap3A_170 = tpu.vector_load %arg10[%swap3A_168, %swap3A_169] {strides = array<i32>} : memref<128x128xf32, #tpu.memory_space<vmem>>, vector<16xf32>,
        tpu.vector_store %arg10[%swap3A_168, %swap3A_169], %mul3A_167 {strides = array<i32>} : memref<128x128xf32, #tpu.memory_space<vmem>>, vector<16xf32>,
        %get3A_171 = arith.index_cast %scan3A_126 : i32 to index
        %get3A_172 = arith.constant 96 : index
        %get3A_173 = tpu.vector_load %arg10[%get3A_171, %get3A_172] {strides = array<i32>} : memref<128x128xf32, #tpu.memory_space<vmem>>, vector<16xf32>,
        %mul3A_174 = arith.mulf %get3A_173, %gather3A : vector<16xf32>
        %swap3A_175 = arith.index_cast %scan3A_126 : i32 to index
        %swap3A_176 = arith.constant 96 : index
        %swap3A_177 = tpu.vector_load %arg10[%swap3A_175, %swap3A_176] {strides = array<i32>} : memref<128x128xf32, #tpu.memory_space<vmem>>, vector<16xf32>,
        tpu.vector_store %arg10[%swap3A_175, %swap3A_176], %mul3A_174 {strides = array<i32>} : memref<128x128xf32, #tpu.memory_space<vmem>>, vector<16xf32>,
        %get3A_178 = arith.index_cast %scan3A_126 : i32 to index
        %get3A_179 = arith.constant 112 : index
        %get3A_180 = tpu.vector_load %arg10[%get3A_178, %get3A_179] {strides = array<i32>} : memref<128x128xf32, #tpu.memory_space<vmem>>, vector<16xf32>,
        %mul3A_181 = arith.mulf %get3A_180, %gather3A : vector<16xf32>
        %swap3A_182 = arith.index_cast %scan3A_126 : i32 to index
        %swap3A_183 = arith.constant 112 : index
        %swap3A_184 = tpu.vector_load %arg10[%swap3A_182, %swap3A_183] {strides = array<i32>} : memref<128x128xf32, #tpu.memory_space<vmem>>, vector<16xf32>,
        tpu.vector_store %arg10[%swap3A_182, %swap3A_183], %mul3A_181 {strides = array<i32>} : memref<128x128xf32, #tpu.memory_space<vmem>>, vector<16xf32>,
        %scan3A_185 = arith.constant 0 : i32
        scf.yield %scan3A_185 : i32
      }
      %scan3A_60 = arith.constant 128 : i32
      %run_scoped3A_61 = arith.constant 0 : i32
      "tpu.region"() ({
        %run_scoped3A_126 = tpu.sem_alloc : memref<!tpu.dma_semaphore, #tpu.memory_space<semaphore_mem>>
        %dma_start3A = arith.constant 0 : i32
        %dma_start3A_127 = tpu.memref_slice %arg8[%run_scoped3A_61, %dma_start3A] : memref<8x128xi32, #tpu.memory_space<vmem>> -> memref<1x128xi32, #tpu.memory_space<vmem>>
        %dma_start3A_128 = tpu.memref_squeeze %dma_start3A_127 : memref<1x128xi32, #tpu.memory_space<vmem>> -> memref<128xi32, #tpu.memory_space<vmem>>
        %dma_start3A_129 = arith.constant 0 : i32
        %dma_start3A_130 = arith.constant 0 : i32
        %dma_start3A_131 = tpu.memref_slice %arg12[%dma_start3A_129, %dma_start3A_130] : memref<10240x128xf32, #tpu.memory_space<vmem_shared>> -> memref<10240x128xf32, #tpu.memory_space<vmem_shared>>
        tpu.enqueue_indirect_dma source(%arg10 : memref<128x128xf32, #tpu.memory_space<vmem>>) target(%dma_start3A_131 : memref<10240x128xf32, #tpu.memory_space<vmem_shared>>) offsets(%dma_start3A_128 : memref<128xi32, #tpu.memory_space<vmem>>) semaphore(%run_scoped3A_126 : memref<!tpu.dma_semaphore, #tpu.memory_space<semaphore_mem>>) {add = true}
        %dma_wait3A = arith.constant 0 : i32
        %dma_wait3A_132 = tpu.memref_slice %arg8[%run_scoped3A_61, %dma_wait3A] : memref<8x128xi32, #tpu.memory_space<vmem>> -> memref<1x128xi32, #tpu.memory_space<vmem>>
        %dma_wait3A_133 = tpu.memref_squeeze %dma_wait3A_132 : memref<1x128xi32, #tpu.memory_space<vmem>> -> memref<128xi32, #tpu.memory_space<vmem>>
        %dma_wait3A_134 = arith.constant 0 : i32
        %dma_wait3A_135 = arith.constant 0 : i32
        %dma_wait3A_136 = tpu.memref_slice %arg12[%dma_wait3A_134, %dma_wait3A_135] : memref<10240x128xf32, #tpu.memory_space<vmem_shared>> -> memref<10240x128xf32, #tpu.memory_space<vmem_shared>>
        tpu.wait_indirect_dma semaphore(%run_scoped3A_126 : memref<!tpu.dma_semaphore, #tpu.memory_space<semaphore_mem>>) src(%arg10 : memref<128x128xf32, #tpu.memory_space<vmem>>) dst(%dma_wait3A_136 : memref<10240x128xf32, #tpu.memory_space<vmem_shared>>)
        tpu.yield
      }) : () -> ()
      %run_scoped3A_62 = arith.constant 1 : i32
      "tpu.region"() ({
        %run_scoped3A_126 = tpu.sem_alloc : memref<!tpu.dma_semaphore, #tpu.memory_space<semaphore_mem>>
        %dma_start3A = arith.constant 0 : i32
        %dma_start3A_127 = tpu.memref_slice %arg7[%run_scoped3A_62, %dma_start3A] : memref<8x128xi32, #tpu.memory_space<vmem>> -> memref<1x128xi32, #tpu.memory_space<vmem>>
        %dma_start3A_128 = tpu.memref_squeeze %dma_start3A_127 : memref<1x128xi32, #tpu.memory_space<vmem>> -> memref<128xi32, #tpu.memory_space<vmem>>
        %dma_start3A_129 = arith.constant 0 : i32
        %dma_start3A_130 = arith.constant 0 : i32
        %dma_start3A_131 = tpu.memref_slice %arg5[%dma_start3A_129, %dma_start3A_130] : memref<10000x128xf32, #tpu.memory_space<hbm>> -> memref<10000x128xf32, #tpu.memory_space<hbm>>
        tpu.enqueue_indirect_dma source(%dma_start3A_131 : memref<10000x128xf32, #tpu.memory_space<hbm>>) target(%arg10 : memref<128x128xf32, #tpu.memory_space<vmem>>) offsets(%dma_start3A_128 : memref<128xi32, #tpu.memory_space<vmem>>) semaphore(%run_scoped3A_126 : memref<!tpu.dma_semaphore, #tpu.memory_space<semaphore_mem>>)
        %dma_wait3A = arith.constant 0 : i32
        %dma_wait3A_132 = tpu.memref_slice %arg7[%run_scoped3A_62, %dma_wait3A] : memref<8x128xi32, #tpu.memory_space<vmem>> -> memref<1x128xi32, #tpu.memory_space<vmem>>
        %dma_wait3A_133 = tpu.memref_squeeze %dma_wait3A_132 : memref<1x128xi32, #tpu.memory_space<vmem>> -> memref<128xi32, #tpu.memory_space<vmem>>
        %dma_wait3A_134 = arith.constant 0 : i32
        %dma_wait3A_135 = arith.constant 0 : i32
        %dma_wait3A_136 = tpu.memref_slice %arg5[%dma_wait3A_134, %dma_wait3A_135] : memref<10000x128xf32, #tpu.memory_space<hbm>> -> memref<10000x128xf32, #tpu.memory_space<hbm>>
        tpu.wait_indirect_dma semaphore(%run_scoped3A_126 : memref<!tpu.dma_semaphore, #tpu.memory_space<semaphore_mem>>) src(%dma_wait3A_136 : memref<10000x128xf32, #tpu.memory_space<hbm>>) dst(%arg10 : memref<128x128xf32, #tpu.memory_space<vmem>>)
        tpu.yield
      }) : () -> ()
      %scan3A_63 = arith.constant 0 : i32
      %scan3A_64 = arith.constant 0 : i32
      %scan3A_65 = arith.constant 128 : i32
      %scan3A_66 = arith.addi %scan3A_64, %scan3A_65 : i32
      %scan3A_67 = arith.constant 1 : i32
      %scan3A_68 = scf.for %scan3A_126 = %scan3A_64 to %scan3A_66 step %scan3A_67 iter_args(%scan3A_127 = %scan3A_63) -> (i32)  : i32 {
        %add3A_128 = arith.constant 128 : i32
        %add3A_129 = arith.addi %add3A_128, %scan3A_126 : i32
        %broadcast_in_dim3A_130 = vector.broadcast %add3A_129 : i32 to vector<16xi32>
        %gather3A = tpu.vector_load_idx %arg9[%broadcast_in_dim3A_130] : memref<1024xf32, #tpu.memory_space<vmem>>[vector<16xi32>], vector<16xf32>,
        %get3A = arith.index_cast %scan3A_126 : i32 to index
        %get3A_131 = arith.constant 0 : index
        %get3A_132 = tpu.vector_load %arg10[%get3A, %get3A_131] {strides = array<i32>} : memref<128x128xf32, #tpu.memory_space<vmem>>, vector<16xf32>,
        %mul3A_133 = arith.mulf %get3A_132, %gather3A : vector<16xf32>
        %swap3A = arith.index_cast %scan3A_126 : i32 to index
        %swap3A_134 = arith.constant 0 : index
        %swap3A_135 = tpu.vector_load %arg10[%swap3A, %swap3A_134] {strides = array<i32>} : memref<128x128xf32, #tpu.memory_space<vmem>>, vector<16xf32>,
        tpu.vector_store %arg10[%swap3A, %swap3A_134], %mul3A_133 {strides = array<i32>} : memref<128x128xf32, #tpu.memory_space<vmem>>, vector<16xf32>,
        %get3A_136 = arith.index_cast %scan3A_126 : i32 to index
        %get3A_137 = arith.constant 16 : index
        %get3A_138 = tpu.vector_load %arg10[%get3A_136, %get3A_137] {strides = array<i32>} : memref<128x128xf32, #tpu.memory_space<vmem>>, vector<16xf32>,
        %mul3A_139 = arith.mulf %get3A_138, %gather3A : vector<16xf32>
        %swap3A_140 = arith.index_cast %scan3A_126 : i32 to index
        %swap3A_141 = arith.constant 16 : index
        %swap3A_142 = tpu.vector_load %arg10[%swap3A_140, %swap3A_141] {strides = array<i32>} : memref<128x128xf32, #tpu.memory_space<vmem>>, vector<16xf32>,
        tpu.vector_store %arg10[%swap3A_140, %swap3A_141], %mul3A_139 {strides = array<i32>} : memref<128x128xf32, #tpu.memory_space<vmem>>, vector<16xf32>,
        %get3A_143 = arith.index_cast %scan3A_126 : i32 to index
        %get3A_144 = arith.constant 32 : index
        %get3A_145 = tpu.vector_load %arg10[%get3A_143, %get3A_144] {strides = array<i32>} : memref<128x128xf32, #tpu.memory_space<vmem>>, vector<16xf32>,
        %mul3A_146 = arith.mulf %get3A_145, %gather3A : vector<16xf32>
        %swap3A_147 = arith.index_cast %scan3A_126 : i32 to index
        %swap3A_148 = arith.constant 32 : index
        %swap3A_149 = tpu.vector_load %arg10[%swap3A_147, %swap3A_148] {strides = array<i32>} : memref<128x128xf32, #tpu.memory_space<vmem>>, vector<16xf32>,
        tpu.vector_store %arg10[%swap3A_147, %swap3A_148], %mul3A_146 {strides = array<i32>} : memref<128x128xf32, #tpu.memory_space<vmem>>, vector<16xf32>,
        %get3A_150 = arith.index_cast %scan3A_126 : i32 to index
        %get3A_151 = arith.constant 48 : index
        %get3A_152 = tpu.vector_load %arg10[%get3A_150, %get3A_151] {strides = array<i32>} : memref<128x128xf32, #tpu.memory_space<vmem>>, vector<16xf32>,
        %mul3A_153 = arith.mulf %get3A_152, %gather3A : vector<16xf32>
        %swap3A_154 = arith.index_cast %scan3A_126 : i32 to index
        %swap3A_155 = arith.constant 48 : index
        %swap3A_156 = tpu.vector_load %arg10[%swap3A_154, %swap3A_155] {strides = array<i32>} : memref<128x128xf32, #tpu.memory_space<vmem>>, vector<16xf32>,
        tpu.vector_store %arg10[%swap3A_154, %swap3A_155], %mul3A_153 {strides = array<i32>} : memref<128x128xf32, #tpu.memory_space<vmem>>, vector<16xf32>,
        %get3A_157 = arith.index_cast %scan3A_126 : i32 to index
        %get3A_158 = arith.constant 64 : index
        %get3A_159 = tpu.vector_load %arg10[%get3A_157, %get3A_158] {strides = array<i32>} : memref<128x128xf32, #tpu.memory_space<vmem>>, vector<16xf32>,
        %mul3A_160 = arith.mulf %get3A_159, %gather3A : vector<16xf32>
        %swap3A_161 = arith.index_cast %scan3A_126 : i32 to index
        %swap3A_162 = arith.constant 64 : index
        %swap3A_163 = tpu.vector_load %arg10[%swap3A_161, %swap3A_162] {strides = array<i32>} : memref<128x128xf32, #tpu.memory_space<vmem>>, vector<16xf32>,
        tpu.vector_store %arg10[%swap3A_161, %swap3A_162], %mul3A_160 {strides = array<i32>} : memref<128x128xf32, #tpu.memory_space<vmem>>, vector<16xf32>,
        %get3A_164 = arith.index_cast %scan3A_126 : i32 to index
        %get3A_165 = arith.constant 80 : index
        %get3A_166 = tpu.vector_load %arg10[%get3A_164, %get3A_165] {strides = array<i32>} : memref<128x128xf32, #tpu.memory_space<vmem>>, vector<16xf32>,
        %mul3A_167 = arith.mulf %get3A_166, %gather3A : vector<16xf32>
        %swap3A_168 = arith.index_cast %scan3A_126 : i32 to index
        %swap3A_169 = arith.constant 80 : index
        %swap3A_170 = tpu.vector_load %arg10[%swap3A_168, %swap3A_169] {strides = array<i32>} : memref<128x128xf32, #tpu.memory_space<vmem>>, vector<16xf32>,
        tpu.vector_store %arg10[%swap3A_168, %swap3A_169], %mul3A_167 {strides = array<i32>} : memref<128x128xf32, #tpu.memory_space<vmem>>, vector<16xf32>,
        %get3A_171 = arith.index_cast %scan3A_126 : i32 to index
        %get3A_172 = arith.constant 96 : index
        %get3A_173 = tpu.vector_load %arg10[%get3A_171, %get3A_172] {strides = array<i32>} : memref<128x128xf32, #tpu.memory_space<vmem>>, vector<16xf32>,
        %mul3A_174 = arith.mulf %get3A_173, %gather3A : vector<16xf32>
        %swap3A_175 = arith.index_cast %scan3A_126 : i32 to index
        %swap3A_176 = arith.constant 96 : index
        %swap3A_177 = tpu.vector_load %arg10[%swap3A_175, %swap3A_176] {strides = array<i32>} : memref<128x128xf32, #tpu.memory_space<vmem>>, vector<16xf32>,
        tpu.vector_store %arg10[%swap3A_175, %swap3A_176], %mul3A_174 {strides = array<i32>} : memref<128x128xf32, #tpu.memory_space<vmem>>, vector<16xf32>,
        %get3A_178 = arith.index_cast %scan3A_126 : i32 to index
        %get3A_179 = arith.constant 112 : index
        %get3A_180 = tpu.vector_load %arg10[%get3A_178, %get3A_179] {strides = array<i32>} : memref<128x128xf32, #tpu.memory_space<vmem>>, vector<16xf32>,
        %mul3A_181 = arith.mulf %get3A_180, %gather3A : vector<16xf32>
        %swap3A_182 = arith.index_cast %scan3A_126 : i32 to index
        %swap3A_183 = arith.constant 112 : index
        %swap3A_184 = tpu.vector_load %arg10[%swap3A_182, %swap3A_183] {strides = array<i32>} : memref<128x128xf32, #tpu.memory_space<vmem>>, vector<16xf32>,
        tpu.vector_store %arg10[%swap3A_182, %swap3A_183], %mul3A_181 {strides = array<i32>} : memref<128x128xf32, #tpu.memory_space<vmem>>, vector<16xf32>,
        %scan3A_185 = arith.constant 0 : i32
        scf.yield %scan3A_185 : i32
      }
      %scan3A_69 = arith.constant 128 : i32
      %run_scoped3A_70 = arith.constant 1 : i32
      "tpu.region"() ({
        %run_scoped3A_126 = tpu.sem_alloc : memref<!tpu.dma_semaphore, #tpu.memory_space<semaphore_mem>>
        %dma_start3A = arith.constant 0 : i32
        %dma_start3A_127 = tpu.memref_slice %arg8[%run_scoped3A_70, %dma_start3A] : memref<8x128xi32, #tpu.memory_space<vmem>> -> memref<1x128xi32, #tpu.memory_space<vmem>>
        %dma_start3A_128 = tpu.memref_squeeze %dma_start3A_127 : memref<1x128xi32, #tpu.memory_space<vmem>> -> memref<128xi32, #tpu.memory_space<vmem>>
        %dma_start3A_129 = arith.constant 0 : i32
        %dma_start3A_130 = arith.constant 0 : i32
        %dma_start3A_131 = tpu.memref_slice %arg12[%dma_start3A_129, %dma_start3A_130] : memref<10240x128xf32, #tpu.memory_space<vmem_shared>> -> memref<10240x128xf32, #tpu.memory_space<vmem_shared>>
        tpu.enqueue_indirect_dma source(%arg10 : memref<128x128xf32, #tpu.memory_space<vmem>>) target(%dma_start3A_131 : memref<10240x128xf32, #tpu.memory_space<vmem_shared>>) offsets(%dma_start3A_128 : memref<128xi32, #tpu.memory_space<vmem>>) semaphore(%run_scoped3A_126 : memref<!tpu.dma_semaphore, #tpu.memory_space<semaphore_mem>>) {add = true}
        %dma_wait3A = arith.constant 0 : i32
        %dma_wait3A_132 = tpu.memref_slice %arg8[%run_scoped3A_70, %dma_wait3A] : memref<8x128xi32, #tpu.memory_space<vmem>> -> memref<1x128xi32, #tpu.memory_space<vmem>>
        %dma_wait3A_133 = tpu.memref_squeeze %dma_wait3A_132 : memref<1x128xi32, #tpu.memory_space<vmem>> -> memref<128xi32, #tpu.memory_space<vmem>>
        %dma_wait3A_134 = arith.constant 0 : i32
        %dma_wait3A_135 = arith.constant 0 : i32
        %dma_wait3A_136 = tpu.memref_slice %arg12[%dma_wait3A_134, %dma_wait3A_135] : memref<10240x128xf32, #tpu.memory_space<vmem_shared>> -> memref<10240x128xf32, #tpu.memory_space<vmem_shared>>
        tpu.wait_indirect_dma semaphore(%run_scoped3A_126 : memref<!tpu.dma_semaphore, #tpu.memory_space<semaphore_mem>>) src(%arg10 : memref<128x128xf32, #tpu.memory_space<vmem>>) dst(%dma_wait3A_136 : memref<10240x128xf32, #tpu.memory_space<vmem_shared>>)
        tpu.yield
      }) : () -> ()
      %run_scoped3A_71 = arith.constant 2 : i32
      "tpu.region"() ({
        %run_scoped3A_126 = tpu.sem_alloc : memref<!tpu.dma_semaphore, #tpu.memory_space<semaphore_mem>>
        %dma_start3A = arith.constant 0 : i32
        %dma_start3A_127 = tpu.memref_slice %arg7[%run_scoped3A_71, %dma_start3A] : memref<8x128xi32, #tpu.memory_space<vmem>> -> memref<1x128xi32, #tpu.memory_space<vmem>>
        %dma_start3A_128 = tpu.memref_squeeze %dma_start3A_127 : memref<1x128xi32, #tpu.memory_space<vmem>> -> memref<128xi32, #tpu.memory_space<vmem>>
        %dma_start3A_129 = arith.constant 0 : i32
        %dma_start3A_130 = arith.constant 0 : i32
        %dma_start3A_131 = tpu.memref_slice %arg5[%dma_start3A_129, %dma_start3A_130] : memref<10000x128xf32, #tpu.memory_space<hbm>> -> memref<10000x128xf32, #tpu.memory_space<hbm>>
        tpu.enqueue_indirect_dma source(%dma_start3A_131 : memref<10000x128xf32, #tpu.memory_space<hbm>>) target(%arg10 : memref<128x128xf32, #tpu.memory_space<vmem>>) offsets(%dma_start3A_128 : memref<128xi32, #tpu.memory_space<vmem>>) semaphore(%run_scoped3A_126 : memref<!tpu.dma_semaphore, #tpu.memory_space<semaphore_mem>>)
        %dma_wait3A = arith.constant 0 : i32
        %dma_wait3A_132 = tpu.memref_slice %arg7[%run_scoped3A_71, %dma_wait3A] : memref<8x128xi32, #tpu.memory_space<vmem>> -> memref<1x128xi32, #tpu.memory_space<vmem>>
        %dma_wait3A_133 = tpu.memref_squeeze %dma_wait3A_132 : memref<1x128xi32, #tpu.memory_space<vmem>> -> memref<128xi32, #tpu.memory_space<vmem>>
        %dma_wait3A_134 = arith.constant 0 : i32
        %dma_wait3A_135 = arith.constant 0 : i32
        %dma_wait3A_136 = tpu.memref_slice %arg5[%dma_wait3A_134, %dma_wait3A_135] : memref<10000x128xf32, #tpu.memory_space<hbm>> -> memref<10000x128xf32, #tpu.memory_space<hbm>>
        tpu.wait_indirect_dma semaphore(%run_scoped3A_126 : memref<!tpu.dma_semaphore, #tpu.memory_space<semaphore_mem>>) src(%dma_wait3A_136 : memref<10000x128xf32, #tpu.memory_space<hbm>>) dst(%arg10 : memref<128x128xf32, #tpu.memory_space<vmem>>)
        tpu.yield
      }) : () -> ()
      %scan3A_72 = arith.constant 0 : i32
      %scan3A_73 = arith.constant 0 : i32
      %scan3A_74 = arith.constant 128 : i32
      %scan3A_75 = arith.addi %scan3A_73, %scan3A_74 : i32
      %scan3A_76 = arith.constant 1 : i32
      %scan3A_77 = scf.for %scan3A_126 = %scan3A_73 to %scan3A_75 step %scan3A_76 iter_args(%scan3A_127 = %scan3A_72) -> (i32)  : i32 {
        %add3A_128 = arith.constant 256 : i32
        %add3A_129 = arith.addi %add3A_128, %scan3A_126 : i32
        %broadcast_in_dim3A_130 = vector.broadcast %add3A_129 : i32 to vector<16xi32>
        %gather3A = tpu.vector_load_idx %arg9[%broadcast_in_dim3A_130] : memref<1024xf32, #tpu.memory_space<vmem>>[vector<16xi32>], vector<16xf32>,
        %get3A = arith.index_cast %scan3A_126 : i32 to index
        %get3A_131 = arith.constant 0 : index
        %get3A_132 = tpu.vector_load %arg10[%get3A, %get3A_131] {strides = array<i32>} : memref<128x128xf32, #tpu.memory_space<vmem>>, vector<16xf32>,
        %mul3A_133 = arith.mulf %get3A_132, %gather3A : vector<16xf32>
        %swap3A = arith.index_cast %scan3A_126 : i32 to index
        %swap3A_134 = arith.constant 0 : index
        %swap3A_135 = tpu.vector_load %arg10[%swap3A, %swap3A_134] {strides = array<i32>} : memref<128x128xf32, #tpu.memory_space<vmem>>, vector<16xf32>,
        tpu.vector_store %arg10[%swap3A, %swap3A_134], %mul3A_133 {strides = array<i32>} : memref<128x128xf32, #tpu.memory_space<vmem>>, vector<16xf32>,
        %get3A_136 = arith.index_cast %scan3A_126 : i32 to index
        %get3A_137 = arith.constant 16 : index
        %get3A_138 = tpu.vector_load %arg10[%get3A_136, %get3A_137] {strides = array<i32>} : memref<128x128xf32, #tpu.memory_space<vmem>>, vector<16xf32>,
        %mul3A_139 = arith.mulf %get3A_138, %gather3A : vector<16xf32>
        %swap3A_140 = arith.index_cast %scan3A_126 : i32 to index
        %swap3A_141 = arith.constant 16 : index
        %swap3A_142 = tpu.vector_load %arg10[%swap3A_140, %swap3A_141] {strides = array<i32>} : memref<128x128xf32, #tpu.memory_space<vmem>>, vector<16xf32>,
        tpu.vector_store %arg10[%swap3A_140, %swap3A_141], %mul3A_139 {strides = array<i32>} : memref<128x128xf32, #tpu.memory_space<vmem>>, vector<16xf32>,
        %get3A_143 = arith.index_cast %scan3A_126 : i32 to index
        %get3A_144 = arith.constant 32 : index
        %get3A_145 = tpu.vector_load %arg10[%get3A_143, %get3A_144] {strides = array<i32>} : memref<128x128xf32, #tpu.memory_space<vmem>>, vector<16xf32>,
        %mul3A_146 = arith.mulf %get3A_145, %gather3A : vector<16xf32>
        %swap3A_147 = arith.index_cast %scan3A_126 : i32 to index
        %swap3A_148 = arith.constant 32 : index
        %swap3A_149 = tpu.vector_load %arg10[%swap3A_147, %swap3A_148] {strides = array<i32>} : memref<128x128xf32, #tpu.memory_space<vmem>>, vector<16xf32>,
        tpu.vector_store %arg10[%swap3A_147, %swap3A_148], %mul3A_146 {strides = array<i32>} : memref<128x128xf32, #tpu.memory_space<vmem>>, vector<16xf32>,
        %get3A_150 = arith.index_cast %scan3A_126 : i32 to index
        %get3A_151 = arith.constant 48 : index
        %get3A_152 = tpu.vector_load %arg10[%get3A_150, %get3A_151] {strides = array<i32>} : memref<128x128xf32, #tpu.memory_space<vmem>>, vector<16xf32>,
        %mul3A_153 = arith.mulf %get3A_152, %gather3A : vector<16xf32>
        %swap3A_154 = arith.index_cast %scan3A_126 : i32 to index
        %swap3A_155 = arith.constant 48 : index
        %swap3A_156 = tpu.vector_load %arg10[%swap3A_154, %swap3A_155] {strides = array<i32>} : memref<128x128xf32, #tpu.memory_space<vmem>>, vector<16xf32>,
        tpu.vector_store %arg10[%swap3A_154, %swap3A_155], %mul3A_153 {strides = array<i32>} : memref<128x128xf32, #tpu.memory_space<vmem>>, vector<16xf32>,
        %get3A_157 = arith.index_cast %scan3A_126 : i32 to index
        %get3A_158 = arith.constant 64 : index
        %get3A_159 = tpu.vector_load %arg10[%get3A_157, %get3A_158] {strides = array<i32>} : memref<128x128xf32, #tpu.memory_space<vmem>>, vector<16xf32>,
        %mul3A_160 = arith.mulf %get3A_159, %gather3A : vector<16xf32>
        %swap3A_161 = arith.index_cast %scan3A_126 : i32 to index
        %swap3A_162 = arith.constant 64 : index
        %swap3A_163 = tpu.vector_load %arg10[%swap3A_161, %swap3A_162] {strides = array<i32>} : memref<128x128xf32, #tpu.memory_space<vmem>>, vector<16xf32>,
        tpu.vector_store %arg10[%swap3A_161, %swap3A_162], %mul3A_160 {strides = array<i32>} : memref<128x128xf32, #tpu.memory_space<vmem>>, vector<16xf32>,
        %get3A_164 = arith.index_cast %scan3A_126 : i32 to index
        %get3A_165 = arith.constant 80 : index
        %get3A_166 = tpu.vector_load %arg10[%get3A_164, %get3A_165] {strides = array<i32>} : memref<128x128xf32, #tpu.memory_space<vmem>>, vector<16xf32>,
        %mul3A_167 = arith.mulf %get3A_166, %gather3A : vector<16xf32>
        %swap3A_168 = arith.index_cast %scan3A_126 : i32 to index
        %swap3A_169 = arith.constant 80 : index
        %swap3A_170 = tpu.vector_load %arg10[%swap3A_168, %swap3A_169] {strides = array<i32>} : memref<128x128xf32, #tpu.memory_space<vmem>>, vector<16xf32>,
        tpu.vector_store %arg10[%swap3A_168, %swap3A_169], %mul3A_167 {strides = array<i32>} : memref<128x128xf32, #tpu.memory_space<vmem>>, vector<16xf32>,
        %get3A_171 = arith.index_cast %scan3A_126 : i32 to index
        %get3A_172 = arith.constant 96 : index
        %get3A_173 = tpu.vector_load %arg10[%get3A_171, %get3A_172] {strides = array<i32>} : memref<128x128xf32, #tpu.memory_space<vmem>>, vector<16xf32>,
        %mul3A_174 = arith.mulf %get3A_173, %gather3A : vector<16xf32>
        %swap3A_175 = arith.index_cast %scan3A_126 : i32 to index
        %swap3A_176 = arith.constant 96 : index
        %swap3A_177 = tpu.vector_load %arg10[%swap3A_175, %swap3A_176] {strides = array<i32>} : memref<128x128xf32, #tpu.memory_space<vmem>>, vector<16xf32>,
        tpu.vector_store %arg10[%swap3A_175, %swap3A_176], %mul3A_174 {strides = array<i32>} : memref<128x128xf32, #tpu.memory_space<vmem>>, vector<16xf32>,
        %get3A_178 = arith.index_cast %scan3A_126 : i32 to index
        %get3A_179 = arith.constant 112 : index
        %get3A_180 = tpu.vector_load %arg10[%get3A_178, %get3A_179] {strides = array<i32>} : memref<128x128xf32, #tpu.memory_space<vmem>>, vector<16xf32>,
        %mul3A_181 = arith.mulf %get3A_180, %gather3A : vector<16xf32>
        %swap3A_182 = arith.index_cast %scan3A_126 : i32 to index
        %swap3A_183 = arith.constant 112 : index
        %swap3A_184 = tpu.vector_load %arg10[%swap3A_182, %swap3A_183] {strides = array<i32>} : memref<128x128xf32, #tpu.memory_space<vmem>>, vector<16xf32>,
        tpu.vector_store %arg10[%swap3A_182, %swap3A_183], %mul3A_181 {strides = array<i32>} : memref<128x128xf32, #tpu.memory_space<vmem>>, vector<16xf32>,
        %scan3A_185 = arith.constant 0 : i32
        scf.yield %scan3A_185 : i32
      }
      %scan3A_78 = arith.constant 128 : i32
      %run_scoped3A_79 = arith.constant 2 : i32
      "tpu.region"() ({
        %run_scoped3A_126 = tpu.sem_alloc : memref<!tpu.dma_semaphore, #tpu.memory_space<semaphore_mem>>
        %dma_start3A = arith.constant 0 : i32
        %dma_start3A_127 = tpu.memref_slice %arg8[%run_scoped3A_79, %dma_start3A] : memref<8x128xi32, #tpu.memory_space<vmem>> -> memref<1x128xi32, #tpu.memory_space<vmem>>
        %dma_start3A_128 = tpu.memref_squeeze %dma_start3A_127 : memref<1x128xi32, #tpu.memory_space<vmem>> -> memref<128xi32, #tpu.memory_space<vmem>>
        %dma_start3A_129 = arith.constant 0 : i32
        %dma_start3A_130 = arith.constant 0 : i32
        %dma_start3A_131 = tpu.memref_slice %arg12[%dma_start3A_129, %dma_start3A_130] : memref<10240x128xf32, #tpu.memory_space<vmem_shared>> -> memref<10240x128xf32, #tpu.memory_space<vmem_shared>>
        tpu.enqueue_indirect_dma source(%arg10 : memref<128x128xf32, #tpu.memory_space<vmem>>) target(%dma_start3A_131 : memref<10240x128xf32, #tpu.memory_space<vmem_shared>>) offsets(%dma_start3A_128 : memref<128xi32, #tpu.memory_space<vmem>>) semaphore(%run_scoped3A_126 : memref<!tpu.dma_semaphore, #tpu.memory_space<semaphore_mem>>) {add = true}
        %dma_wait3A = arith.constant 0 : i32
        %dma_wait3A_132 = tpu.memref_slice %arg8[%run_scoped3A_79, %dma_wait3A] : memref<8x128xi32, #tpu.memory_space<vmem>> -> memref<1x128xi32, #tpu.memory_space<vmem>>
        %dma_wait3A_133 = tpu.memref_squeeze %dma_wait3A_132 : memref<1x128xi32, #tpu.memory_space<vmem>> -> memref<128xi32, #tpu.memory_space<vmem>>
        %dma_wait3A_134 = arith.constant 0 : i32
        %dma_wait3A_135 = arith.constant 0 : i32
        %dma_wait3A_136 = tpu.memref_slice %arg12[%dma_wait3A_134, %dma_wait3A_135] : memref<10240x128xf32, #tpu.memory_space<vmem_shared>> -> memref<10240x128xf32, #tpu.memory_space<vmem_shared>>
        tpu.wait_indirect_dma semaphore(%run_scoped3A_126 : memref<!tpu.dma_semaphore, #tpu.memory_space<semaphore_mem>>) src(%arg10 : memref<128x128xf32, #tpu.memory_space<vmem>>) dst(%dma_wait3A_136 : memref<10240x128xf32, #tpu.memory_space<vmem_shared>>)
        tpu.yield
      }) : () -> ()
      %run_scoped3A_80 = arith.constant 3 : i32
      "tpu.region"() ({
        %run_scoped3A_126 = tpu.sem_alloc : memref<!tpu.dma_semaphore, #tpu.memory_space<semaphore_mem>>
        %dma_start3A = arith.constant 0 : i32
        %dma_start3A_127 = tpu.memref_slice %arg7[%run_scoped3A_80, %dma_start3A] : memref<8x128xi32, #tpu.memory_space<vmem>> -> memref<1x128xi32, #tpu.memory_space<vmem>>
        %dma_start3A_128 = tpu.memref_squeeze %dma_start3A_127 : memref<1x128xi32, #tpu.memory_space<vmem>> -> memref<128xi32, #tpu.memory_space<vmem>>
        %dma_start3A_129 = arith.constant 0 : i32
        %dma_start3A_130 = arith.constant 0 : i32
        %dma_start3A_131 = tpu.memref_slice %arg5[%dma_start3A_129, %dma_start3A_130] : memref<10000x128xf32, #tpu.memory_space<hbm>> -> memref<10000x128xf32, #tpu.memory_space<hbm>>
        tpu.enqueue_indirect_dma source(%dma_start3A_131 : memref<10000x128xf32, #tpu.memory_space<hbm>>) target(%arg10 : memref<128x128xf32, #tpu.memory_space<vmem>>) offsets(%dma_start3A_128 : memref<128xi32, #tpu.memory_space<vmem>>) semaphore(%run_scoped3A_126 : memref<!tpu.dma_semaphore, #tpu.memory_space<semaphore_mem>>)
        %dma_wait3A = arith.constant 0 : i32
        %dma_wait3A_132 = tpu.memref_slice %arg7[%run_scoped3A_80, %dma_wait3A] : memref<8x128xi32, #tpu.memory_space<vmem>> -> memref<1x128xi32, #tpu.memory_space<vmem>>
        %dma_wait3A_133 = tpu.memref_squeeze %dma_wait3A_132 : memref<1x128xi32, #tpu.memory_space<vmem>> -> memref<128xi32, #tpu.memory_space<vmem>>
        %dma_wait3A_134 = arith.constant 0 : i32
        %dma_wait3A_135 = arith.constant 0 : i32
        %dma_wait3A_136 = tpu.memref_slice %arg5[%dma_wait3A_134, %dma_wait3A_135] : memref<10000x128xf32, #tpu.memory_space<hbm>> -> memref<10000x128xf32, #tpu.memory_space<hbm>>
        tpu.wait_indirect_dma semaphore(%run_scoped3A_126 : memref<!tpu.dma_semaphore, #tpu.memory_space<semaphore_mem>>) src(%dma_wait3A_136 : memref<10000x128xf32, #tpu.memory_space<hbm>>) dst(%arg10 : memref<128x128xf32, #tpu.memory_space<vmem>>)
        tpu.yield
      }) : () -> ()
      %scan3A_81 = arith.constant 0 : i32
      %scan3A_82 = arith.constant 0 : i32
      %scan3A_83 = arith.constant 128 : i32
      %scan3A_84 = arith.addi %scan3A_82, %scan3A_83 : i32
      %scan3A_85 = arith.constant 1 : i32
      %scan3A_86 = scf.for %scan3A_126 = %scan3A_82 to %scan3A_84 step %scan3A_85 iter_args(%scan3A_127 = %scan3A_81) -> (i32)  : i32 {
        %add3A_128 = arith.constant 384 : i32
        %add3A_129 = arith.addi %add3A_128, %scan3A_126 : i32
        %broadcast_in_dim3A_130 = vector.broadcast %add3A_129 : i32 to vector<16xi32>
        %gather3A = tpu.vector_load_idx %arg9[%broadcast_in_dim3A_130] : memref<1024xf32, #tpu.memory_space<vmem>>[vector<16xi32>], vector<16xf32>,
        %get3A = arith.index_cast %scan3A_126 : i32 to index
        %get3A_131 = arith.constant 0 : index
        %get3A_132 = tpu.vector_load %arg10[%get3A, %get3A_131] {strides = array<i32>} : memref<128x128xf32, #tpu.memory_space<vmem>>, vector<16xf32>,
        %mul3A_133 = arith.mulf %get3A_132, %gather3A : vector<16xf32>
        %swap3A = arith.index_cast %scan3A_126 : i32 to index
        %swap3A_134 = arith.constant 0 : index
        %swap3A_135 = tpu.vector_load %arg10[%swap3A, %swap3A_134] {strides = array<i32>} : memref<128x128xf32, #tpu.memory_space<vmem>>, vector<16xf32>,
        tpu.vector_store %arg10[%swap3A, %swap3A_134], %mul3A_133 {strides = array<i32>} : memref<128x128xf32, #tpu.memory_space<vmem>>, vector<16xf32>,
        %get3A_136 = arith.index_cast %scan3A_126 : i32 to index
        %get3A_137 = arith.constant 16 : index
        %get3A_138 = tpu.vector_load %arg10[%get3A_136, %get3A_137] {strides = array<i32>} : memref<128x128xf32, #tpu.memory_space<vmem>>, vector<16xf32>,
        %mul3A_139 = arith.mulf %get3A_138, %gather3A : vector<16xf32>
        %swap3A_140 = arith.index_cast %scan3A_126 : i32 to index
        %swap3A_141 = arith.constant 16 : index
        %swap3A_142 = tpu.vector_load %arg10[%swap3A_140, %swap3A_141] {strides = array<i32>} : memref<128x128xf32, #tpu.memory_space<vmem>>, vector<16xf32>,
        tpu.vector_store %arg10[%swap3A_140, %swap3A_141], %mul3A_139 {strides = array<i32>} : memref<128x128xf32, #tpu.memory_space<vmem>>, vector<16xf32>,
        %get3A_143 = arith.index_cast %scan3A_126 : i32 to index
        %get3A_144 = arith.constant 32 : index
        %get3A_145 = tpu.vector_load %arg10[%get3A_143, %get3A_144] {strides = array<i32>} : memref<128x128xf32, #tpu.memory_space<vmem>>, vector<16xf32>,
        %mul3A_146 = arith.mulf %get3A_145, %gather3A : vector<16xf32>
        %swap3A_147 = arith.index_cast %scan3A_126 : i32 to index
        %swap3A_148 = arith.constant 32 : index
        %swap3A_149 = tpu.vector_load %arg10[%swap3A_147, %swap3A_148] {strides = array<i32>} : memref<128x128xf32, #tpu.memory_space<vmem>>, vector<16xf32>,
        tpu.vector_store %arg10[%swap3A_147, %swap3A_148], %mul3A_146 {strides = array<i32>} : memref<128x128xf32, #tpu.memory_space<vmem>>, vector<16xf32>,
        %get3A_150 = arith.index_cast %scan3A_126 : i32 to index
        %get3A_151 = arith.constant 48 : index
        %get3A_152 = tpu.vector_load %arg10[%get3A_150, %get3A_151] {strides = array<i32>} : memref<128x128xf32, #tpu.memory_space<vmem>>, vector<16xf32>,
        %mul3A_153 = arith.mulf %get3A_152, %gather3A : vector<16xf32>
        %swap3A_154 = arith.index_cast %scan3A_126 : i32 to index
        %swap3A_155 = arith.constant 48 : index
        %swap3A_156 = tpu.vector_load %arg10[%swap3A_154, %swap3A_155] {strides = array<i32>} : memref<128x128xf32, #tpu.memory_space<vmem>>, vector<16xf32>,
        tpu.vector_store %arg10[%swap3A_154, %swap3A_155], %mul3A_153 {strides = array<i32>} : memref<128x128xf32, #tpu.memory_space<vmem>>, vector<16xf32>,
        %get3A_157 = arith.index_cast %scan3A_126 : i32 to index
        %get3A_158 = arith.constant 64 : index
        %get3A_159 = tpu.vector_load %arg10[%get3A_157, %get3A_158] {strides = array<i32>} : memref<128x128xf32, #tpu.memory_space<vmem>>, vector<16xf32>,
        %mul3A_160 = arith.mulf %get3A_159, %gather3A : vector<16xf32>
        %swap3A_161 = arith.index_cast %scan3A_126 : i32 to index
        %swap3A_162 = arith.constant 64 : index
        %swap3A_163 = tpu.vector_load %arg10[%swap3A_161, %swap3A_162] {strides = array<i32>} : memref<128x128xf32, #tpu.memory_space<vmem>>, vector<16xf32>,
        tpu.vector_store %arg10[%swap3A_161, %swap3A_162], %mul3A_160 {strides = array<i32>} : memref<128x128xf32, #tpu.memory_space<vmem>>, vector<16xf32>,
        %get3A_164 = arith.index_cast %scan3A_126 : i32 to index
        %get3A_165 = arith.constant 80 : index
        %get3A_166 = tpu.vector_load %arg10[%get3A_164, %get3A_165] {strides = array<i32>} : memref<128x128xf32, #tpu.memory_space<vmem>>, vector<16xf32>,
        %mul3A_167 = arith.mulf %get3A_166, %gather3A : vector<16xf32>
        %swap3A_168 = arith.index_cast %scan3A_126 : i32 to index
        %swap3A_169 = arith.constant 80 : index
        %swap3A_170 = tpu.vector_load %arg10[%swap3A_168, %swap3A_169] {strides = array<i32>} : memref<128x128xf32, #tpu.memory_space<vmem>>, vector<16xf32>,
        tpu.vector_store %arg10[%swap3A_168, %swap3A_169], %mul3A_167 {strides = array<i32>} : memref<128x128xf32, #tpu.memory_space<vmem>>, vector<16xf32>,
        %get3A_171 = arith.index_cast %scan3A_126 : i32 to index
        %get3A_172 = arith.constant 96 : index
        %get3A_173 = tpu.vector_load %arg10[%get3A_171, %get3A_172] {strides = array<i32>} : memref<128x128xf32, #tpu.memory_space<vmem>>, vector<16xf32>,
        %mul3A_174 = arith.mulf %get3A_173, %gather3A : vector<16xf32>
        %swap3A_175 = arith.index_cast %scan3A_126 : i32 to index
        %swap3A_176 = arith.constant 96 : index
        %swap3A_177 = tpu.vector_load %arg10[%swap3A_175, %swap3A_176] {strides = array<i32>} : memref<128x128xf32, #tpu.memory_space<vmem>>, vector<16xf32>,
        tpu.vector_store %arg10[%swap3A_175, %swap3A_176], %mul3A_174 {strides = array<i32>} : memref<128x128xf32, #tpu.memory_space<vmem>>, vector<16xf32>,
        %get3A_178 = arith.index_cast %scan3A_126 : i32 to index
        %get3A_179 = arith.constant 112 : index
        %get3A_180 = tpu.vector_load %arg10[%get3A_178, %get3A_179] {strides = array<i32>} : memref<128x128xf32, #tpu.memory_space<vmem>>, vector<16xf32>,
        %mul3A_181 = arith.mulf %get3A_180, %gather3A : vector<16xf32>
        %swap3A_182 = arith.index_cast %scan3A_126 : i32 to index
        %swap3A_183 = arith.constant 112 : index
        %swap3A_184 = tpu.vector_load %arg10[%swap3A_182, %swap3A_183] {strides = array<i32>} : memref<128x128xf32, #tpu.memory_space<vmem>>, vector<16xf32>,
        tpu.vector_store %arg10[%swap3A_182, %swap3A_183], %mul3A_181 {strides = array<i32>} : memref<128x128xf32, #tpu.memory_space<vmem>>, vector<16xf32>,
        %scan3A_185 = arith.constant 0 : i32
        scf.yield %scan3A_185 : i32
      }
      %scan3A_87 = arith.constant 128 : i32
      %run_scoped3A_88 = arith.constant 3 : i32
      "tpu.region"() ({
        %run_scoped3A_126 = tpu.sem_alloc : memref<!tpu.dma_semaphore, #tpu.memory_space<semaphore_mem>>
        %dma_start3A = arith.constant 0 : i32
        %dma_start3A_127 = tpu.memref_slice %arg8[%run_scoped3A_88, %dma_start3A] : memref<8x128xi32, #tpu.memory_space<vmem>> -> memref<1x128xi32, #tpu.memory_space<vmem>>
        %dma_start3A_128 = tpu.memref_squeeze %dma_start3A_127 : memref<1x128xi32, #tpu.memory_space<vmem>> -> memref<128xi32, #tpu.memory_space<vmem>>
        %dma_start3A_129 = arith.constant 0 : i32
        %dma_start3A_130 = arith.constant 0 : i32
        %dma_start3A_131 = tpu.memref_slice %arg12[%dma_start3A_129, %dma_start3A_130] : memref<10240x128xf32, #tpu.memory_space<vmem_shared>> -> memref<10240x128xf32, #tpu.memory_space<vmem_shared>>
        tpu.enqueue_indirect_dma source(%arg10 : memref<128x128xf32, #tpu.memory_space<vmem>>) target(%dma_start3A_131 : memref<10240x128xf32, #tpu.memory_space<vmem_shared>>) offsets(%dma_start3A_128 : memref<128xi32, #tpu.memory_space<vmem>>) semaphore(%run_scoped3A_126 : memref<!tpu.dma_semaphore, #tpu.memory_space<semaphore_mem>>) {add = true}
        %dma_wait3A = arith.constant 0 : i32
        %dma_wait3A_132 = tpu.memref_slice %arg8[%run_scoped3A_88, %dma_wait3A] : memref<8x128xi32, #tpu.memory_space<vmem>> -> memref<1x128xi32, #tpu.memory_space<vmem>>
        %dma_wait3A_133 = tpu.memref_squeeze %dma_wait3A_132 : memref<1x128xi32, #tpu.memory_space<vmem>> -> memref<128xi32, #tpu.memory_space<vmem>>
        %dma_wait3A_134 = arith.constant 0 : i32
        %dma_wait3A_135 = arith.constant 0 : i32
        %dma_wait3A_136 = tpu.memref_slice %arg12[%dma_wait3A_134, %dma_wait3A_135] : memref<10240x128xf32, #tpu.memory_space<vmem_shared>> -> memref<10240x128xf32, #tpu.memory_space<vmem_shared>>
        tpu.wait_indirect_dma semaphore(%run_scoped3A_126 : memref<!tpu.dma_semaphore, #tpu.memory_space<semaphore_mem>>) src(%arg10 : memref<128x128xf32, #tpu.memory_space<vmem>>) dst(%dma_wait3A_136 : memref<10240x128xf32, #tpu.memory_space<vmem_shared>>)
        tpu.yield
      }) : () -> ()
      %run_scoped3A_89 = arith.constant 4 : i32
      "tpu.region"() ({
        %run_scoped3A_126 = tpu.sem_alloc : memref<!tpu.dma_semaphore, #tpu.memory_space<semaphore_mem>>
        %dma_start3A = arith.constant 0 : i32
        %dma_start3A_127 = tpu.memref_slice %arg7[%run_scoped3A_89, %dma_start3A] : memref<8x128xi32, #tpu.memory_space<vmem>> -> memref<1x128xi32, #tpu.memory_space<vmem>>
        %dma_start3A_128 = tpu.memref_squeeze %dma_start3A_127 : memref<1x128xi32, #tpu.memory_space<vmem>> -> memref<128xi32, #tpu.memory_space<vmem>>
        %dma_start3A_129 = arith.constant 0 : i32
        %dma_start3A_130 = arith.constant 0 : i32
        %dma_start3A_131 = tpu.memref_slice %arg5[%dma_start3A_129, %dma_start3A_130] : memref<10000x128xf32, #tpu.memory_space<hbm>> -> memref<10000x128xf32, #tpu.memory_space<hbm>>
        tpu.enqueue_indirect_dma source(%dma_start3A_131 : memref<10000x128xf32, #tpu.memory_space<hbm>>) target(%arg10 : memref<128x128xf32, #tpu.memory_space<vmem>>) offsets(%dma_start3A_128 : memref<128xi32, #tpu.memory_space<vmem>>) semaphore(%run_scoped3A_126 : memref<!tpu.dma_semaphore, #tpu.memory_space<semaphore_mem>>)
        %dma_wait3A = arith.constant 0 : i32
        %dma_wait3A_132 = tpu.memref_slice %arg7[%run_scoped3A_89, %dma_wait3A] : memref<8x128xi32, #tpu.memory_space<vmem>> -> memref<1x128xi32, #tpu.memory_space<vmem>>
        %dma_wait3A_133 = tpu.memref_squeeze %dma_wait3A_132 : memref<1x128xi32, #tpu.memory_space<vmem>> -> memref<128xi32, #tpu.memory_space<vmem>>
        %dma_wait3A_134 = arith.constant 0 : i32
        %dma_wait3A_135 = arith.constant 0 : i32
        %dma_wait3A_136 = tpu.memref_slice %arg5[%dma_wait3A_134, %dma_wait3A_135] : memref<10000x128xf32, #tpu.memory_space<hbm>> -> memref<10000x128xf32, #tpu.memory_space<hbm>>
        tpu.wait_indirect_dma semaphore(%run_scoped3A_126 : memref<!tpu.dma_semaphore, #tpu.memory_space<semaphore_mem>>) src(%dma_wait3A_136 : memref<10000x128xf32, #tpu.memory_space<hbm>>) dst(%arg10 : memref<128x128xf32, #tpu.memory_space<vmem>>)
        tpu.yield
      }) : () -> ()
      %scan3A_90 = arith.constant 0 : i32
      %scan3A_91 = arith.constant 0 : i32
      %scan3A_92 = arith.constant 128 : i32
      %scan3A_93 = arith.addi %scan3A_91, %scan3A_92 : i32
      %scan3A_94 = arith.constant 1 : i32
      %scan3A_95 = scf.for %scan3A_126 = %scan3A_91 to %scan3A_93 step %scan3A_94 iter_args(%scan3A_127 = %scan3A_90) -> (i32)  : i32 {
        %add3A_128 = arith.constant 512 : i32
        %add3A_129 = arith.addi %add3A_128, %scan3A_126 : i32
        %broadcast_in_dim3A_130 = vector.broadcast %add3A_129 : i32 to vector<16xi32>
        %gather3A = tpu.vector_load_idx %arg9[%broadcast_in_dim3A_130] : memref<1024xf32, #tpu.memory_space<vmem>>[vector<16xi32>], vector<16xf32>,
        %get3A = arith.index_cast %scan3A_126 : i32 to index
        %get3A_131 = arith.constant 0 : index
        %get3A_132 = tpu.vector_load %arg10[%get3A, %get3A_131] {strides = array<i32>} : memref<128x128xf32, #tpu.memory_space<vmem>>, vector<16xf32>,
        %mul3A_133 = arith.mulf %get3A_132, %gather3A : vector<16xf32>
        %swap3A = arith.index_cast %scan3A_126 : i32 to index
        %swap3A_134 = arith.constant 0 : index
        %swap3A_135 = tpu.vector_load %arg10[%swap3A, %swap3A_134] {strides = array<i32>} : memref<128x128xf32, #tpu.memory_space<vmem>>, vector<16xf32>,
        tpu.vector_store %arg10[%swap3A, %swap3A_134], %mul3A_133 {strides = array<i32>} : memref<128x128xf32, #tpu.memory_space<vmem>>, vector<16xf32>,
        %get3A_136 = arith.index_cast %scan3A_126 : i32 to index
        %get3A_137 = arith.constant 16 : index
        %get3A_138 = tpu.vector_load %arg10[%get3A_136, %get3A_137] {strides = array<i32>} : memref<128x128xf32, #tpu.memory_space<vmem>>, vector<16xf32>,
        %mul3A_139 = arith.mulf %get3A_138, %gather3A : vector<16xf32>
        %swap3A_140 = arith.index_cast %scan3A_126 : i32 to index
        %swap3A_141 = arith.constant 16 : index
        %swap3A_142 = tpu.vector_load %arg10[%swap3A_140, %swap3A_141] {strides = array<i32>} : memref<128x128xf32, #tpu.memory_space<vmem>>, vector<16xf32>,
        tpu.vector_store %arg10[%swap3A_140, %swap3A_141], %mul3A_139 {strides = array<i32>} : memref<128x128xf32, #tpu.memory_space<vmem>>, vector<16xf32>,
        %get3A_143 = arith.index_cast %scan3A_126 : i32 to index
        %get3A_144 = arith.constant 32 : index
        %get3A_145 = tpu.vector_load %arg10[%get3A_143, %get3A_144] {strides = array<i32>} : memref<128x128xf32, #tpu.memory_space<vmem>>, vector<16xf32>,
        %mul3A_146 = arith.mulf %get3A_145, %gather3A : vector<16xf32>
        %swap3A_147 = arith.index_cast %scan3A_126 : i32 to index
        %swap3A_148 = arith.constant 32 : index
        %swap3A_149 = tpu.vector_load %arg10[%swap3A_147, %swap3A_148] {strides = array<i32>} : memref<128x128xf32, #tpu.memory_space<vmem>>, vector<16xf32>,
        tpu.vector_store %arg10[%swap3A_147, %swap3A_148], %mul3A_146 {strides = array<i32>} : memref<128x128xf32, #tpu.memory_space<vmem>>, vector<16xf32>,
        %get3A_150 = arith.index_cast %scan3A_126 : i32 to index
        %get3A_151 = arith.constant 48 : index
        %get3A_152 = tpu.vector_load %arg10[%get3A_150, %get3A_151] {strides = array<i32>} : memref<128x128xf32, #tpu.memory_space<vmem>>, vector<16xf32>,
        %mul3A_153 = arith.mulf %get3A_152, %gather3A : vector<16xf32>
        %swap3A_154 = arith.index_cast %scan3A_126 : i32 to index
        %swap3A_155 = arith.constant 48 : index
        %swap3A_156 = tpu.vector_load %arg10[%swap3A_154, %swap3A_155] {strides = array<i32>} : memref<128x128xf32, #tpu.memory_space<vmem>>, vector<16xf32>,
        tpu.vector_store %arg10[%swap3A_154, %swap3A_155], %mul3A_153 {strides = array<i32>} : memref<128x128xf32, #tpu.memory_space<vmem>>, vector<16xf32>,
        %get3A_157 = arith.index_cast %scan3A_126 : i32 to index
        %get3A_158 = arith.constant 64 : index
        %get3A_159 = tpu.vector_load %arg10[%get3A_157, %get3A_158] {strides = array<i32>} : memref<128x128xf32, #tpu.memory_space<vmem>>, vector<16xf32>,
        %mul3A_160 = arith.mulf %get3A_159, %gather3A : vector<16xf32>
        %swap3A_161 = arith.index_cast %scan3A_126 : i32 to index
        %swap3A_162 = arith.constant 64 : index
        %swap3A_163 = tpu.vector_load %arg10[%swap3A_161, %swap3A_162] {strides = array<i32>} : memref<128x128xf32, #tpu.memory_space<vmem>>, vector<16xf32>,
        tpu.vector_store %arg10[%swap3A_161, %swap3A_162], %mul3A_160 {strides = array<i32>} : memref<128x128xf32, #tpu.memory_space<vmem>>, vector<16xf32>,
        %get3A_164 = arith.index_cast %scan3A_126 : i32 to index
        %get3A_165 = arith.constant 80 : index
        %get3A_166 = tpu.vector_load %arg10[%get3A_164, %get3A_165] {strides = array<i32>} : memref<128x128xf32, #tpu.memory_space<vmem>>, vector<16xf32>,
        %mul3A_167 = arith.mulf %get3A_166, %gather3A : vector<16xf32>
        %swap3A_168 = arith.index_cast %scan3A_126 : i32 to index
        %swap3A_169 = arith.constant 80 : index
        %swap3A_170 = tpu.vector_load %arg10[%swap3A_168, %swap3A_169] {strides = array<i32>} : memref<128x128xf32, #tpu.memory_space<vmem>>, vector<16xf32>,
        tpu.vector_store %arg10[%swap3A_168, %swap3A_169], %mul3A_167 {strides = array<i32>} : memref<128x128xf32, #tpu.memory_space<vmem>>, vector<16xf32>,
        %get3A_171 = arith.index_cast %scan3A_126 : i32 to index
        %get3A_172 = arith.constant 96 : index
        %get3A_173 = tpu.vector_load %arg10[%get3A_171, %get3A_172] {strides = array<i32>} : memref<128x128xf32, #tpu.memory_space<vmem>>, vector<16xf32>,
        %mul3A_174 = arith.mulf %get3A_173, %gather3A : vector<16xf32>
        %swap3A_175 = arith.index_cast %scan3A_126 : i32 to index
        %swap3A_176 = arith.constant 96 : index
        %swap3A_177 = tpu.vector_load %arg10[%swap3A_175, %swap3A_176] {strides = array<i32>} : memref<128x128xf32, #tpu.memory_space<vmem>>, vector<16xf32>,
        tpu.vector_store %arg10[%swap3A_175, %swap3A_176], %mul3A_174 {strides = array<i32>} : memref<128x128xf32, #tpu.memory_space<vmem>>, vector<16xf32>,
        %get3A_178 = arith.index_cast %scan3A_126 : i32 to index
        %get3A_179 = arith.constant 112 : index
        %get3A_180 = tpu.vector_load %arg10[%get3A_178, %get3A_179] {strides = array<i32>} : memref<128x128xf32, #tpu.memory_space<vmem>>, vector<16xf32>,
        %mul3A_181 = arith.mulf %get3A_180, %gather3A : vector<16xf32>
        %swap3A_182 = arith.index_cast %scan3A_126 : i32 to index
        %swap3A_183 = arith.constant 112 : index
        %swap3A_184 = tpu.vector_load %arg10[%swap3A_182, %swap3A_183] {strides = array<i32>} : memref<128x128xf32, #tpu.memory_space<vmem>>, vector<16xf32>,
        tpu.vector_store %arg10[%swap3A_182, %swap3A_183], %mul3A_181 {strides = array<i32>} : memref<128x128xf32, #tpu.memory_space<vmem>>, vector<16xf32>,
        %scan3A_185 = arith.constant 0 : i32
        scf.yield %scan3A_185 : i32
      }
      %scan3A_96 = arith.constant 128 : i32
      %run_scoped3A_97 = arith.constant 4 : i32
      "tpu.region"() ({
        %run_scoped3A_126 = tpu.sem_alloc : memref<!tpu.dma_semaphore, #tpu.memory_space<semaphore_mem>>
        %dma_start3A = arith.constant 0 : i32
        %dma_start3A_127 = tpu.memref_slice %arg8[%run_scoped3A_97, %dma_start3A] : memref<8x128xi32, #tpu.memory_space<vmem>> -> memref<1x128xi32, #tpu.memory_space<vmem>>
        %dma_start3A_128 = tpu.memref_squeeze %dma_start3A_127 : memref<1x128xi32, #tpu.memory_space<vmem>> -> memref<128xi32, #tpu.memory_space<vmem>>
        %dma_start3A_129 = arith.constant 0 : i32
        %dma_start3A_130 = arith.constant 0 : i32
        %dma_start3A_131 = tpu.memref_slice %arg12[%dma_start3A_129, %dma_start3A_130] : memref<10240x128xf32, #tpu.memory_space<vmem_shared>> -> memref<10240x128xf32, #tpu.memory_space<vmem_shared>>
        tpu.enqueue_indirect_dma source(%arg10 : memref<128x128xf32, #tpu.memory_space<vmem>>) target(%dma_start3A_131 : memref<10240x128xf32, #tpu.memory_space<vmem_shared>>) offsets(%dma_start3A_128 : memref<128xi32, #tpu.memory_space<vmem>>) semaphore(%run_scoped3A_126 : memref<!tpu.dma_semaphore, #tpu.memory_space<semaphore_mem>>) {add = true}
        %dma_wait3A = arith.constant 0 : i32
        %dma_wait3A_132 = tpu.memref_slice %arg8[%run_scoped3A_97, %dma_wait3A] : memref<8x128xi32, #tpu.memory_space<vmem>> -> memref<1x128xi32, #tpu.memory_space<vmem>>
        %dma_wait3A_133 = tpu.memref_squeeze %dma_wait3A_132 : memref<1x128xi32, #tpu.memory_space<vmem>> -> memref<128xi32, #tpu.memory_space<vmem>>
        %dma_wait3A_134 = arith.constant 0 : i32
        %dma_wait3A_135 = arith.constant 0 : i32
        %dma_wait3A_136 = tpu.memref_slice %arg12[%dma_wait3A_134, %dma_wait3A_135] : memref<10240x128xf32, #tpu.memory_space<vmem_shared>> -> memref<10240x128xf32, #tpu.memory_space<vmem_shared>>
        tpu.wait_indirect_dma semaphore(%run_scoped3A_126 : memref<!tpu.dma_semaphore, #tpu.memory_space<semaphore_mem>>) src(%arg10 : memref<128x128xf32, #tpu.memory_space<vmem>>) dst(%dma_wait3A_136 : memref<10240x128xf32, #tpu.memory_space<vmem_shared>>)
        tpu.yield
      }) : () -> ()
      %run_scoped3A_98 = arith.constant 5 : i32
      "tpu.region"() ({
        %run_scoped3A_126 = tpu.sem_alloc : memref<!tpu.dma_semaphore, #tpu.memory_space<semaphore_mem>>
        %dma_start3A = arith.constant 0 : i32
        %dma_start3A_127 = tpu.memref_slice %arg7[%run_scoped3A_98, %dma_start3A] : memref<8x128xi32, #tpu.memory_space<vmem>> -> memref<1x128xi32, #tpu.memory_space<vmem>>
        %dma_start3A_128 = tpu.memref_squeeze %dma_start3A_127 : memref<1x128xi32, #tpu.memory_space<vmem>> -> memref<128xi32, #tpu.memory_space<vmem>>
        %dma_start3A_129 = arith.constant 0 : i32
        %dma_start3A_130 = arith.constant 0 : i32
        %dma_start3A_131 = tpu.memref_slice %arg5[%dma_start3A_129, %dma_start3A_130] : memref<10000x128xf32, #tpu.memory_space<hbm>> -> memref<10000x128xf32, #tpu.memory_space<hbm>>
        tpu.enqueue_indirect_dma source(%dma_start3A_131 : memref<10000x128xf32, #tpu.memory_space<hbm>>) target(%arg10 : memref<128x128xf32, #tpu.memory_space<vmem>>) offsets(%dma_start3A_128 : memref<128xi32, #tpu.memory_space<vmem>>) semaphore(%run_scoped3A_126 : memref<!tpu.dma_semaphore, #tpu.memory_space<semaphore_mem>>)
        %dma_wait3A = arith.constant 0 : i32
        %dma_wait3A_132 = tpu.memref_slice %arg7[%run_scoped3A_98, %dma_wait3A] : memref<8x128xi32, #tpu.memory_space<vmem>> -> memref<1x128xi32, #tpu.memory_space<vmem>>
        %dma_wait3A_133 = tpu.memref_squeeze %dma_wait3A_132 : memref<1x128xi32, #tpu.memory_space<vmem>> -> memref<128xi32, #tpu.memory_space<vmem>>
        %dma_wait3A_134 = arith.constant 0 : i32
        %dma_wait3A_135 = arith.constant 0 : i32
        %dma_wait3A_136 = tpu.memref_slice %arg5[%dma_wait3A_134, %dma_wait3A_135] : memref<10000x128xf32, #tpu.memory_space<hbm>> -> memref<10000x128xf32, #tpu.memory_space<hbm>>
        tpu.wait_indirect_dma semaphore(%run_scoped3A_126 : memref<!tpu.dma_semaphore, #tpu.memory_space<semaphore_mem>>) src(%dma_wait3A_136 : memref<10000x128xf32, #tpu.memory_space<hbm>>) dst(%arg10 : memref<128x128xf32, #tpu.memory_space<vmem>>)
        tpu.yield
      }) : () -> ()
      %scan3A_99 = arith.constant 0 : i32
      %scan3A_100 = arith.constant 0 : i32
      %scan3A_101 = arith.constant 128 : i32
      %scan3A_102 = arith.addi %scan3A_100, %scan3A_101 : i32
      %scan3A_103 = arith.constant 1 : i32
      %scan3A_104 = scf.for %scan3A_126 = %scan3A_100 to %scan3A_102 step %scan3A_103 iter_args(%scan3A_127 = %scan3A_99) -> (i32)  : i32 {
        %add3A_128 = arith.constant 640 : i32
        %add3A_129 = arith.addi %add3A_128, %scan3A_126 : i32
        %broadcast_in_dim3A_130 = vector.broadcast %add3A_129 : i32 to vector<16xi32>
        %gather3A = tpu.vector_load_idx %arg9[%broadcast_in_dim3A_130] : memref<1024xf32, #tpu.memory_space<vmem>>[vector<16xi32>], vector<16xf32>,
        %get3A = arith.index_cast %scan3A_126 : i32 to index
        %get3A_131 = arith.constant 0 : index
        %get3A_132 = tpu.vector_load %arg10[%get3A, %get3A_131] {strides = array<i32>} : memref<128x128xf32, #tpu.memory_space<vmem>>, vector<16xf32>,
        %mul3A_133 = arith.mulf %get3A_132, %gather3A : vector<16xf32>
        %swap3A = arith.index_cast %scan3A_126 : i32 to index
        %swap3A_134 = arith.constant 0 : index
        %swap3A_135 = tpu.vector_load %arg10[%swap3A, %swap3A_134] {strides = array<i32>} : memref<128x128xf32, #tpu.memory_space<vmem>>, vector<16xf32>,
        tpu.vector_store %arg10[%swap3A, %swap3A_134], %mul3A_133 {strides = array<i32>} : memref<128x128xf32, #tpu.memory_space<vmem>>, vector<16xf32>,
        %get3A_136 = arith.index_cast %scan3A_126 : i32 to index
        %get3A_137 = arith.constant 16 : index
        %get3A_138 = tpu.vector_load %arg10[%get3A_136, %get3A_137] {strides = array<i32>} : memref<128x128xf32, #tpu.memory_space<vmem>>, vector<16xf32>,
        %mul3A_139 = arith.mulf %get3A_138, %gather3A : vector<16xf32>
        %swap3A_140 = arith.index_cast %scan3A_126 : i32 to index
        %swap3A_141 = arith.constant 16 : index
        %swap3A_142 = tpu.vector_load %arg10[%swap3A_140, %swap3A_141] {strides = array<i32>} : memref<128x128xf32, #tpu.memory_space<vmem>>, vector<16xf32>,
        tpu.vector_store %arg10[%swap3A_140, %swap3A_141], %mul3A_139 {strides = array<i32>} : memref<128x128xf32, #tpu.memory_space<vmem>>, vector<16xf32>,
        %get3A_143 = arith.index_cast %scan3A_126 : i32 to index
        %get3A_144 = arith.constant 32 : index
        %get3A_145 = tpu.vector_load %arg10[%get3A_143, %get3A_144] {strides = array<i32>} : memref<128x128xf32, #tpu.memory_space<vmem>>, vector<16xf32>,
        %mul3A_146 = arith.mulf %get3A_145, %gather3A : vector<16xf32>
        %swap3A_147 = arith.index_cast %scan3A_126 : i32 to index
        %swap3A_148 = arith.constant 32 : index
        %swap3A_149 = tpu.vector_load %arg10[%swap3A_147, %swap3A_148] {strides = array<i32>} : memref<128x128xf32, #tpu.memory_space<vmem>>, vector<16xf32>,
        tpu.vector_store %arg10[%swap3A_147, %swap3A_148], %mul3A_146 {strides = array<i32>} : memref<128x128xf32, #tpu.memory_space<vmem>>, vector<16xf32>,
        %get3A_150 = arith.index_cast %scan3A_126 : i32 to index
        %get3A_151 = arith.constant 48 : index
        %get3A_152 = tpu.vector_load %arg10[%get3A_150, %get3A_151] {strides = array<i32>} : memref<128x128xf32, #tpu.memory_space<vmem>>, vector<16xf32>,
        %mul3A_153 = arith.mulf %get3A_152, %gather3A : vector<16xf32>
        %swap3A_154 = arith.index_cast %scan3A_126 : i32 to index
        %swap3A_155 = arith.constant 48 : index
        %swap3A_156 = tpu.vector_load %arg10[%swap3A_154, %swap3A_155] {strides = array<i32>} : memref<128x128xf32, #tpu.memory_space<vmem>>, vector<16xf32>,
        tpu.vector_store %arg10[%swap3A_154, %swap3A_155], %mul3A_153 {strides = array<i32>} : memref<128x128xf32, #tpu.memory_space<vmem>>, vector<16xf32>,
        %get3A_157 = arith.index_cast %scan3A_126 : i32 to index
        %get3A_158 = arith.constant 64 : index
        %get3A_159 = tpu.vector_load %arg10[%get3A_157, %get3A_158] {strides = array<i32>} : memref<128x128xf32, #tpu.memory_space<vmem>>, vector<16xf32>,
        %mul3A_160 = arith.mulf %get3A_159, %gather3A : vector<16xf32>
        %swap3A_161 = arith.index_cast %scan3A_126 : i32 to index
        %swap3A_162 = arith.constant 64 : index
        %swap3A_163 = tpu.vector_load %arg10[%swap3A_161, %swap3A_162] {strides = array<i32>} : memref<128x128xf32, #tpu.memory_space<vmem>>, vector<16xf32>,
        tpu.vector_store %arg10[%swap3A_161, %swap3A_162], %mul3A_160 {strides = array<i32>} : memref<128x128xf32, #tpu.memory_space<vmem>>, vector<16xf32>,
        %get3A_164 = arith.index_cast %scan3A_126 : i32 to index
        %get3A_165 = arith.constant 80 : index
        %get3A_166 = tpu.vector_load %arg10[%get3A_164, %get3A_165] {strides = array<i32>} : memref<128x128xf32, #tpu.memory_space<vmem>>, vector<16xf32>,
        %mul3A_167 = arith.mulf %get3A_166, %gather3A : vector<16xf32>
        %swap3A_168 = arith.index_cast %scan3A_126 : i32 to index
        %swap3A_169 = arith.constant 80 : index
        %swap3A_170 = tpu.vector_load %arg10[%swap3A_168, %swap3A_169] {strides = array<i32>} : memref<128x128xf32, #tpu.memory_space<vmem>>, vector<16xf32>,
        tpu.vector_store %arg10[%swap3A_168, %swap3A_169], %mul3A_167 {strides = array<i32>} : memref<128x128xf32, #tpu.memory_space<vmem>>, vector<16xf32>,
        %get3A_171 = arith.index_cast %scan3A_126 : i32 to index
        %get3A_172 = arith.constant 96 : index
        %get3A_173 = tpu.vector_load %arg10[%get3A_171, %get3A_172] {strides = array<i32>} : memref<128x128xf32, #tpu.memory_space<vmem>>, vector<16xf32>,
        %mul3A_174 = arith.mulf %get3A_173, %gather3A : vector<16xf32>
        %swap3A_175 = arith.index_cast %scan3A_126 : i32 to index
        %swap3A_176 = arith.constant 96 : index
        %swap3A_177 = tpu.vector_load %arg10[%swap3A_175, %swap3A_176] {strides = array<i32>} : memref<128x128xf32, #tpu.memory_space<vmem>>, vector<16xf32>,
        tpu.vector_store %arg10[%swap3A_175, %swap3A_176], %mul3A_174 {strides = array<i32>} : memref<128x128xf32, #tpu.memory_space<vmem>>, vector<16xf32>,
        %get3A_178 = arith.index_cast %scan3A_126 : i32 to index
        %get3A_179 = arith.constant 112 : index
        %get3A_180 = tpu.vector_load %arg10[%get3A_178, %get3A_179] {strides = array<i32>} : memref<128x128xf32, #tpu.memory_space<vmem>>, vector<16xf32>,
        %mul3A_181 = arith.mulf %get3A_180, %gather3A : vector<16xf32>
        %swap3A_182 = arith.index_cast %scan3A_126 : i32 to index
        %swap3A_183 = arith.constant 112 : index
        %swap3A_184 = tpu.vector_load %arg10[%swap3A_182, %swap3A_183] {strides = array<i32>} : memref<128x128xf32, #tpu.memory_space<vmem>>, vector<16xf32>,
        tpu.vector_store %arg10[%swap3A_182, %swap3A_183], %mul3A_181 {strides = array<i32>} : memref<128x128xf32, #tpu.memory_space<vmem>>, vector<16xf32>,
        %scan3A_185 = arith.constant 0 : i32
        scf.yield %scan3A_185 : i32
      }
      %scan3A_105 = arith.constant 128 : i32
      %run_scoped3A_106 = arith.constant 5 : i32
      "tpu.region"() ({
        %run_scoped3A_126 = tpu.sem_alloc : memref<!tpu.dma_semaphore, #tpu.memory_space<semaphore_mem>>
        %dma_start3A = arith.constant 0 : i32
        %dma_start3A_127 = tpu.memref_slice %arg8[%run_scoped3A_106, %dma_start3A] : memref<8x128xi32, #tpu.memory_space<vmem>> -> memref<1x128xi32, #tpu.memory_space<vmem>>
        %dma_start3A_128 = tpu.memref_squeeze %dma_start3A_127 : memref<1x128xi32, #tpu.memory_space<vmem>> -> memref<128xi32, #tpu.memory_space<vmem>>
        %dma_start3A_129 = arith.constant 0 : i32
        %dma_start3A_130 = arith.constant 0 : i32
        %dma_start3A_131 = tpu.memref_slice %arg12[%dma_start3A_129, %dma_start3A_130] : memref<10240x128xf32, #tpu.memory_space<vmem_shared>> -> memref<10240x128xf32, #tpu.memory_space<vmem_shared>>
        tpu.enqueue_indirect_dma source(%arg10 : memref<128x128xf32, #tpu.memory_space<vmem>>) target(%dma_start3A_131 : memref<10240x128xf32, #tpu.memory_space<vmem_shared>>) offsets(%dma_start3A_128 : memref<128xi32, #tpu.memory_space<vmem>>) semaphore(%run_scoped3A_126 : memref<!tpu.dma_semaphore, #tpu.memory_space<semaphore_mem>>) {add = true}
        %dma_wait3A = arith.constant 0 : i32
        %dma_wait3A_132 = tpu.memref_slice %arg8[%run_scoped3A_106, %dma_wait3A] : memref<8x128xi32, #tpu.memory_space<vmem>> -> memref<1x128xi32, #tpu.memory_space<vmem>>
        %dma_wait3A_133 = tpu.memref_squeeze %dma_wait3A_132 : memref<1x128xi32, #tpu.memory_space<vmem>> -> memref<128xi32, #tpu.memory_space<vmem>>
        %dma_wait3A_134 = arith.constant 0 : i32
        %dma_wait3A_135 = arith.constant 0 : i32
        %dma_wait3A_136 = tpu.memref_slice %arg12[%dma_wait3A_134, %dma_wait3A_135] : memref<10240x128xf32, #tpu.memory_space<vmem_shared>> -> memref<10240x128xf32, #tpu.memory_space<vmem_shared>>
        tpu.wait_indirect_dma semaphore(%run_scoped3A_126 : memref<!tpu.dma_semaphore, #tpu.memory_space<semaphore_mem>>) src(%arg10 : memref<128x128xf32, #tpu.memory_space<vmem>>) dst(%dma_wait3A_136 : memref<10240x128xf32, #tpu.memory_space<vmem_shared>>)
        tpu.yield
      }) : () -> ()
      %run_scoped3A_107 = arith.constant 6 : i32
      "tpu.region"() ({
        %run_scoped3A_126 = tpu.sem_alloc : memref<!tpu.dma_semaphore, #tpu.memory_space<semaphore_mem>>
        %dma_start3A = arith.constant 0 : i32
        %dma_start3A_127 = tpu.memref_slice %arg7[%run_scoped3A_107, %dma_start3A] : memref<8x128xi32, #tpu.memory_space<vmem>> -> memref<1x128xi32, #tpu.memory_space<vmem>>
        %dma_start3A_128 = tpu.memref_squeeze %dma_start3A_127 : memref<1x128xi32, #tpu.memory_space<vmem>> -> memref<128xi32, #tpu.memory_space<vmem>>
        %dma_start3A_129 = arith.constant 0 : i32
        %dma_start3A_130 = arith.constant 0 : i32
        %dma_start3A_131 = tpu.memref_slice %arg5[%dma_start3A_129, %dma_start3A_130] : memref<10000x128xf32, #tpu.memory_space<hbm>> -> memref<10000x128xf32, #tpu.memory_space<hbm>>
        tpu.enqueue_indirect_dma source(%dma_start3A_131 : memref<10000x128xf32, #tpu.memory_space<hbm>>) target(%arg10 : memref<128x128xf32, #tpu.memory_space<vmem>>) offsets(%dma_start3A_128 : memref<128xi32, #tpu.memory_space<vmem>>) semaphore(%run_scoped3A_126 : memref<!tpu.dma_semaphore, #tpu.memory_space<semaphore_mem>>)
        %dma_wait3A = arith.constant 0 : i32
        %dma_wait3A_132 = tpu.memref_slice %arg7[%run_scoped3A_107, %dma_wait3A] : memref<8x128xi32, #tpu.memory_space<vmem>> -> memref<1x128xi32, #tpu.memory_space<vmem>>
        %dma_wait3A_133 = tpu.memref_squeeze %dma_wait3A_132 : memref<1x128xi32, #tpu.memory_space<vmem>> -> memref<128xi32, #tpu.memory_space<vmem>>
        %dma_wait3A_134 = arith.constant 0 : i32
        %dma_wait3A_135 = arith.constant 0 : i32
        %dma_wait3A_136 = tpu.memref_slice %arg5[%dma_wait3A_134, %dma_wait3A_135] : memref<10000x128xf32, #tpu.memory_space<hbm>> -> memref<10000x128xf32, #tpu.memory_space<hbm>>
        tpu.wait_indirect_dma semaphore(%run_scoped3A_126 : memref<!tpu.dma_semaphore, #tpu.memory_space<semaphore_mem>>) src(%dma_wait3A_136 : memref<10000x128xf32, #tpu.memory_space<hbm>>) dst(%arg10 : memref<128x128xf32, #tpu.memory_space<vmem>>)
        tpu.yield
      }) : () -> ()
      %scan3A_108 = arith.constant 0 : i32
      %scan3A_109 = arith.constant 0 : i32
      %scan3A_110 = arith.constant 128 : i32
      %scan3A_111 = arith.addi %scan3A_109, %scan3A_110 : i32
      %scan3A_112 = arith.constant 1 : i32
      %scan3A_113 = scf.for %scan3A_126 = %scan3A_109 to %scan3A_111 step %scan3A_112 iter_args(%scan3A_127 = %scan3A_108) -> (i32)  : i32 {
        %add3A_128 = arith.constant 768 : i32
        %add3A_129 = arith.addi %add3A_128, %scan3A_126 : i32
        %broadcast_in_dim3A_130 = vector.broadcast %add3A_129 : i32 to vector<16xi32>
        %gather3A = tpu.vector_load_idx %arg9[%broadcast_in_dim3A_130] : memref<1024xf32, #tpu.memory_space<vmem>>[vector<16xi32>], vector<16xf32>,
        %get3A = arith.index_cast %scan3A_126 : i32 to index
        %get3A_131 = arith.constant 0 : index
        %get3A_132 = tpu.vector_load %arg10[%get3A, %get3A_131] {strides = array<i32>} : memref<128x128xf32, #tpu.memory_space<vmem>>, vector<16xf32>,
        %mul3A_133 = arith.mulf %get3A_132, %gather3A : vector<16xf32>
        %swap3A = arith.index_cast %scan3A_126 : i32 to index
        %swap3A_134 = arith.constant 0 : index
        %swap3A_135 = tpu.vector_load %arg10[%swap3A, %swap3A_134] {strides = array<i32>} : memref<128x128xf32, #tpu.memory_space<vmem>>, vector<16xf32>,
        tpu.vector_store %arg10[%swap3A, %swap3A_134], %mul3A_133 {strides = array<i32>} : memref<128x128xf32, #tpu.memory_space<vmem>>, vector<16xf32>,
        %get3A_136 = arith.index_cast %scan3A_126 : i32 to index
        %get3A_137 = arith.constant 16 : index
        %get3A_138 = tpu.vector_load %arg10[%get3A_136, %get3A_137] {strides = array<i32>} : memref<128x128xf32, #tpu.memory_space<vmem>>, vector<16xf32>,
        %mul3A_139 = arith.mulf %get3A_138, %gather3A : vector<16xf32>
        %swap3A_140 = arith.index_cast %scan3A_126 : i32 to index
        %swap3A_141 = arith.constant 16 : index
        %swap3A_142 = tpu.vector_load %arg10[%swap3A_140, %swap3A_141] {strides = array<i32>} : memref<128x128xf32, #tpu.memory_space<vmem>>, vector<16xf32>,
        tpu.vector_store %arg10[%swap3A_140, %swap3A_141], %mul3A_139 {strides = array<i32>} : memref<128x128xf32, #tpu.memory_space<vmem>>, vector<16xf32>,
        %get3A_143 = arith.index_cast %scan3A_126 : i32 to index
        %get3A_144 = arith.constant 32 : index
        %get3A_145 = tpu.vector_load %arg10[%get3A_143, %get3A_144] {strides = array<i32>} : memref<128x128xf32, #tpu.memory_space<vmem>>, vector<16xf32>,
        %mul3A_146 = arith.mulf %get3A_145, %gather3A : vector<16xf32>
        %swap3A_147 = arith.index_cast %scan3A_126 : i32 to index
        %swap3A_148 = arith.constant 32 : index
        %swap3A_149 = tpu.vector_load %arg10[%swap3A_147, %swap3A_148] {strides = array<i32>} : memref<128x128xf32, #tpu.memory_space<vmem>>, vector<16xf32>,
        tpu.vector_store %arg10[%swap3A_147, %swap3A_148], %mul3A_146 {strides = array<i32>} : memref<128x128xf32, #tpu.memory_space<vmem>>, vector<16xf32>,
        %get3A_150 = arith.index_cast %scan3A_126 : i32 to index
        %get3A_151 = arith.constant 48 : index
        %get3A_152 = tpu.vector_load %arg10[%get3A_150, %get3A_151] {strides = array<i32>} : memref<128x128xf32, #tpu.memory_space<vmem>>, vector<16xf32>,
        %mul3A_153 = arith.mulf %get3A_152, %gather3A : vector<16xf32>
        %swap3A_154 = arith.index_cast %scan3A_126 : i32 to index
        %swap3A_155 = arith.constant 48 : index
        %swap3A_156 = tpu.vector_load %arg10[%swap3A_154, %swap3A_155] {strides = array<i32>} : memref<128x128xf32, #tpu.memory_space<vmem>>, vector<16xf32>,
        tpu.vector_store %arg10[%swap3A_154, %swap3A_155], %mul3A_153 {strides = array<i32>} : memref<128x128xf32, #tpu.memory_space<vmem>>, vector<16xf32>,
        %get3A_157 = arith.index_cast %scan3A_126 : i32 to index
        %get3A_158 = arith.constant 64 : index
        %get3A_159 = tpu.vector_load %arg10[%get3A_157, %get3A_158] {strides = array<i32>} : memref<128x128xf32, #tpu.memory_space<vmem>>, vector<16xf32>,
        %mul3A_160 = arith.mulf %get3A_159, %gather3A : vector<16xf32>
        %swap3A_161 = arith.index_cast %scan3A_126 : i32 to index
        %swap3A_162 = arith.constant 64 : index
        %swap3A_163 = tpu.vector_load %arg10[%swap3A_161, %swap3A_162] {strides = array<i32>} : memref<128x128xf32, #tpu.memory_space<vmem>>, vector<16xf32>,
        tpu.vector_store %arg10[%swap3A_161, %swap3A_162], %mul3A_160 {strides = array<i32>} : memref<128x128xf32, #tpu.memory_space<vmem>>, vector<16xf32>,
        %get3A_164 = arith.index_cast %scan3A_126 : i32 to index
        %get3A_165 = arith.constant 80 : index
        %get3A_166 = tpu.vector_load %arg10[%get3A_164, %get3A_165] {strides = array<i32>} : memref<128x128xf32, #tpu.memory_space<vmem>>, vector<16xf32>,
        %mul3A_167 = arith.mulf %get3A_166, %gather3A : vector<16xf32>
        %swap3A_168 = arith.index_cast %scan3A_126 : i32 to index
        %swap3A_169 = arith.constant 80 : index
        %swap3A_170 = tpu.vector_load %arg10[%swap3A_168, %swap3A_169] {strides = array<i32>} : memref<128x128xf32, #tpu.memory_space<vmem>>, vector<16xf32>,
        tpu.vector_store %arg10[%swap3A_168, %swap3A_169], %mul3A_167 {strides = array<i32>} : memref<128x128xf32, #tpu.memory_space<vmem>>, vector<16xf32>,
        %get3A_171 = arith.index_cast %scan3A_126 : i32 to index
        %get3A_172 = arith.constant 96 : index
        %get3A_173 = tpu.vector_load %arg10[%get3A_171, %get3A_172] {strides = array<i32>} : memref<128x128xf32, #tpu.memory_space<vmem>>, vector<16xf32>,
        %mul3A_174 = arith.mulf %get3A_173, %gather3A : vector<16xf32>
        %swap3A_175 = arith.index_cast %scan3A_126 : i32 to index
        %swap3A_176 = arith.constant 96 : index
        %swap3A_177 = tpu.vector_load %arg10[%swap3A_175, %swap3A_176] {strides = array<i32>} : memref<128x128xf32, #tpu.memory_space<vmem>>, vector<16xf32>,
        tpu.vector_store %arg10[%swap3A_175, %swap3A_176], %mul3A_174 {strides = array<i32>} : memref<128x128xf32, #tpu.memory_space<vmem>>, vector<16xf32>,
        %get3A_178 = arith.index_cast %scan3A_126 : i32 to index
        %get3A_179 = arith.constant 112 : index
        %get3A_180 = tpu.vector_load %arg10[%get3A_178, %get3A_179] {strides = array<i32>} : memref<128x128xf32, #tpu.memory_space<vmem>>, vector<16xf32>,
        %mul3A_181 = arith.mulf %get3A_180, %gather3A : vector<16xf32>
        %swap3A_182 = arith.index_cast %scan3A_126 : i32 to index
        %swap3A_183 = arith.constant 112 : index
        %swap3A_184 = tpu.vector_load %arg10[%swap3A_182, %swap3A_183] {strides = array<i32>} : memref<128x128xf32, #tpu.memory_space<vmem>>, vector<16xf32>,
        tpu.vector_store %arg10[%swap3A_182, %swap3A_183], %mul3A_181 {strides = array<i32>} : memref<128x128xf32, #tpu.memory_space<vmem>>, vector<16xf32>,
        %scan3A_185 = arith.constant 0 : i32
        scf.yield %scan3A_185 : i32
      }
      %scan3A_114 = arith.constant 128 : i32
      %run_scoped3A_115 = arith.constant 6 : i32
      "tpu.region"() ({
        %run_scoped3A_126 = tpu.sem_alloc : memref<!tpu.dma_semaphore, #tpu.memory_space<semaphore_mem>>
        %dma_start3A = arith.constant 0 : i32
        %dma_start3A_127 = tpu.memref_slice %arg8[%run_scoped3A_115, %dma_start3A] : memref<8x128xi32, #tpu.memory_space<vmem>> -> memref<1x128xi32, #tpu.memory_space<vmem>>
        %dma_start3A_128 = tpu.memref_squeeze %dma_start3A_127 : memref<1x128xi32, #tpu.memory_space<vmem>> -> memref<128xi32, #tpu.memory_space<vmem>>
        %dma_start3A_129 = arith.constant 0 : i32
        %dma_start3A_130 = arith.constant 0 : i32
        %dma_start3A_131 = tpu.memref_slice %arg12[%dma_start3A_129, %dma_start3A_130] : memref<10240x128xf32, #tpu.memory_space<vmem_shared>> -> memref<10240x128xf32, #tpu.memory_space<vmem_shared>>
        tpu.enqueue_indirect_dma source(%arg10 : memref<128x128xf32, #tpu.memory_space<vmem>>) target(%dma_start3A_131 : memref<10240x128xf32, #tpu.memory_space<vmem_shared>>) offsets(%dma_start3A_128 : memref<128xi32, #tpu.memory_space<vmem>>) semaphore(%run_scoped3A_126 : memref<!tpu.dma_semaphore, #tpu.memory_space<semaphore_mem>>) {add = true}
        %dma_wait3A = arith.constant 0 : i32
        %dma_wait3A_132 = tpu.memref_slice %arg8[%run_scoped3A_115, %dma_wait3A] : memref<8x128xi32, #tpu.memory_space<vmem>> -> memref<1x128xi32, #tpu.memory_space<vmem>>
        %dma_wait3A_133 = tpu.memref_squeeze %dma_wait3A_132 : memref<1x128xi32, #tpu.memory_space<vmem>> -> memref<128xi32, #tpu.memory_space<vmem>>
        %dma_wait3A_134 = arith.constant 0 : i32
        %dma_wait3A_135 = arith.constant 0 : i32
        %dma_wait3A_136 = tpu.memref_slice %arg12[%dma_wait3A_134, %dma_wait3A_135] : memref<10240x128xf32, #tpu.memory_space<vmem_shared>> -> memref<10240x128xf32, #tpu.memory_space<vmem_shared>>
        tpu.wait_indirect_dma semaphore(%run_scoped3A_126 : memref<!tpu.dma_semaphore, #tpu.memory_space<semaphore_mem>>) src(%arg10 : memref<128x128xf32, #tpu.memory_space<vmem>>) dst(%dma_wait3A_136 : memref<10240x128xf32, #tpu.memory_space<vmem_shared>>)
        tpu.yield
      }) : () -> ()
      %run_scoped3A_116 = arith.constant 7 : i32
      "tpu.region"() ({
        %run_scoped3A_126 = tpu.sem_alloc : memref<!tpu.dma_semaphore, #tpu.memory_space<semaphore_mem>>
        %dma_start3A = arith.constant 0 : i32
        %dma_start3A_127 = tpu.memref_slice %arg7[%run_scoped3A_116, %dma_start3A] : memref<8x128xi32, #tpu.memory_space<vmem>> -> memref<1x128xi32, #tpu.memory_space<vmem>>
        %dma_start3A_128 = tpu.memref_squeeze %dma_start3A_127 : memref<1x128xi32, #tpu.memory_space<vmem>> -> memref<128xi32, #tpu.memory_space<vmem>>
        %dma_start3A_129 = arith.constant 0 : i32
        %dma_start3A_130 = arith.constant 0 : i32
        %dma_start3A_131 = tpu.memref_slice %arg5[%dma_start3A_129, %dma_start3A_130] : memref<10000x128xf32, #tpu.memory_space<hbm>> -> memref<10000x128xf32, #tpu.memory_space<hbm>>
        tpu.enqueue_indirect_dma source(%dma_start3A_131 : memref<10000x128xf32, #tpu.memory_space<hbm>>) target(%arg10 : memref<128x128xf32, #tpu.memory_space<vmem>>) offsets(%dma_start3A_128 : memref<128xi32, #tpu.memory_space<vmem>>) semaphore(%run_scoped3A_126 : memref<!tpu.dma_semaphore, #tpu.memory_space<semaphore_mem>>)
        %dma_wait3A = arith.constant 0 : i32
        %dma_wait3A_132 = tpu.memref_slice %arg7[%run_scoped3A_116, %dma_wait3A] : memref<8x128xi32, #tpu.memory_space<vmem>> -> memref<1x128xi32, #tpu.memory_space<vmem>>
        %dma_wait3A_133 = tpu.memref_squeeze %dma_wait3A_132 : memref<1x128xi32, #tpu.memory_space<vmem>> -> memref<128xi32, #tpu.memory_space<vmem>>
        %dma_wait3A_134 = arith.constant 0 : i32
        %dma_wait3A_135 = arith.constant 0 : i32
        %dma_wait3A_136 = tpu.memref_slice %arg5[%dma_wait3A_134, %dma_wait3A_135] : memref<10000x128xf32, #tpu.memory_space<hbm>> -> memref<10000x128xf32, #tpu.memory_space<hbm>>
        tpu.wait_indirect_dma semaphore(%run_scoped3A_126 : memref<!tpu.dma_semaphore, #tpu.memory_space<semaphore_mem>>) src(%dma_wait3A_136 : memref<10000x128xf32, #tpu.memory_space<hbm>>) dst(%arg10 : memref<128x128xf32, #tpu.memory_space<vmem>>)
        tpu.yield
      }) : () -> ()
      %scan3A_117 = arith.constant 0 : i32
      %scan3A_118 = arith.constant 0 : i32
      %scan3A_119 = arith.constant 128 : i32
      %scan3A_120 = arith.addi %scan3A_118, %scan3A_119 : i32
      %scan3A_121 = arith.constant 1 : i32
      %scan3A_122 = scf.for %scan3A_126 = %scan3A_118 to %scan3A_120 step %scan3A_121 iter_args(%scan3A_127 = %scan3A_117) -> (i32)  : i32 {
        %add3A_128 = arith.constant 896 : i32
        %add3A_129 = arith.addi %add3A_128, %scan3A_126 : i32
        %broadcast_in_dim3A_130 = vector.broadcast %add3A_129 : i32 to vector<16xi32>
        %gather3A = tpu.vector_load_idx %arg9[%broadcast_in_dim3A_130] : memref<1024xf32, #tpu.memory_space<vmem>>[vector<16xi32>], vector<16xf32>,
        %get3A = arith.index_cast %scan3A_126 : i32 to index
        %get3A_131 = arith.constant 0 : index
        %get3A_132 = tpu.vector_load %arg10[%get3A, %get3A_131] {strides = array<i32>} : memref<128x128xf32, #tpu.memory_space<vmem>>, vector<16xf32>,
        %mul3A_133 = arith.mulf %get3A_132, %gather3A : vector<16xf32>
        %swap3A = arith.index_cast %scan3A_126 : i32 to index
        %swap3A_134 = arith.constant 0 : index
        %swap3A_135 = tpu.vector_load %arg10[%swap3A, %swap3A_134] {strides = array<i32>} : memref<128x128xf32, #tpu.memory_space<vmem>>, vector<16xf32>,
        tpu.vector_store %arg10[%swap3A, %swap3A_134], %mul3A_133 {strides = array<i32>} : memref<128x128xf32, #tpu.memory_space<vmem>>, vector<16xf32>,
        %get3A_136 = arith.index_cast %scan3A_126 : i32 to index
        %get3A_137 = arith.constant 16 : index
        %get3A_138 = tpu.vector_load %arg10[%get3A_136, %get3A_137] {strides = array<i32>} : memref<128x128xf32, #tpu.memory_space<vmem>>, vector<16xf32>,
        %mul3A_139 = arith.mulf %get3A_138, %gather3A : vector<16xf32>
        %swap3A_140 = arith.index_cast %scan3A_126 : i32 to index
        %swap3A_141 = arith.constant 16 : index
        %swap3A_142 = tpu.vector_load %arg10[%swap3A_140, %swap3A_141] {strides = array<i32>} : memref<128x128xf32, #tpu.memory_space<vmem>>, vector<16xf32>,
        tpu.vector_store %arg10[%swap3A_140, %swap3A_141], %mul3A_139 {strides = array<i32>} : memref<128x128xf32, #tpu.memory_space<vmem>>, vector<16xf32>,
        %get3A_143 = arith.index_cast %scan3A_126 : i32 to index
        %get3A_144 = arith.constant 32 : index
        %get3A_145 = tpu.vector_load %arg10[%get3A_143, %get3A_144] {strides = array<i32>} : memref<128x128xf32, #tpu.memory_space<vmem>>, vector<16xf32>,
        %mul3A_146 = arith.mulf %get3A_145, %gather3A : vector<16xf32>
        %swap3A_147 = arith.index_cast %scan3A_126 : i32 to index
        %swap3A_148 = arith.constant 32 : index
        %swap3A_149 = tpu.vector_load %arg10[%swap3A_147, %swap3A_148] {strides = array<i32>} : memref<128x128xf32, #tpu.memory_space<vmem>>, vector<16xf32>,
        tpu.vector_store %arg10[%swap3A_147, %swap3A_148], %mul3A_146 {strides = array<i32>} : memref<128x128xf32, #tpu.memory_space<vmem>>, vector<16xf32>,
        %get3A_150 = arith.index_cast %scan3A_126 : i32 to index
        %get3A_151 = arith.constant 48 : index
        %get3A_152 = tpu.vector_load %arg10[%get3A_150, %get3A_151] {strides = array<i32>} : memref<128x128xf32, #tpu.memory_space<vmem>>, vector<16xf32>,
        %mul3A_153 = arith.mulf %get3A_152, %gather3A : vector<16xf32>
        %swap3A_154 = arith.index_cast %scan3A_126 : i32 to index
        %swap3A_155 = arith.constant 48 : index
        %swap3A_156 = tpu.vector_load %arg10[%swap3A_154, %swap3A_155] {strides = array<i32>} : memref<128x128xf32, #tpu.memory_space<vmem>>, vector<16xf32>,
        tpu.vector_store %arg10[%swap3A_154, %swap3A_155], %mul3A_153 {strides = array<i32>} : memref<128x128xf32, #tpu.memory_space<vmem>>, vector<16xf32>,
        %get3A_157 = arith.index_cast %scan3A_126 : i32 to index
        %get3A_158 = arith.constant 64 : index
        %get3A_159 = tpu.vector_load %arg10[%get3A_157, %get3A_158] {strides = array<i32>} : memref<128x128xf32, #tpu.memory_space<vmem>>, vector<16xf32>,
        %mul3A_160 = arith.mulf %get3A_159, %gather3A : vector<16xf32>
        %swap3A_161 = arith.index_cast %scan3A_126 : i32 to index
        %swap3A_162 = arith.constant 64 : index
        %swap3A_163 = tpu.vector_load %arg10[%swap3A_161, %swap3A_162] {strides = array<i32>} : memref<128x128xf32, #tpu.memory_space<vmem>>, vector<16xf32>,
        tpu.vector_store %arg10[%swap3A_161, %swap3A_162], %mul3A_160 {strides = array<i32>} : memref<128x128xf32, #tpu.memory_space<vmem>>, vector<16xf32>,
        %get3A_164 = arith.index_cast %scan3A_126 : i32 to index
        %get3A_165 = arith.constant 80 : index
        %get3A_166 = tpu.vector_load %arg10[%get3A_164, %get3A_165] {strides = array<i32>} : memref<128x128xf32, #tpu.memory_space<vmem>>, vector<16xf32>,
        %mul3A_167 = arith.mulf %get3A_166, %gather3A : vector<16xf32>
        %swap3A_168 = arith.index_cast %scan3A_126 : i32 to index
        %swap3A_169 = arith.constant 80 : index
        %swap3A_170 = tpu.vector_load %arg10[%swap3A_168, %swap3A_169] {strides = array<i32>} : memref<128x128xf32, #tpu.memory_space<vmem>>, vector<16xf32>,
        tpu.vector_store %arg10[%swap3A_168, %swap3A_169], %mul3A_167 {strides = array<i32>} : memref<128x128xf32, #tpu.memory_space<vmem>>, vector<16xf32>,
        %get3A_171 = arith.index_cast %scan3A_126 : i32 to index
        %get3A_172 = arith.constant 96 : index
        %get3A_173 = tpu.vector_load %arg10[%get3A_171, %get3A_172] {strides = array<i32>} : memref<128x128xf32, #tpu.memory_space<vmem>>, vector<16xf32>,
        %mul3A_174 = arith.mulf %get3A_173, %gather3A : vector<16xf32>
        %swap3A_175 = arith.index_cast %scan3A_126 : i32 to index
        %swap3A_176 = arith.constant 96 : index
        %swap3A_177 = tpu.vector_load %arg10[%swap3A_175, %swap3A_176] {strides = array<i32>} : memref<128x128xf32, #tpu.memory_space<vmem>>, vector<16xf32>,
        tpu.vector_store %arg10[%swap3A_175, %swap3A_176], %mul3A_174 {strides = array<i32>} : memref<128x128xf32, #tpu.memory_space<vmem>>, vector<16xf32>,
        %get3A_178 = arith.index_cast %scan3A_126 : i32 to index
        %get3A_179 = arith.constant 112 : index
        %get3A_180 = tpu.vector_load %arg10[%get3A_178, %get3A_179] {strides = array<i32>} : memref<128x128xf32, #tpu.memory_space<vmem>>, vector<16xf32>,
        %mul3A_181 = arith.mulf %get3A_180, %gather3A : vector<16xf32>
        %swap3A_182 = arith.index_cast %scan3A_126 : i32 to index
        %swap3A_183 = arith.constant 112 : index
        %swap3A_184 = tpu.vector_load %arg10[%swap3A_182, %swap3A_183] {strides = array<i32>} : memref<128x128xf32, #tpu.memory_space<vmem>>, vector<16xf32>,
        tpu.vector_store %arg10[%swap3A_182, %swap3A_183], %mul3A_181 {strides = array<i32>} : memref<128x128xf32, #tpu.memory_space<vmem>>, vector<16xf32>,
        %scan3A_185 = arith.constant 0 : i32
        scf.yield %scan3A_185 : i32
      }
      %scan3A_123 = arith.constant 128 : i32
      %run_scoped3A_124 = arith.constant 7 : i32
      "tpu.region"() ({
        %run_scoped3A_126 = tpu.sem_alloc : memref<!tpu.dma_semaphore, #tpu.memory_space<semaphore_mem>>
        %dma_start3A = arith.constant 0 : i32
        %dma_start3A_127 = tpu.memref_slice %arg8[%run_scoped3A_124, %dma_start3A] : memref<8x128xi32, #tpu.memory_space<vmem>> -> memref<1x128xi32, #tpu.memory_space<vmem>>
        %dma_start3A_128 = tpu.memref_squeeze %dma_start3A_127 : memref<1x128xi32, #tpu.memory_space<vmem>> -> memref<128xi32, #tpu.memory_space<vmem>>
        %dma_start3A_129 = arith.constant 0 : i32
        %dma_start3A_130 = arith.constant 0 : i32
        %dma_start3A_131 = tpu.memref_slice %arg12[%dma_start3A_129, %dma_start3A_130] : memref<10240x128xf32, #tpu.memory_space<vmem_shared>> -> memref<10240x128xf32, #tpu.memory_space<vmem_shared>>
        tpu.enqueue_indirect_dma source(%arg10 : memref<128x128xf32, #tpu.memory_space<vmem>>) target(%dma_start3A_131 : memref<10240x128xf32, #tpu.memory_space<vmem_shared>>) offsets(%dma_start3A_128 : memref<128xi32, #tpu.memory_space<vmem>>) semaphore(%run_scoped3A_126 : memref<!tpu.dma_semaphore, #tpu.memory_space<semaphore_mem>>) {add = true}
        %dma_wait3A = arith.constant 0 : i32
        %dma_wait3A_132 = tpu.memref_slice %arg8[%run_scoped3A_124, %dma_wait3A] : memref<8x128xi32, #tpu.memory_space<vmem>> -> memref<1x128xi32, #tpu.memory_space<vmem>>
        %dma_wait3A_133 = tpu.memref_squeeze %dma_wait3A_132 : memref<1x128xi32, #tpu.memory_space<vmem>> -> memref<128xi32, #tpu.memory_space<vmem>>
        %dma_wait3A_134 = arith.constant 0 : i32
        %dma_wait3A_135 = arith.constant 0 : i32
        %dma_wait3A_136 = tpu.memref_slice %arg12[%dma_wait3A_134, %dma_wait3A_135] : memref<10240x128xf32, #tpu.memory_space<vmem_shared>> -> memref<10240x128xf32, #tpu.memory_space<vmem_shared>>
        tpu.wait_indirect_dma semaphore(%run_scoped3A_126 : memref<!tpu.dma_semaphore, #tpu.memory_space<semaphore_mem>>) src(%arg10 : memref<128x128xf32, #tpu.memory_space<vmem>>) dst(%dma_wait3A_136 : memref<10240x128xf32, #tpu.memory_space<vmem_shared>>)
        tpu.yield
      }) : () -> ()
      %scan3A_125 = arith.constant 0 : i32
      scf.yield %scan3A_125 : i32
    }
    %scan3A_23 = arith.constant 11 : i32
    %barrier3A_24 = arith.constant 0 : index
    tpu.barrier barrier_id(%barrier3A_24)
    %mul3A_25 = arith.constant 640 : i32
    %mul3A_26 = arith.muli %arg1, %mul3A_25 : i32
    %mul3A_27 = arith.constant 10240 : i32
    %mul3A_28 = arith.muli %arg0, %mul3A_27 : i32
    %add3A_29 = arith.addi %mul3A_28, %mul3A_26 : i32
    "tpu.region"() ({
      %run_scoped3A = tpu.sem_alloc : memref<!tpu.dma_semaphore, #tpu.memory_space<semaphore_mem>>
      %dma_start3A = arith.constant 0 : i32
      %dma_start3A_30 = tpu.memref_slice %arg6[%add3A_29, %dma_start3A] : memref<20480x128xf32, #tpu.memory_space<hbm>> -> memref<640x128xf32, #tpu.memory_space<hbm>>
      %dma_start3A_31 = arith.constant 0 : i32
      %dma_start3A_32 = tpu.memref_slice %arg12[%mul3A_26, %dma_start3A_31] : memref<10240x128xf32, #tpu.memory_space<vmem_shared>> -> memref<640x128xf32, #tpu.memory_space<vmem_shared>>
      tpu.enqueue_dma source(%dma_start3A_32 : memref<640x128xf32, #tpu.memory_space<vmem_shared>>) target(%dma_start3A_30 : memref<640x128xf32, #tpu.memory_space<hbm>>) target_semaphore(%run_scoped3A : memref<!tpu.dma_semaphore, #tpu.memory_space<semaphore_mem>>)
      %dma_wait3A = arith.constant 0 : i32
      %dma_wait3A_33 = tpu.memref_slice %arg6[%add3A_29, %dma_wait3A] : memref<20480x128xf32, #tpu.memory_space<hbm>> -> memref<640x128xf32, #tpu.memory_space<hbm>>
      %dma_wait3A_34 = arith.constant 0 : i32
      %dma_wait3A_35 = tpu.memref_slice %arg12[%mul3A_26, %dma_wait3A_34] : memref<10240x128xf32, #tpu.memory_space<vmem_shared>> -> memref<640x128xf32, #tpu.memory_space<vmem_shared>>
      tpu.wait_dma2 semaphore(%run_scoped3A : memref<!tpu.dma_semaphore, #tpu.memory_space<semaphore_mem>>) src(%dma_wait3A_35 : memref<640x128xf32, #tpu.memory_space<vmem_shared>>) dst(%dma_wait3A_33 : memref<640x128xf32, #tpu.memory_space<hbm>>)
      tpu.yield
    }) : () -> ()
    return
  }
}

module attributes {stable_mosaic.version = 14 : i64} {
  func.func @_tc_in_matmul(%arg0: i32, %arg1: memref<1000x128xf32, #tpu.memory_space<vmem>>, %arg2: memref<128x128xf32, #tpu.memory_space<vmem>>, %arg3: memref<128x8xf32, #tpu.memory_space<vmem>>, %arg4: memref<1000x128xf32, #tpu.memory_space<vmem>>, %arg5: memref<1000x8xf32, #tpu.memory_space<vmem>>) attributes {dimension_semantics = [#tpu.dimension_semantics<arbitrary>], iteration_bounds = array<i64: 10>, scalar_prefetch = 0 : i64, scratch_operands = 0 : i64, tpu.core_type = #tpu.core_type<tc>, window_params = [{transform_indices = @transform_0, window_bounds = array<i64: 1000, 128>}, {pipeline_mode = #tpu.pipeline_mode<synchronous>, transform_indices = @transform_1, window_bounds = array<i64: 128, 128>}, {pipeline_mode = #tpu.pipeline_mode<synchronous>, transform_indices = @transform_2, window_bounds = array<i64: 128, 8>}, {transform_indices = @transform_3, window_bounds = array<i64: 1000, 128>}, {transform_indices = @transform_4, window_bounds = array<i64: 1000, 8>}]} {
    %get3A = arith.constant 0 : index
    %get3A_0 = arith.constant 0 : index
    %get3A_1 = vector.load %arg1[%get3A, %get3A_0] : memref<1000x128xf32, #tpu.memory_space<vmem>>, vector<1000x128xf32>
    %get3A_2 = arith.constant 0 : index
    %get3A_3 = arith.constant 0 : index
    %get3A_4 = vector.load %arg2[%get3A_2, %get3A_3] : memref<128x128xf32, #tpu.memory_space<vmem>>, vector<128x128xf32>
    %dot_general3A = arith.constant dense<0.000000e+00> : vector<1000x128xf32>
    %dot_general3A_5 = tpu.matmul %get3A_1, %get3A_4, %dot_general3A {dimension_numbers = #tpu.dot_dimension_numbers<[1], [0], [0], [1], [0, 0, 1, 1], [], []>, transpose_lhs_hint = false} : vector<1000x128xf32>, vector<128x128xf32>, vector<1000x128xf32> -> vector<1000x128xf32>
    %swap3A = arith.constant 0 : index
    %swap3A_6 = arith.constant 0 : index
    %swap3A_7 = vector.load %arg4[%swap3A, %swap3A_6] : memref<1000x128xf32, #tpu.memory_space<vmem>>, vector<1000x128xf32>
    tpu.vector_store %arg4[%swap3A, %swap3A_6], %dot_general3A_5 {strides = array<i32>} : memref<1000x128xf32, #tpu.memory_space<vmem>>, vector<1000x128xf32>,
    %get3A_8 = arith.constant 0 : index
    %get3A_9 = arith.constant 0 : index
    %get3A_10 = vector.load %arg3[%get3A_8, %get3A_9] : memref<128x8xf32, #tpu.memory_space<vmem>>, vector<128x8xf32>
    %dot_general3A_11 = arith.constant dense<0.000000e+00> : vector<1000x8xf32>
    %dot_general3A_12 = tpu.matmul %dot_general3A_5, %get3A_10, %dot_general3A_11 {dimension_numbers = #tpu.dot_dimension_numbers<[1], [0], [0], [1], [0, 0, 1, 1], [], []>, transpose_lhs_hint = false} : vector<1000x128xf32>, vector<128x8xf32>, vector<1000x8xf32> -> vector<1000x8xf32>
    %swap3A_13 = arith.constant 0 : index
    %swap3A_14 = arith.constant 0 : index
    %swap3A_15 = vector.load %arg5[%swap3A_13, %swap3A_14] : memref<1000x8xf32, #tpu.memory_space<vmem>>, vector<1000x8xf32>
    tpu.vector_store %arg5[%swap3A_13, %swap3A_14], %dot_general3A_12 {strides = array<i32>} : memref<1000x8xf32, #tpu.memory_space<vmem>>, vector<1000x8xf32>,
    return
  }
  func.func @transform_0(%arg0: i32) -> (i32, i32) {
    %c0_i32 = arith.constant 0 : i32
    %c0_i32_0 = arith.constant 0 : i32
    return %arg0, %c0_i32 : i32, i32
  }
  func.func @transform_1(%arg0: i32) -> (i32, i32) {
    %c0_i32 = arith.constant 0 : i32
    %c0_i32_0 = arith.constant 0 : i32
    %c0_i32_1 = arith.constant 0 : i32
    return %c0_i32, %c0_i32_0 : i32, i32
  }
  func.func @transform_2(%arg0: i32) -> (i32, i32) {
    %c0_i32 = arith.constant 0 : i32
    %c0_i32_0 = arith.constant 0 : i32
    %c0_i32_1 = arith.constant 0 : i32
    return %c0_i32, %c0_i32_0 : i32, i32
  }
  func.func @transform_3(%arg0: i32) -> (i32, i32) {
    %c0_i32 = arith.constant 0 : i32
    %c0_i32_0 = arith.constant 0 : i32
    return %arg0, %c0_i32 : i32, i32
  }
  func.func @transform_4(%arg0: i32) -> (i32, i32) {
    %c0_i32 = arith.constant 0 : i32
    %c0_i32_0 = arith.constant 0 : i32
    return %arg0, %c0_i32 : i32, i32
  }
}

module attributes {stable_mosaic.version = 14 : i64} {
  func.func @_tc_mid(%arg0: i32, %arg1: memref<2x1000x128xf32, #tpu.memory_space<vmem>>, %arg2: memref<2x1000x16xf32, #tpu.memory_space<vmem>>, %arg3: memref<16x128xf32, #tpu.memory_space<vmem>>, %arg4: memref<1x128xf32, #tpu.memory_space<vmem>>, %arg5: memref<128x128xf32, #tpu.memory_space<vmem>>, %arg6: memref<128x8xf32, #tpu.memory_space<vmem>>, %arg7: memref<1000x128xf32, #tpu.memory_space<vmem>>, %arg8: memref<1000x8xf32, #tpu.memory_space<vmem>>) attributes {dimension_semantics = [#tpu.dimension_semantics<arbitrary>], iteration_bounds = array<i64: 10>, scalar_prefetch = 0 : i64, scratch_operands = 0 : i64, tpu.core_type = #tpu.core_type<tc>, window_params = [{transform_indices = @transform_0, window_bounds = array<i64: 2, 1000, 128>}, {transform_indices = @transform_1, window_bounds = array<i64: 2, 1000, 16>}, {pipeline_mode = #tpu.pipeline_mode<synchronous>, transform_indices = @transform_2, window_bounds = array<i64: 16, 128>}, {pipeline_mode = #tpu.pipeline_mode<synchronous>, transform_indices = @transform_3, window_bounds = array<i64: 1, 128>}, {pipeline_mode = #tpu.pipeline_mode<synchronous>, transform_indices = @transform_4, window_bounds = array<i64: 128, 128>}, {pipeline_mode = #tpu.pipeline_mode<synchronous>, transform_indices = @transform_5, window_bounds = array<i64: 128, 8>}, {transform_indices = @transform_6, window_bounds = array<i64: 1000, 128>}, {transform_indices = @transform_7, window_bounds = array<i64: 1000, 8>}]} {
    %get3A = arith.constant 0 : index
    %get3A_0 = arith.constant 0 : index
    %get3A_1 = arith.constant 0 : index
    %get3A_2 = vector.load %arg1[%get3A, %get3A_0, %get3A_1] : memref<2x1000x128xf32, #tpu.memory_space<vmem>>, vector<1x1000x128xf32>
    %get3A_3 = vector.shape_cast %get3A_2 : vector<1x1000x128xf32> to vector<1000x128xf32>
    %get3A_4 = arith.constant 1 : index
    %get3A_5 = arith.constant 0 : index
    %get3A_6 = arith.constant 0 : index
    %get3A_7 = vector.load %arg1[%get3A_4, %get3A_5, %get3A_6] : memref<2x1000x128xf32, #tpu.memory_space<vmem>>, vector<1x1000x128xf32>
    %get3A_8 = vector.shape_cast %get3A_7 : vector<1x1000x128xf32> to vector<1000x128xf32>
    %add3A = arith.addf %get3A_3, %get3A_8 : vector<1000x128xf32>
    %get3A_9 = arith.constant 0 : index
    %get3A_10 = arith.constant 0 : index
    %get3A_11 = arith.constant 0 : index
    %get3A_12 = vector.load %arg2[%get3A_9, %get3A_10, %get3A_11] : memref<2x1000x16xf32, #tpu.memory_space<vmem>>, vector<1x1000x16xf32>
    %get3A_13 = vector.shape_cast %get3A_12 : vector<1x1000x16xf32> to vector<1000x16xf32>
    %get3A_14 = arith.constant 1 : index
    %get3A_15 = arith.constant 0 : index
    %get3A_16 = arith.constant 0 : index
    %get3A_17 = vector.load %arg2[%get3A_14, %get3A_15, %get3A_16] : memref<2x1000x16xf32, #tpu.memory_space<vmem>>, vector<1x1000x16xf32>
    %get3A_18 = vector.shape_cast %get3A_17 : vector<1x1000x16xf32> to vector<1000x16xf32>
    %add3A_19 = arith.addf %get3A_13, %get3A_18 : vector<1000x16xf32>
    %get3A_20 = arith.constant 0 : index
    %get3A_21 = arith.constant 0 : index
    %get3A_22 = vector.load %arg3[%get3A_20, %get3A_21] : memref<16x128xf32, #tpu.memory_space<vmem>>, vector<16x128xf32>
    %dot_general3A = arith.constant dense<0.000000e+00> : vector<1000x128xf32>
    %dot_general3A_23 = tpu.matmul %add3A_19, %get3A_22, %dot_general3A {dimension_numbers = #tpu.dot_dimension_numbers<[1], [0], [0], [1], [0, 0, 1, 1], [], []>, transpose_lhs_hint = false} : vector<1000x16xf32>, vector<16x128xf32>, vector<1000x128xf32> -> vector<1000x128xf32>
    %add3A_24 = arith.constant 1.000000e-16 : f32
    %add3A_25 = vector.broadcast %add3A_24 : f32 to vector<1000x128xf32>
    %add3A_26 = arith.addf %dot_general3A_23, %add3A_25 : vector<1000x128xf32>
    %div3A = arith.divf %add3A, %add3A_26 : vector<1000x128xf32>
    %get3A_27 = arith.constant 0 : index
    %get3A_28 = arith.constant 0 : index
    %get3A_29 = vector.load %arg4[%get3A_27, %get3A_28] : memref<1x128xf32, #tpu.memory_space<vmem>>, vector<1x128xf32>
    %add3A_30 = vector.broadcast %get3A_29 : vector<1x128xf32> to vector<1000x128xf32>
    %add3A_31 = arith.addf %div3A, %add3A_30 : vector<1000x128xf32>
    %max3A = arith.constant 0.000000e+00 : f32
    %max3A_32 = vector.broadcast %max3A : f32 to vector<1000x128xf32>
    %max3A_33 = arith.maximumf %add3A_31, %max3A_32 : vector<1000x128xf32>
    %get3A_34 = arith.constant 0 : index
    %get3A_35 = arith.constant 0 : index
    %get3A_36 = vector.load %arg5[%get3A_34, %get3A_35] : memref<128x128xf32, #tpu.memory_space<vmem>>, vector<128x128xf32>
    %dot_general3A_37 = arith.constant dense<0.000000e+00> : vector<1000x128xf32>
    %dot_general3A_38 = tpu.matmul %max3A_33, %get3A_36, %dot_general3A_37 {dimension_numbers = #tpu.dot_dimension_numbers<[1], [0], [0], [1], [0, 0, 1, 1], [], []>, transpose_lhs_hint = false} : vector<1000x128xf32>, vector<128x128xf32>, vector<1000x128xf32> -> vector<1000x128xf32>
    %swap3A = arith.constant 0 : index
    %swap3A_39 = arith.constant 0 : index
    %swap3A_40 = vector.load %arg7[%swap3A, %swap3A_39] : memref<1000x128xf32, #tpu.memory_space<vmem>>, vector<1000x128xf32>
    tpu.vector_store %arg7[%swap3A, %swap3A_39], %dot_general3A_38 {strides = array<i32>} : memref<1000x128xf32, #tpu.memory_space<vmem>>, vector<1000x128xf32>,
    %get3A_41 = arith.constant 0 : index
    %get3A_42 = arith.constant 0 : index
    %get3A_43 = vector.load %arg6[%get3A_41, %get3A_42] : memref<128x8xf32, #tpu.memory_space<vmem>>, vector<128x8xf32>
    %dot_general3A_44 = arith.constant dense<0.000000e+00> : vector<1000x8xf32>
    %dot_general3A_45 = tpu.matmul %dot_general3A_38, %get3A_43, %dot_general3A_44 {dimension_numbers = #tpu.dot_dimension_numbers<[1], [0], [0], [1], [0, 0, 1, 1], [], []>, transpose_lhs_hint = false} : vector<1000x128xf32>, vector<128x8xf32>, vector<1000x8xf32> -> vector<1000x8xf32>
    %swap3A_46 = arith.constant 0 : index
    %swap3A_47 = arith.constant 0 : index
    %swap3A_48 = vector.load %arg8[%swap3A_46, %swap3A_47] : memref<1000x8xf32, #tpu.memory_space<vmem>>, vector<1000x8xf32>
    tpu.vector_store %arg8[%swap3A_46, %swap3A_47], %dot_general3A_45 {strides = array<i32>} : memref<1000x8xf32, #tpu.memory_space<vmem>>, vector<1000x8xf32>,
    return
  }
  func.func @transform_0(%arg0: i32) -> (i32, i32, i32) {
    %c0_i32 = arith.constant 0 : i32
    %c0_i32_0 = arith.constant 0 : i32
    %c0_i32_1 = arith.constant 0 : i32
    return %c0_i32, %arg0, %c0_i32_0 : i32, i32, i32
  }
  func.func @transform_1(%arg0: i32) -> (i32, i32, i32) {
    %c0_i32 = arith.constant 0 : i32
    %c0_i32_0 = arith.constant 0 : i32
    %c0_i32_1 = arith.constant 0 : i32
    return %c0_i32, %arg0, %c0_i32_0 : i32, i32, i32
  }
  func.func @transform_2(%arg0: i32) -> (i32, i32) {
    %c0_i32 = arith.constant 0 : i32
    %c0_i32_0 = arith.constant 0 : i32
    %c0_i32_1 = arith.constant 0 : i32
    return %c0_i32, %c0_i32_0 : i32, i32
  }
  func.func @transform_3(%arg0: i32) -> (i32, i32) {
    %c0_i32 = arith.constant 0 : i32
    %c0_i32_0 = arith.constant 0 : i32
    %c0_i32_1 = arith.constant 0 : i32
    return %c0_i32, %c0_i32_0 : i32, i32
  }
  func.func @transform_4(%arg0: i32) -> (i32, i32) {
    %c0_i32 = arith.constant 0 : i32
    %c0_i32_0 = arith.constant 0 : i32
    %c0_i32_1 = arith.constant 0 : i32
    return %c0_i32, %c0_i32_0 : i32, i32
  }
  func.func @transform_5(%arg0: i32) -> (i32, i32) {
    %c0_i32 = arith.constant 0 : i32
    %c0_i32_0 = arith.constant 0 : i32
    %c0_i32_1 = arith.constant 0 : i32
    return %c0_i32, %c0_i32_0 : i32, i32
  }
  func.func @transform_6(%arg0: i32) -> (i32, i32) {
    %c0_i32 = arith.constant 0 : i32
    %c0_i32_0 = arith.constant 0 : i32
    return %arg0, %c0_i32 : i32, i32
  }
  func.func @transform_7(%arg0: i32) -> (i32, i32) {
    %c0_i32 = arith.constant 0 : i32
    %c0_i32_0 = arith.constant 0 : i32
    return %arg0, %c0_i32 : i32, i32
  }
}

module attributes {stable_mosaic.version = 14 : i64} {
  func.func @_tc_final(%arg0: i32, %arg1: memref<2x1000x128xf32, #tpu.memory_space<vmem>>, %arg2: memref<2x1000x16xf32, #tpu.memory_space<vmem>>, %arg3: memref<16x128xf32, #tpu.memory_space<vmem>>, %arg4: memref<1x128xf32, #tpu.memory_space<vmem>>, %arg5: memref<128x128xf32, #tpu.memory_space<vmem>>, %arg6: memref<1x128xf32, #tpu.memory_space<vmem>>, %arg7: memref<1000x128xf32, #tpu.memory_space<vmem>>, %arg8: memref<128x128xf32, #tpu.memory_space<vmem>>, %arg9: memref<1x128xf32, #tpu.memory_space<vmem>>, %arg10: memref<1000x128xf32, #tpu.memory_space<vmem>>, %arg11: memref<1000x128xf32, #tpu.memory_space<vmem>>) attributes {dimension_semantics = [#tpu.dimension_semantics<arbitrary>], iteration_bounds = array<i64: 10>, scalar_prefetch = 0 : i64, scratch_operands = 0 : i64, tpu.core_type = #tpu.core_type<tc>, window_params = [{transform_indices = @transform_0, window_bounds = array<i64: 2, 1000, 128>}, {transform_indices = @transform_1, window_bounds = array<i64: 2, 1000, 16>}, {pipeline_mode = #tpu.pipeline_mode<synchronous>, transform_indices = @transform_2, window_bounds = array<i64: 16, 128>}, {pipeline_mode = #tpu.pipeline_mode<synchronous>, transform_indices = @transform_3, window_bounds = array<i64: 1, 128>}, {pipeline_mode = #tpu.pipeline_mode<synchronous>, transform_indices = @transform_4, window_bounds = array<i64: 128, 128>}, {pipeline_mode = #tpu.pipeline_mode<synchronous>, transform_indices = @transform_5, window_bounds = array<i64: 1, 128>}, {transform_indices = @transform_6, window_bounds = array<i64: 1000, 128>}, {pipeline_mode = #tpu.pipeline_mode<synchronous>, transform_indices = @transform_7, window_bounds = array<i64: 128, 128>}, {pipeline_mode = #tpu.pipeline_mode<synchronous>, transform_indices = @transform_8, window_bounds = array<i64: 1, 128>}, {transform_indices = @transform_9, window_bounds = array<i64: 1000, 128>}, {transform_indices = @transform_10, window_bounds = array<i64: 1000, 128>}]} {
    %get3A = arith.constant 0 : index
    %get3A_0 = arith.constant 0 : index
    %get3A_1 = arith.constant 0 : index
    %get3A_2 = vector.load %arg1[%get3A, %get3A_0, %get3A_1] : memref<2x1000x128xf32, #tpu.memory_space<vmem>>, vector<1x1000x128xf32>
    %get3A_3 = vector.shape_cast %get3A_2 : vector<1x1000x128xf32> to vector<1000x128xf32>
    %get3A_4 = arith.constant 1 : index
    %get3A_5 = arith.constant 0 : index
    %get3A_6 = arith.constant 0 : index
    %get3A_7 = vector.load %arg1[%get3A_4, %get3A_5, %get3A_6] : memref<2x1000x128xf32, #tpu.memory_space<vmem>>, vector<1x1000x128xf32>
    %get3A_8 = vector.shape_cast %get3A_7 : vector<1x1000x128xf32> to vector<1000x128xf32>
    %add3A = arith.addf %get3A_3, %get3A_8 : vector<1000x128xf32>
    %get3A_9 = arith.constant 0 : index
    %get3A_10 = arith.constant 0 : index
    %get3A_11 = arith.constant 0 : index
    %get3A_12 = vector.load %arg2[%get3A_9, %get3A_10, %get3A_11] : memref<2x1000x16xf32, #tpu.memory_space<vmem>>, vector<1x1000x16xf32>
    %get3A_13 = vector.shape_cast %get3A_12 : vector<1x1000x16xf32> to vector<1000x16xf32>
    %get3A_14 = arith.constant 1 : index
    %get3A_15 = arith.constant 0 : index
    %get3A_16 = arith.constant 0 : index
    %get3A_17 = vector.load %arg2[%get3A_14, %get3A_15, %get3A_16] : memref<2x1000x16xf32, #tpu.memory_space<vmem>>, vector<1x1000x16xf32>
    %get3A_18 = vector.shape_cast %get3A_17 : vector<1x1000x16xf32> to vector<1000x16xf32>
    %add3A_19 = arith.addf %get3A_13, %get3A_18 : vector<1000x16xf32>
    %get3A_20 = arith.constant 0 : index
    %get3A_21 = arith.constant 0 : index
    %get3A_22 = vector.load %arg3[%get3A_20, %get3A_21] : memref<16x128xf32, #tpu.memory_space<vmem>>, vector<16x128xf32>
    %dot_general3A = arith.constant dense<0.000000e+00> : vector<1000x128xf32>
    %dot_general3A_23 = tpu.matmul %add3A_19, %get3A_22, %dot_general3A {dimension_numbers = #tpu.dot_dimension_numbers<[1], [0], [0], [1], [0, 0, 1, 1], [], []>, transpose_lhs_hint = false} : vector<1000x16xf32>, vector<16x128xf32>, vector<1000x128xf32> -> vector<1000x128xf32>
    %add3A_24 = arith.constant 1.000000e-16 : f32
    %add3A_25 = vector.broadcast %add3A_24 : f32 to vector<1000x128xf32>
    %add3A_26 = arith.addf %dot_general3A_23, %add3A_25 : vector<1000x128xf32>
    %div3A = arith.divf %add3A, %add3A_26 : vector<1000x128xf32>
    %get3A_27 = arith.constant 0 : index
    %get3A_28 = arith.constant 0 : index
    %get3A_29 = vector.load %arg4[%get3A_27, %get3A_28] : memref<1x128xf32, #tpu.memory_space<vmem>>, vector<1x128xf32>
    %add3A_30 = vector.broadcast %get3A_29 : vector<1x128xf32> to vector<1000x128xf32>
    %add3A_31 = arith.addf %div3A, %add3A_30 : vector<1000x128xf32>
    %max3A = arith.constant 0.000000e+00 : f32
    %max3A_32 = vector.broadcast %max3A : f32 to vector<1000x128xf32>
    %max3A_33 = arith.maximumf %add3A_31, %max3A_32 : vector<1000x128xf32>
    %get3A_34 = arith.constant 0 : index
    %get3A_35 = arith.constant 0 : index
    %get3A_36 = vector.load %arg5[%get3A_34, %get3A_35] : memref<128x128xf32, #tpu.memory_space<vmem>>, vector<128x128xf32>
    %dot_general3A_37 = arith.constant dense<0.000000e+00> : vector<1000x128xf32>
    %dot_general3A_38 = tpu.matmul %max3A_33, %get3A_36, %dot_general3A_37 {dimension_numbers = #tpu.dot_dimension_numbers<[1], [0], [0], [1], [0, 0, 1, 1], [], []>, transpose_lhs_hint = false} : vector<1000x128xf32>, vector<128x128xf32>, vector<1000x128xf32> -> vector<1000x128xf32>
    %get3A_39 = arith.constant 0 : index
    %get3A_40 = arith.constant 0 : index
    %get3A_41 = vector.load %arg6[%get3A_39, %get3A_40] : memref<1x128xf32, #tpu.memory_space<vmem>>, vector<1x128xf32>
    %add3A_42 = vector.broadcast %get3A_41 : vector<1x128xf32> to vector<1000x128xf32>
    %add3A_43 = arith.addf %dot_general3A_38, %add3A_42 : vector<1000x128xf32>
    %swap3A = arith.constant 0 : index
    %swap3A_44 = arith.constant 0 : index
    %swap3A_45 = vector.load %arg10[%swap3A, %swap3A_44] : memref<1000x128xf32, #tpu.memory_space<vmem>>, vector<1000x128xf32>
    tpu.vector_store %arg10[%swap3A, %swap3A_44], %add3A_43 {strides = array<i32>} : memref<1000x128xf32, #tpu.memory_space<vmem>>, vector<1000x128xf32>,
    %get3A_46 = arith.constant 0 : index
    %get3A_47 = arith.constant 0 : index
    %get3A_48 = vector.load %arg7[%get3A_46, %get3A_47] : memref<1000x128xf32, #tpu.memory_space<vmem>>, vector<1000x128xf32>
    %get3A_49 = arith.constant 0 : index
    %get3A_50 = arith.constant 0 : index
    %get3A_51 = vector.load %arg8[%get3A_49, %get3A_50] : memref<128x128xf32, #tpu.memory_space<vmem>>, vector<128x128xf32>
    %dot_general3A_52 = arith.constant dense<0.000000e+00> : vector<1000x128xf32>
    %dot_general3A_53 = tpu.matmul %get3A_48, %get3A_51, %dot_general3A_52 {dimension_numbers = #tpu.dot_dimension_numbers<[1], [0], [0], [1], [0, 0, 1, 1], [], []>, transpose_lhs_hint = false} : vector<1000x128xf32>, vector<128x128xf32>, vector<1000x128xf32> -> vector<1000x128xf32>
    %get3A_54 = arith.constant 0 : index
    %get3A_55 = arith.constant 0 : index
    %get3A_56 = vector.load %arg9[%get3A_54, %get3A_55] : memref<1x128xf32, #tpu.memory_space<vmem>>, vector<1x128xf32>
    %add3A_57 = vector.broadcast %get3A_56 : vector<1x128xf32> to vector<1000x128xf32>
    %add3A_58 = arith.addf %dot_general3A_53, %add3A_57 : vector<1000x128xf32>
    %swap3A_59 = arith.constant 0 : index
    %swap3A_60 = arith.constant 0 : index
    %swap3A_61 = vector.load %arg11[%swap3A_59, %swap3A_60] : memref<1000x128xf32, #tpu.memory_space<vmem>>, vector<1000x128xf32>
    tpu.vector_store %arg11[%swap3A_59, %swap3A_60], %add3A_58 {strides = array<i32>} : memref<1000x128xf32, #tpu.memory_space<vmem>>, vector<1000x128xf32>,
    return
  }
  func.func @transform_0(%arg0: i32) -> (i32, i32, i32) {
    %c0_i32 = arith.constant 0 : i32
    %c0_i32_0 = arith.constant 0 : i32
    %c0_i32_1 = arith.constant 0 : i32
    return %c0_i32, %arg0, %c0_i32_0 : i32, i32, i32
  }
  func.func @transform_1(%arg0: i32) -> (i32, i32, i32) {
    %c0_i32 = arith.constant 0 : i32
    %c0_i32_0 = arith.constant 0 : i32
    %c0_i32_1 = arith.constant 0 : i32
    return %c0_i32, %arg0, %c0_i32_0 : i32, i32, i32
  }
  func.func @transform_2(%arg0: i32) -> (i32, i32) {
    %c0_i32 = arith.constant 0 : i32
    %c0_i32_0 = arith.constant 0 : i32
    %c0_i32_1 = arith.constant 0 : i32
    return %c0_i32, %c0_i32_0 : i32, i32
  }
  func.func @transform_3(%arg0: i32) -> (i32, i32) {
    %c0_i32 = arith.constant 0 : i32
    %c0_i32_0 = arith.constant 0 : i32
    %c0_i32_1 = arith.constant 0 : i32
    return %c0_i32, %c0_i32_0 : i32, i32
  }
  func.func @transform_4(%arg0: i32) -> (i32, i32) {
    %c0_i32 = arith.constant 0 : i32
    %c0_i32_0 = arith.constant 0 : i32
    %c0_i32_1 = arith.constant 0 : i32
    return %c0_i32, %c0_i32_0 : i32, i32
  }
  func.func @transform_5(%arg0: i32) -> (i32, i32) {
    %c0_i32 = arith.constant 0 : i32
    %c0_i32_0 = arith.constant 0 : i32
    %c0_i32_1 = arith.constant 0 : i32
    return %c0_i32, %c0_i32_0 : i32, i32
  }
  func.func @transform_6(%arg0: i32) -> (i32, i32) {
    %c0_i32 = arith.constant 0 : i32
    %c0_i32_0 = arith.constant 0 : i32
    return %arg0, %c0_i32 : i32, i32
  }
  func.func @transform_7(%arg0: i32) -> (i32, i32) {
    %c0_i32 = arith.constant 0 : i32
    %c0_i32_0 = arith.constant 0 : i32
    %c0_i32_1 = arith.constant 0 : i32
    return %c0_i32, %c0_i32_0 : i32, i32
  }
  func.func @transform_8(%arg0: i32) -> (i32, i32) {
    %c0_i32 = arith.constant 0 : i32
    %c0_i32_0 = arith.constant 0 : i32
    %c0_i32_1 = arith.constant 0 : i32
    return %c0_i32, %c0_i32_0 : i32, i32
  }
  func.func @transform_9(%arg0: i32) -> (i32, i32) {
    %c0_i32 = arith.constant 0 : i32
    %c0_i32_0 = arith.constant 0 : i32
    return %arg0, %c0_i32 : i32, i32
  }
  func.func @transform_10(%arg0: i32) -> (i32, i32) {
    %c0_i32 = arith.constant 0 : i32
    %c0_i32_0 = arith.constant 0 : i32
    return %arg0, %c0_i32 : i32, i32
  }
}

</mosaic_0001>

<sc_bundles>
// kernel: kernel.12.cloned.1.call-start
scs
__scs_entry_jumppad:
0x0: {  	(pc) =	sbr.rel $0x88, $3  }
0x1: {  	(tag) =	ssettag $0x0;
	lr =	simm.s32 $0x1  }
0x2: {  	[smem:$0x3F93] =	sst lr;
	_ =	strace $0xD0000000  }
0x3: {  	_ = 	snop  }
0x4: {  	_ = 	snop  }
0x5: {  	_ = 	snop  }
0x6: {  	_ = 	snop  }
0x7: {  	_ = 	snop  }
__scs_overlays_trampoline_lowered:
0x8: {  	[smem:$0x3FA2] =	sst s0  }
0x9: {  	[smem:$0x3FA3] =	sst s1  }
0xa: {  	[smem:$0x3FA4] =	sst s2  }
0xb: {  	[smem:$0x3FA5] =	sst s3  }
0xc: {  	[smem:$0x3FA6] =	sst s4  }
0xd: {  	[smem:$0x3FA7] =	sst s5  }
0xe: {  	[smem:$0x3FA8] =	sst s6  }
0xf: {  	[smem:$0x3FA9] =	sst s7  }
0x10: {  	[smem:$0x3FAA] =	sst s8  }
0x11: {  	[smem:$0x3FAB] =	sst s9;
	s0 =	simm.s32 @!p0 $0x0  }
0x12: {  	s1 =	sld [smem:$0x3F91];
	s0 =	simm.s32 @p0 $0x1  }
0x13: {  	[smem:$0x3FAC] =	sst s0;
	s0 =	simm.s32 @!p1 $0x0  }
0x14: {  	s2 =	sld [smem:$0x3F90];
	s0 =	simm.s32 @p1 $0x1  }
0x15: {  	[smem:$0x3FAD] =	sst s0;
	s0 =	simm.s32 @!p2 $0x0  }
0x16: {  	s3 =	sld [smem:$0x3FDB];
	s0 =	simm.s32 @p2 $0x1  }
0x17: {  	s4 =	simm.s32 $0x1BF5;
	[smem:$0x3FAF] =	sst s0  }
0x18: {  	s0 =	sld [smem:$0x3F92];
	_ =	swait.ge [sflag:s4], $0x0  }
0x19: {  	s7 =	sld [smem:$0x3F93]  }
0x1a: {  	s8 =	sadd.s32 $0xFFFFE003, lr  }
0x1b: {  	s9 =	sadd.s32 $0xFFFFFEF7, lr;
	s5 =	simm.s32 $0xFFFFFFFF;
	p2 =	slt.u32 s8, $0xFFFFF086  }
0x1c: {  	p1 =	slt.u32 s9, $0xF7A;
	s5 =	simm.s32 @!p2 $0x0  }
0x1d: {  	s5 =	simm.s32 @p1 $0x1;
	p0 =	seq.s32 s7, s2  }
0x1e: {  	s7 =	smul.u32 @!p0 $0xF7A, s2;
	p2 =	seq.s32 @!p0 s5, $0x0  }
0x1f: {  	s9 =	smul.u32 $0xF7A, s1;
	s8 =	simm.s32 @!p0 $0x1BF5;
	p2 =	por !p2, p0  }
0x20: {  	[sflag:s8] =	ssyncset.s32 @!p0 $0xFFFFF086;
	s6 =	sadd.s32 @!p0 s3, s7;
	s7 =	simm.s32 @!p0 $0x108  }
0x21: {  	s3 =	sadd.s32 s3, s9;
	s6 =	sadd.s32 @!p0 $0x88, s6;
	s7 =	simm.s32 @p2 $0x1082  }
0x22: {  	[simem:s7], [sflag:s8] =	dma.local @!p0 [hbm:s6], $0xF7A  }
0x23: {  	s9 =	sor.u32 $0xD0000000, s2;
	s6 =	simm.s32 $0x108;
	_ =	swait.ge @!p0 [sflag:s8], $0x0  }
0x24: {  	s3 =	sadd.s32 $0x88, s3;
	s6 =	simm.s32 @!p1 $0x1082;
	[sflag:s4] =	ssyncset.s32 $0xFFFFF086  }
0x25: {  	[simem:s6], [sflag:s4] =	dma.local [hbm:s3], $0xF7A  }
0x26: {  	[smem:$0x3F93] =	sst s1;
	(tag) =	ssettag s2;
	_ =	strace s9  }
0x27: {  	s1 =	sld [smem:$0x3FA3]  }
0x28: {  	s2 =	sld [smem:$0x3FA4]  }
0x29: {  	s4 =	sld [smem:$0x3FA6]  }
0x2a: {  	p0 =	seq.s32 s5, $0x0;
	s5 =	sld [smem:$0x3FA7]  }
0x2b: {  	s6 =	sld [smem:$0x3FA8]  }
0x2c: {  	s7 =	sld [smem:$0x3FA9]  }
0x2d: {  	s3 =	simm.s32 $0x108;
	s8 =	sld [smem:$0x3FAA]  }
0x2e: {  	s3 =	simm.s32 @!p0 $0x1082;
	s9 =	sld [smem:$0x3FAB]  }
0x2f: {  	lr =	sadd.s32 s0, s3;
	s0 =	sld [smem:$0x3FA2]  }
0x30: {  	s3 =	sld [smem:$0x3FA5]  }
0x31: {  	[smem:$0x3FAE] =	sst s10  }
0x32: {  	s10 =	sld [smem:$0x3FAC];
	_ =	sdelay $0x3  }
0x33: {  	p0 =	seq.s32 s10, $0x1;
	s10 =	sld [smem:$0x3FAE];
	_ =	sdelay $0x3  }
0x34: {  	[smem:$0x3FAE] =	sst s10  }
0x35: {  	s10 =	sld [smem:$0x3FAD];
	_ =	sdelay $0x3  }
0x36: {  	p1 =	seq.s32 s10, $0x1;
	s10 =	sld [smem:$0x3FAE];
	_ =	sdelay $0x3  }
0x37: {  	[smem:$0x3FAE] =	sst s10  }
0x38: {  	s10 =	sld [smem:$0x3FAF]  }
0x39: {  	_ = 	snop;
	(pc) =	sbr.ind lr, $3  }
0x3a: {  	_ = 	snop  }
0x3b: {  	_ = 	snop  }
0x3c: {  	p2 =	seq.s32 s10, $0x1;
	s10 =	sld [smem:$0x3FAE]  }
0x3d: {  	_ =	shalt  }
0x3e: {  	_ =	shalt  }
0x3f: {  	_ =	shalt  }
0x40: {  	_ =	shalt  }
0x41: {  	_ =	shalt  }
0x42: {  	_ =	shalt  }
0x43: {  	_ =	shalt  }
0x44: {  	_ =	shalt  }
0x45: {  	_ =	shalt  }
0x46: {  	_ =	shalt  }
0x47: {  	_ =	shalt  }
0x48: {  	_ =	shalt  }
0x49: {  	_ =	shalt  }
0x4a: {  	_ =	shalt  }
0x4b: {  	_ =	shalt  }
0x4c: {  	_ =	shalt  }
0x4d: {  	_ =	shalt  }
0x4e: {  	_ =	shalt  }
0x4f: {  	_ =	shalt  }
0x50: {  	_ =	shalt  }
0x51: {  	_ =	shalt  }
0x52: {  	_ =	shalt  }
0x53: {  	_ =	shalt  }
0x54: {  	_ =	shalt  }
0x55: {  	_ =	shalt  }
0x56: {  	_ =	shalt  }
0x57: {  	_ =	shalt  }
0x58: {  	_ =	shalt  }
0x59: {  	_ =	shalt  }
0x5a: {  	_ =	shalt  }
0x5b: {  	_ =	shalt  }
0x5c: {  	_ =	shalt  }
0x5d: {  	_ =	shalt  }
0x5e: {  	_ =	shalt  }
0x5f: {  	_ =	shalt  }
0x60: {  	_ =	shalt  }
0x61: {  	_ =	shalt  }
0x62: {  	_ =	shalt  }
0x63: {  	_ =	shalt  }
0x64: {  	_ =	shalt  }
0x65: {  	_ =	shalt  }
0x66: {  	_ =	shalt  }
0x67: {  	_ =	shalt  }
0x68: {  	_ =	shalt  }
0x69: {  	_ =	shalt  }
0x6a: {  	_ =	shalt  }
0x6b: {  	_ =	shalt  }
0x6c: {  	_ =	shalt  }
0x6d: {  	_ =	shalt  }
0x6e: {  	_ =	shalt  }
0x6f: {  	_ =	shalt  }
0x70: {  	_ =	shalt  }
0x71: {  	_ =	shalt  }
0x72: {  	_ =	shalt  }
0x73: {  	_ =	shalt  }
0x74: {  	_ =	shalt  }
0x75: {  	_ =	shalt  }
0x76: {  	_ =	shalt  }
0x77: {  	_ =	shalt  }
0x78: {  	_ =	shalt  }
0x79: {  	_ =	shalt  }
0x7a: {  	_ =	shalt  }
0x7b: {  	_ =	shalt  }
0x7c: {  	_ =	shalt  }
0x7d: {  	_ =	shalt  }
0x7e: {  	_ =	shalt  }
0x7f: {  	_ =	shalt  }
0x80: {  	_ =	shalt  }
0x81: {  	_ =	shalt  }
0x82: {  	_ =	shalt  }
0x83: {  	_ =	shalt  }
0x84: {  	_ =	shalt  }
0x85: {  	_ =	shalt  }
0x86: {  	_ =	shalt  }
0x87: {  	_ =	shalt  }
.Lfunc_end0:
.L_simem_size_0:
called_computation.1_lowered:
.L_overlay_start_0:
0x88: {  	s2 =	sld [smem:$0x3FD9]  }
0x89: {  	s3 =	sld [smem:$0x3FFE];
	_ =	sdelay $0x1  }
0x8a: {  	s1 =	srdreg.scid  }
0x8b: {  	s0 =	sand.u32 $0x1, s1  }
0x8c: {  	s14 =	sshll.u32 s0, $0xA;
	s2 =	sadd.s32 s3, s2  }
0x8d: {  	s2 =	sadd.s32 s2, s14  }
0x8e: {  	[smem:$0x3FBA] =	sst s2  }
0x8f: {  	_ = 	snop  }
0x90: {  	s2 =	sld [smem:$0x3FD0];
	_ =	sdelay $0x2  }
0x91: {  	s15 =	simm.s32 $0xA;
	s4 =	simm.s32 $0x10  }
0x92: {  	[smem:s4], [sflag:s15] =	dma.local [hbm:s2], $0x1  }
0x93: {  	_ =	swait.eq [sflag:s15], $0x1  }
0x94: {  	[sflag:s15] =	ssyncset.done $0x0  }
0x95: {  	s16 =	sld [smem:$0x10];
	[sflag:s15] =	ssyncadd.s32 $0xFFFFFFFF  }
0x96: {  	s17 =	sld [smem:$0x11];
	(tm) =	ssettm $0x1  }
0x97: {  	s18 =	sld [smem:$0x3FFB];
	_ =	sdelay $0x3  }
0x98: {  	_ =	strace s18  }
0x99: {  	s4 =	sld [smem:$0x3FFC];
	_ =	sdelay $0x3  }
0x9a: {  	_ =	strace s4  }
0x9b: {  	s4 =	sld [smem:$0x3FFD];
	_ =	sdelay $0x3  }
0x9c: {  	_ =	strace s4  }
0x9d: {  	_ =	strace $0x8FFFFFFF  }
0x9e: {  	s19 =	sld [smem:$0x3FDB];
	_ =	sdelay $0x1  }
0x9f: {  	s5 =	simm.s32 $_scs_section_size  }
0xa0: {  	s6 =	simm.s32 $_size__tile_overlayer_lowered;
	s7 =	simm.s32 $_tile_overlayer_lowered  }
0xa1: {  	s22 =	simm.s32 $0x1BFF;
	s21 =	sshll.u32 s7, $0x1;
	s4 =	sadd.s32 s5, s19  }
0xa2: {  	s8 =	simm.s32 $0x0;
	s20 =	sshll.u32 s6, $0x1;
	s6 =	sadd.s32 s21, s4  }
0xa3: {  	[timem:s8], [sflag:s22] =	dma.local [hbm:s6], s20  }
0xa4: {  	_ =	swait.ge [sflag:s22], s20  }
0xa5: {  	s5 =	ssub.s32 $0x0, s20;
	[sflag:s22] =	ssyncset.done $0x0  }
0xa6: {  	[sflag:s22] =	ssyncadd.s32 s5;
	_ =	sdelay $0x1  }
0xa7: {  	s23 =	simm.s32 $0x1B8B  }
0xa8: {  	_ =	swait.ge [sflag:s23], $0x1  }
0xa9: {  	[sflag:s23] =	ssyncset.done $0x0  }
0xaa: {  	s25 =	simm.s32 $0x1B8E;
	s24 =	sld [smem:$0x3FFE];
	[sflag:s23] =	ssyncadd.s32 $0xFFFFFFFF  }
0xab: {  	s26 =	simm.s32 $execute0_lowered;
	[smem:$0x3FD2] =	sst s25  }
0xac: {  	s6 =	sshll.u32 s26, $0x1;
	_ =	strace $0x80000049;
	[dreg:$0x1] =	wrdreg $0xFFFFFFFF  }
0xad: {  	s28 =	simm.s32 $_size_execute0_lowered;
	s4 =	sadd.s32 s4, s6;
	[dreg:$0x0] =	wrdreg $0x0  }
0xae: {  	s6 =	sshll.u32 s28, $0x1;
	[dreg:$0x2] =	wrdreg s4  }
0xaf: {  	[dreg:$0x3] =	wrdreg s6  }
0xb0: {  	[dreg:$0x4] =	wrdreg $0xC0  }
0xb1: {  	_ =	task [dreg:s8], $0x5FFFF  }
0xb2: {  	[dreg:$0x1] =	wrdreg $0xFFFFFFFF  }
0xb3: {  	[dreg:$0x0] =	wrdreg $0x60  }
0xb4: {  	[dreg:$0x2] =	wrdreg s17  }
0xb5: {  	[dreg:$0x3] =	wrdreg s24  }
0xb6: {  	[dreg:$0x4] =	wrdreg s16  }
0xb7: {  	[dreg:$0x5] =	wrdreg $0x78000  }
0xb8: {  	[dreg:$0x6] =	wrdreg $0x9  }
0xb9: {  	_ =	task.clear_ibuf [dreg:s8], $0x7FFFF;
	_ =	strace $0x90000049  }
0xba: {  	s29 =	simm.s32 $0x9;
	_ =	strace $0x8000004B  }
0xbb: {  	_ =	swait.ge [sflag:s29], $0x1  }
0xbc: {  	[sflag:s29] =	ssyncadd.s32 $0xFFFFFFFF  }
0xbd: {  	_ =	strace $0x9000004B  }
0xbe: {  	_ =	sfence  }
0xbf: {  	s30 =	sld [smem:$0x0];
	_ =	sdelay $0x2  }
0xc0: {  	s31 =	sshll.u32 s1, $0xD;
	s1 =	sshrl.u32 s1, $0x2  }
0xc1: {  	s3 =	sand.u32 $0x4000, s31;
	s1 =	sadd.s32 s1, s30  }
0xc2: {  	s0 =	sor.u32 s3, s0;
	s1 =	sshll.u32 s1, $0x11  }
0xc3: {  	s0 =	sor.u32 s1, s0  }
0xc4: {  	s0 =	sadd.s32 $0x8F2B, s0  }
0xc5: {  	[sflag:s0] =	ssyncadd.remote.s32 $0x1  }
0xc6: {  	_ =	sfence.sel $0xFFFF  }
0xc7: {  	[dreg:$0x0] =	wrdreg $0xFFFFFFFF;
	(pc) =	sbr.abs _section_cstart, $3  }
0xc8: {  	[dreg:$0x1] =	wrdreg $0xFFFFFFFF  }
0xc9: {  	_ =	task.clear_ibuf [dreg:s8], $0x2FFFF;
	_ =	strace $0x9FFFFFFF  }
0xca: {  	(tm) =	ssettm $0x7FFFFFFF  }
0xcb: {  	_ =	shalt  }
tec
execute0_lowered:
.L_overlay_start_1:
0x0: {  	(tag) =	ssettag $0x1  }
0x1: {  	s1 =	rddreg [dreg:$0x0]  }
0x2: {  	s0 =	rddreg [dreg:$0x1]  }
0x3: {  	s2 =	rddreg [dreg:$0x2]  }
0x4: {  	s3 =	rddreg [dreg:$0x3]  }
0x5: {  	s4 =	srdreg.scid;
	s11 =	stileid.u32  }
0x6: {  	s5 =	simm.s32 $0x0;
	s28 =	simm.s32 $0x480;
	s9 =	smul.u32 $0x2800, s11  }
0x7: {  	s29 =	simm.s32 $0x100;
	s4 =	sand.u32 $0x1, s4;
	s14 =	smul.u32 $0x50000, s11  }
0x8: {  	s30 =	simm.s32 $0x500;
	[smem:$0x7FF] =	sst s5;
	s8 =	smul.u32 $0x28000, s4  }
0x9: {  	s6 =	sadd.s32 $0x4A00, s0;
	s7 =	sadd.s32 $0x27200, s0;
	_ =	strace $0x8000004A  }
0xa: {  	s15 =	ssub.s32 $0x2, s4;
	s8 =	sadd.s32 s9, s8;
	s9 =	sshrl.u32 s14, $0x2  }
0xb: {  	s10 =	sshrl.u32 s15, $0x1;
	s0 =	sadd.s32 s8, s0;
	s18 =	sadd.s32 s9, s3  }
0xc: {  	s8 =	ssub.s32 s15, s10;
	s0 =	sadd.s32 $0x53200, s0;
	[dreg:$0x5] =	wrdreg s18  }
0xd: {  	s31 =	simm.s32 $0x180;
	s16 =	smax.u32 s8, $0x1;
	[dreg:$0x6] =	wrdreg s0  }
0xe: {  	s12 =	simm.s32 $0x680;
	s17 =	sadd.s32 $0x2000, s18;
	[dreg:$0x7] =	wrdreg s16  }
0xf: {  	s13 =	simm.s32 $0x300;
	s19 =	sadd.s32 $0x4000, s18;
	[dreg:$0x8] =	wrdreg s17  }
0x10: {  	s4 =	sshll.u32 s4, $0x4;
	s20 =	sadd.s32 $0x6000, s18;
	[dreg:$0x9] =	wrdreg s19  }
0x11: {  	s4 =	sor.u32 s11, s4;
	s21 =	sadd.s32 $0x8000, s18;
	[dreg:$0xa] =	wrdreg s20  }
0x12: {  	s11 =	simm.s32 $0x280;
	s22 =	sadd.s32 $0xA000, s18;
	[dreg:$0xb] =	wrdreg s21  }
0x13: {  	s14 =	simm.s32 $0x700;
	s23 =	sadd.s32 $0xC000, s18;
	[dreg:$0xc] =	wrdreg s22  }
0x14: {  	s9 =	smul.u32 $0x2C00, s4;
	s24 =	sadd.s32 $0xE000, s18;
	[dreg:$0xd] =	wrdreg s23  }
0x15: {  	s4 =	simm.s32 $0x200;
	s25 =	sadd.s32 $0x10000, s18;
	[dreg:$0xe] =	wrdreg s24  }
0x16: {  	s10 =	simm.s32 $0x600;
	s26 =	sadd.s32 $0x12000, s18;
	[dreg:$0xf] =	wrdreg s25  }
0x17: {  	s15 =	simm.s32 $0x380;
	[dreg:$0x10] =	wrdreg s26;
	s22 =	simm.s32 $0x1  }
0x18: {  	s23 =	simm.s32 $0x400;
	s24 =	simm.s32 $0x800;
	s25 =	simm.s32 $0x80  }
0x19: {  	v0 =	vimm.f32 $0.0e+00;
	s26 =	simm.s32 $0x1800;
	s0 =	simm.s32 $0x580;
	s16 =	simm.s32 $0x780  }
.LBB2_1:
0x1a: {  	s8 =	simm.s32 $0x0;
	s17 =	simm.s32 $0x200  }
.LBB2_2:
0x1b: {  	p0 =	sne.s32 s17, $0x7E00;
	[tilespmem:s8+$0x5870] =	vst v0  }
0x1c: {  	[tilespmem:s8+$0x5800] =	vst v0  }
0x1d: {  	[tilespmem:s8+$0x5810] =	vst v0  }
.Ltmp0:
0x1e: {  	[tilespmem:s8+$0x5820] =	vst v0;
	(pc) =	sbr.rel @p0 .LBB2_2-.Ltmp0, $4  }
0x1f: {  	[tilespmem:s8+$0x5830] =	vst v0  }
0x20: {  	[tilespmem:s8+$0x5840] =	vst v0  }
0x21: {  	[tilespmem:s8+$0x5850] =	vst v0  }
0x22: {  	[tilespmem:s8+$0x5860] =	vst v0;
	s8 =	sshra.s32 s17, $0x2;
	s17 =	sadd.s32 $0x200, s17  }
0x23: {  	[tilespmem:s8+$0x5870] =	vst v0  }
0x24: {  	[tilespmem:s8+$0x5800] =	vst v0  }
0x25: {  	[tilespmem:s8+$0x5810] =	vst v0  }
0x26: {  	[tilespmem:s8+$0x5820] =	vst v0  }
0x27: {  	[tilespmem:s8+$0x5830] =	vst v0  }
0x28: {  	[tilespmem:s8+$0x5840] =	vst v0  }
0x29: {  	[tilespmem:s8+$0x5850] =	vst v0  }
0x2a: {  	[tilespmem:s8+$0x5860] =	vst v0;
	s17 =	simm.s32 $0x5800  }
0x2b: {  	[spmem:s18] =	stream.linear.scatter [tilespmem:s17], [sflag:$0x1], $0x2000, $0x38;
	[tilespmem:$0x1B800] =	vst v63  }
0x2c: {  	_ =	swait.ge [sflag:s22], $0x2000  }
0x2d: {  	[sflag:s22] =	ssyncset.done $0x0  }
0x2e: {  	s21 =	rddreg [dreg:$0x8];
	[sflag:s22] =	ssyncadd.s32 $0xFFFFE000  }
0x2f: {  	[spmem:s21] =	stream.linear.scatter [tilespmem:s17], [sflag:$0x1], $0x2000, $0x38;
	[tilespmem:$0x1B800] =	vst v63  }
0x30: {  	_ =	swait.ge [sflag:s22], $0x2000  }
0x31: {  	[sflag:s22] =	ssyncset.done $0x0  }
0x32: {  	s18 =	rddreg [dreg:$0x9];
	[sflag:s22] =	ssyncadd.s32 $0xFFFFE000  }
0x33: {  	[spmem:s18] =	stream.linear.scatter [tilespmem:s17], [sflag:$0x1], $0x2000, $0x38;
	[tilespmem:$0x1B800] =	vst v63  }
0x34: {  	_ =	swait.ge [sflag:s22], $0x2000  }
0x35: {  	[sflag:s22] =	ssyncset.done $0x0  }
0x36: {  	s19 =	rddreg [dreg:$0xa];
	[sflag:s22] =	ssyncadd.s32 $0xFFFFE000  }
0x37: {  	[spmem:s19] =	stream.linear.scatter [tilespmem:s17], [sflag:$0x1], $0x2000, $0x38;
	[tilespmem:$0x1B800] =	vst v63  }
0x38: {  	_ =	swait.ge [sflag:s22], $0x2000  }
0x39: {  	[sflag:s22] =	ssyncset.done $0x0  }
0x3a: {  	s20 =	rddreg [dreg:$0xb];
	[sflag:s22] =	ssyncadd.s32 $0xFFFFE000  }
0x3b: {  	[spmem:s20] =	stream.linear.scatter [tilespmem:s17], [sflag:$0x1], $0x2000, $0x38;
	[tilespmem:$0x1B800] =	vst v63  }
0x3c: {  	_ =	swait.ge [sflag:s22], $0x2000  }
0x3d: {  	[sflag:s22] =	ssyncset.done $0x0  }
0x3e: {  	s21 =	rddreg [dreg:$0xc];
	[sflag:s22] =	ssyncadd.s32 $0xFFFFE000  }
0x3f: {  	[spmem:s21] =	stream.linear.scatter [tilespmem:s17], [sflag:$0x1], $0x2000, $0x38;
	[tilespmem:$0x1B800] =	vst v63  }
0x40: {  	_ =	swait.ge [sflag:s22], $0x2000  }
0x41: {  	[sflag:s22] =	ssyncset.done $0x0  }
0x42: {  	s18 =	rddreg [dreg:$0xd];
	[sflag:s22] =	ssyncadd.s32 $0xFFFFE000  }
0x43: {  	[spmem:s18] =	stream.linear.scatter [tilespmem:s17], [sflag:$0x1], $0x2000, $0x38;
	[tilespmem:$0x1B800] =	vst v63  }
0x44: {  	_ =	swait.ge [sflag:s22], $0x2000  }
0x45: {  	[sflag:s22] =	ssyncset.done $0x0  }
0x46: {  	s19 =	rddreg [dreg:$0xe];
	[sflag:s22] =	ssyncadd.s32 $0xFFFFE000  }
0x47: {  	[spmem:s19] =	stream.linear.scatter [tilespmem:s17], [sflag:$0x1], $0x2000, $0x38;
	[tilespmem:$0x1B800] =	vst v63  }
0x48: {  	_ =	swait.ge [sflag:s22], $0x2000  }
0x49: {  	[sflag:s22] =	ssyncset.done $0x0  }
0x4a: {  	s20 =	rddreg [dreg:$0xf];
	[sflag:s22] =	ssyncadd.s32 $0xFFFFE000  }
0x4b: {  	[spmem:s20] =	stream.linear.scatter [tilespmem:s17], [sflag:$0x1], $0x2000, $0x38;
	[tilespmem:$0x1B800] =	vst v63  }
0x4c: {  	_ =	swait.ge [sflag:s22], $0x2000  }
0x4d: {  	[sflag:s22] =	ssyncset.done $0x0  }
0x4e: {  	s21 =	rddreg [dreg:$0x10];
	[sflag:s22] =	ssyncadd.s32 $0xFFFFE000  }
0x4f: {  	[spmem:s21] =	stream.linear.scatter [tilespmem:s17], [sflag:$0x1], $0x2000, $0x38;
	[tilespmem:$0x1B800] =	vst v63  }
0x50: {  	_ =	swait.ge [sflag:s22], $0x2000  }
0x51: {  	[sflag:s22] =	ssyncset.done $0x0  }
0x52: {  	[sflag:s22] =	ssyncadd.s32 $0xFFFFE000  }
0x53: {  	s18 =	simm.s32 $0x0;
	s17 =	simm.s32 $0x0;
	[bflag:$0x0] =	sbarrier.arrive $0xFFFF  }
.LBB2_4:
0x54: {  	s8 =	sshll.u32 s18, $0xA  }
0x55: {  	s8 =	sadd.s32 s9, s8  }
0x56: {  	s19 =	sshrl.u32 s8, $0x3  }
0x57: {  	s20 =	sadd.s32 s1, s19  }
0x58: {  	[tilespmem:s17], [sflag:$0x1] =	stream.linear.gather [hbm4b:s20+s17], $0x400, $0x38;
	[tilespmem:$0x1B800] =	vst v63  }
0x59: {  	_ =	swait.ge [sflag:s22], $0x400  }
0x5a: {  	[sflag:s22] =	ssyncset.done $0x0  }
0x5b: {  	s19 =	sadd.s32 s6, s19;
	[sflag:s22] =	ssyncadd.s32 $0xFFFFFC00  }
0x5c: {  	[tilespmem:s23], [sflag:$0x1] =	stream.linear.gather [hbm4b:s19+s17], $0x400, $0x38;
	[tilespmem:$0x1B800] =	vst v63  }
0x5d: {  	_ =	swait.ge [sflag:s22], $0x400  }
0x5e: {  	s8 =	sshrl.u32 s8, $0x1;
	[sflag:s22] =	ssyncset.done $0x0  }
0x5f: {  	s8 =	sadd.s32 s7, s8;
	[sflag:s22] =	ssyncadd.s32 $0xFFFFFC00  }
0x60: {  	v1 =	vmov s17;
	[tilespmem:s24], [sflag:$0x1] =	stream.linear.gather [hbm4b:s8+s17], $0x1000, $0x38;
	[tilespmem:$0x1B800] =	vst v63  }
0x61: {  	v1 =	vand.u32 $0xFFFFFFFC, v1;
	_ =	swait.ge [sflag:s22], $0x1000  }
0x62: {  	v1 =	vbroadcast v1, $0x0;
	[sflag:s22] =	ssyncset.done $0x0  }
0x63: {  	[sflag:s22] =	ssyncadd.s32 $0xFFFFF000  }
0x64: {  	[tilespmem:s26], [sflag:$0x1] =	stream.indirect.gather [hbm4b:s2+s25], $0x80, s17, s25, $0xb8;
	[tilespmem:$0x1B800] =	vst v63  }
0x65: {  	_ =	swait.ge [sflag:s22], $0x4000  }
0x66: {  	[sflag:s22] =	ssyncset.done $0x0  }
0x67: {  	[sflag:s22] =	ssyncadd.s32 $0xFFFFC000  }
0x68: {  	s19 =	simm.s32 $0x1840;
	v1 =	vld.idx.msk [tilespmem:v1+s24+$0x0], $0xffff  }
0x69: {  	s21 =	simm.s32 $0x1;
	v2 =	vld [tilespmem:s19+$0xFFFFFFC0]  }
0x6a: {  	v4 =	vmov s21;
	v3 =	vld [tilespmem:s19+$0xFFFFFFD0]  }
0x6b: {  	v4 =	vand.u32 $0xFFFFFFFD, v4  }
0x6c: {  	v4 =	vbroadcast v4, $0x0;
	_ =	sdelay $0x1  }
0x6d: {  	v2 =	vmul.f32 v2, v1  }
0x6e: {  	v1 =	vmul.f32 v3, v1  }
0x6f: {  	[tilespmem:s19+$0xFFFFFFC0] =	vst v2  }
0x70: {  	[tilespmem:s19+$0xFFFFFFD0] =	vst v1;
	v2 =	vld [tilespmem:s19+$0xFFFFFFE0]  }
0x71: {  	s20 =	simm.s32 $0x2;
	v1 =	vld.idx.msk [tilespmem:v4+s24+$0x0], $0xffff  }
0x72: {  	v3 =	vld [tilespmem:s19+$0xFFFFFFF0];
	v4 =	vmov s20  }
0x73: {  	v4 =	vand.u32 $0xFFFFFFFE, v4  }
0x74: {  	v4 =	vbroadcast v4, $0x0;
	_ =	sdelay $0x1  }
0x75: {  	v2 =	vmul.f32 v2, v1  }
0x76: {  	v1 =	vmul.f32 v3, v1  }
0x77: {  	[tilespmem:s19+$0xFFFFFFE0] =	vst v2  }
0x78: {  	[tilespmem:s19+$0xFFFFFFF0] =	vst v1;
	v1 =	vld [tilespmem:s19+$0x10]  }
0x79: {  	v2 =	vld.idx.msk [tilespmem:v4+s24+$0x0], $0xffff  }
0x7a: {  	v3 =	vld [tilespmem:s19+$0x0];
	_ =	sdelay $0x1  }
0x7b: {  	s21 =	simm.s32 $0x3  }
0x7c: {  	v4 =	vmov s21  }
0x7d: {  	v1 =	vmul.f32 v1, v2  }
0x7e: {  	v2 =	vmul.f32 v3, v2  }
0x7f: {  	[tilespmem:s19+$0x10] =	vst v1  }
0x80: {  	[tilespmem:s19+$0x0] =	vst v2;
	v1 =	vld [tilespmem:s19+$0x30]  }
0x81: {  	v2 =	vld.idx.msk [tilespmem:v4+s24+$0x0], $0xffff  }
0x82: {  	s20 =	simm.s32 $0x4;
	v4 =	vld [tilespmem:s19+$0x20]  }
0x83: {  	v3 =	vmov s20  }
0x84: {  	v3 =	vand.u32 $0xFFFFFFFC, v3  }
0x85: {  	s8 =	simm.s32 $0x8;
	v3 =	vbroadcast v3, $0x0  }
.LBB2_5:
0x86: {  	p0 =	sne.s32 s8, $0x1FC  }
0x87: {  	v1 =	vmul.f32 v1, v2;
	v4 =	vmul.f32 v4, v2;
	_ =	sdelay $0x1  }
0x88: {  	[tilespmem:s19+$0x20] =	vst v4  }
0x89: {  	[tilespmem:s19+$0x30] =	vst v1  }
0x8a: {  	s19 =	sadd.s32 $0x80, s19;
	v1 =	vld.idx.msk [tilespmem:v3+s24+$0x0], $0xffff  }
0x8b: {  	s21 =	sadd.s32 $0x1, s20;
	v2 =	vld [tilespmem:s19+$0xFFFFFFC0]  }
0x8c: {  	v4 =	vmov s21;
	v3 =	vld [tilespmem:s19+$0xFFFFFFD0]  }
0x8d: {  	v4 =	vand.u32 $0xFFFFFFFD, v4  }
0x8e: {  	v4 =	vbroadcast v4, $0x0;
	_ =	sdelay $0x1  }
0x8f: {  	v2 =	vmul.f32 v2, v1  }
0x90: {  	v1 =	vmul.f32 v3, v1  }
0x91: {  	[tilespmem:s19+$0xFFFFFFC0] =	vst v2  }
0x92: {  	[tilespmem:s19+$0xFFFFFFD0] =	vst v1  }
0x93: {  	v1 =	vld.idx.msk [tilespmem:v4+s24+$0x0], $0xffff  }
0x94: {  	s21 =	sadd.s32 $0x2, s20;
	v2 =	vld [tilespmem:s19+$0xFFFFFFE0]  }
0x95: {  	v4 =	vmov s21;
	v3 =	vld [tilespmem:s19+$0xFFFFFFF0]  }
0x96: {  	v4 =	vand.u32 $0xFFFFFFFE, v4  }
0x97: {  	v4 =	vbroadcast v4, $0x0;
	_ =	sdelay $0x1  }
0x98: {  	v2 =	vmul.f32 v2, v1  }
0x99: {  	v1 =	vmul.f32 v3, v1  }
0x9a: {  	[tilespmem:s19+$0xFFFFFFE0] =	vst v2  }
0x9b: {  	[tilespmem:s19+$0xFFFFFFF0] =	vst v1;
	v1 =	vld [tilespmem:s19+$0x10]  }
0x9c: {  	v2 =	vld.idx.msk [tilespmem:v4+s24+$0x0], $0xffff  }
0x9d: {  	v3 =	vld [tilespmem:s19+$0x0];
	_ =	sdelay $0x2  }
0x9e: {  	s21 =	sadd.s32 $0x3, s20;
	s20 =	smov.u32 s8  }
0x9f: {  	v4 =	vmov s21  }
0xa0: {  	v1 =	vmul.f32 v1, v2;
	v3 =	vmul.f32 v3, v2;
	_ =	sdelay $0x1  }
0xa1: {  	[tilespmem:s19+$0x10] =	vst v1  }
0xa2: {  	[tilespmem:s19+$0x0] =	vst v3;
	v1 =	vld [tilespmem:s19+$0x30]  }
.Ltmp1:
0xa3: {  	v2 =	vld.idx.msk [tilespmem:v4+s24+$0x0], $0xffff;
	(pc) =	sbr.rel @p0 .LBB2_5-.Ltmp1, $4  }
0xa4: {  	v4 =	vld [tilespmem:s19+$0x20]  }
0xa5: {  	v3 =	vmov s8  }
0xa6: {  	v3 =	vand.u32 $0xFFFFFFFC, v3  }
0xa7: {  	s8 =	sadd.s32 $0x4, s8;
	v3 =	vbroadcast v3, $0x0  }
0xa8: {  	_ = 	snop  }
0xa9: {  	v1 =	vmul.f32 v1, v2  }
0xaa: {  	v4 =	vmul.f32 v4, v2  }
0xab: {  	s8 =	sadd.s32 $0x80, s19;
	[tilespmem:s19+$0x30] =	vst v1  }
0xac: {  	v2 =	vld [tilespmem:s8+$0xFFFFFFC0];
	[tilespmem:s19+$0x20] =	vst v4  }
0xad: {  	s21 =	sadd.s32 $0x1, s20;
	v1 =	vld.idx.msk [tilespmem:v3+s24+$0x0], $0xffff  }
0xae: {  	v4 =	vmov s21;
	v3 =	vld [tilespmem:s8+$0xFFFFFFD0]  }
0xaf: {  	v4 =	vand.u32 $0xFFFFFFFD, v4  }
0xb0: {  	v4 =	vbroadcast v4, $0x0;
	_ =	sdelay $0x1  }
0xb1: {  	v2 =	vmul.f32 v2, v1  }
0xb2: {  	v1 =	vmul.f32 v3, v1  }
0xb3: {  	[tilespmem:s8+$0xFFFFFFC0] =	vst v2  }
0xb4: {  	[tilespmem:s8+$0xFFFFFFD0] =	vst v1;
	v2 =	vld [tilespmem:s8+$0xFFFFFFE0]  }
0xb5: {  	s21 =	sadd.s32 $0x2, s20;
	v1 =	vld.idx.msk [tilespmem:v4+s24+$0x0], $0xffff  }
0xb6: {  	v3 =	vld [tilespmem:s8+$0xFFFFFFF0];
	v4 =	vmov s21  }
0xb7: {  	v4 =	vand.u32 $0xFFFFFFFE, v4  }
0xb8: {  	v4 =	vbroadcast v4, $0x0;
	_ =	sdelay $0x1  }
0xb9: {  	v2 =	vmul.f32 v2, v1  }
0xba: {  	v1 =	vmul.f32 v3, v1  }
0xbb: {  	[tilespmem:s8+$0xFFFFFFE0] =	vst v2  }
0xbc: {  	[tilespmem:s8+$0xFFFFFFF0] =	vst v1;
	v1 =	vld [tilespmem:s8+$0x10]  }
0xbd: {  	v2 =	vld.idx.msk [tilespmem:v4+s24+$0x0], $0xffff  }
0xbe: {  	v3 =	vld [tilespmem:s8+$0x0];
	_ =	sdelay $0x1  }
0xbf: {  	s21 =	sadd.s32 $0x3, s20  }
0xc0: {  	v4 =	vmov s21  }
0xc1: {  	v1 =	vmul.f32 v1, v2  }
0xc2: {  	v2 =	vmul.f32 v3, v2  }
0xc3: {  	[tilespmem:s8+$0x10] =	vst v1  }
0xc4: {  	[tilespmem:s8+$0x0] =	vst v2;
	v2 =	vld [tilespmem:s8+$0x20]  }
0xc5: {  	v1 =	vld.idx.msk [tilespmem:v4+s24+$0x0], $0xffff  }
0xc6: {  	v3 =	vld [tilespmem:s8+$0x30];
	_ =	sdelay $0x3  }
0xc7: {  	v2 =	vmul.f32 v2, v1  }
0xc8: {  	v1 =	vmul.f32 v3, v1  }
0xc9: {  	[tilespmem:s8+$0x20] =	vst v2  }
0xca: {  	s20 =	simm.s32 $0x200;
	[tilespmem:s8+$0x30] =	vst v1  }
0xcb: {  	v1 =	vmov s20;
	[spmem:s3] =	stream.indirect.scatter.add.f32 [tilespmem:s26], [sflag:$0x1], $0x80, s23, s25, $0xb8;
	[tilespmem:$0x1B800] =	vst v63  }
0xcc: {  	v1 =	vand.u32 $0xFFFFFFFC, v1;
	_ =	swait.ge [sflag:s22], $0x4000  }
0xcd: {  	v1 =	vbroadcast v1, $0x0;
	[sflag:s22] =	ssyncset.done $0x0  }
0xce: {  	[sflag:s22] =	ssyncadd.s32 $0xFFFFC000  }
0xcf: {  	[tilespmem:s26], [sflag:$0x1] =	stream.indirect.gather [hbm4b:s2+s25], $0x80, s25, s25, $0xb8;
	[tilespmem:$0x1B800] =	vst v63  }
0xd0: {  	_ =	swait.ge [sflag:s22], $0x4000  }
0xd1: {  	[sflag:s22] =	ssyncset.done $0x0  }
0xd2: {  	[sflag:s22] =	ssyncadd.s32 $0xFFFFC000  }
0xd3: {  	s19 =	simm.s32 $0x1840;
	v1 =	vld.idx.msk [tilespmem:v1+s24+$0x0], $0xffff  }
0xd4: {  	s21 =	simm.s32 $0x201;
	v2 =	vld [tilespmem:s19+$0xFFFFFFC0]  }
0xd5: {  	v4 =	vmov s21;
	v3 =	vld [tilespmem:s19+$0xFFFFFFD0]  }
0xd6: {  	v4 =	vand.u32 $0xFFFFFFFD, v4  }
0xd7: {  	v4 =	vbroadcast v4, $0x0;
	_ =	sdelay $0x1  }
0xd8: {  	v2 =	vmul.f32 v2, v1  }
0xd9: {  	v1 =	vmul.f32 v3, v1  }
0xda: {  	[tilespmem:s19+$0xFFFFFFC0] =	vst v2  }
0xdb: {  	[tilespmem:s19+$0xFFFFFFD0] =	vst v1;
	v2 =	vld [tilespmem:s19+$0xFFFFFFE0]  }
0xdc: {  	s20 =	simm.s32 $0x202;
	v1 =	vld.idx.msk [tilespmem:v4+s24+$0x0], $0xffff  }
0xdd: {  	v3 =	vld [tilespmem:s19+$0xFFFFFFF0];
	v4 =	vmov s20  }
0xde: {  	v4 =	vand.u32 $0xFFFFFFFE, v4  }
0xdf: {  	v4 =	vbroadcast v4, $0x0;
	_ =	sdelay $0x1  }
0xe0: {  	v2 =	vmul.f32 v2, v1  }
0xe1: {  	v1 =	vmul.f32 v3, v1  }
0xe2: {  	[tilespmem:s19+$0xFFFFFFE0] =	vst v2  }
0xe3: {  	[tilespmem:s19+$0xFFFFFFF0] =	vst v1;
	v1 =	vld [tilespmem:s19+$0x10]  }
0xe4: {  	v2 =	vld.idx.msk [tilespmem:v4+s24+$0x0], $0xffff  }
0xe5: {  	v3 =	vld [tilespmem:s19+$0x0];
	_ =	sdelay $0x1  }
0xe6: {  	s21 =	simm.s32 $0x203  }
0xe7: {  	v4 =	vmov s21  }
0xe8: {  	v1 =	vmul.f32 v1, v2  }
0xe9: {  	v2 =	vmul.f32 v3, v2  }
0xea: {  	[tilespmem:s19+$0x10] =	vst v1  }
0xeb: {  	[tilespmem:s19+$0x0] =	vst v2;
	v1 =	vld [tilespmem:s19+$0x30]  }
0xec: {  	v2 =	vld.idx.msk [tilespmem:v4+s24+$0x0], $0xffff  }
0xed: {  	s20 =	simm.s32 $0x204;
	v4 =	vld [tilespmem:s19+$0x20]  }
0xee: {  	v3 =	vmov s20  }
0xef: {  	v3 =	vand.u32 $0xFFFFFFFC, v3  }
0xf0: {  	s8 =	simm.s32 $0x208;
	v3 =	vbroadcast v3, $0x0  }
.LBB2_7:
0xf1: {  	p0 =	sne.s32 s8, $0x3FC  }
0xf2: {  	v1 =	vmul.f32 v1, v2;
	v4 =	vmul.f32 v4, v2;
	_ =	sdelay $0x1  }
0xf3: {  	[tilespmem:s19+$0x20] =	vst v4  }
0xf4: {  	[tilespmem:s19+$0x30] =	vst v1  }
0xf5: {  	s19 =	sadd.s32 $0x80, s19;
	v1 =	vld.idx.msk [tilespmem:v3+s24+$0x0], $0xffff  }
0xf6: {  	s21 =	sadd.s32 $0x1, s20;
	v2 =	vld [tilespmem:s19+$0xFFFFFFC0]  }
0xf7: {  	v4 =	vmov s21;
	v3 =	vld [tilespmem:s19+$0xFFFFFFD0]  }
0xf8: {  	v4 =	vand.u32 $0xFFFFFFFD, v4  }
0xf9: {  	v4 =	vbroadcast v4, $0x0;
	_ =	sdelay $0x1  }
0xfa: {  	v2 =	vmul.f32 v2, v1  }
0xfb: {  	v1 =	vmul.f32 v3, v1  }
0xfc: {  	[tilespmem:s19+$0xFFFFFFC0] =	vst v2  }
0xfd: {  	[tilespmem:s19+$0xFFFFFFD0] =	vst v1  }
0xfe: {  	v1 =	vld.idx.msk [tilespmem:v4+s24+$0x0], $0xffff  }
0xff: {  	s21 =	sadd.s32 $0x2, s20;
	v2 =	vld [tilespmem:s19+$0xFFFFFFE0]  }
0x100: {  	v4 =	vmov s21;
	v3 =	vld [tilespmem:s19+$0xFFFFFFF0]  }
0x101: {  	v4 =	vand.u32 $0xFFFFFFFE, v4  }
0x102: {  	v4 =	vbroadcast v4, $0x0;
	_ =	sdelay $0x1  }
0x103: {  	v2 =	vmul.f32 v2, v1  }
0x104: {  	v1 =	vmul.f32 v3, v1  }
0x105: {  	[tilespmem:s19+$0xFFFFFFE0] =	vst v2  }
0x106: {  	[tilespmem:s19+$0xFFFFFFF0] =	vst v1;
	v1 =	vld [tilespmem:s19+$0x10]  }
0x107: {  	v2 =	vld.idx.msk [tilespmem:v4+s24+$0x0], $0xffff  }
0x108: {  	v3 =	vld [tilespmem:s19+$0x0];
	_ =	sdelay $0x2  }
0x109: {  	s21 =	sadd.s32 $0x3, s20;
	s20 =	smov.u32 s8  }
0x10a: {  	v4 =	vmov s21  }
0x10b: {  	v1 =	vmul.f32 v1, v2;
	v3 =	vmul.f32 v3, v2;
	_ =	sdelay $0x1  }
0x10c: {  	[tilespmem:s19+$0x10] =	vst v1  }
0x10d: {  	[tilespmem:s19+$0x0] =	vst v3;
	v1 =	vld [tilespmem:s19+$0x30]  }
.Ltmp2:
0x10e: {  	v2 =	vld.idx.msk [tilespmem:v4+s24+$0x0], $0xffff;
	(pc) =	sbr.rel @p0 .LBB2_7-.Ltmp2, $4  }
0x10f: {  	v4 =	vld [tilespmem:s19+$0x20]  }
0x110: {  	v3 =	vmov s8  }
0x111: {  	v3 =	vand.u32 $0xFFFFFFFC, v3  }
0x112: {  	s8 =	sadd.s32 $0x4, s8;
	v3 =	vbroadcast v3, $0x0  }
0x113: {  	_ = 	snop  }
0x114: {  	v1 =	vmul.f32 v1, v2  }
0x115: {  	v4 =	vmul.f32 v4, v2  }
0x116: {  	s8 =	sadd.s32 $0x80, s19;
	[tilespmem:s19+$0x30] =	vst v1  }
0x117: {  	v2 =	vld [tilespmem:s8+$0xFFFFFFC0];
	[tilespmem:s19+$0x20] =	vst v4  }
0x118: {  	s21 =	sadd.s32 $0x1, s20;
	v1 =	vld.idx.msk [tilespmem:v3+s24+$0x0], $0xffff  }
0x119: {  	v4 =	vmov s21;
	v3 =	vld [tilespmem:s8+$0xFFFFFFD0]  }
0x11a: {  	v4 =	vand.u32 $0xFFFFFFFD, v4  }
0x11b: {  	v4 =	vbroadcast v4, $0x0;
	_ =	sdelay $0x1  }
0x11c: {  	v2 =	vmul.f32 v2, v1  }
0x11d: {  	v1 =	vmul.f32 v3, v1  }
0x11e: {  	[tilespmem:s8+$0xFFFFFFC0] =	vst v2  }
0x11f: {  	[tilespmem:s8+$0xFFFFFFD0] =	vst v1;
	v2 =	vld [tilespmem:s8+$0xFFFFFFE0]  }
0x120: {  	s21 =	sadd.s32 $0x2, s20;
	v1 =	vld.idx.msk [tilespmem:v4+s24+$0x0], $0xffff  }
0x121: {  	v3 =	vld [tilespmem:s8+$0xFFFFFFF0];
	v4 =	vmov s21  }
0x122: {  	v4 =	vand.u32 $0xFFFFFFFE, v4  }
0x123: {  	v4 =	vbroadcast v4, $0x0;
	_ =	sdelay $0x1  }
0x124: {  	v2 =	vmul.f32 v2, v1  }
0x125: {  	v1 =	vmul.f32 v3, v1  }
0x126: {  	[tilespmem:s8+$0xFFFFFFE0] =	vst v2  }
0x127: {  	[tilespmem:s8+$0xFFFFFFF0] =	vst v1;
	v1 =	vld [tilespmem:s8+$0x10]  }
0x128: {  	v2 =	vld.idx.msk [tilespmem:v4+s24+$0x0], $0xffff  }
0x129: {  	v3 =	vld [tilespmem:s8+$0x0];
	_ =	sdelay $0x1  }
0x12a: {  	s21 =	sadd.s32 $0x3, s20  }
0x12b: {  	v4 =	vmov s21  }
0x12c: {  	v1 =	vmul.f32 v1, v2  }
0x12d: {  	v2 =	vmul.f32 v3, v2  }
0x12e: {  	[tilespmem:s8+$0x10] =	vst v1  }
0x12f: {  	[tilespmem:s8+$0x0] =	vst v2;
	v2 =	vld [tilespmem:s8+$0x20]  }
0x130: {  	v1 =	vld.idx.msk [tilespmem:v4+s24+$0x0], $0xffff  }
0x131: {  	v3 =	vld [tilespmem:s8+$0x30];
	_ =	sdelay $0x3  }
0x132: {  	v2 =	vmul.f32 v2, v1  }
0x133: {  	v1 =	vmul.f32 v3, v1  }
0x134: {  	[tilespmem:s8+$0x20] =	vst v2  }
0x135: {  	s20 =	simm.s32 $0x400;
	[tilespmem:s8+$0x30] =	vst v1  }
0x136: {  	v1 =	vmov s20;
	[spmem:s3] =	stream.indirect.scatter.add.f32 [tilespmem:s26], [sflag:$0x1], $0x80, s28, s25, $0xb8;
	[tilespmem:$0x1B800] =	vst v63  }
0x137: {  	v1 =	vand.u32 $0xFFFFFFFC, v1;
	_ =	swait.ge [sflag:s22], $0x4000  }
0x138: {  	v1 =	vbroadcast v1, $0x0;
	[sflag:s22] =	ssyncset.done $0x0  }
0x139: {  	[sflag:s22] =	ssyncadd.s32 $0xFFFFC000  }
0x13a: {  	[tilespmem:s26], [sflag:$0x1] =	stream.indirect.gather [hbm4b:s2+s25], $0x80, s29, s25, $0xb8;
	[tilespmem:$0x1B800] =	vst v63  }
0x13b: {  	_ =	swait.ge [sflag:s22], $0x4000  }
0x13c: {  	[sflag:s22] =	ssyncset.done $0x0  }
0x13d: {  	[sflag:s22] =	ssyncadd.s32 $0xFFFFC000  }
0x13e: {  	s19 =	simm.s32 $0x1840;
	v1 =	vld.idx.msk [tilespmem:v1+s24+$0x0], $0xffff  }
0x13f: {  	s21 =	simm.s32 $0x401;
	v2 =	vld [tilespmem:s19+$0xFFFFFFC0]  }
0x140: {  	v4 =	vmov s21;
	v3 =	vld [tilespmem:s19+$0xFFFFFFD0]  }
0x141: {  	v4 =	vand.u32 $0xFFFFFFFD, v4  }
0x142: {  	v4 =	vbroadcast v4, $0x0;
	_ =	sdelay $0x1  }
0x143: {  	v2 =	vmul.f32 v2, v1  }
0x144: {  	v1 =	vmul.f32 v3, v1  }
0x145: {  	[tilespmem:s19+$0xFFFFFFC0] =	vst v2  }
0x146: {  	[tilespmem:s19+$0xFFFFFFD0] =	vst v1;
	v2 =	vld [tilespmem:s19+$0xFFFFFFE0]  }
0x147: {  	s20 =	simm.s32 $0x402;
	v1 =	vld.idx.msk [tilespmem:v4+s24+$0x0], $0xffff  }
0x148: {  	v3 =	vld [tilespmem:s19+$0xFFFFFFF0];
	v4 =	vmov s20  }
0x149: {  	v4 =	vand.u32 $0xFFFFFFFE, v4  }
0x14a: {  	v4 =	vbroadcast v4, $0x0;
	_ =	sdelay $0x1  }
0x14b: {  	v2 =	vmul.f32 v2, v1  }
0x14c: {  	v1 =	vmul.f32 v3, v1  }
0x14d: {  	[tilespmem:s19+$0xFFFFFFE0] =	vst v2  }
0x14e: {  	[tilespmem:s19+$0xFFFFFFF0] =	vst v1;
	v1 =	vld [tilespmem:s19+$0x10]  }
0x14f: {  	v2 =	vld.idx.msk [tilespmem:v4+s24+$0x0], $0xffff  }
0x150: {  	v3 =	vld [tilespmem:s19+$0x0];
	_ =	sdelay $0x1  }
0x151: {  	s21 =	simm.s32 $0x403  }
0x152: {  	v4 =	vmov s21  }
0x153: {  	v1 =	vmul.f32 v1, v2  }
0x154: {  	v2 =	vmul.f32 v3, v2  }
0x155: {  	[tilespmem:s19+$0x10] =	vst v1  }
0x156: {  	[tilespmem:s19+$0x0] =	vst v2;
	v1 =	vld [tilespmem:s19+$0x30]  }
0x157: {  	v2 =	vld.idx.msk [tilespmem:v4+s24+$0x0], $0xffff  }
0x158: {  	s20 =	simm.s32 $0x404;
	v4 =	vld [tilespmem:s19+$0x20]  }
0x159: {  	v3 =	vmov s20  }
0x15a: {  	v3 =	vand.u32 $0xFFFFFFFC, v3  }
0x15b: {  	s8 =	simm.s32 $0x408;
	v3 =	vbroadcast v3, $0x0  }
.LBB2_9:
0x15c: {  	p0 =	sne.s32 s8, $0x5FC  }
0x15d: {  	v1 =	vmul.f32 v1, v2;
	v4 =	vmul.f32 v4, v2;
	_ =	sdelay $0x1  }
0x15e: {  	[tilespmem:s19+$0x20] =	vst v4  }
0x15f: {  	[tilespmem:s19+$0x30] =	vst v1  }
0x160: {  	s19 =	sadd.s32 $0x80, s19;
	v1 =	vld.idx.msk [tilespmem:v3+s24+$0x0], $0xffff  }
0x161: {  	s21 =	sadd.s32 $0x1, s20;
	v2 =	vld [tilespmem:s19+$0xFFFFFFC0]  }
0x162: {  	v4 =	vmov s21;
	v3 =	vld [tilespmem:s19+$0xFFFFFFD0]  }
0x163: {  	v4 =	vand.u32 $0xFFFFFFFD, v4  }
0x164: {  	v4 =	vbroadcast v4, $0x0;
	_ =	sdelay $0x1  }
0x165: {  	v2 =	vmul.f32 v2, v1  }
0x166: {  	v1 =	vmul.f32 v3, v1  }
0x167: {  	[tilespmem:s19+$0xFFFFFFC0] =	vst v2  }
0x168: {  	[tilespmem:s19+$0xFFFFFFD0] =	vst v1  }
0x169: {  	v1 =	vld.idx.msk [tilespmem:v4+s24+$0x0], $0xffff  }
0x16a: {  	s21 =	sadd.s32 $0x2, s20;
	v2 =	vld [tilespmem:s19+$0xFFFFFFE0]  }
0x16b: {  	v4 =	vmov s21;
	v3 =	vld [tilespmem:s19+$0xFFFFFFF0]  }
0x16c: {  	v4 =	vand.u32 $0xFFFFFFFE, v4  }
0x16d: {  	v4 =	vbroadcast v4, $0x0;
	_ =	sdelay $0x1  }
0x16e: {  	v2 =	vmul.f32 v2, v1  }
0x16f: {  	v1 =	vmul.f32 v3, v1  }
0x170: {  	[tilespmem:s19+$0xFFFFFFE0] =	vst v2  }
0x171: {  	[tilespmem:s19+$0xFFFFFFF0] =	vst v1;
	v1 =	vld [tilespmem:s19+$0x10]  }
0x172: {  	v2 =	vld.idx.msk [tilespmem:v4+s24+$0x0], $0xffff  }
0x173: {  	v3 =	vld [tilespmem:s19+$0x0];
	_ =	sdelay $0x2  }
0x174: {  	s21 =	sadd.s32 $0x3, s20;
	s20 =	smov.u32 s8  }
0x175: {  	v4 =	vmov s21  }
0x176: {  	v1 =	vmul.f32 v1, v2;
	v3 =	vmul.f32 v3, v2;
	_ =	sdelay $0x1  }
0x177: {  	[tilespmem:s19+$0x10] =	vst v1  }
0x178: {  	[tilespmem:s19+$0x0] =	vst v3;
	v1 =	vld [tilespmem:s19+$0x30]  }
.Ltmp3:
0x179: {  	v2 =	vld.idx.msk [tilespmem:v4+s24+$0x0], $0xffff;
	(pc) =	sbr.rel @p0 .LBB2_9-.Ltmp3, $4  }
0x17a: {  	v4 =	vld [tilespmem:s19+$0x20]  }
0x17b: {  	v3 =	vmov s8  }
0x17c: {  	v3 =	vand.u32 $0xFFFFFFFC, v3  }
0x17d: {  	s8 =	sadd.s32 $0x4, s8;
	v3 =	vbroadcast v3, $0x0  }
0x17e: {  	_ = 	snop  }
0x17f: {  	v1 =	vmul.f32 v1, v2  }
0x180: {  	v4 =	vmul.f32 v4, v2  }
0x181: {  	s8 =	sadd.s32 $0x80, s19;
	[tilespmem:s19+$0x30] =	vst v1  }
0x182: {  	v2 =	vld [tilespmem:s8+$0xFFFFFFC0];
	[tilespmem:s19+$0x20] =	vst v4  }
0x183: {  	s21 =	sadd.s32 $0x1, s20;
	v1 =	vld.idx.msk [tilespmem:v3+s24+$0x0], $0xffff  }
0x184: {  	v4 =	vmov s21;
	v3 =	vld [tilespmem:s8+$0xFFFFFFD0]  }
0x185: {  	v4 =	vand.u32 $0xFFFFFFFD, v4  }
0x186: {  	v4 =	vbroadcast v4, $0x0;
	_ =	sdelay $0x1  }
0x187: {  	v2 =	vmul.f32 v2, v1  }
0x188: {  	v1 =	vmul.f32 v3, v1  }
0x189: {  	[tilespmem:s8+$0xFFFFFFC0] =	vst v2  }
0x18a: {  	[tilespmem:s8+$0xFFFFFFD0] =	vst v1;
	v2 =	vld [tilespmem:s8+$0xFFFFFFE0]  }
0x18b: {  	s21 =	sadd.s32 $0x2, s20;
	v1 =	vld.idx.msk [tilespmem:v4+s24+$0x0], $0xffff  }
0x18c: {  	v3 =	vld [tilespmem:s8+$0xFFFFFFF0];
	v4 =	vmov s21  }
0x18d: {  	v4 =	vand.u32 $0xFFFFFFFE, v4  }
0x18e: {  	v4 =	vbroadcast v4, $0x0;
	_ =	sdelay $0x1  }
0x18f: {  	v2 =	vmul.f32 v2, v1  }
0x190: {  	v1 =	vmul.f32 v3, v1  }
0x191: {  	[tilespmem:s8+$0xFFFFFFE0] =	vst v2  }
0x192: {  	[tilespmem:s8+$0xFFFFFFF0] =	vst v1;
	v1 =	vld [tilespmem:s8+$0x10]  }
0x193: {  	v2 =	vld.idx.msk [tilespmem:v4+s24+$0x0], $0xffff  }
0x194: {  	v3 =	vld [tilespmem:s8+$0x0];
	_ =	sdelay $0x1  }
0x195: {  	s21 =	sadd.s32 $0x3, s20  }
0x196: {  	v4 =	vmov s21  }
0x197: {  	v1 =	vmul.f32 v1, v2  }
0x198: {  	v2 =	vmul.f32 v3, v2  }
0x199: {  	[tilespmem:s8+$0x10] =	vst v1  }
0x19a: {  	[tilespmem:s8+$0x0] =	vst v2;
	v2 =	vld [tilespmem:s8+$0x20]  }
0x19b: {  	v1 =	vld.idx.msk [tilespmem:v4+s24+$0x0], $0xffff  }
0x19c: {  	v3 =	vld [tilespmem:s8+$0x30];
	_ =	sdelay $0x3  }
0x19d: {  	v2 =	vmul.f32 v2, v1  }
0x19e: {  	v1 =	vmul.f32 v3, v1  }
0x19f: {  	[tilespmem:s8+$0x20] =	vst v2  }
0x1a0: {  	s20 =	simm.s32 $0x600;
	[tilespmem:s8+$0x30] =	vst v1  }
0x1a1: {  	v1 =	vmov s20;
	[spmem:s3] =	stream.indirect.scatter.add.f32 [tilespmem:s26], [sflag:$0x1], $0x80, s30, s25, $0xb8;
	[tilespmem:$0x1B800] =	vst v63  }
0x1a2: {  	v1 =	vand.u32 $0xFFFFFFFC, v1;
	_ =	swait.ge [sflag:s22], $0x4000  }
0x1a3: {  	v1 =	vbroadcast v1, $0x0;
	[sflag:s22] =	ssyncset.done $0x0  }
0x1a4: {  	[sflag:s22] =	ssyncadd.s32 $0xFFFFC000  }
0x1a5: {  	[tilespmem:s26], [sflag:$0x1] =	stream.indirect.gather [hbm4b:s2+s25], $0x80, s31, s25, $0xb8;
	[tilespmem:$0x1B800] =	vst v63  }
0x1a6: {  	_ =	swait.ge [sflag:s22], $0x4000  }
0x1a7: {  	[sflag:s22] =	ssyncset.done $0x0  }
0x1a8: {  	[sflag:s22] =	ssyncadd.s32 $0xFFFFC000  }
0x1a9: {  	s19 =	simm.s32 $0x1840;
	v1 =	vld.idx.msk [tilespmem:v1+s24+$0x0], $0xffff  }
0x1aa: {  	s21 =	simm.s32 $0x601;
	v2 =	vld [tilespmem:s19+$0xFFFFFFC0]  }
0x1ab: {  	v4 =	vmov s21;
	v3 =	vld [tilespmem:s19+$0xFFFFFFD0]  }
0x1ac: {  	v4 =	vand.u32 $0xFFFFFFFD, v4  }
0x1ad: {  	v4 =	vbroadcast v4, $0x0;
	_ =	sdelay $0x1  }
0x1ae: {  	v2 =	vmul.f32 v2, v1  }
0x1af: {  	v1 =	vmul.f32 v3, v1  }
0x1b0: {  	[tilespmem:s19+$0xFFFFFFC0] =	vst v2  }
0x1b1: {  	[tilespmem:s19+$0xFFFFFFD0] =	vst v1;
	v2 =	vld [tilespmem:s19+$0xFFFFFFE0]  }
0x1b2: {  	s20 =	simm.s32 $0x602;
	v1 =	vld.idx.msk [tilespmem:v4+s24+$0x0], $0xffff  }
0x1b3: {  	v3 =	vld [tilespmem:s19+$0xFFFFFFF0];
	v4 =	vmov s20  }
0x1b4: {  	v4 =	vand.u32 $0xFFFFFFFE, v4  }
0x1b5: {  	v4 =	vbroadcast v4, $0x0;
	_ =	sdelay $0x1  }
0x1b6: {  	v2 =	vmul.f32 v2, v1  }
0x1b7: {  	v1 =	vmul.f32 v3, v1  }
0x1b8: {  	[tilespmem:s19+$0xFFFFFFE0] =	vst v2  }
0x1b9: {  	[tilespmem:s19+$0xFFFFFFF0] =	vst v1;
	v1 =	vld [tilespmem:s19+$0x10]  }
0x1ba: {  	v2 =	vld.idx.msk [tilespmem:v4+s24+$0x0], $0xffff  }
0x1bb: {  	v3 =	vld [tilespmem:s19+$0x0];
	_ =	sdelay $0x1  }
0x1bc: {  	s21 =	simm.s32 $0x603  }
0x1bd: {  	v4 =	vmov s21  }
0x1be: {  	v1 =	vmul.f32 v1, v2  }
0x1bf: {  	v2 =	vmul.f32 v3, v2  }
0x1c0: {  	[tilespmem:s19+$0x10] =	vst v1  }
0x1c1: {  	[tilespmem:s19+$0x0] =	vst v2;
	v1 =	vld [tilespmem:s19+$0x30]  }
0x1c2: {  	v2 =	vld.idx.msk [tilespmem:v4+s24+$0x0], $0xffff  }
0x1c3: {  	s20 =	simm.s32 $0x604;
	v4 =	vld [tilespmem:s19+$0x20]  }
0x1c4: {  	v3 =	vmov s20  }
0x1c5: {  	v3 =	vand.u32 $0xFFFFFFFC, v3  }
0x1c6: {  	s8 =	simm.s32 $0x608;
	v3 =	vbroadcast v3, $0x0  }
.LBB2_11:
0x1c7: {  	p0 =	sne.s32 s8, $0x7FC  }
0x1c8: {  	v1 =	vmul.f32 v1, v2;
	v4 =	vmul.f32 v4, v2;
	_ =	sdelay $0x1  }
0x1c9: {  	[tilespmem:s19+$0x20] =	vst v4  }
0x1ca: {  	[tilespmem:s19+$0x30] =	vst v1  }
0x1cb: {  	s19 =	sadd.s32 $0x80, s19;
	v1 =	vld.idx.msk [tilespmem:v3+s24+$0x0], $0xffff  }
0x1cc: {  	s21 =	sadd.s32 $0x1, s20;
	v2 =	vld [tilespmem:s19+$0xFFFFFFC0]  }
0x1cd: {  	v4 =	vmov s21;
	v3 =	vld [tilespmem:s19+$0xFFFFFFD0]  }
0x1ce: {  	v4 =	vand.u32 $0xFFFFFFFD, v4  }
0x1cf: {  	v4 =	vbroadcast v4, $0x0;
	_ =	sdelay $0x1  }
0x1d0: {  	v2 =	vmul.f32 v2, v1  }
0x1d1: {  	v1 =	vmul.f32 v3, v1  }
0x1d2: {  	[tilespmem:s19+$0xFFFFFFC0] =	vst v2  }
0x1d3: {  	[tilespmem:s19+$0xFFFFFFD0] =	vst v1  }
0x1d4: {  	v1 =	vld.idx.msk [tilespmem:v4+s24+$0x0], $0xffff  }
0x1d5: {  	s21 =	sadd.s32 $0x2, s20;
	v2 =	vld [tilespmem:s19+$0xFFFFFFE0]  }
0x1d6: {  	v4 =	vmov s21;
	v3 =	vld [tilespmem:s19+$0xFFFFFFF0]  }
0x1d7: {  	v4 =	vand.u32 $0xFFFFFFFE, v4  }
0x1d8: {  	v4 =	vbroadcast v4, $0x0;
	_ =	sdelay $0x1  }
0x1d9: {  	v2 =	vmul.f32 v2, v1  }
0x1da: {  	v1 =	vmul.f32 v3, v1  }
0x1db: {  	[tilespmem:s19+$0xFFFFFFE0] =	vst v2  }
0x1dc: {  	[tilespmem:s19+$0xFFFFFFF0] =	vst v1;
	v1 =	vld [tilespmem:s19+$0x10]  }
0x1dd: {  	v2 =	vld.idx.msk [tilespmem:v4+s24+$0x0], $0xffff  }
0x1de: {  	v3 =	vld [tilespmem:s19+$0x0];
	_ =	sdelay $0x2  }
0x1df: {  	s21 =	sadd.s32 $0x3, s20;
	s20 =	smov.u32 s8  }
0x1e0: {  	v4 =	vmov s21  }
0x1e1: {  	v1 =	vmul.f32 v1, v2;
	v3 =	vmul.f32 v3, v2;
	_ =	sdelay $0x1  }
0x1e2: {  	[tilespmem:s19+$0x10] =	vst v1  }
0x1e3: {  	[tilespmem:s19+$0x0] =	vst v3;
	v1 =	vld [tilespmem:s19+$0x30]  }
.Ltmp4:
0x1e4: {  	v2 =	vld.idx.msk [tilespmem:v4+s24+$0x0], $0xffff;
	(pc) =	sbr.rel @p0 .LBB2_11-.Ltmp4, $4  }
0x1e5: {  	v4 =	vld [tilespmem:s19+$0x20]  }
0x1e6: {  	v3 =	vmov s8  }
0x1e7: {  	v3 =	vand.u32 $0xFFFFFFFC, v3  }
0x1e8: {  	s8 =	sadd.s32 $0x4, s8;
	v3 =	vbroadcast v3, $0x0  }
0x1e9: {  	_ = 	snop  }
0x1ea: {  	v1 =	vmul.f32 v1, v2  }
0x1eb: {  	v4 =	vmul.f32 v4, v2  }
0x1ec: {  	s8 =	sadd.s32 $0x80, s19;
	[tilespmem:s19+$0x30] =	vst v1  }
0x1ed: {  	v2 =	vld [tilespmem:s8+$0xFFFFFFC0];
	[tilespmem:s19+$0x20] =	vst v4  }
0x1ee: {  	s21 =	sadd.s32 $0x1, s20;
	v1 =	vld.idx.msk [tilespmem:v3+s24+$0x0], $0xffff  }
0x1ef: {  	v4 =	vmov s21;
	v3 =	vld [tilespmem:s8+$0xFFFFFFD0]  }
0x1f0: {  	v4 =	vand.u32 $0xFFFFFFFD, v4  }
0x1f1: {  	v4 =	vbroadcast v4, $0x0;
	_ =	sdelay $0x1  }
0x1f2: {  	v2 =	vmul.f32 v2, v1  }
0x1f3: {  	v1 =	vmul.f32 v3, v1  }
0x1f4: {  	[tilespmem:s8+$0xFFFFFFC0] =	vst v2  }
0x1f5: {  	[tilespmem:s8+$0xFFFFFFD0] =	vst v1;
	v2 =	vld [tilespmem:s8+$0xFFFFFFE0]  }
0x1f6: {  	s21 =	sadd.s32 $0x2, s20;
	v1 =	vld.idx.msk [tilespmem:v4+s24+$0x0], $0xffff  }
0x1f7: {  	v3 =	vld [tilespmem:s8+$0xFFFFFFF0];
	v4 =	vmov s21  }
0x1f8: {  	v4 =	vand.u32 $0xFFFFFFFE, v4  }
0x1f9: {  	v4 =	vbroadcast v4, $0x0;
	_ =	sdelay $0x1  }
0x1fa: {  	v2 =	vmul.f32 v2, v1  }
0x1fb: {  	v1 =	vmul.f32 v3, v1  }
0x1fc: {  	[tilespmem:s8+$0xFFFFFFE0] =	vst v2  }
0x1fd: {  	[tilespmem:s8+$0xFFFFFFF0] =	vst v1;
	v1 =	vld [tilespmem:s8+$0x10]  }
0x1fe: {  	v2 =	vld.idx.msk [tilespmem:v4+s24+$0x0], $0xffff  }
0x1ff: {  	v3 =	vld [tilespmem:s8+$0x0];
	_ =	sdelay $0x1  }
0x200: {  	s21 =	sadd.s32 $0x3, s20  }
0x201: {  	v4 =	vmov s21  }
0x202: {  	v1 =	vmul.f32 v1, v2  }
0x203: {  	v2 =	vmul.f32 v3, v2  }
0x204: {  	[tilespmem:s8+$0x10] =	vst v1  }
0x205: {  	[tilespmem:s8+$0x0] =	vst v2;
	v2 =	vld [tilespmem:s8+$0x20]  }
0x206: {  	v1 =	vld.idx.msk [tilespmem:v4+s24+$0x0], $0xffff  }
0x207: {  	v3 =	vld [tilespmem:s8+$0x30];
	_ =	sdelay $0x3  }
0x208: {  	v2 =	vmul.f32 v2, v1  }
0x209: {  	v1 =	vmul.f32 v3, v1  }
0x20a: {  	[tilespmem:s8+$0x20] =	vst v2  }
0x20b: {  	s20 =	simm.s32 $0x800;
	[tilespmem:s8+$0x30] =	vst v1  }
0x20c: {  	v1 =	vmov s20;
	[spmem:s3] =	stream.indirect.scatter.add.f32 [tilespmem:s26], [sflag:$0x1], $0x80, s0, s25, $0xb8;
	[tilespmem:$0x1B800] =	vst v63  }
0x20d: {  	v1 =	vand.u32 $0xFFFFFFFC, v1;
	_ =	swait.ge [sflag:s22], $0x4000  }
0x20e: {  	v1 =	vbroadcast v1, $0x0;
	[sflag:s22] =	ssyncset.done $0x0  }
0x20f: {  	[sflag:s22] =	ssyncadd.s32 $0xFFFFC000  }
0x210: {  	[tilespmem:s26], [sflag:$0x1] =	stream.indirect.gather [hbm4b:s2+s25], $0x80, s4, s25, $0xb8;
	[tilespmem:$0x1B800] =	vst v63  }
0x211: {  	_ =	swait.ge [sflag:s22], $0x4000  }
0x212: {  	[sflag:s22] =	ssyncset.done $0x0  }
0x213: {  	[sflag:s22] =	ssyncadd.s32 $0xFFFFC000  }
0x214: {  	s19 =	simm.s32 $0x1840;
	v1 =	vld.idx.msk [tilespmem:v1+s24+$0x0], $0xffff  }
0x215: {  	s21 =	simm.s32 $0x801;
	v2 =	vld [tilespmem:s19+$0xFFFFFFC0]  }
0x216: {  	v4 =	vmov s21;
	v3 =	vld [tilespmem:s19+$0xFFFFFFD0]  }
0x217: {  	v4 =	vand.u32 $0xFFFFFFFD, v4  }
0x218: {  	v4 =	vbroadcast v4, $0x0;
	_ =	sdelay $0x1  }
0x219: {  	v2 =	vmul.f32 v2, v1  }
0x21a: {  	v1 =	vmul.f32 v3, v1  }
0x21b: {  	[tilespmem:s19+$0xFFFFFFC0] =	vst v2  }
0x21c: {  	[tilespmem:s19+$0xFFFFFFD0] =	vst v1;
	v2 =	vld [tilespmem:s19+$0xFFFFFFE0]  }
0x21d: {  	s20 =	simm.s32 $0x802;
	v1 =	vld.idx.msk [tilespmem:v4+s24+$0x0], $0xffff  }
0x21e: {  	v3 =	vld [tilespmem:s19+$0xFFFFFFF0];
	v4 =	vmov s20  }
0x21f: {  	v4 =	vand.u32 $0xFFFFFFFE, v4  }
0x220: {  	v4 =	vbroadcast v4, $0x0;
	_ =	sdelay $0x1  }
0x221: {  	v2 =	vmul.f32 v2, v1  }
0x222: {  	v1 =	vmul.f32 v3, v1  }
0x223: {  	[tilespmem:s19+$0xFFFFFFE0] =	vst v2  }
0x224: {  	[tilespmem:s19+$0xFFFFFFF0] =	vst v1;
	v1 =	vld [tilespmem:s19+$0x10]  }
0x225: {  	v2 =	vld.idx.msk [tilespmem:v4+s24+$0x0], $0xffff  }
0x226: {  	v3 =	vld [tilespmem:s19+$0x0];
	_ =	sdelay $0x1  }
0x227: {  	s21 =	simm.s32 $0x803  }
0x228: {  	v4 =	vmov s21  }
0x229: {  	v1 =	vmul.f32 v1, v2  }
0x22a: {  	v2 =	vmul.f32 v3, v2  }
0x22b: {  	[tilespmem:s19+$0x10] =	vst v1  }
0x22c: {  	[tilespmem:s19+$0x0] =	vst v2;
	v1 =	vld [tilespmem:s19+$0x30]  }
0x22d: {  	v2 =	vld.idx.msk [tilespmem:v4+s24+$0x0], $0xffff  }
0x22e: {  	s20 =	simm.s32 $0x804;
	v4 =	vld [tilespmem:s19+$0x20]  }
0x22f: {  	v3 =	vmov s20  }
0x230: {  	v3 =	vand.u32 $0xFFFFFFFC, v3  }
0x231: {  	s8 =	simm.s32 $0x808;
	v3 =	vbroadcast v3, $0x0  }
.LBB2_13:
0x232: {  	p0 =	sne.s32 s8, $0x9FC  }
0x233: {  	v1 =	vmul.f32 v1, v2;
	v4 =	vmul.f32 v4, v2;
	_ =	sdelay $0x1  }
0x234: {  	[tilespmem:s19+$0x20] =	vst v4  }
0x235: {  	[tilespmem:s19+$0x30] =	vst v1  }
0x236: {  	s19 =	sadd.s32 $0x80, s19;
	v1 =	vld.idx.msk [tilespmem:v3+s24+$0x0], $0xffff  }
0x237: {  	s21 =	sadd.s32 $0x1, s20;
	v2 =	vld [tilespmem:s19+$0xFFFFFFC0]  }
0x238: {  	v4 =	vmov s21;
	v3 =	vld [tilespmem:s19+$0xFFFFFFD0]  }
0x239: {  	v4 =	vand.u32 $0xFFFFFFFD, v4  }
0x23a: {  	v4 =	vbroadcast v4, $0x0;
	_ =	sdelay $0x1  }
0x23b: {  	v2 =	vmul.f32 v2, v1  }
0x23c: {  	v1 =	vmul.f32 v3, v1  }
0x23d: {  	[tilespmem:s19+$0xFFFFFFC0] =	vst v2  }
0x23e: {  	[tilespmem:s19+$0xFFFFFFD0] =	vst v1  }
0x23f: {  	v1 =	vld.idx.msk [tilespmem:v4+s24+$0x0], $0xffff  }
0x240: {  	s21 =	sadd.s32 $0x2, s20;
	v2 =	vld [tilespmem:s19+$0xFFFFFFE0]  }
0x241: {  	v4 =	vmov s21;
	v3 =	vld [tilespmem:s19+$0xFFFFFFF0]  }
0x242: {  	v4 =	vand.u32 $0xFFFFFFFE, v4  }
0x243: {  	v4 =	vbroadcast v4, $0x0;
	_ =	sdelay $0x1  }
0x244: {  	v2 =	vmul.f32 v2, v1  }
0x245: {  	v1 =	vmul.f32 v3, v1  }
0x246: {  	[tilespmem:s19+$0xFFFFFFE0] =	vst v2  }
0x247: {  	[tilespmem:s19+$0xFFFFFFF0] =	vst v1;
	v1 =	vld [tilespmem:s19+$0x10]  }
0x248: {  	v2 =	vld.idx.msk [tilespmem:v4+s24+$0x0], $0xffff  }
0x249: {  	v3 =	vld [tilespmem:s19+$0x0];
	_ =	sdelay $0x2  }
0x24a: {  	s21 =	sadd.s32 $0x3, s20;
	s20 =	smov.u32 s8  }
0x24b: {  	v4 =	vmov s21  }
0x24c: {  	v1 =	vmul.f32 v1, v2;
	v3 =	vmul.f32 v3, v2;
	_ =	sdelay $0x1  }
0x24d: {  	[tilespmem:s19+$0x10] =	vst v1  }
0x24e: {  	[tilespmem:s19+$0x0] =	vst v3;
	v1 =	vld [tilespmem:s19+$0x30]  }
.Ltmp5:
0x24f: {  	v2 =	vld.idx.msk [tilespmem:v4+s24+$0x0], $0xffff;
	(pc) =	sbr.rel @p0 .LBB2_13-.Ltmp5, $4  }
0x250: {  	v4 =	vld [tilespmem:s19+$0x20]  }
0x251: {  	v3 =	vmov s8  }
0x252: {  	v3 =	vand.u32 $0xFFFFFFFC, v3  }
0x253: {  	s8 =	sadd.s32 $0x4, s8;
	v3 =	vbroadcast v3, $0x0  }
0x254: {  	_ = 	snop  }
0x255: {  	v1 =	vmul.f32 v1, v2  }
0x256: {  	v4 =	vmul.f32 v4, v2  }
0x257: {  	s8 =	sadd.s32 $0x80, s19;
	[tilespmem:s19+$0x30] =	vst v1  }
0x258: {  	v2 =	vld [tilespmem:s8+$0xFFFFFFC0];
	[tilespmem:s19+$0x20] =	vst v4  }
0x259: {  	s21 =	sadd.s32 $0x1, s20;
	v1 =	vld.idx.msk [tilespmem:v3+s24+$0x0], $0xffff  }
0x25a: {  	v4 =	vmov s21;
	v3 =	vld [tilespmem:s8+$0xFFFFFFD0]  }
0x25b: {  	v4 =	vand.u32 $0xFFFFFFFD, v4  }
0x25c: {  	v4 =	vbroadcast v4, $0x0;
	_ =	sdelay $0x1  }
0x25d: {  	v2 =	vmul.f32 v2, v1  }
0x25e: {  	v1 =	vmul.f32 v3, v1  }
0x25f: {  	[tilespmem:s8+$0xFFFFFFC0] =	vst v2  }
0x260: {  	[tilespmem:s8+$0xFFFFFFD0] =	vst v1;
	v2 =	vld [tilespmem:s8+$0xFFFFFFE0]  }
0x261: {  	s21 =	sadd.s32 $0x2, s20;
	v1 =	vld.idx.msk [tilespmem:v4+s24+$0x0], $0xffff  }
0x262: {  	v3 =	vld [tilespmem:s8+$0xFFFFFFF0];
	v4 =	vmov s21  }
0x263: {  	v4 =	vand.u32 $0xFFFFFFFE, v4  }
0x264: {  	v4 =	vbroadcast v4, $0x0;
	_ =	sdelay $0x1  }
0x265: {  	v2 =	vmul.f32 v2, v1  }
0x266: {  	v1 =	vmul.f32 v3, v1  }
0x267: {  	[tilespmem:s8+$0xFFFFFFE0] =	vst v2  }
0x268: {  	[tilespmem:s8+$0xFFFFFFF0] =	vst v1;
	v1 =	vld [tilespmem:s8+$0x10]  }
0x269: {  	v2 =	vld.idx.msk [tilespmem:v4+s24+$0x0], $0xffff  }
0x26a: {  	v3 =	vld [tilespmem:s8+$0x0];
	_ =	sdelay $0x1  }
0x26b: {  	s21 =	sadd.s32 $0x3, s20  }
0x26c: {  	v4 =	vmov s21  }
0x26d: {  	v1 =	vmul.f32 v1, v2  }
0x26e: {  	v2 =	vmul.f32 v3, v2  }
0x26f: {  	[tilespmem:s8+$0x10] =	vst v1  }
0x270: {  	[tilespmem:s8+$0x0] =	vst v2;
	v2 =	vld [tilespmem:s8+$0x20]  }
0x271: {  	v1 =	vld.idx.msk [tilespmem:v4+s24+$0x0], $0xffff  }
0x272: {  	v3 =	vld [tilespmem:s8+$0x30];
	_ =	sdelay $0x3  }
0x273: {  	v2 =	vmul.f32 v2, v1  }
0x274: {  	v1 =	vmul.f32 v3, v1  }
0x275: {  	[tilespmem:s8+$0x20] =	vst v2  }
0x276: {  	s20 =	simm.s32 $0xA00;
	[tilespmem:s8+$0x30] =	vst v1  }
0x277: {  	v1 =	vmov s20;
	[spmem:s3] =	stream.indirect.scatter.add.f32 [tilespmem:s26], [sflag:$0x1], $0x80, s10, s25, $0xb8;
	[tilespmem:$0x1B800] =	vst v63  }
0x278: {  	v1 =	vand.u32 $0xFFFFFFFC, v1;
	_ =	swait.ge [sflag:s22], $0x4000  }
0x279: {  	v1 =	vbroadcast v1, $0x0;
	[sflag:s22] =	ssyncset.done $0x0  }
0x27a: {  	[sflag:s22] =	ssyncadd.s32 $0xFFFFC000  }
0x27b: {  	[tilespmem:s26], [sflag:$0x1] =	stream.indirect.gather [hbm4b:s2+s25], $0x80, s11, s25, $0xb8;
	[tilespmem:$0x1B800] =	vst v63  }
0x27c: {  	_ =	swait.ge [sflag:s22], $0x4000  }
0x27d: {  	[sflag:s22] =	ssyncset.done $0x0  }
0x27e: {  	[sflag:s22] =	ssyncadd.s32 $0xFFFFC000  }
0x27f: {  	s19 =	simm.s32 $0x1840;
	v1 =	vld.idx.msk [tilespmem:v1+s24+$0x0], $0xffff  }
0x280: {  	s21 =	simm.s32 $0xA01;
	v2 =	vld [tilespmem:s19+$0xFFFFFFC0]  }
0x281: {  	v4 =	vmov s21;
	v3 =	vld [tilespmem:s19+$0xFFFFFFD0]  }
0x282: {  	v4 =	vand.u32 $0xFFFFFFFD, v4  }
0x283: {  	v4 =	vbroadcast v4, $0x0;
	_ =	sdelay $0x1  }
0x284: {  	v2 =	vmul.f32 v2, v1  }
0x285: {  	v1 =	vmul.f32 v3, v1  }
0x286: {  	[tilespmem:s19+$0xFFFFFFC0] =	vst v2  }
0x287: {  	[tilespmem:s19+$0xFFFFFFD0] =	vst v1;
	v2 =	vld [tilespmem:s19+$0xFFFFFFE0]  }
0x288: {  	s20 =	simm.s32 $0xA02;
	v1 =	vld.idx.msk [tilespmem:v4+s24+$0x0], $0xffff  }
0x289: {  	v3 =	vld [tilespmem:s19+$0xFFFFFFF0];
	v4 =	vmov s20  }
0x28a: {  	v4 =	vand.u32 $0xFFFFFFFE, v4  }
0x28b: {  	v4 =	vbroadcast v4, $0x0;
	_ =	sdelay $0x1  }
0x28c: {  	v2 =	vmul.f32 v2, v1  }
0x28d: {  	v1 =	vmul.f32 v3, v1  }
0x28e: {  	[tilespmem:s19+$0xFFFFFFE0] =	vst v2  }
0x28f: {  	[tilespmem:s19+$0xFFFFFFF0] =	vst v1;
	v1 =	vld [tilespmem:s19+$0x10]  }
0x290: {  	v2 =	vld.idx.msk [tilespmem:v4+s24+$0x0], $0xffff  }
0x291: {  	v3 =	vld [tilespmem:s19+$0x0];
	_ =	sdelay $0x1  }
0x292: {  	s21 =	simm.s32 $0xA03  }
0x293: {  	v4 =	vmov s21  }
0x294: {  	v1 =	vmul.f32 v1, v2  }
0x295: {  	v2 =	vmul.f32 v3, v2  }
0x296: {  	[tilespmem:s19+$0x10] =	vst v1  }
0x297: {  	[tilespmem:s19+$0x0] =	vst v2;
	v1 =	vld [tilespmem:s19+$0x30]  }
0x298: {  	v2 =	vld.idx.msk [tilespmem:v4+s24+$0x0], $0xffff  }
0x299: {  	s20 =	simm.s32 $0xA04;
	v4 =	vld [tilespmem:s19+$0x20]  }
0x29a: {  	v3 =	vmov s20  }
0x29b: {  	v3 =	vand.u32 $0xFFFFFFFC, v3  }
0x29c: {  	s8 =	simm.s32 $0xA08;
	v3 =	vbroadcast v3, $0x0  }
.LBB2_15:
0x29d: {  	p0 =	sne.s32 s8, $0xBFC  }
0x29e: {  	v1 =	vmul.f32 v1, v2;
	v4 =	vmul.f32 v4, v2;
	_ =	sdelay $0x1  }
0x29f: {  	[tilespmem:s19+$0x20] =	vst v4  }
0x2a0: {  	[tilespmem:s19+$0x30] =	vst v1  }
0x2a1: {  	s19 =	sadd.s32 $0x80, s19;
	v1 =	vld.idx.msk [tilespmem:v3+s24+$0x0], $0xffff  }
0x2a2: {  	s21 =	sadd.s32 $0x1, s20;
	v2 =	vld [tilespmem:s19+$0xFFFFFFC0]  }
0x2a3: {  	v4 =	vmov s21;
	v3 =	vld [tilespmem:s19+$0xFFFFFFD0]  }
0x2a4: {  	v4 =	vand.u32 $0xFFFFFFFD, v4  }
0x2a5: {  	v4 =	vbroadcast v4, $0x0;
	_ =	sdelay $0x1  }
0x2a6: {  	v2 =	vmul.f32 v2, v1  }
0x2a7: {  	v1 =	vmul.f32 v3, v1  }
0x2a8: {  	[tilespmem:s19+$0xFFFFFFC0] =	vst v2  }
0x2a9: {  	[tilespmem:s19+$0xFFFFFFD0] =	vst v1  }
0x2aa: {  	v1 =	vld.idx.msk [tilespmem:v4+s24+$0x0], $0xffff  }
0x2ab: {  	s21 =	sadd.s32 $0x2, s20;
	v2 =	vld [tilespmem:s19+$0xFFFFFFE0]  }
0x2ac: {  	v4 =	vmov s21;
	v3 =	vld [tilespmem:s19+$0xFFFFFFF0]  }
0x2ad: {  	v4 =	vand.u32 $0xFFFFFFFE, v4  }
0x2ae: {  	v4 =	vbroadcast v4, $0x0;
	_ =	sdelay $0x1  }
0x2af: {  	v2 =	vmul.f32 v2, v1  }
0x2b0: {  	v1 =	vmul.f32 v3, v1  }
0x2b1: {  	[tilespmem:s19+$0xFFFFFFE0] =	vst v2  }
0x2b2: {  	[tilespmem:s19+$0xFFFFFFF0] =	vst v1;
	v1 =	vld [tilespmem:s19+$0x10]  }
0x2b3: {  	v2 =	vld.idx.msk [tilespmem:v4+s24+$0x0], $0xffff  }
0x2b4: {  	v3 =	vld [tilespmem:s19+$0x0];
	_ =	sdelay $0x2  }
0x2b5: {  	s21 =	sadd.s32 $0x3, s20;
	s20 =	smov.u32 s8  }
0x2b6: {  	v4 =	vmov s21  }
0x2b7: {  	v1 =	vmul.f32 v1, v2;
	v3 =	vmul.f32 v3, v2;
	_ =	sdelay $0x1  }
0x2b8: {  	[tilespmem:s19+$0x10] =	vst v1  }
0x2b9: {  	[tilespmem:s19+$0x0] =	vst v3;
	v1 =	vld [tilespmem:s19+$0x30]  }
.Ltmp6:
0x2ba: {  	v2 =	vld.idx.msk [tilespmem:v4+s24+$0x0], $0xffff;
	(pc) =	sbr.rel @p0 .LBB2_15-.Ltmp6, $4  }
0x2bb: {  	v4 =	vld [tilespmem:s19+$0x20]  }
0x2bc: {  	v3 =	vmov s8  }
0x2bd: {  	v3 =	vand.u32 $0xFFFFFFFC, v3  }
0x2be: {  	s8 =	sadd.s32 $0x4, s8;
	v3 =	vbroadcast v3, $0x0  }
0x2bf: {  	_ = 	snop  }
0x2c0: {  	v1 =	vmul.f32 v1, v2  }
0x2c1: {  	v4 =	vmul.f32 v4, v2  }
0x2c2: {  	s8 =	sadd.s32 $0x80, s19;
	[tilespmem:s19+$0x30] =	vst v1  }
0x2c3: {  	v2 =	vld [tilespmem:s8+$0xFFFFFFC0];
	[tilespmem:s19+$0x20] =	vst v4  }
0x2c4: {  	s21 =	sadd.s32 $0x1, s20;
	v1 =	vld.idx.msk [tilespmem:v3+s24+$0x0], $0xffff  }
0x2c5: {  	v4 =	vmov s21;
	v3 =	vld [tilespmem:s8+$0xFFFFFFD0]  }
0x2c6: {  	v4 =	vand.u32 $0xFFFFFFFD, v4  }
0x2c7: {  	v4 =	vbroadcast v4, $0x0;
	_ =	sdelay $0x1  }
0x2c8: {  	v2 =	vmul.f32 v2, v1  }
0x2c9: {  	v1 =	vmul.f32 v3, v1  }
0x2ca: {  	[tilespmem:s8+$0xFFFFFFC0] =	vst v2  }
0x2cb: {  	[tilespmem:s8+$0xFFFFFFD0] =	vst v1;
	v2 =	vld [tilespmem:s8+$0xFFFFFFE0]  }
0x2cc: {  	s21 =	sadd.s32 $0x2, s20;
	v1 =	vld.idx.msk [tilespmem:v4+s24+$0x0], $0xffff  }
0x2cd: {  	v3 =	vld [tilespmem:s8+$0xFFFFFFF0];
	v4 =	vmov s21  }
0x2ce: {  	v4 =	vand.u32 $0xFFFFFFFE, v4  }
0x2cf: {  	v4 =	vbroadcast v4, $0x0;
	_ =	sdelay $0x1  }
0x2d0: {  	v2 =	vmul.f32 v2, v1  }
0x2d1: {  	v1 =	vmul.f32 v3, v1  }
0x2d2: {  	[tilespmem:s8+$0xFFFFFFE0] =	vst v2  }
0x2d3: {  	[tilespmem:s8+$0xFFFFFFF0] =	vst v1;
	v1 =	vld [tilespmem:s8+$0x10]  }
0x2d4: {  	v2 =	vld.idx.msk [tilespmem:v4+s24+$0x0], $0xffff  }
0x2d5: {  	v3 =	vld [tilespmem:s8+$0x0];
	_ =	sdelay $0x1  }
0x2d6: {  	s21 =	sadd.s32 $0x3, s20  }
0x2d7: {  	v4 =	vmov s21  }
0x2d8: {  	v1 =	vmul.f32 v1, v2  }
0x2d9: {  	v2 =	vmul.f32 v3, v2  }
0x2da: {  	[tilespmem:s8+$0x10] =	vst v1  }
0x2db: {  	[tilespmem:s8+$0x0] =	vst v2;
	v2 =	vld [tilespmem:s8+$0x20]  }
0x2dc: {  	v1 =	vld.idx.msk [tilespmem:v4+s24+$0x0], $0xffff  }
0x2dd: {  	v3 =	vld [tilespmem:s8+$0x30];
	_ =	sdelay $0x3  }
0x2de: {  	v2 =	vmul.f32 v2, v1  }
0x2df: {  	v1 =	vmul.f32 v3, v1  }
0x2e0: {  	[tilespmem:s8+$0x20] =	vst v2  }
0x2e1: {  	s20 =	simm.s32 $0xC00;
	[tilespmem:s8+$0x30] =	vst v1  }
0x2e2: {  	v1 =	vmov s20;
	[spmem:s3] =	stream.indirect.scatter.add.f32 [tilespmem:s26], [sflag:$0x1], $0x80, s12, s25, $0xb8;
	[tilespmem:$0x1B800] =	vst v63  }
0x2e3: {  	v1 =	vand.u32 $0xFFFFFFFC, v1;
	_ =	swait.ge [sflag:s22], $0x4000  }
0x2e4: {  	v1 =	vbroadcast v1, $0x0;
	[sflag:s22] =	ssyncset.done $0x0  }
0x2e5: {  	[sflag:s22] =	ssyncadd.s32 $0xFFFFC000  }
0x2e6: {  	[tilespmem:s26], [sflag:$0x1] =	stream.indirect.gather [hbm4b:s2+s25], $0x80, s13, s25, $0xb8;
	[tilespmem:$0x1B800] =	vst v63  }
0x2e7: {  	_ =	swait.ge [sflag:s22], $0x4000  }
0x2e8: {  	[sflag:s22] =	ssyncset.done $0x0  }
0x2e9: {  	[sflag:s22] =	ssyncadd.s32 $0xFFFFC000  }
0x2ea: {  	s19 =	simm.s32 $0x1840;
	v1 =	vld.idx.msk [tilespmem:v1+s24+$0x0], $0xffff  }
0x2eb: {  	s21 =	simm.s32 $0xC01;
	v2 =	vld [tilespmem:s19+$0xFFFFFFC0]  }
0x2ec: {  	v4 =	vmov s21;
	v3 =	vld [tilespmem:s19+$0xFFFFFFD0]  }
0x2ed: {  	v4 =	vand.u32 $0xFFFFFFFD, v4  }
0x2ee: {  	v4 =	vbroadcast v4, $0x0;
	_ =	sdelay $0x1  }
0x2ef: {  	v2 =	vmul.f32 v2, v1  }
0x2f0: {  	v1 =	vmul.f32 v3, v1  }
0x2f1: {  	[tilespmem:s19+$0xFFFFFFC0] =	vst v2  }
0x2f2: {  	[tilespmem:s19+$0xFFFFFFD0] =	vst v1;
	v2 =	vld [tilespmem:s19+$0xFFFFFFE0]  }
0x2f3: {  	s20 =	simm.s32 $0xC02;
	v1 =	vld.idx.msk [tilespmem:v4+s24+$0x0], $0xffff  }
0x2f4: {  	v3 =	vld [tilespmem:s19+$0xFFFFFFF0];
	v4 =	vmov s20  }
0x2f5: {  	v4 =	vand.u32 $0xFFFFFFFE, v4  }
0x2f6: {  	v4 =	vbroadcast v4, $0x0;
	_ =	sdelay $0x1  }
0x2f7: {  	v2 =	vmul.f32 v2, v1  }
0x2f8: {  	v1 =	vmul.f32 v3, v1  }
0x2f9: {  	[tilespmem:s19+$0xFFFFFFE0] =	vst v2  }
0x2fa: {  	[tilespmem:s19+$0xFFFFFFF0] =	vst v1;
	v1 =	vld [tilespmem:s19+$0x10]  }
0x2fb: {  	v2 =	vld.idx.msk [tilespmem:v4+s24+$0x0], $0xffff  }
0x2fc: {  	v3 =	vld [tilespmem:s19+$0x0];
	_ =	sdelay $0x1  }
0x2fd: {  	s21 =	simm.s32 $0xC03  }
0x2fe: {  	v4 =	vmov s21  }
0x2ff: {  	v1 =	vmul.f32 v1, v2  }
0x300: {  	v2 =	vmul.f32 v3, v2  }
0x301: {  	[tilespmem:s19+$0x10] =	vst v1  }
0x302: {  	[tilespmem:s19+$0x0] =	vst v2;
	v1 =	vld [tilespmem:s19+$0x30]  }
0x303: {  	v2 =	vld.idx.msk [tilespmem:v4+s24+$0x0], $0xffff  }
0x304: {  	s20 =	simm.s32 $0xC04;
	v4 =	vld [tilespmem:s19+$0x20]  }
0x305: {  	v3 =	vmov s20  }
0x306: {  	v3 =	vand.u32 $0xFFFFFFFC, v3  }
0x307: {  	s8 =	simm.s32 $0xC08;
	v3 =	vbroadcast v3, $0x0  }
.LBB2_17:
0x308: {  	p0 =	sne.s32 s8, $0xDFC  }
0x309: {  	v1 =	vmul.f32 v1, v2;
	v4 =	vmul.f32 v4, v2;
	_ =	sdelay $0x1  }
0x30a: {  	[tilespmem:s19+$0x20] =	vst v4  }
0x30b: {  	[tilespmem:s19+$0x30] =	vst v1  }
0x30c: {  	s19 =	sadd.s32 $0x80, s19;
	v1 =	vld.idx.msk [tilespmem:v3+s24+$0x0], $0xffff  }
0x30d: {  	s21 =	sadd.s32 $0x1, s20;
	v2 =	vld [tilespmem:s19+$0xFFFFFFC0]  }
0x30e: {  	v4 =	vmov s21;
	v3 =	vld [tilespmem:s19+$0xFFFFFFD0]  }
0x30f: {  	v4 =	vand.u32 $0xFFFFFFFD, v4  }
0x310: {  	v4 =	vbroadcast v4, $0x0;
	_ =	sdelay $0x1  }
0x311: {  	v2 =	vmul.f32 v2, v1  }
0x312: {  	v1 =	vmul.f32 v3, v1  }
0x313: {  	[tilespmem:s19+$0xFFFFFFC0] =	vst v2  }
0x314: {  	[tilespmem:s19+$0xFFFFFFD0] =	vst v1  }
0x315: {  	v1 =	vld.idx.msk [tilespmem:v4+s24+$0x0], $0xffff  }
0x316: {  	s21 =	sadd.s32 $0x2, s20;
	v2 =	vld [tilespmem:s19+$0xFFFFFFE0]  }
0x317: {  	v4 =	vmov s21;
	v3 =	vld [tilespmem:s19+$0xFFFFFFF0]  }
0x318: {  	v4 =	vand.u32 $0xFFFFFFFE, v4  }
0x319: {  	v4 =	vbroadcast v4, $0x0;
	_ =	sdelay $0x1  }
0x31a: {  	v2 =	vmul.f32 v2, v1  }
0x31b: {  	v1 =	vmul.f32 v3, v1  }
0x31c: {  	[tilespmem:s19+$0xFFFFFFE0] =	vst v2  }
0x31d: {  	[tilespmem:s19+$0xFFFFFFF0] =	vst v1;
	v1 =	vld [tilespmem:s19+$0x10]  }
0x31e: {  	v2 =	vld.idx.msk [tilespmem:v4+s24+$0x0], $0xffff  }
0x31f: {  	v3 =	vld [tilespmem:s19+$0x0];
	_ =	sdelay $0x2  }
0x320: {  	s21 =	sadd.s32 $0x3, s20;
	s20 =	smov.u32 s8  }
0x321: {  	v4 =	vmov s21  }
0x322: {  	v1 =	vmul.f32 v1, v2;
	v3 =	vmul.f32 v3, v2;
	_ =	sdelay $0x1  }
0x323: {  	[tilespmem:s19+$0x10] =	vst v1  }
0x324: {  	[tilespmem:s19+$0x0] =	vst v3;
	v1 =	vld [tilespmem:s19+$0x30]  }
.Ltmp7:
0x325: {  	v2 =	vld.idx.msk [tilespmem:v4+s24+$0x0], $0xffff;
	(pc) =	sbr.rel @p0 .LBB2_17-.Ltmp7, $4  }
0x326: {  	v4 =	vld [tilespmem:s19+$0x20]  }
0x327: {  	v3 =	vmov s8  }
0x328: {  	v3 =	vand.u32 $0xFFFFFFFC, v3  }
0x329: {  	s8 =	sadd.s32 $0x4, s8;
	v3 =	vbroadcast v3, $0x0  }
0x32a: {  	_ = 	snop  }
0x32b: {  	v1 =	vmul.f32 v1, v2  }
0x32c: {  	v4 =	vmul.f32 v4, v2  }
0x32d: {  	s8 =	sadd.s32 $0x80, s19;
	[tilespmem:s19+$0x30] =	vst v1  }
0x32e: {  	v2 =	vld [tilespmem:s8+$0xFFFFFFC0];
	[tilespmem:s19+$0x20] =	vst v4  }
0x32f: {  	s21 =	sadd.s32 $0x1, s20;
	v1 =	vld.idx.msk [tilespmem:v3+s24+$0x0], $0xffff  }
0x330: {  	v4 =	vmov s21;
	v3 =	vld [tilespmem:s8+$0xFFFFFFD0]  }
0x331: {  	v4 =	vand.u32 $0xFFFFFFFD, v4  }
0x332: {  	v4 =	vbroadcast v4, $0x0;
	_ =	sdelay $0x1  }
0x333: {  	v2 =	vmul.f32 v2, v1  }
0x334: {  	v1 =	vmul.f32 v3, v1  }
0x335: {  	[tilespmem:s8+$0xFFFFFFC0] =	vst v2  }
0x336: {  	[tilespmem:s8+$0xFFFFFFD0] =	vst v1;
	v2 =	vld [tilespmem:s8+$0xFFFFFFE0]  }
0x337: {  	s21 =	sadd.s32 $0x2, s20;
	v1 =	vld.idx.msk [tilespmem:v4+s24+$0x0], $0xffff  }
0x338: {  	v3 =	vld [tilespmem:s8+$0xFFFFFFF0];
	v4 =	vmov s21  }
0x339: {  	v4 =	vand.u32 $0xFFFFFFFE, v4  }
0x33a: {  	v4 =	vbroadcast v4, $0x0;
	_ =	sdelay $0x1  }
0x33b: {  	v2 =	vmul.f32 v2, v1  }
0x33c: {  	v1 =	vmul.f32 v3, v1  }
0x33d: {  	[tilespmem:s8+$0xFFFFFFE0] =	vst v2  }
0x33e: {  	[tilespmem:s8+$0xFFFFFFF0] =	vst v1;
	v1 =	vld [tilespmem:s8+$0x10]  }
0x33f: {  	v2 =	vld.idx.msk [tilespmem:v4+s24+$0x0], $0xffff  }
0x340: {  	v3 =	vld [tilespmem:s8+$0x0];
	_ =	sdelay $0x1  }
0x341: {  	s21 =	sadd.s32 $0x3, s20  }
0x342: {  	v4 =	vmov s21  }
0x343: {  	v1 =	vmul.f32 v1, v2  }
0x344: {  	v2 =	vmul.f32 v3, v2  }
0x345: {  	[tilespmem:s8+$0x10] =	vst v1  }
0x346: {  	[tilespmem:s8+$0x0] =	vst v2;
	v2 =	vld [tilespmem:s8+$0x20]  }
0x347: {  	v1 =	vld.idx.msk [tilespmem:v4+s24+$0x0], $0xffff  }
0x348: {  	v3 =	vld [tilespmem:s8+$0x30];
	_ =	sdelay $0x3  }
0x349: {  	v2 =	vmul.f32 v2, v1  }
0x34a: {  	v1 =	vmul.f32 v3, v1  }
0x34b: {  	[tilespmem:s8+$0x20] =	vst v2  }
0x34c: {  	s20 =	simm.s32 $0xE00;
	[tilespmem:s8+$0x30] =	vst v1  }
0x34d: {  	v1 =	vmov s20;
	[spmem:s3] =	stream.indirect.scatter.add.f32 [tilespmem:s26], [sflag:$0x1], $0x80, s14, s25, $0xb8;
	[tilespmem:$0x1B800] =	vst v63  }
0x34e: {  	v1 =	vand.u32 $0xFFFFFFFC, v1;
	_ =	swait.ge [sflag:s22], $0x4000  }
0x34f: {  	v1 =	vbroadcast v1, $0x0;
	[sflag:s22] =	ssyncset.done $0x0  }
0x350: {  	[sflag:s22] =	ssyncadd.s32 $0xFFFFC000  }
0x351: {  	[tilespmem:s26], [sflag:$0x1] =	stream.indirect.gather [hbm4b:s2+s25], $0x80, s15, s25, $0xb8;
	[tilespmem:$0x1B800] =	vst v63  }
0x352: {  	_ =	swait.ge [sflag:s22], $0x4000  }
0x353: {  	[sflag:s22] =	ssyncset.done $0x0  }
0x354: {  	[sflag:s22] =	ssyncadd.s32 $0xFFFFC000  }
0x355: {  	s19 =	simm.s32 $0x1840;
	v1 =	vld.idx.msk [tilespmem:v1+s24+$0x0], $0xffff  }
0x356: {  	s21 =	simm.s32 $0xE01;
	v2 =	vld [tilespmem:s19+$0xFFFFFFC0]  }
0x357: {  	v4 =	vmov s21;
	v3 =	vld [tilespmem:s19+$0xFFFFFFD0]  }
0x358: {  	v4 =	vand.u32 $0xFFFFFFFD, v4  }
0x359: {  	v4 =	vbroadcast v4, $0x0;
	_ =	sdelay $0x1  }
0x35a: {  	v2 =	vmul.f32 v2, v1  }
0x35b: {  	v1 =	vmul.f32 v3, v1  }
0x35c: {  	[tilespmem:s19+$0xFFFFFFC0] =	vst v2  }
0x35d: {  	[tilespmem:s19+$0xFFFFFFD0] =	vst v1;
	v2 =	vld [tilespmem:s19+$0xFFFFFFE0]  }
0x35e: {  	s20 =	simm.s32 $0xE02;
	v1 =	vld.idx.msk [tilespmem:v4+s24+$0x0], $0xffff  }
0x35f: {  	v3 =	vld [tilespmem:s19+$0xFFFFFFF0];
	v4 =	vmov s20  }
0x360: {  	v4 =	vand.u32 $0xFFFFFFFE, v4  }
0x361: {  	v4 =	vbroadcast v4, $0x0;
	_ =	sdelay $0x1  }
0x362: {  	v2 =	vmul.f32 v2, v1  }
0x363: {  	v1 =	vmul.f32 v3, v1  }
0x364: {  	[tilespmem:s19+$0xFFFFFFE0] =	vst v2  }
0x365: {  	[tilespmem:s19+$0xFFFFFFF0] =	vst v1;
	v1 =	vld [tilespmem:s19+$0x10]  }
0x366: {  	v2 =	vld.idx.msk [tilespmem:v4+s24+$0x0], $0xffff  }
0x367: {  	v3 =	vld [tilespmem:s19+$0x0];
	_ =	sdelay $0x1  }
0x368: {  	s21 =	simm.s32 $0xE03  }
0x369: {  	v4 =	vmov s21  }
0x36a: {  	v1 =	vmul.f32 v1, v2  }
0x36b: {  	v2 =	vmul.f32 v3, v2  }
0x36c: {  	[tilespmem:s19+$0x10] =	vst v1  }
0x36d: {  	[tilespmem:s19+$0x0] =	vst v2;
	v1 =	vld [tilespmem:s19+$0x30]  }
0x36e: {  	v2 =	vld.idx.msk [tilespmem:v4+s24+$0x0], $0xffff  }
0x36f: {  	s20 =	simm.s32 $0xE04;
	v4 =	vld [tilespmem:s19+$0x20]  }
0x370: {  	v3 =	vmov s20  }
0x371: {  	v3 =	vand.u32 $0xFFFFFFFC, v3  }
0x372: {  	s8 =	simm.s32 $0xE08;
	v3 =	vbroadcast v3, $0x0  }
.LBB2_19:
0x373: {  	p0 =	sne.s32 s8, $0xFFC  }
0x374: {  	v1 =	vmul.f32 v1, v2;
	v4 =	vmul.f32 v4, v2;
	_ =	sdelay $0x1  }
0x375: {  	[tilespmem:s19+$0x20] =	vst v4  }
0x376: {  	[tilespmem:s19+$0x30] =	vst v1  }
0x377: {  	s19 =	sadd.s32 $0x80, s19;
	v1 =	vld.idx.msk [tilespmem:v3+s24+$0x0], $0xffff  }
0x378: {  	s21 =	sadd.s32 $0x1, s20;
	v2 =	vld [tilespmem:s19+$0xFFFFFFC0]  }
0x379: {  	v4 =	vmov s21;
	v3 =	vld [tilespmem:s19+$0xFFFFFFD0]  }
0x37a: {  	v4 =	vand.u32 $0xFFFFFFFD, v4  }
0x37b: {  	v4 =	vbroadcast v4, $0x0;
	_ =	sdelay $0x1  }
0x37c: {  	v2 =	vmul.f32 v2, v1  }
0x37d: {  	v1 =	vmul.f32 v3, v1  }
0x37e: {  	[tilespmem:s19+$0xFFFFFFC0] =	vst v2  }
0x37f: {  	[tilespmem:s19+$0xFFFFFFD0] =	vst v1  }
0x380: {  	v1 =	vld.idx.msk [tilespmem:v4+s24+$0x0], $0xffff  }
0x381: {  	s21 =	sadd.s32 $0x2, s20;
	v2 =	vld [tilespmem:s19+$0xFFFFFFE0]  }
0x382: {  	v4 =	vmov s21;
	v3 =	vld [tilespmem:s19+$0xFFFFFFF0]  }
0x383: {  	v4 =	vand.u32 $0xFFFFFFFE, v4  }
0x384: {  	v4 =	vbroadcast v4, $0x0;
	_ =	sdelay $0x1  }
0x385: {  	v2 =	vmul.f32 v2, v1  }
0x386: {  	v1 =	vmul.f32 v3, v1  }
0x387: {  	[tilespmem:s19+$0xFFFFFFE0] =	vst v2  }
0x388: {  	[tilespmem:s19+$0xFFFFFFF0] =	vst v1;
	v1 =	vld [tilespmem:s19+$0x10]  }
0x389: {  	v2 =	vld.idx.msk [tilespmem:v4+s24+$0x0], $0xffff  }
0x38a: {  	v3 =	vld [tilespmem:s19+$0x0];
	_ =	sdelay $0x2  }
0x38b: {  	s21 =	sadd.s32 $0x3, s20;
	s20 =	smov.u32 s8  }
0x38c: {  	v4 =	vmov s21  }
0x38d: {  	v1 =	vmul.f32 v1, v2;
	v3 =	vmul.f32 v3, v2;
	_ =	sdelay $0x1  }
0x38e: {  	[tilespmem:s19+$0x10] =	vst v1  }
0x38f: {  	[tilespmem:s19+$0x0] =	vst v3;
	v1 =	vld [tilespmem:s19+$0x30]  }
.Ltmp8:
0x390: {  	v2 =	vld.idx.msk [tilespmem:v4+s24+$0x0], $0xffff;
	(pc) =	sbr.rel @p0 .LBB2_19-.Ltmp8, $4  }
0x391: {  	v4 =	vld [tilespmem:s19+$0x20]  }
0x392: {  	v3 =	vmov s8  }
0x393: {  	v3 =	vand.u32 $0xFFFFFFFC, v3  }
0x394: {  	s8 =	sadd.s32 $0x4, s8;
	v3 =	vbroadcast v3, $0x0  }
0x395: {  	_ = 	snop  }
0x396: {  	v1 =	vmul.f32 v1, v2  }
0x397: {  	v4 =	vmul.f32 v4, v2  }
0x398: {  	s8 =	sadd.s32 $0x80, s19;
	[tilespmem:s19+$0x30] =	vst v1  }
0x399: {  	v2 =	vld [tilespmem:s8+$0xFFFFFFC0];
	[tilespmem:s19+$0x20] =	vst v4  }
0x39a: {  	s21 =	sadd.s32 $0x1, s20;
	v1 =	vld.idx.msk [tilespmem:v3+s24+$0x0], $0xffff  }
0x39b: {  	v61 =	vmov s21;
	v3 =	vld [tilespmem:s8+$0xFFFFFFD0]  }
0x39c: {  	v4 =	vand.u32 $0xFFFFFFFD, v61  }
0x39d: {  	v4 =	vbroadcast v4, $0x0;
	_ =	sdelay $0x1  }
0x39e: {  	v2 =	vmul.f32 v2, v1  }
0x39f: {  	v1 =	vmul.f32 v3, v1  }
0x3a0: {  	[tilespmem:s8+$0xFFFFFFC0] =	vst v2  }
0x3a1: {  	[tilespmem:s8+$0xFFFFFFD0] =	vst v1;
	v2 =	vld [tilespmem:s8+$0xFFFFFFE0]  }
0x3a2: {  	s21 =	sadd.s32 $0x2, s20;
	v1 =	vld.idx.msk [tilespmem:v4+s24+$0x0], $0xffff  }
0x3a3: {  	v62 =	vmov s21;
	v3 =	vld [tilespmem:s8+$0xFFFFFFF0]  }
0x3a4: {  	v4 =	vand.u32 $0xFFFFFFFE, v62  }
0x3a5: {  	v4 =	vbroadcast v4, $0x0;
	_ =	sdelay $0x1  }
0x3a6: {  	v2 =	vmul.f32 v2, v1  }
0x3a7: {  	v1 =	vmul.f32 v3, v1  }
0x3a8: {  	[tilespmem:s8+$0xFFFFFFE0] =	vst v2  }
0x3a9: {  	[tilespmem:s8+$0xFFFFFFF0] =	vst v1;
	v1 =	vld [tilespmem:s8+$0x10]  }
0x3aa: {  	v2 =	vld.idx.msk [tilespmem:v4+s24+$0x0], $0xffff  }
0x3ab: {  	v3 =	vld [tilespmem:s8+$0x0];
	_ =	sdelay $0x1  }
0x3ac: {  	s21 =	sadd.s32 $0x3, s20  }
0x3ad: {  	v63 =	vmov s21  }
0x3ae: {  	v1 =	vmul.f32 v1, v2  }
0x3af: {  	v2 =	vmul.f32 v3, v2  }
0x3b0: {  	[tilespmem:s8+$0x10] =	vst v1  }
0x3b1: {  	[tilespmem:s8+$0x0] =	vst v2;
	v2 =	vld [tilespmem:s8+$0x20]  }
0x3b2: {  	v1 =	vld.idx.msk [tilespmem:v63+s24+$0x0], $0xffff  }
0x3b3: {  	v3 =	vld [tilespmem:s8+$0x30];
	_ =	sdelay $0x3  }
0x3b4: {  	v2 =	vmul.f32 v2, v1  }
0x3b5: {  	s18 =	sadd.s32 $0x1, s18;
	v1 =	vmul.f32 v3, v1  }
0x3b6: {  	p0 =	sne.s32 s18, $0xB;
	[tilespmem:s8+$0x20] =	vst v2  }
.Ltmp9:
0x3b7: {  	[tilespmem:s8+$0x30] =	vst v1;
	(pc) =	sbr.rel @p0 .LBB2_4-.Ltmp9, $4  }
0x3b8: {  	[spmem:s3] =	stream.indirect.scatter.add.f32 [tilespmem:s26], [sflag:$0x1], $0x80, s16, s25, $0xb8;
	[tilespmem:$0x1B800] =	vst v63  }
0x3b9: {  	_ =	swait.ge [sflag:s22], $0x4000  }
0x3ba: {  	[sflag:s22] =	ssyncset.done $0x0  }
0x3bb: {  	[sflag:s22] =	ssyncadd.s32 $0xFFFFC000  }
0x3bc: {  	s8 =	stileid.u32;
	[bflag:$0x0] =	sbarrier.arrive $0xFFFF  }
0x3bd: {  	s8 =	sshll.u32 s8, $0x6;
	s18 =	rddreg [dreg:$0x5]  }
0x3be: {  	s19 =	rddreg [dreg:$0x6];
	s8 =	sor.u32 $0x1C01, s8;
	s17 =	sshrl.u32 s18, $0x3  }
0x3bf: {  	[hbm:s19], [sflag:s8] =	dma.local [spmem:s17], $0x2800  }
0x3c0: {  	_ =	swait.ge [sflag:s22], $0x2800  }
0x3c1: {  	s5 =	sadd.s32 $0x1, s5;
	s21 =	rddreg [dreg:$0x7]  }
0x3c2: {  	p0 =	sne.s32 s5, s21  }
.Ltmp10:
0x3c3: {  	_ = 	snop;
	(pc) =	sbr.rel @p0 .LBB2_1-.Ltmp10, $3  }
0x3c4: {  	_ =	sdelay $0x1  }
0x3c5: {  	[sflag:s22] =	ssyncset.done $0x0  }
0x3c6: {  	[sflag:s22] =	ssyncadd.s32 $0xFFFFD800  }
0x3c7: {  	_ =	sfence.sel $0x180000  }
0x3c8: {  	[bflag:$0x0] =	sbarrier.arrive $0xFFFF  }
0x3c9: {  	_ =	strace $0x9000004A  }
0x3ca: {  	s0 =	stileid.u32;
	[bflag:$0x2] =	sbarrier.arrive $0xFFFF  }
0x3cb: {  	p0 =	sne.s32 s0, $0x0;
	s0 =	rddreg [dreg:$0x4]  }
0x3cc: {  	s0 =	sadd.s32 @!p0 $0x100000, s0  }
0x3cd: {  	[sflag:s0] =	ssyncadd.tile.s32 @!p0 $0x1;
	_ =	shalt  }
.Lfunc_end2:
_tile_overlayer_lowered:
.L_overlay_start_2:
0x3ce: {  	(tag) =	ssettag $0x2  }
0x3cf: {  	s0 =	rddreg [dreg:$0x0];
	s2 =	stileid.u32  }
0x3d0: {  	s1 =	rddreg [dreg:$0x1];
	p0 =	sne.s32 s2, $0x0  }
0x3d1: {  	s3 =	rddreg [dreg:$0x2];
	[bflag:$0x3] =	sbarrier.arrive $0xFFFF;
	s2 =	simm.s32 @!p0 $0x1C01  }
0x3d2: {  	[timem:s3], [sflag:s2] =	dma.local @!p0 [hbm:s0], s1  }
0x3d3: {  	s0 =	simm.s32 @!p0 $0x1  }
0x3d4: {  	_ =	swait.ge @!p0 [sflag:s0], s1  }
0x3d5: {  	s1 =	ssub.s32 @!p0 $0x0, s1;
	[sflag:s0] =	ssyncset.done @!p0 $0x0  }
0x3d6: {  	[sflag:s0] =	ssyncadd.s32 @!p0 s1  }
0x3d7: {  	[bflag:$0x3] =	sbarrier.arrive $0xFFFF  }
0x3d8: {  	_ =	shalt  }

// kernel: kernel.15.cloned.1.call-start
scs
__scs_entry_jumppad:
0x0: {  	(pc) =	sbr.rel $0x88, $3  }
0x1: {  	(tag) =	ssettag $0x0;
	lr =	simm.s32 $0x1  }
0x2: {  	[smem:$0x3F93] =	sst lr;
	_ =	strace $0xD0000000  }
0x3: {  	_ = 	snop  }
0x4: {  	_ = 	snop  }
0x5: {  	_ = 	snop  }
0x6: {  	_ = 	snop  }
0x7: {  	_ = 	snop  }
__scs_overlays_trampoline_lowered:
0x8: {  	[smem:$0x3FA2] =	sst s0  }
0x9: {  	[smem:$0x3FA3] =	sst s1  }
0xa: {  	[smem:$0x3FA4] =	sst s2  }
0xb: {  	[smem:$0x3FA5] =	sst s3  }
0xc: {  	[smem:$0x3FA6] =	sst s4  }
0xd: {  	[smem:$0x3FA7] =	sst s5  }
0xe: {  	[smem:$0x3FA8] =	sst s6  }
0xf: {  	[smem:$0x3FA9] =	sst s7  }
0x10: {  	[smem:$0x3FAA] =	sst s8  }
0x11: {  	[smem:$0x3FAB] =	sst s9;
	s0 =	simm.s32 @!p0 $0x0  }
0x12: {  	s1 =	sld [smem:$0x3F91];
	s0 =	simm.s32 @p0 $0x1  }
0x13: {  	[smem:$0x3FAC] =	sst s0;
	s0 =	simm.s32 @!p1 $0x0  }
0x14: {  	s2 =	sld [smem:$0x3F90];
	s0 =	simm.s32 @p1 $0x1  }
0x15: {  	[smem:$0x3FAD] =	sst s0;
	s0 =	simm.s32 @!p2 $0x0  }
0x16: {  	s3 =	sld [smem:$0x3FDB];
	s0 =	simm.s32 @p2 $0x1  }
0x17: {  	s4 =	simm.s32 $0x1BF5;
	[smem:$0x3FAF] =	sst s0  }
0x18: {  	s0 =	sld [smem:$0x3F92];
	_ =	swait.ge [sflag:s4], $0x0  }
0x19: {  	s7 =	sld [smem:$0x3F93]  }
0x1a: {  	s8 =	sadd.s32 $0xFFFFE003, lr  }
0x1b: {  	s9 =	sadd.s32 $0xFFFFFEF7, lr;
	s5 =	simm.s32 $0xFFFFFFFF;
	p2 =	slt.u32 s8, $0xFFFFF086  }
0x1c: {  	p1 =	slt.u32 s9, $0xF7A;
	s5 =	simm.s32 @!p2 $0x0  }
0x1d: {  	s5 =	simm.s32 @p1 $0x1;
	p0 =	seq.s32 s7, s2  }
0x1e: {  	s7 =	smul.u32 @!p0 $0xF7A, s2;
	p2 =	seq.s32 @!p0 s5, $0x0  }
0x1f: {  	s9 =	smul.u32 $0xF7A, s1;
	s8 =	simm.s32 @!p0 $0x1BF5;
	p2 =	por !p2, p0  }
0x20: {  	[sflag:s8] =	ssyncset.s32 @!p0 $0xFFFFF086;
	s6 =	sadd.s32 @!p0 s3, s7;
	s7 =	simm.s32 @!p0 $0x108  }
0x21: {  	s3 =	sadd.s32 s3, s9;
	s6 =	sadd.s32 @!p0 $0x88, s6;
	s7 =	simm.s32 @p2 $0x1082  }
0x22: {  	[simem:s7], [sflag:s8] =	dma.local @!p0 [hbm:s6], $0xF7A  }
0x23: {  	s9 =	sor.u32 $0xD0000000, s2;
	s6 =	simm.s32 $0x108;
	_ =	swait.ge @!p0 [sflag:s8], $0x0  }
0x24: {  	s3 =	sadd.s32 $0x88, s3;
	s6 =	simm.s32 @!p1 $0x1082;
	[sflag:s4] =	ssyncset.s32 $0xFFFFF086  }
0x25: {  	[simem:s6], [sflag:s4] =	dma.local [hbm:s3], $0xF7A  }
0x26: {  	[smem:$0x3F93] =	sst s1;
	(tag) =	ssettag s2;
	_ =	strace s9  }
0x27: {  	s1 =	sld [smem:$0x3FA3]  }
0x28: {  	s2 =	sld [smem:$0x3FA4]  }
0x29: {  	s4 =	sld [smem:$0x3FA6]  }
0x2a: {  	p0 =	seq.s32 s5, $0x0;
	s5 =	sld [smem:$0x3FA7]  }
0x2b: {  	s6 =	sld [smem:$0x3FA8]  }
0x2c: {  	s7 =	sld [smem:$0x3FA9]  }
0x2d: {  	s3 =	simm.s32 $0x108;
	s8 =	sld [smem:$0x3FAA]  }
0x2e: {  	s3 =	simm.s32 @!p0 $0x1082;
	s9 =	sld [smem:$0x3FAB]  }
0x2f: {  	lr =	sadd.s32 s0, s3;
	s0 =	sld [smem:$0x3FA2]  }
0x30: {  	s3 =	sld [smem:$0x3FA5]  }
0x31: {  	[smem:$0x3FAE] =	sst s10  }
0x32: {  	s10 =	sld [smem:$0x3FAC];
	_ =	sdelay $0x3  }
0x33: {  	p0 =	seq.s32 s10, $0x1;
	s10 =	sld [smem:$0x3FAE];
	_ =	sdelay $0x3  }
0x34: {  	[smem:$0x3FAE] =	sst s10  }
0x35: {  	s10 =	sld [smem:$0x3FAD];
	_ =	sdelay $0x3  }
0x36: {  	p1 =	seq.s32 s10, $0x1;
	s10 =	sld [smem:$0x3FAE];
	_ =	sdelay $0x3  }
0x37: {  	[smem:$0x3FAE] =	sst s10  }
0x38: {  	s10 =	sld [smem:$0x3FAF]  }
0x39: {  	_ = 	snop;
	(pc) =	sbr.ind lr, $3  }
0x3a: {  	_ = 	snop  }
0x3b: {  	_ = 	snop  }
0x3c: {  	p2 =	seq.s32 s10, $0x1;
	s10 =	sld [smem:$0x3FAE]  }
0x3d: {  	_ =	shalt  }
0x3e: {  	_ =	shalt  }
0x3f: {  	_ =	shalt  }
0x40: {  	_ =	shalt  }
0x41: {  	_ =	shalt  }
0x42: {  	_ =	shalt  }
0x43: {  	_ =	shalt  }
0x44: {  	_ =	shalt  }
0x45: {  	_ =	shalt  }
0x46: {  	_ =	shalt  }
0x47: {  	_ =	shalt  }
0x48: {  	_ =	shalt  }
0x49: {  	_ =	shalt  }
0x4a: {  	_ =	shalt  }
0x4b: {  	_ =	shalt  }
0x4c: {  	_ =	shalt  }
0x4d: {  	_ =	shalt  }
0x4e: {  	_ =	shalt  }
0x4f: {  	_ =	shalt  }
0x50: {  	_ =	shalt  }
0x51: {  	_ =	shalt  }
0x52: {  	_ =	shalt  }
0x53: {  	_ =	shalt  }
0x54: {  	_ =	shalt  }
0x55: {  	_ =	shalt  }
0x56: {  	_ =	shalt  }
0x57: {  	_ =	shalt  }
0x58: {  	_ =	shalt  }
0x59: {  	_ =	shalt  }
0x5a: {  	_ =	shalt  }
0x5b: {  	_ =	shalt  }
0x5c: {  	_ =	shalt  }
0x5d: {  	_ =	shalt  }
0x5e: {  	_ =	shalt  }
0x5f: {  	_ =	shalt  }
0x60: {  	_ =	shalt  }
0x61: {  	_ =	shalt  }
0x62: {  	_ =	shalt  }
0x63: {  	_ =	shalt  }
0x64: {  	_ =	shalt  }
0x65: {  	_ =	shalt  }
0x66: {  	_ =	shalt  }
0x67: {  	_ =	shalt  }
0x68: {  	_ =	shalt  }
0x69: {  	_ =	shalt  }
0x6a: {  	_ =	shalt  }
0x6b: {  	_ =	shalt  }
0x6c: {  	_ =	shalt  }
0x6d: {  	_ =	shalt  }
0x6e: {  	_ =	shalt  }
0x6f: {  	_ =	shalt  }
0x70: {  	_ =	shalt  }
0x71: {  	_ =	shalt  }
0x72: {  	_ =	shalt  }
0x73: {  	_ =	shalt  }
0x74: {  	_ =	shalt  }
0x75: {  	_ =	shalt  }
0x76: {  	_ =	shalt  }
0x77: {  	_ =	shalt  }
0x78: {  	_ =	shalt  }
0x79: {  	_ =	shalt  }
0x7a: {  	_ =	shalt  }
0x7b: {  	_ =	shalt  }
0x7c: {  	_ =	shalt  }
0x7d: {  	_ =	shalt  }
0x7e: {  	_ =	shalt  }
0x7f: {  	_ =	shalt  }
0x80: {  	_ =	shalt  }
0x81: {  	_ =	shalt  }
0x82: {  	_ =	shalt  }
0x83: {  	_ =	shalt  }
0x84: {  	_ =	shalt  }
0x85: {  	_ =	shalt  }
0x86: {  	_ =	shalt  }
0x87: {  	_ =	shalt  }
.Lfunc_end0:
.L_simem_size_0:
called_computation.2_lowered:
.L_overlay_start_0:
0x88: {  	s2 =	sld [smem:$0x3FD9]  }
0x89: {  	s3 =	sld [smem:$0x3FFE];
	_ =	sdelay $0x1  }
0x8a: {  	s1 =	srdreg.scid  }
0x8b: {  	s0 =	sand.u32 $0x1, s1  }
0x8c: {  	s14 =	sshll.u32 s0, $0xA;
	s2 =	sadd.s32 s3, s2  }
0x8d: {  	s2 =	sadd.s32 s2, s14  }
0x8e: {  	[smem:$0x3FBA] =	sst s2  }
0x8f: {  	_ = 	snop  }
0x90: {  	s2 =	sld [smem:$0x3FD0];
	_ =	sdelay $0x2  }
0x91: {  	s15 =	simm.s32 $0xA;
	s4 =	simm.s32 $0x10  }
0x92: {  	[smem:s4], [sflag:s15] =	dma.local [hbm:s2], $0x1  }
0x93: {  	_ =	swait.eq [sflag:s15], $0x1  }
0x94: {  	[sflag:s15] =	ssyncset.done $0x0  }
0x95: {  	[sflag:s15] =	ssyncadd.s32 $0xFFFFFFFF  }
0x96: {  	s16 =	sld [smem:$0x11];
	(tm) =	ssettm $0x1  }
0x97: {  	s17 =	sld [smem:$0x3FFB];
	_ =	sdelay $0x3  }
0x98: {  	_ =	strace s17  }
0x99: {  	s3 =	sld [smem:$0x3FFC];
	_ =	sdelay $0x3  }
0x9a: {  	_ =	strace s3  }
0x9b: {  	s3 =	sld [smem:$0x3FFD];
	_ =	sdelay $0x3  }
0x9c: {  	_ =	strace s3  }
0x9d: {  	_ =	strace $0x8FFFFFFF  }
0x9e: {  	s18 =	sld [smem:$0x3FDB];
	_ =	sdelay $0x1  }
0x9f: {  	s19 =	simm.s32 $_scs_section_size  }
0xa0: {  	s5 =	simm.s32 $_size__tile_overlayer_lowered;
	s6 =	simm.s32 $_tile_overlayer_lowered  }
0xa1: {  	s22 =	simm.s32 $0x1BFF;
	s21 =	sshll.u32 s6, $0x1;
	s3 =	sadd.s32 s19, s18  }
0xa2: {  	s7 =	simm.s32 $0x0;
	s20 =	sshll.u32 s5, $0x1;
	s5 =	sadd.s32 s21, s3  }
0xa3: {  	[timem:s7], [sflag:s22] =	dma.local [hbm:s5], s20  }
0xa4: {  	_ =	swait.ge [sflag:s22], s20  }
0xa5: {  	s4 =	ssub.s32 $0x0, s20;
	[sflag:s22] =	ssyncset.done $0x0  }
0xa6: {  	[sflag:s22] =	ssyncadd.s32 s4;
	_ =	sdelay $0x1  }
0xa7: {  	s23 =	simm.s32 $0x1B8B  }
0xa8: {  	_ =	swait.ge [sflag:s23], $0x1  }
0xa9: {  	[sflag:s23] =	ssyncset.done $0x0  }
0xaa: {  	s25 =	simm.s32 $0x1B8E;
	s24 =	sld [smem:$0x3FFE];
	[sflag:s23] =	ssyncadd.s32 $0xFFFFFFFF  }
0xab: {  	s26 =	simm.s32 $execute0_lowered;
	[smem:$0x3FD2] =	sst s25  }
0xac: {  	s5 =	sshll.u32 s26, $0x1;
	_ =	strace $0x8000004C;
	[dreg:$0x1] =	wrdreg $0xFFFFFFFF  }
0xad: {  	s28 =	simm.s32 $_size_execute0_lowered;
	s3 =	sadd.s32 s3, s5;
	[dreg:$0x0] =	wrdreg $0x0  }
0xae: {  	s5 =	sshll.u32 s28, $0x1;
	[dreg:$0x2] =	wrdreg s3  }
0xaf: {  	[dreg:$0x3] =	wrdreg s5  }
0xb0: {  	[dreg:$0x4] =	wrdreg $0xC0  }
0xb1: {  	_ =	task [dreg:s7], $0x5FFFF  }
0xb2: {  	[dreg:$0x1] =	wrdreg $0xFFFFFFFF  }
0xb3: {  	[dreg:$0x0] =	wrdreg $0x60  }
0xb4: {  	[dreg:$0x2] =	wrdreg s16  }
0xb5: {  	[dreg:$0x3] =	wrdreg s24  }
0xb6: {  	[dreg:$0x4] =	wrdreg $0x18C800  }
0xb7: {  	[dreg:$0x5] =	wrdreg $0x9  }
0xb8: {  	_ =	task.clear_ibuf [dreg:s7], $0x6FFFF;
	_ =	strace $0x9000004C  }
0xb9: {  	s29 =	simm.s32 $0x9;
	_ =	strace $0x8000004E  }
0xba: {  	_ =	swait.ge [sflag:s29], $0x1  }
0xbb: {  	[sflag:s29] =	ssyncadd.s32 $0xFFFFFFFF  }
0xbc: {  	_ =	strace $0x9000004E  }
0xbd: {  	_ =	sfence  }
0xbe: {  	s30 =	sld [smem:$0x0];
	_ =	sdelay $0x2  }
0xbf: {  	s31 =	sshll.u32 s1, $0xD;
	s1 =	sshrl.u32 s1, $0x2  }
0xc0: {  	s3 =	sand.u32 $0x4000, s31;
	s1 =	sadd.s32 s1, s30  }
0xc1: {  	s0 =	sor.u32 s3, s0;
	s1 =	sshll.u32 s1, $0x11  }
0xc2: {  	s0 =	sor.u32 s1, s0  }
0xc3: {  	s0 =	sadd.s32 $0x8F2B, s0  }
0xc4: {  	[sflag:s0] =	ssyncadd.remote.s32 $0x1  }
0xc5: {  	_ =	sfence.sel $0xFFFF  }
0xc6: {  	[dreg:$0x0] =	wrdreg $0xFFFFFFFF;
	(pc) =	sbr.abs _section_cstart, $3  }
0xc7: {  	[dreg:$0x1] =	wrdreg $0xFFFFFFFF  }
0xc8: {  	_ =	task.clear_ibuf [dreg:s7], $0x2FFFF;
	_ =	strace $0x9FFFFFFF  }
0xc9: {  	(tm) =	ssettm $0x7FFFFFFF  }
tec
execute0_lowered:
.L_overlay_start_1:
0x0: {  	(tag) =	ssettag $0x1  }
0x1: {  	s0 =	rddreg [dreg:$0x1]  }
0x2: {  	s2 =	rddreg [dreg:$0x2];
	s4 =	simm.s32 $0x0;
	s1 =	srdreg.scid  }
0x3: {  	s10 =	stileid.u32;
	s28 =	simm.s32 $0x14880;
	s30 =	simm.s32 $0x80  }
0x4: {  	s31 =	simm.s32 $0x14100;
	s11 =	simm.s32 $0x14200;
	s12 =	simm.s32 $0x16080  }
0x5: {  	s13 =	simm.s32 $0x14280;
	[smem:$0x7FF] =	sst s4;
	s7 =	smul.u32 $0x500, s10  }
0x6: {  	s1 =	sand.u32 $0x1, s1;
	s5 =	sadd.s32 $0xFA00, s0;
	s9 =	smul.u32 $0xA000, s10  }
0x7: {  	s6 =	sadd.s32 $0x4A00, s0;
	s8 =	sadd.s32 $0x1AA00, s0;
	s3 =	smul.u32 $0x5000, s1  }
0x8: {  	_ =	strace $0x8000004D;
	[dreg:$0x4] =	wrdreg s8;
	s8 =	sadd.s32 $0x27200, s0  }
0x9: {  	s14 =	ssub.s32 $0x2, s1;
	s1 =	sshll.u32 s1, $0x4;
	s16 =	sshrl.u32 s9, $0x2  }
0xa: {  	s15 =	sshrl.u32 s14, $0x1;
	s1 =	sor.u32 s10, s1;
	s21 =	sadd.s32 s16, s2  }
0xb: {  	s9 =	simm.s32 $0x0;
	s18 =	sadd.s32 $0x400, s21;
	[dreg:$0x5] =	wrdreg s21  }
0xc: {  	s3 =	sadd.s32 s7, s3;
	s19 =	sadd.s32 $0x800, s21;
	[dreg:$0x8] =	wrdreg s18  }
0xd: {  	s10 =	smul.u32 $0x2C00, s1;
	s20 =	sadd.s32 $0xC00, s21;
	[dreg:$0x9] =	wrdreg s19  }
0xe: {  	s7 =	simm.s32 $0x15880;
	s22 =	sadd.s32 $0x1000, s21;
	[dreg:$0xa] =	wrdreg s20  }
0xf: {  	s16 =	simm.s32 $0x17080;
	s23 =	sadd.s32 $0x1400, s21;
	[dreg:$0xb] =	wrdreg s22  }
0x10: {  	s0 =	sadd.s32 s3, s0;
	s24 =	sadd.s32 $0x1800, s21;
	[dreg:$0xc] =	wrdreg s23  }
0x11: {  	s3 =	ssub.s32 s14, s15;
	s25 =	sadd.s32 $0x1C00, s21;
	[dreg:$0xd] =	wrdreg s24  }
0x12: {  	s26 =	sadd.s32 $0x2000, s21;
	s29 =	sadd.s32 $0x2400, s21;
	[dreg:$0xe] =	wrdreg s25  }
0x13: {  	s14 =	simm.s32 $0x16880;
	s15 =	simm.s32 $0x14300;
	[dreg:$0xf] =	wrdreg s26  }
0x14: {  	s0 =	sadd.s32 $0x1D200, s0;
	s17 =	smax.u32 s3, $0x1;
	[dreg:$0x10] =	wrdreg s29  }
0x15: {  	s23 =	simm.s32 $0x1;
	s24 =	simm.s32 $0x13880;
	s25 =	simm.s32 $0x13C80  }
0x16: {  	s26 =	simm.s32 $0x14080;
	s3 =	simm.s32 $0x14180;
	s18 =	simm.s32 $0x17880  }
0x17: {  	v0 =	vlaneseq.u32;
	s19 =	simm.s32 $0x14400;
	s20 =	simm.s32 $0x18080;
	[dreg:$0x6] =	wrdreg s0  }
0x18: {  	v1 =	vimm.f32 $0.0e+00;
	v2 =	vor.u32 $0xFFFFFFF8, v0;
	[dreg:$0x7] =	wrdreg s17;
	s0 =	simm.s32 $0x15080;
	s17 =	simm.s32 $0x14380  }
.LBB2_1:
0x19: {  	[dreg:$0x11] =	wrdreg s9;
	s1 =	simm.s32 $0x0  }
.LBB2_2:
0x1a: {  	p0 =	sne.s32 s1, $0xFC0  }
.Ltmp0:
0x1b: {  	_ = 	snop;
	(pc) =	sbr.rel @p0 .LBB2_2-.Ltmp0, $3  }
0x1c: {  	_ =	sdelay $0x1  }
0x1d: {  	s9 =	sshra.s32 s1, $0x2  }
0x1e: {  	s1 =	sadd.s32 $0x40, s1;
	[tilespmem:s9+$0x18880] =	vst v1  }
0x1f: {  	s1 =	simm.s32 $0x40;
	s9 =	simm.s32 $0x0  }
.LBB2_4:
0x20: {  	p0 =	sne.s32 s1, $0xFFC0;
	[tilespmem:s9+$0x14880] =	vst v1;
	s9 =	smov.u32 s1;
	s1 =	sadd.s32 $0x40, s1  }
.Ltmp1:
0x21: {  	(pc) =	sbr.rel @p0 .LBB2_4-.Ltmp1, $2  }
0x22: {  	_ =	sdelay $0x2  }
0x23: {  	s9 =	sshra.s32 s9, $0x2  }
0x24: {  	[tilespmem:s9+$0x14880] =	vst v1;
	s9 =	simm.s32 $0x18880  }
0x25: {  	[spmem:s21] =	stream.linear.scatter [tilespmem:s9], [sflag:$0x1], $0x400, $0x38;
	[tilespmem:$0x1B480] =	vst v63  }
0x26: {  	_ =	swait.ge [sflag:s23], $0x400  }
0x27: {  	[sflag:s23] =	ssyncset.done $0x0  }
0x28: {  	s1 =	rddreg [dreg:$0x8];
	[sflag:s23] =	ssyncadd.s32 $0xFFFFFC00  }
0x29: {  	[spmem:s1] =	stream.linear.scatter [tilespmem:s9], [sflag:$0x1], $0x400, $0x38;
	[tilespmem:$0x1B480] =	vst v63  }
0x2a: {  	_ =	swait.ge [sflag:s23], $0x400  }
0x2b: {  	[sflag:s23] =	ssyncset.done $0x0  }
0x2c: {  	s21 =	rddreg [dreg:$0x9];
	[sflag:s23] =	ssyncadd.s32 $0xFFFFFC00  }
0x2d: {  	[spmem:s21] =	stream.linear.scatter [tilespmem:s9], [sflag:$0x1], $0x400, $0x38;
	[tilespmem:$0x1B480] =	vst v63  }
0x2e: {  	_ =	swait.ge [sflag:s23], $0x400  }
0x2f: {  	[sflag:s23] =	ssyncset.done $0x0  }
0x30: {  	s22 =	rddreg [dreg:$0xa];
	[sflag:s23] =	ssyncadd.s32 $0xFFFFFC00  }
0x31: {  	[spmem:s22] =	stream.linear.scatter [tilespmem:s9], [sflag:$0x1], $0x400, $0x38;
	[tilespmem:$0x1B480] =	vst v63  }
0x32: {  	_ =	swait.ge [sflag:s23], $0x400  }
0x33: {  	[sflag:s23] =	ssyncset.done $0x0  }
0x34: {  	s29 =	rddreg [dreg:$0xb];
	[sflag:s23] =	ssyncadd.s32 $0xFFFFFC00  }
0x35: {  	[spmem:s29] =	stream.linear.scatter [tilespmem:s9], [sflag:$0x1], $0x400, $0x38;
	[tilespmem:$0x1B480] =	vst v63  }
0x36: {  	_ =	swait.ge [sflag:s23], $0x400  }
0x37: {  	[sflag:s23] =	ssyncset.done $0x0  }
0x38: {  	s21 =	rddreg [dreg:$0xc];
	[sflag:s23] =	ssyncadd.s32 $0xFFFFFC00  }
0x39: {  	[spmem:s21] =	stream.linear.scatter [tilespmem:s9], [sflag:$0x1], $0x400, $0x38;
	[tilespmem:$0x1B480] =	vst v63  }
0x3a: {  	_ =	swait.ge [sflag:s23], $0x400  }
0x3b: {  	[sflag:s23] =	ssyncset.done $0x0  }
0x3c: {  	s22 =	rddreg [dreg:$0xd];
	[sflag:s23] =	ssyncadd.s32 $0xFFFFFC00  }
0x3d: {  	[spmem:s22] =	stream.linear.scatter [tilespmem:s9], [sflag:$0x1], $0x400, $0x38;
	[tilespmem:$0x1B480] =	vst v63  }
0x3e: {  	_ =	swait.ge [sflag:s23], $0x400  }
0x3f: {  	[sflag:s23] =	ssyncset.done $0x0  }
0x40: {  	s29 =	rddreg [dreg:$0xe];
	[sflag:s23] =	ssyncadd.s32 $0xFFFFFC00  }
0x41: {  	[spmem:s29] =	stream.linear.scatter [tilespmem:s9], [sflag:$0x1], $0x400, $0x38;
	[tilespmem:$0x1B480] =	vst v63  }
0x42: {  	_ =	swait.ge [sflag:s23], $0x400  }
0x43: {  	[sflag:s23] =	ssyncset.done $0x0  }
0x44: {  	s21 =	rddreg [dreg:$0xf];
	[sflag:s23] =	ssyncadd.s32 $0xFFFFFC00  }
0x45: {  	[spmem:s21] =	stream.linear.scatter [tilespmem:s9], [sflag:$0x1], $0x400, $0x38;
	[tilespmem:$0x1B480] =	vst v63  }
0x46: {  	_ =	swait.ge [sflag:s23], $0x400  }
0x47: {  	[sflag:s23] =	ssyncset.done $0x0  }
0x48: {  	s22 =	rddreg [dreg:$0x10];
	[sflag:s23] =	ssyncadd.s32 $0xFFFFFC00  }
0x49: {  	[spmem:s22] =	stream.linear.scatter [tilespmem:s9], [sflag:$0x1], $0x400, $0x38;
	[tilespmem:$0x1B480] =	vst v63  }
0x4a: {  	_ =	swait.ge [sflag:s23], $0x400  }
0x4b: {  	[sflag:s23] =	ssyncset.done $0x0  }
0x4c: {  	[sflag:s23] =	ssyncadd.s32 $0xFFFFFC00  }
0x4d: {  	[bflag:$0x0] =	sbarrier.arrive $0xFFFF  }
0x4e: {  	s9 =	simm.s32 $0x0;
	s29 =	rddreg [dreg:$0x4]  }
0x4f: {  	[tilespmem:s9], [sflag:$0x1] =	stream.linear.gather [hbm4b:s29+s9], $0x13880, $0x38;
	[tilespmem:$0x1B480] =	vst v63  }
0x50: {  	_ =	swait.ge [sflag:s23], $0x13880  }
0x51: {  	[sflag:s23] =	ssyncset.done $0x0  }
0x52: {  	s22 =	simm.s32 $0x0;
	[sflag:s23] =	ssyncadd.s32 $0xFFFEC780  }
.LBB2_6:
0x53: {  	s1 =	sshll.u32 s22, $0xA  }
0x54: {  	s1 =	sadd.s32 s10, s1  }
0x55: {  	s21 =	sshrl.u32 s1, $0x3;
	s1 =	rddreg [dreg:$0x0]  }
0x56: {  	s1 =	sadd.s32 s1, s21  }
0x57: {  	[tilespmem:s24], [sflag:$0x1] =	stream.linear.gather [hbm4b:s1+s9], $0x400, $0x38;
	[tilespmem:$0x1B480] =	vst v63  }
0x58: {  	_ =	swait.ge [sflag:s23], $0x400  }
0x59: {  	[sflag:s23] =	ssyncset.done $0x0  }
0x5a: {  	s1 =	sadd.s32 s5, s21;
	[sflag:s23] =	ssyncadd.s32 $0xFFFFFC00  }
0x5b: {  	[tilespmem:s25], [sflag:$0x1] =	stream.linear.gather [hbm4b:s1+s9], $0x400, $0x38;
	[tilespmem:$0x1B480] =	vst v63  }
0x5c: {  	_ =	swait.ge [sflag:s23], $0x400  }
0x5d: {  	v3 =	vor.u32 s9, v0;
	[sflag:s23] =	ssyncset.done $0x0  }
0x5e: {  	v4 =	vand.u32 v2, v3;
	s1 =	sadd.s32 s6, s21;
	[sflag:s23] =	ssyncadd.s32 $0xFFFFFC00  }
0x5f: {  	[tilespmem:s26], [sflag:$0x1] =	stream.linear.gather [hbm4b:s1+s9], $0x400, $0x38;
	[tilespmem:$0x1B480] =	vst v63  }
0x60: {  	_ =	swait.ge [sflag:s23], $0x400  }
0x61: {  	[sflag:s23] =	ssyncset.done $0x0  }
0x62: {  	[sflag:s23] =	ssyncadd.s32 $0xFFFFFC00  }
0x63: {  	v5 =	vld.idx.msk [tilespmem:v4+s24+$0x0], $0xffff  }
0x64: {  	v4 =	vld.idx.msk [tilespmem:v4+s25+$0x0], $0xffff;
	_ =	sdelay $0x4  }
0x65: {  	v5 =	vshll.u32 v5, $0x3;
	v4 =	vshll.u32 v4, $0x3  }
0x66: {  	v4 =	vor.u32 $0x4, v4;
	_ =	sdelay $0x3  }
0x67: {  	v5 =	vld.idx.msk [tilespmem:v5+s4+$0x0], $0xffff  }
0x68: {  	v4 =	vld.idx.msk [tilespmem:v4+s4+$0x0], $0xffff;
	_ =	sdelay $0x4  }
0x69: {  	v4 =	vadd.f32 v4, v5;
	_ =	sdelay $0x1  }
0x6a: {  	v5 =	vmul.f32 $2.000000030e-01, v4  }
0x6b: {  	vm0 =	vge.f32 v4, $0.0e+00  }
0x6c: {  	v4 =	vsel vm0, v4, v5  }
0x6d: {  	v4 =	vmul.f32 $1.442695020e+00, v4;
	_ =	sdelay $0x1  }
0x6e: {  	(erf) = vpow2.f32 v4;
	_ =	sdelay $0x4  }
0x6f: {  	s1 =	simm.s32 $0x10  }
0x70: {  	v3 =	vshll.u32 v3, $0x4;
	v4 =	vor.u32 s1, v0  }
0x71: {  	v5 =	vand.u32 v2, v4;
	_ =	sdelay $0x1  }
0x72: {  	s1 =	simm.s32 $0x14480;
	v6 =	vpop (erf)  }
0x73: {  	[tilespmem:s1+$0x0] =	vst v6  }
0x74: {  	[tilespmem:v3+s28+$0x0] =	vst.idx.msk $0xffff, v6  }
0x75: {  	v3 =	vld.idx.msk [tilespmem:v5+s24+$0x0], $0xffff  }
0x76: {  	v5 =	vld.idx.msk [tilespmem:v5+s25+$0x0], $0xffff;
	_ =	sdelay $0x4  }
0x77: {  	v3 =	vshll.u32 v3, $0x3;
	v5 =	vshll.u32 v5, $0x3  }
0x78: {  	v5 =	vor.u32 $0x4, v5;
	_ =	sdelay $0x3  }
0x79: {  	v3 =	vld.idx.msk [tilespmem:v3+s4+$0x0], $0xffff  }
0x7a: {  	v5 =	vld.idx.msk [tilespmem:v5+s4+$0x0], $0xffff;
	_ =	sdelay $0x4  }
0x7b: {  	v3 =	vadd.f32 v5, v3;
	_ =	sdelay $0x1  }
0x7c: {  	v5 =	vmul.f32 $2.000000030e-01, v3  }
0x7d: {  	vm15 =	vge.f32 v3, $0.0e+00  }
0x7e: {  	v3 =	vsel vm15, v3, v5  }
0x7f: {  	v5 =	vmul.f32 $1.442695020e+00, v3;
	_ =	sdelay $0x1  }
0x80: {  	(erf) = vpow2.f32 v5;
	_ =	sdelay $0x4  }
0x81: {  	s29 =	simm.s32 $0x20  }
0x82: {  	v3 =	vor.u32 s29, v0;
	v5 =	vshll.u32 v4, $0x4  }
0x83: {  	v4 =	vand.u32 v2, v3  }
0x84: {  	s29 =	simm.s32 $0x30  }
.LBB2_7:
0x85: {  	p0 =	sne.s32 s29, $0x3F0;
	v6 =	vpop (erf);
	s1 =	sadd.s32 $0x10, s1  }
0x86: {  	[tilespmem:s1+$0x0] =	vst v6  }
0x87: {  	[tilespmem:v5+s28+$0x0] =	vst.idx.msk $0xffff, v6  }
0x88: {  	v5 =	vld.idx.msk [tilespmem:v4+s24+$0x0], $0xffff  }
0x89: {  	v4 =	vld.idx.msk [tilespmem:v4+s25+$0x0], $0xffff;
	_ =	sdelay $0x5  }
0x8a: {  	v5 =	vshll.u32 v5, $0x3;
	v4 =	vshll.u32 v4, $0x3  }
0x8b: {  	v4 =	vor.u32 $0x4, v4;
	_ =	sdelay $0x3  }
0x8c: {  	v5 =	vld.idx.msk [tilespmem:v5+s4+$0x0], $0xffff  }
0x8d: {  	v4 =	vld.idx.msk [tilespmem:v4+s4+$0x0], $0xffff;
	_ =	sdelay $0x5  }
0x8e: {  	v4 =	vadd.f32 v4, v5;
	_ =	sdelay $0x1  }
0x8f: {  	v5 =	vmul.f32 $2.000000030e-01, v4  }
0x90: {  	vm0 =	vge.f32 v4, $0.0e+00  }
0x91: {  	v4 =	vsel vm0, v4, v5  }
0x92: {  	v4 =	vmul.f32 $1.442695020e+00, v4;
	_ =	sdelay $0x1  }
0x93: {  	(erf) = vpow2.f32 v4;
	_ =	sdelay $0x3  }
.Ltmp2:
0x94: {  	(pc) =	sbr.rel @p0 .LBB2_7-.Ltmp2, $4  }
0x95: {  	_ = 	snop  }
0x96: {  	v5 =	vshll.u32 v3, $0x4;
	v3 =	vor.u32 s29, v0  }
0x97: {  	v4 =	vand.u32 v2, v3  }
0x98: {  	s29 =	sadd.s32 $0x10, s29  }
0x99: {  	_ =	sdelay $0x1  }
0x9a: {  	v6 =	vpop (erf);
	s1 =	sadd.s32 $0x10, s1  }
0x9b: {  	[tilespmem:s1+$0x0] =	vst v6  }
0x9c: {  	[tilespmem:v5+s28+$0x0] =	vst.idx.msk $0xffff, v6  }
0x9d: {  	v5 =	vld.idx.msk [tilespmem:v4+s24+$0x0], $0xffff  }
0x9e: {  	v63 =	vld.idx.msk [tilespmem:v4+s25+$0x0], $0xffff;
	_ =	sdelay $0x4  }
0x9f: {  	v5 =	vshll.u32 v5, $0x3;
	v4 =	vshll.u32 v63, $0x3  }
0xa0: {  	v4 =	vor.u32 $0x4, v4;
	_ =	sdelay $0x3  }
0xa1: {  	v5 =	vld.idx.msk [tilespmem:v5+s4+$0x0], $0xffff  }
0xa2: {  	v4 =	vld.idx.msk [tilespmem:v4+s4+$0x0], $0xffff;
	_ =	sdelay $0x4  }
0xa3: {  	v4 =	vadd.f32 v4, v5;
	_ =	sdelay $0x1  }
0xa4: {  	v5 =	vmul.f32 $2.000000030e-01, v4  }
0xa5: {  	vm0 =	vge.f32 v4, $0.0e+00  }
0xa6: {  	v4 =	vsel vm0, v4, v5  }
0xa7: {  	v4 =	vmul.f32 $1.442695020e+00, v4;
	_ =	sdelay $0x1  }
0xa8: {  	(erf) = vpow2.f32 v4;
	_ =	sdelay $0x5  }
0xa9: {  	v3 =	vshll.u32 v3, $0x4;
	_ =	sdelay $0x2  }
0xaa: {  	s1 =	sadd.s32 $0x10, s1;
	v4 =	vpop (erf)  }
0xab: {  	[tilespmem:s1+$0x0] =	vst v4  }
0xac: {  	s21 =	sadd.s32 s8, s21;
	s29 =	simm.s32 $0x14480;
	[tilespmem:v3+s28+$0x0] =	vst.idx.msk $0xffff, v4  }
0xad: {  	[hbm4b:s21+s4] =	stream.linear.scatter [tilespmem:s29], [sflag:$0x1], $0x400, $0x38;
	[tilespmem:$0x1B480] =	vst v63  }
0xae: {  	_ =	swait.ge [sflag:s23], $0x400  }
0xaf: {  	[sflag:s23] =	ssyncset.done $0x0  }
0xb0: {  	[sflag:s23] =	ssyncadd.s32 $0xFFFFFC00  }
0xb1: {  	[spmem:s2] =	stream.indirect.scatter.add.f32 [tilespmem:s28], [sflag:$0x1], $0x10, s26, s30, $0xb8;
	[tilespmem:$0x1B480] =	vst v63  }
0xb2: {  	_ =	swait.ge [sflag:s23], $0x800  }
0xb3: {  	[sflag:s23] =	ssyncset.done $0x0  }
0xb4: {  	[sflag:s23] =	ssyncadd.s32 $0xFFFFF800  }
0xb5: {  	[spmem:s2] =	stream.indirect.scatter.add.f32 [tilespmem:s0], [sflag:$0x1], $0x10, s31, s30, $0xb8;
	[tilespmem:$0x1B480] =	vst v63  }
0xb6: {  	_ =	swait.ge [sflag:s23], $0x800  }
0xb7: {  	[sflag:s23] =	ssyncset.done $0x0  }
0xb8: {  	[sflag:s23] =	ssyncadd.s32 $0xFFFFF800  }
0xb9: {  	[spmem:s2] =	stream.indirect.scatter.add.f32 [tilespmem:s7], [sflag:$0x1], $0x10, s3, s30, $0xb8;
	[tilespmem:$0x1B480] =	vst v63  }
0xba: {  	_ =	swait.ge [sflag:s23], $0x800  }
0xbb: {  	[sflag:s23] =	ssyncset.done $0x0  }
0xbc: {  	[sflag:s23] =	ssyncadd.s32 $0xFFFFF800  }
0xbd: {  	[spmem:s2] =	stream.indirect.scatter.add.f32 [tilespmem:s12], [sflag:$0x1], $0x10, s11, s30, $0xb8;
	[tilespmem:$0x1B480] =	vst v63  }
0xbe: {  	_ =	swait.ge [sflag:s23], $0x800  }
0xbf: {  	[sflag:s23] =	ssyncset.done $0x0  }
0xc0: {  	[sflag:s23] =	ssyncadd.s32 $0xFFFFF800  }
0xc1: {  	[spmem:s2] =	stream.indirect.scatter.add.f32 [tilespmem:s14], [sflag:$0x1], $0x10, s13, s30, $0xb8;
	[tilespmem:$0x1B480] =	vst v63  }
0xc2: {  	_ =	swait.ge [sflag:s23], $0x800  }
0xc3: {  	[sflag:s23] =	ssyncset.done $0x0  }
0xc4: {  	[sflag:s23] =	ssyncadd.s32 $0xFFFFF800  }
0xc5: {  	[spmem:s2] =	stream.indirect.scatter.add.f32 [tilespmem:s16], [sflag:$0x1], $0x10, s15, s30, $0xb8;
	[tilespmem:$0x1B480] =	vst v63  }
0xc6: {  	_ =	swait.ge [sflag:s23], $0x800  }
0xc7: {  	[sflag:s23] =	ssyncset.done $0x0  }
0xc8: {  	[sflag:s23] =	ssyncadd.s32 $0xFFFFF800  }
0xc9: {  	[spmem:s2] =	stream.indirect.scatter.add.f32 [tilespmem:s18], [sflag:$0x1], $0x10, s17, s30, $0xb8;
	[tilespmem:$0x1B480] =	vst v63  }
0xca: {  	s22 =	sadd.s32 $0x1, s22;
	_ =	swait.ge [sflag:s23], $0x800  }
0xcb: {  	p0 =	sne.s32 s22, $0xB;
	[sflag:s23] =	ssyncset.done $0x0  }
.Ltmp3:
0xcc: {  	[sflag:s23] =	ssyncadd.s32 $0xFFFFF800;
	(pc) =	sbr.rel @p0 .LBB2_6-.Ltmp3, $4  }
0xcd: {  	[spmem:s2] =	stream.indirect.scatter.add.f32 [tilespmem:s20], [sflag:$0x1], $0x10, s19, s30, $0xb8;
	[tilespmem:$0x1B480] =	vst v63  }
0xce: {  	_ =	swait.ge [sflag:s23], $0x800  }
0xcf: {  	[sflag:s23] =	ssyncset.done $0x0  }
0xd0: {  	[sflag:s23] =	ssyncadd.s32 $0xFFFFF800  }
0xd1: {  	s1 =	stileid.u32;
	[bflag:$0x0] =	sbarrier.arrive $0xFFFF  }
0xd2: {  	s1 =	sshll.u32 s1, $0x6;
	s21 =	rddreg [dreg:$0x5]  }
0xd3: {  	s22 =	rddreg [dreg:$0x6];
	s1 =	sor.u32 $0x1C01, s1;
	s9 =	sshrl.u32 s21, $0x3  }
0xd4: {  	[hbm:s22], [sflag:s1] =	dma.local [spmem:s9], $0x500  }
0xd5: {  	_ =	swait.ge [sflag:s23], $0x500  }
0xd6: {  	s22 =	rddreg [dreg:$0x11]  }
0xd7: {  	s29 =	rddreg [dreg:$0x7];
	s9 =	sadd.s32 $0x1, s22  }
0xd8: {  	p0 =	sne.s32 s9, s29  }
.Ltmp4:
0xd9: {  	_ = 	snop;
	(pc) =	sbr.rel @p0 .LBB2_1-.Ltmp4, $3  }
0xda: {  	_ =	sdelay $0x1  }
0xdb: {  	[sflag:s23] =	ssyncset.done $0x0  }
0xdc: {  	[sflag:s23] =	ssyncadd.s32 $0xFFFFFB00  }
0xdd: {  	_ =	sfence.sel $0x180000  }
0xde: {  	[bflag:$0x0] =	sbarrier.arrive $0xFFFF  }
0xdf: {  	_ =	strace $0x9000004D  }
0xe0: {  	s0 =	stileid.u32;
	[bflag:$0x2] =	sbarrier.arrive $0xFFFF  }
0xe1: {  	p0 =	sne.s32 s0, $0x0;
	s0 =	rddreg [dreg:$0x3]  }
0xe2: {  	s0 =	sadd.s32 @!p0 $0x100000, s0  }
0xe3: {  	[sflag:s0] =	ssyncadd.tile.s32 @!p0 $0x1;
	_ =	shalt  }
.Lfunc_end2:
_tile_overlayer_lowered:
.L_overlay_start_2:
0xe4: {  	(tag) =	ssettag $0x2  }
0xe5: {  	s0 =	rddreg [dreg:$0x0];
	s2 =	stileid.u32  }
0xe6: {  	s1 =	rddreg [dreg:$0x1];
	p0 =	sne.s32 s2, $0x0  }
0xe7: {  	s3 =	rddreg [dreg:$0x2];
	[bflag:$0x3] =	sbarrier.arrive $0xFFFF;
	s2 =	simm.s32 @!p0 $0x1C01  }
0xe8: {  	[timem:s3], [sflag:s2] =	dma.local @!p0 [hbm:s0], s1  }
0xe9: {  	s0 =	simm.s32 @!p0 $0x1  }
0xea: {  	_ =	swait.ge @!p0 [sflag:s0], s1  }
0xeb: {  	s1 =	ssub.s32 @!p0 $0x0, s1;
	[sflag:s0] =	ssyncset.done @!p0 $0x0  }
0xec: {  	[sflag:s0] =	ssyncadd.s32 @!p0 s1  }
0xed: {  	[bflag:$0x3] =	sbarrier.arrive $0xFFFF  }
0xee: {  	_ =	shalt  }

// kernel: kernel.18.cloned.1.call-start
scs
__scs_entry_jumppad:
0x0: {  	(pc) =	sbr.rel $0x88, $3  }
0x1: {  	(tag) =	ssettag $0x0;
	lr =	simm.s32 $0x1  }
0x2: {  	[smem:$0x3F93] =	sst lr;
	_ =	strace $0xD0000000  }
0x3: {  	_ = 	snop  }
0x4: {  	_ = 	snop  }
0x5: {  	_ = 	snop  }
0x6: {  	_ = 	snop  }
0x7: {  	_ = 	snop  }
__scs_overlays_trampoline_lowered:
0x8: {  	[smem:$0x3FA2] =	sst s0  }
0x9: {  	[smem:$0x3FA3] =	sst s1  }
0xa: {  	[smem:$0x3FA4] =	sst s2  }
0xb: {  	[smem:$0x3FA5] =	sst s3  }
0xc: {  	[smem:$0x3FA6] =	sst s4  }
0xd: {  	[smem:$0x3FA7] =	sst s5  }
0xe: {  	[smem:$0x3FA8] =	sst s6  }
0xf: {  	[smem:$0x3FA9] =	sst s7  }
0x10: {  	[smem:$0x3FAA] =	sst s8  }
0x11: {  	[smem:$0x3FAB] =	sst s9;
	s0 =	simm.s32 @!p0 $0x0  }
0x12: {  	s1 =	sld [smem:$0x3F91];
	s0 =	simm.s32 @p0 $0x1  }
0x13: {  	[smem:$0x3FAC] =	sst s0;
	s0 =	simm.s32 @!p1 $0x0  }
0x14: {  	s2 =	sld [smem:$0x3F90];
	s0 =	simm.s32 @p1 $0x1  }
0x15: {  	[smem:$0x3FAD] =	sst s0;
	s0 =	simm.s32 @!p2 $0x0  }
0x16: {  	s3 =	sld [smem:$0x3FDB];
	s0 =	simm.s32 @p2 $0x1  }
0x17: {  	s4 =	simm.s32 $0x1BF5;
	[smem:$0x3FAF] =	sst s0  }
0x18: {  	s0 =	sld [smem:$0x3F92];
	_ =	swait.ge [sflag:s4], $0x0  }
0x19: {  	s7 =	sld [smem:$0x3F93]  }
0x1a: {  	s8 =	sadd.s32 $0xFFFFE003, lr  }
0x1b: {  	s9 =	sadd.s32 $0xFFFFFEF7, lr;
	s5 =	simm.s32 $0xFFFFFFFF;
	p2 =	slt.u32 s8, $0xFFFFF086  }
0x1c: {  	p1 =	slt.u32 s9, $0xF7A;
	s5 =	simm.s32 @!p2 $0x0  }
0x1d: {  	s5 =	simm.s32 @p1 $0x1;
	p0 =	seq.s32 s7, s2  }
0x1e: {  	s7 =	smul.u32 @!p0 $0xF7A, s2;
	p2 =	seq.s32 @!p0 s5, $0x0  }
0x1f: {  	s9 =	smul.u32 $0xF7A, s1;
	s8 =	simm.s32 @!p0 $0x1BF5;
	p2 =	por !p2, p0  }
0x20: {  	[sflag:s8] =	ssyncset.s32 @!p0 $0xFFFFF086;
	s6 =	sadd.s32 @!p0 s3, s7;
	s7 =	simm.s32 @!p0 $0x108  }
0x21: {  	s3 =	sadd.s32 s3, s9;
	s6 =	sadd.s32 @!p0 $0x88, s6;
	s7 =	simm.s32 @p2 $0x1082  }
0x22: {  	[simem:s7], [sflag:s8] =	dma.local @!p0 [hbm:s6], $0xF7A  }
0x23: {  	s9 =	sor.u32 $0xD0000000, s2;
	s6 =	simm.s32 $0x108;
	_ =	swait.ge @!p0 [sflag:s8], $0x0  }
0x24: {  	s3 =	sadd.s32 $0x88, s3;
	s6 =	simm.s32 @!p1 $0x1082;
	[sflag:s4] =	ssyncset.s32 $0xFFFFF086  }
0x25: {  	[simem:s6], [sflag:s4] =	dma.local [hbm:s3], $0xF7A  }
0x26: {  	[smem:$0x3F93] =	sst s1;
	(tag) =	ssettag s2;
	_ =	strace s9  }
0x27: {  	s1 =	sld [smem:$0x3FA3]  }
0x28: {  	s2 =	sld [smem:$0x3FA4]  }
0x29: {  	s4 =	sld [smem:$0x3FA6]  }
0x2a: {  	p0 =	seq.s32 s5, $0x0;
	s5 =	sld [smem:$0x3FA7]  }
0x2b: {  	s6 =	sld [smem:$0x3FA8]  }
0x2c: {  	s7 =	sld [smem:$0x3FA9]  }
0x2d: {  	s3 =	simm.s32 $0x108;
	s8 =	sld [smem:$0x3FAA]  }
0x2e: {  	s3 =	simm.s32 @!p0 $0x1082;
	s9 =	sld [smem:$0x3FAB]  }
0x2f: {  	lr =	sadd.s32 s0, s3;
	s0 =	sld [smem:$0x3FA2]  }
0x30: {  	s3 =	sld [smem:$0x3FA5]  }
0x31: {  	[smem:$0x3FAE] =	sst s10  }
0x32: {  	s10 =	sld [smem:$0x3FAC];
	_ =	sdelay $0x3  }
0x33: {  	p0 =	seq.s32 s10, $0x1;
	s10 =	sld [smem:$0x3FAE];
	_ =	sdelay $0x3  }
0x34: {  	[smem:$0x3FAE] =	sst s10  }
0x35: {  	s10 =	sld [smem:$0x3FAD];
	_ =	sdelay $0x3  }
0x36: {  	p1 =	seq.s32 s10, $0x1;
	s10 =	sld [smem:$0x3FAE];
	_ =	sdelay $0x3  }
0x37: {  	[smem:$0x3FAE] =	sst s10  }
0x38: {  	s10 =	sld [smem:$0x3FAF]  }
0x39: {  	_ = 	snop;
	(pc) =	sbr.ind lr, $3  }
0x3a: {  	_ = 	snop  }
0x3b: {  	_ = 	snop  }
0x3c: {  	p2 =	seq.s32 s10, $0x1;
	s10 =	sld [smem:$0x3FAE]  }
0x3d: {  	_ =	shalt  }
0x3e: {  	_ =	shalt  }
0x3f: {  	_ =	shalt  }
0x40: {  	_ =	shalt  }
0x41: {  	_ =	shalt  }
0x42: {  	_ =	shalt  }
0x43: {  	_ =	shalt  }
0x44: {  	_ =	shalt  }
0x45: {  	_ =	shalt  }
0x46: {  	_ =	shalt  }
0x47: {  	_ =	shalt  }
0x48: {  	_ =	shalt  }
0x49: {  	_ =	shalt  }
0x4a: {  	_ =	shalt  }
0x4b: {  	_ =	shalt  }
0x4c: {  	_ =	shalt  }
0x4d: {  	_ =	shalt  }
0x4e: {  	_ =	shalt  }
0x4f: {  	_ =	shalt  }
0x50: {  	_ =	shalt  }
0x51: {  	_ =	shalt  }
0x52: {  	_ =	shalt  }
0x53: {  	_ =	shalt  }
0x54: {  	_ =	shalt  }
0x55: {  	_ =	shalt  }
0x56: {  	_ =	shalt  }
0x57: {  	_ =	shalt  }
0x58: {  	_ =	shalt  }
0x59: {  	_ =	shalt  }
0x5a: {  	_ =	shalt  }
0x5b: {  	_ =	shalt  }
0x5c: {  	_ =	shalt  }
0x5d: {  	_ =	shalt  }
0x5e: {  	_ =	shalt  }
0x5f: {  	_ =	shalt  }
0x60: {  	_ =	shalt  }
0x61: {  	_ =	shalt  }
0x62: {  	_ =	shalt  }
0x63: {  	_ =	shalt  }
0x64: {  	_ =	shalt  }
0x65: {  	_ =	shalt  }
0x66: {  	_ =	shalt  }
0x67: {  	_ =	shalt  }
0x68: {  	_ =	shalt  }
0x69: {  	_ =	shalt  }
0x6a: {  	_ =	shalt  }
0x6b: {  	_ =	shalt  }
0x6c: {  	_ =	shalt  }
0x6d: {  	_ =	shalt  }
0x6e: {  	_ =	shalt  }
0x6f: {  	_ =	shalt  }
0x70: {  	_ =	shalt  }
0x71: {  	_ =	shalt  }
0x72: {  	_ =	shalt  }
0x73: {  	_ =	shalt  }
0x74: {  	_ =	shalt  }
0x75: {  	_ =	shalt  }
0x76: {  	_ =	shalt  }
0x77: {  	_ =	shalt  }
0x78: {  	_ =	shalt  }
0x79: {  	_ =	shalt  }
0x7a: {  	_ =	shalt  }
0x7b: {  	_ =	shalt  }
0x7c: {  	_ =	shalt  }
0x7d: {  	_ =	shalt  }
0x7e: {  	_ =	shalt  }
0x7f: {  	_ =	shalt  }
0x80: {  	_ =	shalt  }
0x81: {  	_ =	shalt  }
0x82: {  	_ =	shalt  }
0x83: {  	_ =	shalt  }
0x84: {  	_ =	shalt  }
0x85: {  	_ =	shalt  }
0x86: {  	_ =	shalt  }
0x87: {  	_ =	shalt  }
.Lfunc_end0:
.L_simem_size_0:
called_computation.3_lowered:
.L_overlay_start_0:
0x88: {  	s2 =	sld [smem:$0x3FD9]  }
0x89: {  	s3 =	sld [smem:$0x3FFE];
	_ =	sdelay $0x1  }
0x8a: {  	s1 =	srdreg.scid  }
0x8b: {  	s0 =	sand.u32 $0x1, s1  }
0x8c: {  	s14 =	sshll.u32 s0, $0xA;
	s2 =	sadd.s32 s3, s2  }
0x8d: {  	s2 =	sadd.s32 s2, s14  }
0x8e: {  	[smem:$0x3FBA] =	sst s2  }
0x8f: {  	_ = 	snop  }
0x90: {  	s2 =	sld [smem:$0x3FD0];
	_ =	sdelay $0x2  }
0x91: {  	s15 =	simm.s32 $0xA;
	s4 =	simm.s32 $0x10  }
0x92: {  	[smem:s4], [sflag:s15] =	dma.local [hbm:s2], $0x1  }
0x93: {  	_ =	swait.eq [sflag:s15], $0x1  }
0x94: {  	[sflag:s15] =	ssyncset.done $0x0  }
0x95: {  	s16 =	sld [smem:$0x10];
	[sflag:s15] =	ssyncadd.s32 $0xFFFFFFFF  }
0x96: {  	s17 =	sld [smem:$0x11];
	(tm) =	ssettm $0x1  }
0x97: {  	s18 =	sld [smem:$0x3FFB];
	_ =	sdelay $0x3  }
0x98: {  	_ =	strace s18  }
0x99: {  	s4 =	sld [smem:$0x3FFC];
	_ =	sdelay $0x3  }
0x9a: {  	_ =	strace s4  }
0x9b: {  	s4 =	sld [smem:$0x3FFD];
	_ =	sdelay $0x3  }
0x9c: {  	_ =	strace s4  }
0x9d: {  	_ =	strace $0x8FFFFFFF  }
0x9e: {  	s19 =	sld [smem:$0x3FDB];
	_ =	sdelay $0x1  }
0x9f: {  	s5 =	simm.s32 $_scs_section_size  }
0xa0: {  	s6 =	simm.s32 $_size__tile_overlayer_lowered;
	s7 =	simm.s32 $_tile_overlayer_lowered  }
0xa1: {  	s22 =	simm.s32 $0x1BFF;
	s21 =	sshll.u32 s7, $0x1;
	s4 =	sadd.s32 s5, s19  }
0xa2: {  	s8 =	simm.s32 $0x0;
	s20 =	sshll.u32 s6, $0x1;
	s6 =	sadd.s32 s21, s4  }
0xa3: {  	[timem:s8], [sflag:s22] =	dma.local [hbm:s6], s20  }
0xa4: {  	_ =	swait.ge [sflag:s22], s20  }
0xa5: {  	s5 =	ssub.s32 $0x0, s20;
	[sflag:s22] =	ssyncset.done $0x0  }
0xa6: {  	[sflag:s22] =	ssyncadd.s32 s5;
	_ =	sdelay $0x1  }
0xa7: {  	s23 =	simm.s32 $0x1B8B  }
0xa8: {  	_ =	swait.ge [sflag:s23], $0x1  }
0xa9: {  	[sflag:s23] =	ssyncset.done $0x0  }
0xaa: {  	s25 =	simm.s32 $0x1B8E;
	s24 =	sld [smem:$0x3FFE];
	[sflag:s23] =	ssyncadd.s32 $0xFFFFFFFF  }
0xab: {  	s26 =	simm.s32 $execute0_lowered;
	[smem:$0x3FD2] =	sst s25  }
0xac: {  	s6 =	sshll.u32 s26, $0x1;
	_ =	strace $0x8000004F;
	[dreg:$0x1] =	wrdreg $0xFFFFFFFF  }
0xad: {  	s28 =	simm.s32 $_size_execute0_lowered;
	s4 =	sadd.s32 s4, s6;
	[dreg:$0x0] =	wrdreg $0x0  }
0xae: {  	s6 =	sshll.u32 s28, $0x1;
	[dreg:$0x2] =	wrdreg s4  }
0xaf: {  	[dreg:$0x3] =	wrdreg s6  }
0xb0: {  	[dreg:$0x4] =	wrdreg $0xC0  }
0xb1: {  	_ =	task [dreg:s8], $0x5FFFF  }
0xb2: {  	[dreg:$0x1] =	wrdreg $0xFFFFFFFF  }
0xb3: {  	[dreg:$0x0] =	wrdreg $0x60  }
0xb4: {  	[dreg:$0x2] =	wrdreg s17  }
0xb5: {  	[dreg:$0x3] =	wrdreg s24  }
0xb6: {  	[dreg:$0x4] =	wrdreg s16  }
0xb7: {  	[dreg:$0x5] =	wrdreg $0x6C000  }
0xb8: {  	[dreg:$0x6] =	wrdreg $0x9  }
0xb9: {  	_ =	task.clear_ibuf [dreg:s8], $0x7FFFF;
	_ =	strace $0x9000004F  }
0xba: {  	s29 =	simm.s32 $0x9;
	_ =	strace $0x80000051  }
0xbb: {  	_ =	swait.ge [sflag:s29], $0x1  }
0xbc: {  	[sflag:s29] =	ssyncadd.s32 $0xFFFFFFFF  }
0xbd: {  	_ =	strace $0x90000051  }
0xbe: {  	_ =	sfence  }
0xbf: {  	s30 =	sld [smem:$0x0];
	_ =	sdelay $0x2  }
0xc0: {  	s31 =	sshll.u32 s1, $0xD;
	s1 =	sshrl.u32 s1, $0x2  }
0xc1: {  	s3 =	sand.u32 $0x4000, s31;
	s1 =	sadd.s32 s1, s30  }
0xc2: {  	s0 =	sor.u32 s3, s0;
	s1 =	sshll.u32 s1, $0x11  }
0xc3: {  	s0 =	sor.u32 s1, s0  }
0xc4: {  	s0 =	sadd.s32 $0x8F2B, s0  }
0xc5: {  	[sflag:s0] =	ssyncadd.remote.s32 $0x1  }
0xc6: {  	_ =	sfence.sel $0xFFFF  }
0xc7: {  	[dreg:$0x0] =	wrdreg $0xFFFFFFFF;
	(pc) =	sbr.abs _section_cstart, $3  }
0xc8: {  	[dreg:$0x1] =	wrdreg $0xFFFFFFFF  }
0xc9: {  	_ =	task.clear_ibuf [dreg:s8], $0x2FFFF;
	_ =	strace $0x9FFFFFFF  }
0xca: {  	(tm) =	ssettm $0x7FFFFFFF  }
0xcb: {  	_ =	shalt  }
tec
execute0_lowered:
.L_overlay_start_1:
0x0: {  	(tag) =	ssettag $0x1  }
0x1: {  	s1 =	rddreg [dreg:$0x0]  }
0x2: {  	s0 =	rddreg [dreg:$0x1]  }
0x3: {  	s2 =	rddreg [dreg:$0x2]  }
0x4: {  	s3 =	rddreg [dreg:$0x3];
	s4 =	srdreg.scid  }
0x5: {  	s5 =	simm.s32 $0x0;
	s11 =	stileid.u32;
	s28 =	simm.s32 $0x480  }
0x6: {  	s29 =	simm.s32 $0x500;
	s30 =	simm.s32 $0x580;
	s31 =	simm.s32 $0x600  }
0x7: {  	s4 =	sand.u32 $0x1, s4;
	[smem:$0x7FF] =	sst s5;
	s9 =	smul.u32 $0x2800, s11  }
0x8: {  	s6 =	sadd.s32 $0x4A00, s0;
	s7 =	sadd.s32 $0x27200, s0;
	s19 =	smul.u32 $0x50000, s11  }
0x9: {  	s8 =	smul.u32 $0x28000, s4;
	s20 =	ssub.s32 $0x2, s4;
	s4 =	sshll.u32 s4, $0x4  }
0xa: {  	_ =	strace $0x80000050;
	s10 =	sshrl.u32 s20, $0x1;
	s4 =	sor.u32 s11, s4  }
0xb: {  	s8 =	sadd.s32 s9, s8;
	s9 =	sshrl.u32 s19, $0x2;
	s10 =	ssub.s32 s20, s10  }
0xc: {  	s0 =	sadd.s32 s8, s0;
	s8 =	sadd.s32 s9, s3;
	s21 =	smax.u32 s10, $0x1  }
0xd: {  	s9 =	smul.u32 $0x2C00, s4;
	s0 =	sadd.s32 $0x32200, s0;
	[dreg:$0x6] =	wrdreg s21  }
0xe: {  	s4 =	simm.s32 $0x700;
	s22 =	sadd.s32 $0x2000, s8;
	[dreg:$0x5] =	wrdreg s0  }
0xf: {  	s10 =	simm.s32 $0x780;
	s23 =	sadd.s32 $0x4000, s8;
	[dreg:$0x7] =	wrdreg s22  }
0x10: {  	s24 =	sadd.s32 $0x6000, s8;
	s25 =	sadd.s32 $0x8000, s8;
	[dreg:$0x8] =	wrdreg s23  }
0x11: {  	s26 =	sadd.s32 $0xA000, s8;
	s17 =	sadd.s32 $0xC000, s8;
	[dreg:$0x9] =	wrdreg s24  }
0x12: {  	s18 =	sadd.s32 $0xE000, s8;
	s19 =	sadd.s32 $0x10000, s8;
	[dreg:$0xa] =	wrdreg s25  }
0x13: {  	s20 =	sadd.s32 $0x12000, s8;
	s21 =	simm.s32 $0x4C00;
	[dreg:$0xb] =	wrdreg s26  }
0x14: {  	s22 =	simm.s32 $0x1;
	s23 =	simm.s32 $0x400;
	s24 =	simm.s32 $0x800  }
0x15: {  	v0 =	vimm.f32 $0.0e+00;
	s25 =	simm.s32 $0x80;
	s26 =	simm.s32 $0xC00;
	s0 =	simm.s32 $0x680  }
.LBB2_1:
0x16: {  	s11 =	simm.s32 $0x0;
	s12 =	simm.s32 $0x200  }
.LBB2_2:
0x17: {  	p0 =	sne.s32 s12, $0x7E00;
	[tilespmem:s11+$0x4C70] =	vst v0  }
0x18: {  	[tilespmem:s11+$0x4C00] =	vst v0  }
0x19: {  	[tilespmem:s11+$0x4C10] =	vst v0  }
.Ltmp0:
0x1a: {  	[tilespmem:s11+$0x4C20] =	vst v0;
	(pc) =	sbr.rel @p0 .LBB2_2-.Ltmp0, $4  }
0x1b: {  	[tilespmem:s11+$0x4C30] =	vst v0  }
0x1c: {  	[tilespmem:s11+$0x4C40] =	vst v0  }
0x1d: {  	[tilespmem:s11+$0x4C50] =	vst v0  }
0x1e: {  	[tilespmem:s11+$0x4C60] =	vst v0;
	s11 =	sshra.s32 s12, $0x2;
	s12 =	sadd.s32 $0x200, s12  }
0x1f: {  	[tilespmem:s11+$0x4C70] =	vst v0  }
0x20: {  	[tilespmem:s11+$0x4C00] =	vst v0  }
0x21: {  	[tilespmem:s11+$0x4C10] =	vst v0  }
0x22: {  	[tilespmem:s11+$0x4C20] =	vst v0  }
0x23: {  	[tilespmem:s11+$0x4C30] =	vst v0  }
0x24: {  	[tilespmem:s11+$0x4C40] =	vst v0  }
0x25: {  	[tilespmem:s11+$0x4C50] =	vst v0  }
0x26: {  	[tilespmem:s11+$0x4C60] =	vst v0  }
0x27: {  	[spmem:s8] =	stream.linear.scatter [tilespmem:s21], [sflag:$0x1], $0x2000, $0x38;
	[tilespmem:$0x1AC00] =	vst v63  }
0x28: {  	_ =	swait.ge [sflag:s22], $0x2000  }
0x29: {  	[sflag:s22] =	ssyncset.done $0x0  }
0x2a: {  	s12 =	rddreg [dreg:$0x7];
	[sflag:s22] =	ssyncadd.s32 $0xFFFFE000  }
0x2b: {  	[spmem:s12] =	stream.linear.scatter [tilespmem:s21], [sflag:$0x1], $0x2000, $0x38;
	[tilespmem:$0x1AC00] =	vst v63  }
0x2c: {  	_ =	swait.ge [sflag:s22], $0x2000  }
0x2d: {  	[sflag:s22] =	ssyncset.done $0x0  }
0x2e: {  	s13 =	rddreg [dreg:$0x8];
	[sflag:s22] =	ssyncadd.s32 $0xFFFFE000  }
0x2f: {  	[spmem:s13] =	stream.linear.scatter [tilespmem:s21], [sflag:$0x1], $0x2000, $0x38;
	[tilespmem:$0x1AC00] =	vst v63  }
0x30: {  	_ =	swait.ge [sflag:s22], $0x2000  }
0x31: {  	[sflag:s22] =	ssyncset.done $0x0  }
0x32: {  	s14 =	rddreg [dreg:$0x9];
	[sflag:s22] =	ssyncadd.s32 $0xFFFFE000  }
0x33: {  	[spmem:s14] =	stream.linear.scatter [tilespmem:s21], [sflag:$0x1], $0x2000, $0x38;
	[tilespmem:$0x1AC00] =	vst v63  }
0x34: {  	_ =	swait.ge [sflag:s22], $0x2000  }
0x35: {  	[sflag:s22] =	ssyncset.done $0x0  }
0x36: {  	s15 =	rddreg [dreg:$0xa];
	[sflag:s22] =	ssyncadd.s32 $0xFFFFE000  }
0x37: {  	[spmem:s15] =	stream.linear.scatter [tilespmem:s21], [sflag:$0x1], $0x2000, $0x38;
	[tilespmem:$0x1AC00] =	vst v63  }
0x38: {  	_ =	swait.ge [sflag:s22], $0x2000  }
0x39: {  	[sflag:s22] =	ssyncset.done $0x0  }
0x3a: {  	s16 =	rddreg [dreg:$0xb];
	[sflag:s22] =	ssyncadd.s32 $0xFFFFE000  }
0x3b: {  	[spmem:s16] =	stream.linear.scatter [tilespmem:s21], [sflag:$0x1], $0x2000, $0x38;
	[tilespmem:$0x1AC00] =	vst v63  }
0x3c: {  	_ =	swait.ge [sflag:s22], $0x2000  }
0x3d: {  	[sflag:s22] =	ssyncset.done $0x0  }
0x3e: {  	[sflag:s22] =	ssyncadd.s32 $0xFFFFE000  }
0x3f: {  	[spmem:s17] =	stream.linear.scatter [tilespmem:s21], [sflag:$0x1], $0x2000, $0x38;
	[tilespmem:$0x1AC00] =	vst v63  }
0x40: {  	_ =	swait.ge [sflag:s22], $0x2000  }
0x41: {  	[sflag:s22] =	ssyncset.done $0x0  }
0x42: {  	[sflag:s22] =	ssyncadd.s32 $0xFFFFE000  }
0x43: {  	[spmem:s18] =	stream.linear.scatter [tilespmem:s21], [sflag:$0x1], $0x2000, $0x38;
	[tilespmem:$0x1AC00] =	vst v63  }
0x44: {  	_ =	swait.ge [sflag:s22], $0x2000  }
0x45: {  	[sflag:s22] =	ssyncset.done $0x0  }
0x46: {  	[sflag:s22] =	ssyncadd.s32 $0xFFFFE000  }
0x47: {  	[spmem:s19] =	stream.linear.scatter [tilespmem:s21], [sflag:$0x1], $0x2000, $0x38;
	[tilespmem:$0x1AC00] =	vst v63  }
0x48: {  	_ =	swait.ge [sflag:s22], $0x2000  }
0x49: {  	[sflag:s22] =	ssyncset.done $0x0  }
0x4a: {  	[sflag:s22] =	ssyncadd.s32 $0xFFFFE000  }
0x4b: {  	[spmem:s20] =	stream.linear.scatter [tilespmem:s21], [sflag:$0x1], $0x2000, $0x38;
	[tilespmem:$0x1AC00] =	vst v63  }
0x4c: {  	_ =	swait.ge [sflag:s22], $0x2000  }
0x4d: {  	[sflag:s22] =	ssyncset.done $0x0  }
0x4e: {  	[sflag:s22] =	ssyncadd.s32 $0xFFFFE000  }
0x4f: {  	s11 =	simm.s32 $0x0;
	s12 =	simm.s32 $0x0;
	[bflag:$0x0] =	sbarrier.arrive $0xFFFF  }
.LBB2_4:
0x50: {  	s13 =	sshll.u32 s12, $0xA  }
0x51: {  	s13 =	sadd.s32 s9, s13  }
0x52: {  	s13 =	sshrl.u32 s13, $0x3  }
0x53: {  	s14 =	sadd.s32 s1, s13  }
0x54: {  	[tilespmem:s11], [sflag:$0x1] =	stream.linear.gather [hbm4b:s14+s11], $0x400, $0x38;
	[tilespmem:$0x1AC00] =	vst v63  }
0x55: {  	_ =	swait.ge [sflag:s22], $0x400  }
0x56: {  	[sflag:s22] =	ssyncset.done $0x0  }
0x57: {  	s16 =	sadd.s32 s6, s13;
	[sflag:s22] =	ssyncadd.s32 $0xFFFFFC00  }
0x58: {  	[tilespmem:s23], [sflag:$0x1] =	stream.linear.gather [hbm4b:s16+s11], $0x400, $0x38;
	[tilespmem:$0x1AC00] =	vst v63  }
0x59: {  	_ =	swait.ge [sflag:s22], $0x400  }
0x5a: {  	[sflag:s22] =	ssyncset.done $0x0  }
0x5b: {  	s13 =	sadd.s32 s7, s13;
	[sflag:s22] =	ssyncadd.s32 $0xFFFFFC00  }
0x5c: {  	[tilespmem:s24], [sflag:$0x1] =	stream.linear.gather [hbm4b:s13+s11], $0x400, $0x38;
	[tilespmem:$0x1AC00] =	vst v63  }
0x5d: {  	_ =	swait.ge [sflag:s22], $0x400  }
0x5e: {  	[sflag:s22] =	ssyncset.done $0x0  }
0x5f: {  	[sflag:s22] =	ssyncadd.s32 $0xFFFFFC00  }
0x60: {  	[tilespmem:s26], [sflag:$0x1] =	stream.indirect.gather [hbm4b:s2+s25], $0x80, s11, s25, $0xb8;
	[tilespmem:$0x1AC00] =	vst v63  }
0x61: {  	_ =	swait.ge [sflag:s22], $0x4000  }
0x62: {  	v1 =	vmov s11;
	[sflag:s22] =	ssyncset.done $0x0  }
0x63: {  	s13 =	simm.s32 $0xC40;
	[sflag:s22] =	ssyncadd.s32 $0xFFFFC000  }
0x64: {  	v5 =	vld [tilespmem:s13+$0x30]  }
0x65: {  	v8 =	vld [tilespmem:s13+$0x10]  }
0x66: {  	v6 =	vld [tilespmem:s13+$0xFFFFFFC0]  }
0x67: {  	v2 =	vld.idx.msk [tilespmem:v1+s24+$0x0], $0xffff  }
0x68: {  	v10 =	vld [tilespmem:s13+$0xFFFFFFE0]  }
0x69: {  	v1 =	vld [tilespmem:s13+$0xFFFFFFF0]  }
0x6a: {  	v3 =	vld [tilespmem:s13+$0x20]  }
0x6b: {  	v4 =	vld [tilespmem:s13+$0xFFFFFFD0]  }
0x6c: {  	v9 =	vmul.f32 v5, v2;
	v5 =	vld [tilespmem:s13+$0x0]  }
0x6d: {  	v7 =	vmul.f32 v6, v2  }
0x6e: {  	s15 =	simm.s32 $0xC40;
	s14 =	simm.s32 $0x1;
	v6 =	vmul.f32 v10, v2;
	v8 =	vmul.f32 v8, v2  }
.LBB2_5:
0x6f: {  	p0 =	sne.s32 s14, $0x7F  }
0x70: {  	v4 =	vmul.f32 v4, v2;
	v3 =	vmul.f32 v3, v2;
	[tilespmem:s13+$0x30] =	vst v9;
	s15 =	sadd.s32 $0x80, s15;
	s16 =	smov.u32 s14;
	s14 =	sadd.s32 $0x1, s14  }
0x71: {  	[tilespmem:s13+$0xFFFFFFC0] =	vst v7;
	v7 =	vmul.f32 v1, v2;
	v2 =	vmul.f32 v5, v2  }
0x72: {  	[tilespmem:s13+$0x10] =	vst v8  }
0x73: {  	v5 =	vmov s16;
	[tilespmem:s13+$0xFFFFFFE0] =	vst v6  }
0x74: {  	v1 =	vld [tilespmem:s15+$0xFFFFFFF0];
	[tilespmem:s13+$0xFFFFFFF0] =	vst v7  }
0x75: {  	v6 =	vld [tilespmem:s15+$0x30];
	[tilespmem:s13+$0x0] =	vst v2  }
0x76: {  	v8 =	vld [tilespmem:s15+$0x10];
	[tilespmem:s13+$0x20] =	vst v3  }
0x77: {  	v7 =	vld [tilespmem:s15+$0xFFFFFFC0];
	[tilespmem:s13+$0xFFFFFFD0] =	vst v4;
	s13 =	smov.u32 s15  }
0x78: {  	v2 =	vld.idx.msk [tilespmem:v5+s24+$0x0], $0xffff  }
0x79: {  	v10 =	vld [tilespmem:s15+$0xFFFFFFE0]  }
0x7a: {  	v3 =	vld [tilespmem:s15+$0x20]  }
.Ltmp1:
0x7b: {  	v4 =	vld [tilespmem:s15+$0xFFFFFFD0];
	(pc) =	sbr.rel @p0 .LBB2_5-.Ltmp1, $3  }
0x7c: {  	v5 =	vld [tilespmem:s15+$0x0];
	_ =	sdelay $0x1  }
0x7d: {  	v7 =	vmul.f32 v7, v2;
	v9 =	vmul.f32 v6, v2  }
0x7e: {  	v8 =	vmul.f32 v8, v2;
	v6 =	vmul.f32 v10, v2  }
0x7f: {  	[tilespmem:s13+$0x30] =	vst v9  }
0x80: {  	[tilespmem:s13+$0xFFFFFFC0] =	vst v7  }
0x81: {  	v1 =	vmul.f32 v1, v2;
	[tilespmem:s13+$0x10] =	vst v8  }
0x82: {  	v3 =	vmul.f32 v3, v2;
	[tilespmem:s13+$0xFFFFFFE0] =	vst v6  }
0x83: {  	v5 =	vmul.f32 v5, v2;
	[tilespmem:s13+$0xFFFFFFF0] =	vst v1  }
0x84: {  	v1 =	vmul.f32 v4, v2;
	[tilespmem:s13+$0x20] =	vst v3  }
0x85: {  	[tilespmem:s13+$0x0] =	vst v5  }
0x86: {  	s16 =	simm.s32 $0x80;
	[tilespmem:s13+$0xFFFFFFD0] =	vst v1  }
0x87: {  	[spmem:s3] =	stream.indirect.scatter.add.f32 [tilespmem:s26], [sflag:$0x1], $0x80, s23, s16, $0xb8;
	[tilespmem:$0x1AC00] =	vst v63  }
0x88: {  	_ =	swait.ge [sflag:s22], $0x4000  }
0x89: {  	[sflag:s22] =	ssyncset.done $0x0  }
0x8a: {  	[sflag:s22] =	ssyncadd.s32 $0xFFFFC000  }
0x8b: {  	[tilespmem:s26], [sflag:$0x1] =	stream.indirect.gather [hbm4b:s2+s16], $0x80, s16, s16, $0xb8;
	[tilespmem:$0x1AC00] =	vst v63  }
0x8c: {  	_ =	swait.ge [sflag:s22], $0x4000  }
0x8d: {  	v1 =	vmov s16;
	[sflag:s22] =	ssyncset.done $0x0  }
0x8e: {  	s13 =	simm.s32 $0xC40;
	[sflag:s22] =	ssyncadd.s32 $0xFFFFC000  }
0x8f: {  	v5 =	vld [tilespmem:s13+$0x30]  }
0x90: {  	v8 =	vld [tilespmem:s13+$0x10]  }
0x91: {  	v6 =	vld [tilespmem:s13+$0xFFFFFFC0]  }
0x92: {  	v2 =	vld.idx.msk [tilespmem:v1+s24+$0x0], $0xffff  }
0x93: {  	v10 =	vld [tilespmem:s13+$0xFFFFFFE0]  }
0x94: {  	v1 =	vld [tilespmem:s13+$0xFFFFFFF0]  }
0x95: {  	v3 =	vld [tilespmem:s13+$0x20]  }
0x96: {  	v4 =	vld [tilespmem:s13+$0xFFFFFFD0]  }
0x97: {  	v9 =	vmul.f32 v5, v2;
	v5 =	vld [tilespmem:s13+$0x0]  }
0x98: {  	v7 =	vmul.f32 v6, v2  }
0x99: {  	s14 =	simm.s32 $0x81;
	s15 =	simm.s32 $0xC40;
	v6 =	vmul.f32 v10, v2;
	v8 =	vmul.f32 v8, v2  }
.LBB2_7:
0x9a: {  	p0 =	sne.s32 s14, $0xFF  }
0x9b: {  	v4 =	vmul.f32 v4, v2;
	v3 =	vmul.f32 v3, v2;
	[tilespmem:s13+$0x30] =	vst v9;
	s15 =	sadd.s32 $0x80, s15;
	s16 =	smov.u32 s14;
	s14 =	sadd.s32 $0x1, s14  }
0x9c: {  	[tilespmem:s13+$0xFFFFFFC0] =	vst v7;
	v7 =	vmul.f32 v1, v2;
	v2 =	vmul.f32 v5, v2  }
0x9d: {  	[tilespmem:s13+$0x10] =	vst v8  }
0x9e: {  	v5 =	vmov s16;
	[tilespmem:s13+$0xFFFFFFE0] =	vst v6  }
0x9f: {  	v1 =	vld [tilespmem:s15+$0xFFFFFFF0];
	[tilespmem:s13+$0xFFFFFFF0] =	vst v7  }
0xa0: {  	v6 =	vld [tilespmem:s15+$0x30];
	[tilespmem:s13+$0x0] =	vst v2  }
0xa1: {  	v8 =	vld [tilespmem:s15+$0x10];
	[tilespmem:s13+$0x20] =	vst v3  }
0xa2: {  	v7 =	vld [tilespmem:s15+$0xFFFFFFC0];
	[tilespmem:s13+$0xFFFFFFD0] =	vst v4;
	s13 =	smov.u32 s15  }
0xa3: {  	v2 =	vld.idx.msk [tilespmem:v5+s24+$0x0], $0xffff  }
0xa4: {  	v10 =	vld [tilespmem:s15+$0xFFFFFFE0]  }
0xa5: {  	v3 =	vld [tilespmem:s15+$0x20]  }
.Ltmp2:
0xa6: {  	v4 =	vld [tilespmem:s15+$0xFFFFFFD0];
	(pc) =	sbr.rel @p0 .LBB2_7-.Ltmp2, $3  }
0xa7: {  	v5 =	vld [tilespmem:s15+$0x0];
	_ =	sdelay $0x1  }
0xa8: {  	v7 =	vmul.f32 v7, v2;
	v9 =	vmul.f32 v6, v2  }
0xa9: {  	v8 =	vmul.f32 v8, v2;
	v6 =	vmul.f32 v10, v2  }
0xaa: {  	[tilespmem:s13+$0x30] =	vst v9  }
0xab: {  	[tilespmem:s13+$0xFFFFFFC0] =	vst v7  }
0xac: {  	v1 =	vmul.f32 v1, v2;
	[tilespmem:s13+$0x10] =	vst v8  }
0xad: {  	v3 =	vmul.f32 v3, v2;
	[tilespmem:s13+$0xFFFFFFE0] =	vst v6  }
0xae: {  	v5 =	vmul.f32 v5, v2;
	[tilespmem:s13+$0xFFFFFFF0] =	vst v1  }
0xaf: {  	v1 =	vmul.f32 v4, v2;
	[tilespmem:s13+$0x20] =	vst v3  }
0xb0: {  	[tilespmem:s13+$0x0] =	vst v5  }
0xb1: {  	[tilespmem:s13+$0xFFFFFFD0] =	vst v1  }
0xb2: {  	[spmem:s3] =	stream.indirect.scatter.add.f32 [tilespmem:s26], [sflag:$0x1], $0x80, s28, s25, $0xb8;
	[tilespmem:$0x1AC00] =	vst v63  }
0xb3: {  	_ =	swait.ge [sflag:s22], $0x4000  }
0xb4: {  	[sflag:s22] =	ssyncset.done $0x0  }
0xb5: {  	s16 =	simm.s32 $0x100;
	[sflag:s22] =	ssyncadd.s32 $0xFFFFC000  }
0xb6: {  	[tilespmem:s26], [sflag:$0x1] =	stream.indirect.gather [hbm4b:s2+s25], $0x80, s16, s25, $0xb8;
	[tilespmem:$0x1AC00] =	vst v63  }
0xb7: {  	_ =	swait.ge [sflag:s22], $0x4000  }
0xb8: {  	v1 =	vmov s16;
	[sflag:s22] =	ssyncset.done $0x0  }
0xb9: {  	s13 =	simm.s32 $0xC40;
	[sflag:s22] =	ssyncadd.s32 $0xFFFFC000  }
0xba: {  	v5 =	vld [tilespmem:s13+$0x30]  }
0xbb: {  	v8 =	vld [tilespmem:s13+$0x10]  }
0xbc: {  	v6 =	vld [tilespmem:s13+$0xFFFFFFC0]  }
0xbd: {  	v2 =	vld.idx.msk [tilespmem:v1+s24+$0x0], $0xffff  }
0xbe: {  	v10 =	vld [tilespmem:s13+$0xFFFFFFE0]  }
0xbf: {  	v1 =	vld [tilespmem:s13+$0xFFFFFFF0]  }
0xc0: {  	v3 =	vld [tilespmem:s13+$0x20]  }
0xc1: {  	v4 =	vld [tilespmem:s13+$0xFFFFFFD0]  }
0xc2: {  	v9 =	vmul.f32 v5, v2;
	v5 =	vld [tilespmem:s13+$0x0]  }
0xc3: {  	v7 =	vmul.f32 v6, v2  }
0xc4: {  	s14 =	simm.s32 $0x101;
	s15 =	simm.s32 $0xC40;
	v6 =	vmul.f32 v10, v2;
	v8 =	vmul.f32 v8, v2  }
.LBB2_9:
0xc5: {  	p0 =	sne.s32 s14, $0x17F  }
0xc6: {  	v4 =	vmul.f32 v4, v2;
	v3 =	vmul.f32 v3, v2;
	[tilespmem:s13+$0x30] =	vst v9;
	s15 =	sadd.s32 $0x80, s15;
	s16 =	smov.u32 s14;
	s14 =	sadd.s32 $0x1, s14  }
0xc7: {  	[tilespmem:s13+$0xFFFFFFC0] =	vst v7;
	v7 =	vmul.f32 v1, v2;
	v2 =	vmul.f32 v5, v2  }
0xc8: {  	[tilespmem:s13+$0x10] =	vst v8  }
0xc9: {  	v5 =	vmov s16;
	[tilespmem:s13+$0xFFFFFFE0] =	vst v6  }
0xca: {  	v1 =	vld [tilespmem:s15+$0xFFFFFFF0];
	[tilespmem:s13+$0xFFFFFFF0] =	vst v7  }
0xcb: {  	v6 =	vld [tilespmem:s15+$0x30];
	[tilespmem:s13+$0x0] =	vst v2  }
0xcc: {  	v8 =	vld [tilespmem:s15+$0x10];
	[tilespmem:s13+$0x20] =	vst v3  }
0xcd: {  	v7 =	vld [tilespmem:s15+$0xFFFFFFC0];
	[tilespmem:s13+$0xFFFFFFD0] =	vst v4;
	s13 =	smov.u32 s15  }
0xce: {  	v2 =	vld.idx.msk [tilespmem:v5+s24+$0x0], $0xffff  }
0xcf: {  	v10 =	vld [tilespmem:s15+$0xFFFFFFE0]  }
0xd0: {  	v3 =	vld [tilespmem:s15+$0x20]  }
.Ltmp3:
0xd1: {  	v4 =	vld [tilespmem:s15+$0xFFFFFFD0];
	(pc) =	sbr.rel @p0 .LBB2_9-.Ltmp3, $3  }
0xd2: {  	v5 =	vld [tilespmem:s15+$0x0];
	_ =	sdelay $0x1  }
0xd3: {  	v7 =	vmul.f32 v7, v2;
	v9 =	vmul.f32 v6, v2  }
0xd4: {  	v8 =	vmul.f32 v8, v2;
	v6 =	vmul.f32 v10, v2  }
0xd5: {  	[tilespmem:s13+$0x30] =	vst v9  }
0xd6: {  	[tilespmem:s13+$0xFFFFFFC0] =	vst v7  }
0xd7: {  	v1 =	vmul.f32 v1, v2;
	[tilespmem:s13+$0x10] =	vst v8  }
0xd8: {  	v3 =	vmul.f32 v3, v2;
	[tilespmem:s13+$0xFFFFFFE0] =	vst v6  }
0xd9: {  	v5 =	vmul.f32 v5, v2;
	[tilespmem:s13+$0xFFFFFFF0] =	vst v1  }
0xda: {  	v1 =	vmul.f32 v4, v2;
	[tilespmem:s13+$0x20] =	vst v3  }
0xdb: {  	[tilespmem:s13+$0x0] =	vst v5  }
0xdc: {  	[tilespmem:s13+$0xFFFFFFD0] =	vst v1  }
0xdd: {  	[spmem:s3] =	stream.indirect.scatter.add.f32 [tilespmem:s26], [sflag:$0x1], $0x80, s29, s25, $0xb8;
	[tilespmem:$0x1AC00] =	vst v63  }
0xde: {  	_ =	swait.ge [sflag:s22], $0x4000  }
0xdf: {  	[sflag:s22] =	ssyncset.done $0x0  }
0xe0: {  	s16 =	simm.s32 $0x180;
	[sflag:s22] =	ssyncadd.s32 $0xFFFFC000  }
0xe1: {  	[tilespmem:s26], [sflag:$0x1] =	stream.indirect.gather [hbm4b:s2+s25], $0x80, s16, s25, $0xb8;
	[tilespmem:$0x1AC00] =	vst v63  }
0xe2: {  	_ =	swait.ge [sflag:s22], $0x4000  }
0xe3: {  	v1 =	vmov s16;
	[sflag:s22] =	ssyncset.done $0x0  }
0xe4: {  	s13 =	simm.s32 $0xC40;
	[sflag:s22] =	ssyncadd.s32 $0xFFFFC000  }
0xe5: {  	v5 =	vld [tilespmem:s13+$0x30]  }
0xe6: {  	v8 =	vld [tilespmem:s13+$0x10]  }
0xe7: {  	v6 =	vld [tilespmem:s13+$0xFFFFFFC0]  }
0xe8: {  	v2 =	vld.idx.msk [tilespmem:v1+s24+$0x0], $0xffff  }
0xe9: {  	v10 =	vld [tilespmem:s13+$0xFFFFFFE0]  }
0xea: {  	v1 =	vld [tilespmem:s13+$0xFFFFFFF0]  }
0xeb: {  	v3 =	vld [tilespmem:s13+$0x20]  }
0xec: {  	v4 =	vld [tilespmem:s13+$0xFFFFFFD0]  }
0xed: {  	v9 =	vmul.f32 v5, v2;
	v5 =	vld [tilespmem:s13+$0x0]  }
0xee: {  	v7 =	vmul.f32 v6, v2  }
0xef: {  	s14 =	simm.s32 $0x181;
	s15 =	simm.s32 $0xC40;
	v6 =	vmul.f32 v10, v2;
	v8 =	vmul.f32 v8, v2  }
.LBB2_11:
0xf0: {  	p0 =	sne.s32 s14, $0x1FF  }
0xf1: {  	v4 =	vmul.f32 v4, v2;
	v3 =	vmul.f32 v3, v2;
	[tilespmem:s13+$0x30] =	vst v9;
	s15 =	sadd.s32 $0x80, s15;
	s16 =	smov.u32 s14;
	s14 =	sadd.s32 $0x1, s14  }
0xf2: {  	[tilespmem:s13+$0xFFFFFFC0] =	vst v7;
	v7 =	vmul.f32 v1, v2;
	v2 =	vmul.f32 v5, v2  }
0xf3: {  	[tilespmem:s13+$0x10] =	vst v8  }
0xf4: {  	v5 =	vmov s16;
	[tilespmem:s13+$0xFFFFFFE0] =	vst v6  }
0xf5: {  	v1 =	vld [tilespmem:s15+$0xFFFFFFF0];
	[tilespmem:s13+$0xFFFFFFF0] =	vst v7  }
0xf6: {  	v6 =	vld [tilespmem:s15+$0x30];
	[tilespmem:s13+$0x0] =	vst v2  }
0xf7: {  	v8 =	vld [tilespmem:s15+$0x10];
	[tilespmem:s13+$0x20] =	vst v3  }
0xf8: {  	v7 =	vld [tilespmem:s15+$0xFFFFFFC0];
	[tilespmem:s13+$0xFFFFFFD0] =	vst v4;
	s13 =	smov.u32 s15  }
0xf9: {  	v2 =	vld.idx.msk [tilespmem:v5+s24+$0x0], $0xffff  }
0xfa: {  	v10 =	vld [tilespmem:s15+$0xFFFFFFE0]  }
0xfb: {  	v3 =	vld [tilespmem:s15+$0x20]  }
.Ltmp4:
0xfc: {  	v4 =	vld [tilespmem:s15+$0xFFFFFFD0];
	(pc) =	sbr.rel @p0 .LBB2_11-.Ltmp4, $3  }
0xfd: {  	v5 =	vld [tilespmem:s15+$0x0];
	_ =	sdelay $0x1  }
0xfe: {  	v7 =	vmul.f32 v7, v2;
	v9 =	vmul.f32 v6, v2  }
0xff: {  	v8 =	vmul.f32 v8, v2;
	v6 =	vmul.f32 v10, v2  }
0x100: {  	[tilespmem:s13+$0x30] =	vst v9  }
0x101: {  	[tilespmem:s13+$0xFFFFFFC0] =	vst v7  }
0x102: {  	v1 =	vmul.f32 v1, v2;
	[tilespmem:s13+$0x10] =	vst v8  }
0x103: {  	v3 =	vmul.f32 v3, v2;
	[tilespmem:s13+$0xFFFFFFE0] =	vst v6  }
0x104: {  	v5 =	vmul.f32 v5, v2;
	[tilespmem:s13+$0xFFFFFFF0] =	vst v1  }
0x105: {  	v1 =	vmul.f32 v4, v2;
	[tilespmem:s13+$0x20] =	vst v3  }
0x106: {  	[tilespmem:s13+$0x0] =	vst v5  }
0x107: {  	[tilespmem:s13+$0xFFFFFFD0] =	vst v1  }
0x108: {  	[spmem:s3] =	stream.indirect.scatter.add.f32 [tilespmem:s26], [sflag:$0x1], $0x80, s30, s25, $0xb8;
	[tilespmem:$0x1AC00] =	vst v63  }
0x109: {  	_ =	swait.ge [sflag:s22], $0x4000  }
0x10a: {  	[sflag:s22] =	ssyncset.done $0x0  }
0x10b: {  	s16 =	simm.s32 $0x200;
	[sflag:s22] =	ssyncadd.s32 $0xFFFFC000  }
0x10c: {  	[tilespmem:s26], [sflag:$0x1] =	stream.indirect.gather [hbm4b:s2+s25], $0x80, s16, s25, $0xb8;
	[tilespmem:$0x1AC00] =	vst v63  }
0x10d: {  	_ =	swait.ge [sflag:s22], $0x4000  }
0x10e: {  	v1 =	vmov s16;
	[sflag:s22] =	ssyncset.done $0x0  }
0x10f: {  	s13 =	simm.s32 $0xC40;
	[sflag:s22] =	ssyncadd.s32 $0xFFFFC000  }
0x110: {  	v5 =	vld [tilespmem:s13+$0x30]  }
0x111: {  	v8 =	vld [tilespmem:s13+$0x10]  }
0x112: {  	v6 =	vld [tilespmem:s13+$0xFFFFFFC0]  }
0x113: {  	v2 =	vld.idx.msk [tilespmem:v1+s24+$0x0], $0xffff  }
0x114: {  	v10 =	vld [tilespmem:s13+$0xFFFFFFE0]  }
0x115: {  	v1 =	vld [tilespmem:s13+$0xFFFFFFF0]  }
0x116: {  	v3 =	vld [tilespmem:s13+$0x20]  }
0x117: {  	v4 =	vld [tilespmem:s13+$0xFFFFFFD0]  }
0x118: {  	v9 =	vmul.f32 v5, v2;
	v5 =	vld [tilespmem:s13+$0x0]  }
0x119: {  	v7 =	vmul.f32 v6, v2  }
0x11a: {  	s14 =	simm.s32 $0x201;
	s15 =	simm.s32 $0xC40;
	v6 =	vmul.f32 v10, v2;
	v8 =	vmul.f32 v8, v2  }
.LBB2_13:
0x11b: {  	p0 =	sne.s32 s14, $0x27F  }
0x11c: {  	v4 =	vmul.f32 v4, v2;
	v3 =	vmul.f32 v3, v2;
	[tilespmem:s13+$0x30] =	vst v9;
	s15 =	sadd.s32 $0x80, s15;
	s16 =	smov.u32 s14;
	s14 =	sadd.s32 $0x1, s14  }
0x11d: {  	[tilespmem:s13+$0xFFFFFFC0] =	vst v7;
	v7 =	vmul.f32 v1, v2;
	v2 =	vmul.f32 v5, v2  }
0x11e: {  	[tilespmem:s13+$0x10] =	vst v8  }
0x11f: {  	v5 =	vmov s16;
	[tilespmem:s13+$0xFFFFFFE0] =	vst v6  }
0x120: {  	v1 =	vld [tilespmem:s15+$0xFFFFFFF0];
	[tilespmem:s13+$0xFFFFFFF0] =	vst v7  }
0x121: {  	v6 =	vld [tilespmem:s15+$0x30];
	[tilespmem:s13+$0x0] =	vst v2  }
0x122: {  	v8 =	vld [tilespmem:s15+$0x10];
	[tilespmem:s13+$0x20] =	vst v3  }
0x123: {  	v7 =	vld [tilespmem:s15+$0xFFFFFFC0];
	[tilespmem:s13+$0xFFFFFFD0] =	vst v4;
	s13 =	smov.u32 s15  }
0x124: {  	v2 =	vld.idx.msk [tilespmem:v5+s24+$0x0], $0xffff  }
0x125: {  	v10 =	vld [tilespmem:s15+$0xFFFFFFE0]  }
0x126: {  	v3 =	vld [tilespmem:s15+$0x20]  }
.Ltmp5:
0x127: {  	v4 =	vld [tilespmem:s15+$0xFFFFFFD0];
	(pc) =	sbr.rel @p0 .LBB2_13-.Ltmp5, $3  }
0x128: {  	v5 =	vld [tilespmem:s15+$0x0];
	_ =	sdelay $0x1  }
0x129: {  	v7 =	vmul.f32 v7, v2;
	v9 =	vmul.f32 v6, v2  }
0x12a: {  	v8 =	vmul.f32 v8, v2;
	v6 =	vmul.f32 v10, v2  }
0x12b: {  	[tilespmem:s13+$0x30] =	vst v9  }
0x12c: {  	[tilespmem:s13+$0xFFFFFFC0] =	vst v7  }
0x12d: {  	v1 =	vmul.f32 v1, v2;
	[tilespmem:s13+$0x10] =	vst v8  }
0x12e: {  	v3 =	vmul.f32 v3, v2;
	[tilespmem:s13+$0xFFFFFFE0] =	vst v6  }
0x12f: {  	v5 =	vmul.f32 v5, v2;
	[tilespmem:s13+$0xFFFFFFF0] =	vst v1  }
0x130: {  	v1 =	vmul.f32 v4, v2;
	[tilespmem:s13+$0x20] =	vst v3  }
0x131: {  	[tilespmem:s13+$0x0] =	vst v5  }
0x132: {  	[tilespmem:s13+$0xFFFFFFD0] =	vst v1  }
0x133: {  	[spmem:s3] =	stream.indirect.scatter.add.f32 [tilespmem:s26], [sflag:$0x1], $0x80, s31, s25, $0xb8;
	[tilespmem:$0x1AC00] =	vst v63  }
0x134: {  	_ =	swait.ge [sflag:s22], $0x4000  }
0x135: {  	[sflag:s22] =	ssyncset.done $0x0  }
0x136: {  	s16 =	simm.s32 $0x280;
	[sflag:s22] =	ssyncadd.s32 $0xFFFFC000  }
0x137: {  	[tilespmem:s26], [sflag:$0x1] =	stream.indirect.gather [hbm4b:s2+s25], $0x80, s16, s25, $0xb8;
	[tilespmem:$0x1AC00] =	vst v63  }
0x138: {  	_ =	swait.ge [sflag:s22], $0x4000  }
0x139: {  	v1 =	vmov s16;
	[sflag:s22] =	ssyncset.done $0x0  }
0x13a: {  	s13 =	simm.s32 $0xC40;
	[sflag:s22] =	ssyncadd.s32 $0xFFFFC000  }
0x13b: {  	v5 =	vld [tilespmem:s13+$0x30]  }
0x13c: {  	v8 =	vld [tilespmem:s13+$0x10]  }
0x13d: {  	v6 =	vld [tilespmem:s13+$0xFFFFFFC0]  }
0x13e: {  	v2 =	vld.idx.msk [tilespmem:v1+s24+$0x0], $0xffff  }
0x13f: {  	v10 =	vld [tilespmem:s13+$0xFFFFFFE0]  }
0x140: {  	v1 =	vld [tilespmem:s13+$0xFFFFFFF0]  }
0x141: {  	v3 =	vld [tilespmem:s13+$0x20]  }
0x142: {  	v4 =	vld [tilespmem:s13+$0xFFFFFFD0]  }
0x143: {  	v9 =	vmul.f32 v5, v2;
	v5 =	vld [tilespmem:s13+$0x0]  }
0x144: {  	v7 =	vmul.f32 v6, v2  }
0x145: {  	s14 =	simm.s32 $0x281;
	s15 =	simm.s32 $0xC40;
	v6 =	vmul.f32 v10, v2;
	v8 =	vmul.f32 v8, v2  }
.LBB2_15:
0x146: {  	p0 =	sne.s32 s14, $0x2FF  }
0x147: {  	v4 =	vmul.f32 v4, v2;
	v3 =	vmul.f32 v3, v2;
	[tilespmem:s13+$0x30] =	vst v9;
	s15 =	sadd.s32 $0x80, s15;
	s16 =	smov.u32 s14;
	s14 =	sadd.s32 $0x1, s14  }
0x148: {  	[tilespmem:s13+$0xFFFFFFC0] =	vst v7;
	v7 =	vmul.f32 v1, v2;
	v2 =	vmul.f32 v5, v2  }
0x149: {  	[tilespmem:s13+$0x10] =	vst v8  }
0x14a: {  	v5 =	vmov s16;
	[tilespmem:s13+$0xFFFFFFE0] =	vst v6  }
0x14b: {  	v1 =	vld [tilespmem:s15+$0xFFFFFFF0];
	[tilespmem:s13+$0xFFFFFFF0] =	vst v7  }
0x14c: {  	v6 =	vld [tilespmem:s15+$0x30];
	[tilespmem:s13+$0x0] =	vst v2  }
0x14d: {  	v8 =	vld [tilespmem:s15+$0x10];
	[tilespmem:s13+$0x20] =	vst v3  }
0x14e: {  	v7 =	vld [tilespmem:s15+$0xFFFFFFC0];
	[tilespmem:s13+$0xFFFFFFD0] =	vst v4;
	s13 =	smov.u32 s15  }
0x14f: {  	v2 =	vld.idx.msk [tilespmem:v5+s24+$0x0], $0xffff  }
0x150: {  	v10 =	vld [tilespmem:s15+$0xFFFFFFE0]  }
0x151: {  	v3 =	vld [tilespmem:s15+$0x20]  }
.Ltmp6:
0x152: {  	v4 =	vld [tilespmem:s15+$0xFFFFFFD0];
	(pc) =	sbr.rel @p0 .LBB2_15-.Ltmp6, $3  }
0x153: {  	v5 =	vld [tilespmem:s15+$0x0];
	_ =	sdelay $0x1  }
0x154: {  	v7 =	vmul.f32 v7, v2;
	v9 =	vmul.f32 v6, v2  }
0x155: {  	v8 =	vmul.f32 v8, v2;
	v6 =	vmul.f32 v10, v2  }
0x156: {  	[tilespmem:s13+$0x30] =	vst v9  }
0x157: {  	[tilespmem:s13+$0xFFFFFFC0] =	vst v7  }
0x158: {  	v1 =	vmul.f32 v1, v2;
	[tilespmem:s13+$0x10] =	vst v8  }
0x159: {  	v3 =	vmul.f32 v3, v2;
	[tilespmem:s13+$0xFFFFFFE0] =	vst v6  }
0x15a: {  	v5 =	vmul.f32 v5, v2;
	[tilespmem:s13+$0xFFFFFFF0] =	vst v1  }
0x15b: {  	v1 =	vmul.f32 v4, v2;
	[tilespmem:s13+$0x20] =	vst v3  }
0x15c: {  	[tilespmem:s13+$0x0] =	vst v5  }
0x15d: {  	[tilespmem:s13+$0xFFFFFFD0] =	vst v1  }
0x15e: {  	[spmem:s3] =	stream.indirect.scatter.add.f32 [tilespmem:s26], [sflag:$0x1], $0x80, s0, s25, $0xb8;
	[tilespmem:$0x1AC00] =	vst v63  }
0x15f: {  	_ =	swait.ge [sflag:s22], $0x4000  }
0x160: {  	[sflag:s22] =	ssyncset.done $0x0  }
0x161: {  	s16 =	simm.s32 $0x300;
	[sflag:s22] =	ssyncadd.s32 $0xFFFFC000  }
0x162: {  	[tilespmem:s26], [sflag:$0x1] =	stream.indirect.gather [hbm4b:s2+s25], $0x80, s16, s25, $0xb8;
	[tilespmem:$0x1AC00] =	vst v63  }
0x163: {  	_ =	swait.ge [sflag:s22], $0x4000  }
0x164: {  	v1 =	vmov s16;
	[sflag:s22] =	ssyncset.done $0x0  }
0x165: {  	s13 =	simm.s32 $0xC40;
	[sflag:s22] =	ssyncadd.s32 $0xFFFFC000  }
0x166: {  	v5 =	vld [tilespmem:s13+$0x30]  }
0x167: {  	v8 =	vld [tilespmem:s13+$0x10]  }
0x168: {  	v6 =	vld [tilespmem:s13+$0xFFFFFFC0]  }
0x169: {  	v2 =	vld.idx.msk [tilespmem:v1+s24+$0x0], $0xffff  }
0x16a: {  	v10 =	vld [tilespmem:s13+$0xFFFFFFE0]  }
0x16b: {  	v1 =	vld [tilespmem:s13+$0xFFFFFFF0]  }
0x16c: {  	v3 =	vld [tilespmem:s13+$0x20]  }
0x16d: {  	v4 =	vld [tilespmem:s13+$0xFFFFFFD0]  }
0x16e: {  	v9 =	vmul.f32 v5, v2;
	v5 =	vld [tilespmem:s13+$0x0]  }
0x16f: {  	v7 =	vmul.f32 v6, v2  }
0x170: {  	s14 =	simm.s32 $0x301;
	s15 =	simm.s32 $0xC40;
	v6 =	vmul.f32 v10, v2;
	v8 =	vmul.f32 v8, v2  }
.LBB2_17:
0x171: {  	p0 =	sne.s32 s14, $0x37F  }
0x172: {  	v4 =	vmul.f32 v4, v2;
	v3 =	vmul.f32 v3, v2;
	[tilespmem:s13+$0x30] =	vst v9;
	s15 =	sadd.s32 $0x80, s15;
	s16 =	smov.u32 s14;
	s14 =	sadd.s32 $0x1, s14  }
0x173: {  	[tilespmem:s13+$0xFFFFFFC0] =	vst v7;
	v7 =	vmul.f32 v1, v2;
	v2 =	vmul.f32 v5, v2  }
0x174: {  	[tilespmem:s13+$0x10] =	vst v8  }
0x175: {  	v5 =	vmov s16;
	[tilespmem:s13+$0xFFFFFFE0] =	vst v6  }
0x176: {  	v1 =	vld [tilespmem:s15+$0xFFFFFFF0];
	[tilespmem:s13+$0xFFFFFFF0] =	vst v7  }
0x177: {  	v6 =	vld [tilespmem:s15+$0x30];
	[tilespmem:s13+$0x0] =	vst v2  }
0x178: {  	v8 =	vld [tilespmem:s15+$0x10];
	[tilespmem:s13+$0x20] =	vst v3  }
0x179: {  	v7 =	vld [tilespmem:s15+$0xFFFFFFC0];
	[tilespmem:s13+$0xFFFFFFD0] =	vst v4;
	s13 =	smov.u32 s15  }
0x17a: {  	v2 =	vld.idx.msk [tilespmem:v5+s24+$0x0], $0xffff  }
0x17b: {  	v10 =	vld [tilespmem:s15+$0xFFFFFFE0]  }
0x17c: {  	v3 =	vld [tilespmem:s15+$0x20]  }
.Ltmp7:
0x17d: {  	v4 =	vld [tilespmem:s15+$0xFFFFFFD0];
	(pc) =	sbr.rel @p0 .LBB2_17-.Ltmp7, $3  }
0x17e: {  	v5 =	vld [tilespmem:s15+$0x0];
	_ =	sdelay $0x1  }
0x17f: {  	v7 =	vmul.f32 v7, v2;
	v9 =	vmul.f32 v6, v2  }
0x180: {  	v8 =	vmul.f32 v8, v2;
	v6 =	vmul.f32 v10, v2  }
0x181: {  	[tilespmem:s13+$0x30] =	vst v9  }
0x182: {  	[tilespmem:s13+$0xFFFFFFC0] =	vst v7  }
0x183: {  	v1 =	vmul.f32 v1, v2;
	[tilespmem:s13+$0x10] =	vst v8  }
0x184: {  	v3 =	vmul.f32 v3, v2;
	[tilespmem:s13+$0xFFFFFFE0] =	vst v6  }
0x185: {  	v5 =	vmul.f32 v5, v2;
	[tilespmem:s13+$0xFFFFFFF0] =	vst v1  }
0x186: {  	v1 =	vmul.f32 v4, v2;
	[tilespmem:s13+$0x20] =	vst v3  }
0x187: {  	[tilespmem:s13+$0x0] =	vst v5  }
0x188: {  	[tilespmem:s13+$0xFFFFFFD0] =	vst v1  }
0x189: {  	[spmem:s3] =	stream.indirect.scatter.add.f32 [tilespmem:s26], [sflag:$0x1], $0x80, s4, s25, $0xb8;
	[tilespmem:$0x1AC00] =	vst v63  }
0x18a: {  	_ =	swait.ge [sflag:s22], $0x4000  }
0x18b: {  	[sflag:s22] =	ssyncset.done $0x0  }
0x18c: {  	s16 =	simm.s32 $0x380;
	[sflag:s22] =	ssyncadd.s32 $0xFFFFC000  }
0x18d: {  	[tilespmem:s26], [sflag:$0x1] =	stream.indirect.gather [hbm4b:s2+s25], $0x80, s16, s25, $0xb8;
	[tilespmem:$0x1AC00] =	vst v63  }
0x18e: {  	_ =	swait.ge [sflag:s22], $0x4000  }
0x18f: {  	v1 =	vmov s16;
	[sflag:s22] =	ssyncset.done $0x0  }
0x190: {  	s13 =	simm.s32 $0xC40;
	[sflag:s22] =	ssyncadd.s32 $0xFFFFC000  }
0x191: {  	v5 =	vld [tilespmem:s13+$0x30]  }
0x192: {  	v8 =	vld [tilespmem:s13+$0x10]  }
0x193: {  	v6 =	vld [tilespmem:s13+$0xFFFFFFC0]  }
0x194: {  	v2 =	vld.idx.msk [tilespmem:v1+s24+$0x0], $0xffff  }
0x195: {  	v10 =	vld [tilespmem:s13+$0xFFFFFFE0]  }
0x196: {  	v1 =	vld [tilespmem:s13+$0xFFFFFFF0]  }
0x197: {  	v3 =	vld [tilespmem:s13+$0x20]  }
0x198: {  	v4 =	vld [tilespmem:s13+$0xFFFFFFD0]  }
0x199: {  	v9 =	vmul.f32 v5, v2;
	v5 =	vld [tilespmem:s13+$0x0]  }
0x19a: {  	v7 =	vmul.f32 v6, v2  }
0x19b: {  	s14 =	simm.s32 $0x381;
	s15 =	simm.s32 $0xC40;
	v6 =	vmul.f32 v10, v2;
	v8 =	vmul.f32 v8, v2  }
.LBB2_19:
0x19c: {  	p0 =	sne.s32 s14, $0x3FF  }
0x19d: {  	v4 =	vmul.f32 v4, v2;
	v3 =	vmul.f32 v3, v2;
	[tilespmem:s13+$0x30] =	vst v9;
	s15 =	sadd.s32 $0x80, s15;
	s16 =	smov.u32 s14;
	s14 =	sadd.s32 $0x1, s14  }
0x19e: {  	[tilespmem:s13+$0xFFFFFFC0] =	vst v7;
	v7 =	vmul.f32 v1, v2;
	v2 =	vmul.f32 v5, v2  }
0x19f: {  	[tilespmem:s13+$0x10] =	vst v8  }
0x1a0: {  	v5 =	vmov s16;
	[tilespmem:s13+$0xFFFFFFE0] =	vst v6  }
0x1a1: {  	v1 =	vld [tilespmem:s15+$0xFFFFFFF0];
	[tilespmem:s13+$0xFFFFFFF0] =	vst v7  }
0x1a2: {  	v6 =	vld [tilespmem:s15+$0x30];
	[tilespmem:s13+$0x0] =	vst v2  }
0x1a3: {  	v8 =	vld [tilespmem:s15+$0x10];
	[tilespmem:s13+$0x20] =	vst v3  }
0x1a4: {  	v7 =	vld [tilespmem:s15+$0xFFFFFFC0];
	[tilespmem:s13+$0xFFFFFFD0] =	vst v4;
	s13 =	smov.u32 s15  }
0x1a5: {  	v2 =	vld.idx.msk [tilespmem:v5+s24+$0x0], $0xffff  }
0x1a6: {  	v10 =	vld [tilespmem:s15+$0xFFFFFFE0]  }
0x1a7: {  	v3 =	vld [tilespmem:s15+$0x20]  }
.Ltmp8:
0x1a8: {  	v4 =	vld [tilespmem:s15+$0xFFFFFFD0];
	(pc) =	sbr.rel @p0 .LBB2_19-.Ltmp8, $3  }
0x1a9: {  	v5 =	vld [tilespmem:s15+$0x0];
	_ =	sdelay $0x1  }
0x1aa: {  	v7 =	vmul.f32 v7, v2;
	v9 =	vmul.f32 v6, v2  }
0x1ab: {  	v8 =	vmul.f32 v8, v2;
	v6 =	vmul.f32 v10, v2  }
0x1ac: {  	[tilespmem:s13+$0x30] =	vst v9  }
0x1ad: {  	[tilespmem:s13+$0xFFFFFFC0] =	vst v7  }
0x1ae: {  	v1 =	vmul.f32 v1, v2;
	[tilespmem:s13+$0x10] =	vst v8  }
0x1af: {  	v3 =	vmul.f32 v3, v2;
	[tilespmem:s13+$0xFFFFFFE0] =	vst v6  }
0x1b0: {  	v5 =	vmul.f32 v5, v2;
	[tilespmem:s13+$0xFFFFFFF0] =	vst v1  }
0x1b1: {  	s12 =	sadd.s32 $0x1, s12;
	v1 =	vmul.f32 v4, v2;
	[tilespmem:s13+$0x20] =	vst v3  }
0x1b2: {  	p0 =	sne.s32 s12, $0xB;
	[tilespmem:s13+$0x0] =	vst v5  }
.Ltmp9:
0x1b3: {  	[tilespmem:s13+$0xFFFFFFD0] =	vst v1;
	(pc) =	sbr.rel @p0 .LBB2_4-.Ltmp9, $4  }
0x1b4: {  	[spmem:s3] =	stream.indirect.scatter.add.f32 [tilespmem:s26], [sflag:$0x1], $0x80, s10, s25, $0xb8;
	[tilespmem:$0x1AC00] =	vst v63  }
0x1b5: {  	_ =	swait.ge [sflag:s22], $0x4000  }
0x1b6: {  	[sflag:s22] =	ssyncset.done $0x0  }
0x1b7: {  	[sflag:s22] =	ssyncadd.s32 $0xFFFFC000  }
0x1b8: {  	s11 =	stileid.u32  }
0x1b9: {  	[bflag:$0x0] =	sbarrier.arrive $0xFFFF;
	s11 =	sshll.u32 s11, $0x6  }
0x1ba: {  	s12 =	sshrl.u32 s8, $0x3;
	s13 =	rddreg [dreg:$0x5];
	s11 =	sor.u32 $0x1C01, s11  }
0x1bb: {  	[hbm:s13], [sflag:s11] =	dma.local [spmem:s12], $0x2800  }
0x1bc: {  	_ =	swait.ge [sflag:s22], $0x2800  }
0x1bd: {  	s5 =	sadd.s32 $0x1, s5;
	s16 =	rddreg [dreg:$0x6]  }
0x1be: {  	p0 =	sne.s32 s5, s16  }
.Ltmp10:
0x1bf: {  	_ = 	snop;
	(pc) =	sbr.rel @p0 .LBB2_1-.Ltmp10, $3  }
0x1c0: {  	_ =	sdelay $0x1  }
0x1c1: {  	[sflag:s22] =	ssyncset.done $0x0  }
0x1c2: {  	[sflag:s22] =	ssyncadd.s32 $0xFFFFD800  }
0x1c3: {  	_ =	sfence.sel $0x180000  }
0x1c4: {  	[bflag:$0x0] =	sbarrier.arrive $0xFFFF  }
0x1c5: {  	_ =	strace $0x90000050  }
0x1c6: {  	s0 =	stileid.u32;
	[bflag:$0x2] =	sbarrier.arrive $0xFFFF  }
0x1c7: {  	p0 =	sne.s32 s0, $0x0;
	s0 =	rddreg [dreg:$0x4]  }
0x1c8: {  	s0 =	sadd.s32 @!p0 $0x100000, s0  }
0x1c9: {  	[sflag:s0] =	ssyncadd.tile.s32 @!p0 $0x1;
	_ =	shalt  }
.Lfunc_end2:
_tile_overlayer_lowered:
.L_overlay_start_2:
0x1ca: {  	(tag) =	ssettag $0x2  }
0x1cb: {  	s0 =	rddreg [dreg:$0x0];
	s2 =	stileid.u32  }
0x1cc: {  	s1 =	rddreg [dreg:$0x1];
	p0 =	sne.s32 s2, $0x0  }
0x1cd: {  	s3 =	rddreg [dreg:$0x2];
	[bflag:$0x3] =	sbarrier.arrive $0xFFFF;
	s2 =	simm.s32 @!p0 $0x1C01  }
0x1ce: {  	[timem:s3], [sflag:s2] =	dma.local @!p0 [hbm:s0], s1  }
0x1cf: {  	s0 =	simm.s32 @!p0 $0x1  }
0x1d0: {  	_ =	swait.ge @!p0 [sflag:s0], s1  }
0x1d1: {  	s1 =	ssub.s32 @!p0 $0x0, s1;
	[sflag:s0] =	ssyncset.done @!p0 $0x0  }
0x1d2: {  	[sflag:s0] =	ssyncadd.s32 @!p0 s1  }
0x1d3: {  	[bflag:$0x3] =	sbarrier.arrive $0xFFFF  }
0x1d4: {  	_ =	shalt  }

// kernel: kernel.9.cloned.1.call-start
scs
__scs_entry_jumppad:
0x0: {  	(pc) =	sbr.rel $0x88, $3  }
0x1: {  	(tag) =	ssettag $0x0;
	lr =	simm.s32 $0x1  }
0x2: {  	[smem:$0x3F93] =	sst lr;
	_ =	strace $0xD0000000  }
0x3: {  	_ = 	snop  }
0x4: {  	_ = 	snop  }
0x5: {  	_ = 	snop  }
0x6: {  	_ = 	snop  }
0x7: {  	_ = 	snop  }
__scs_overlays_trampoline_lowered:
0x8: {  	[smem:$0x3FA2] =	sst s0  }
0x9: {  	[smem:$0x3FA3] =	sst s1  }
0xa: {  	[smem:$0x3FA4] =	sst s2  }
0xb: {  	[smem:$0x3FA5] =	sst s3  }
0xc: {  	[smem:$0x3FA6] =	sst s4  }
0xd: {  	[smem:$0x3FA7] =	sst s5  }
0xe: {  	[smem:$0x3FA8] =	sst s6  }
0xf: {  	[smem:$0x3FA9] =	sst s7  }
0x10: {  	[smem:$0x3FAA] =	sst s8  }
0x11: {  	[smem:$0x3FAB] =	sst s9;
	s0 =	simm.s32 @!p0 $0x0  }
0x12: {  	s1 =	sld [smem:$0x3F91];
	s0 =	simm.s32 @p0 $0x1  }
0x13: {  	[smem:$0x3FAC] =	sst s0;
	s0 =	simm.s32 @!p1 $0x0  }
0x14: {  	s2 =	sld [smem:$0x3F90];
	s0 =	simm.s32 @p1 $0x1  }
0x15: {  	[smem:$0x3FAD] =	sst s0;
	s0 =	simm.s32 @!p2 $0x0  }
0x16: {  	s3 =	sld [smem:$0x3FDB];
	s0 =	simm.s32 @p2 $0x1  }
0x17: {  	s4 =	simm.s32 $0x1BF5;
	[smem:$0x3FAF] =	sst s0  }
0x18: {  	s0 =	sld [smem:$0x3F92];
	_ =	swait.ge [sflag:s4], $0x0  }
0x19: {  	s7 =	sld [smem:$0x3F93]  }
0x1a: {  	s8 =	sadd.s32 $0xFFFFE003, lr  }
0x1b: {  	s9 =	sadd.s32 $0xFFFFFEF7, lr;
	s5 =	simm.s32 $0xFFFFFFFF;
	p2 =	slt.u32 s8, $0xFFFFF086  }
0x1c: {  	p1 =	slt.u32 s9, $0xF7A;
	s5 =	simm.s32 @!p2 $0x0  }
0x1d: {  	s5 =	simm.s32 @p1 $0x1;
	p0 =	seq.s32 s7, s2  }
0x1e: {  	s7 =	smul.u32 @!p0 $0xF7A, s2;
	p2 =	seq.s32 @!p0 s5, $0x0  }
0x1f: {  	s9 =	smul.u32 $0xF7A, s1;
	s8 =	simm.s32 @!p0 $0x1BF5;
	p2 =	por !p2, p0  }
0x20: {  	[sflag:s8] =	ssyncset.s32 @!p0 $0xFFFFF086;
	s6 =	sadd.s32 @!p0 s3, s7;
	s7 =	simm.s32 @!p0 $0x108  }
0x21: {  	s3 =	sadd.s32 s3, s9;
	s6 =	sadd.s32 @!p0 $0x88, s6;
	s7 =	simm.s32 @p2 $0x1082  }
0x22: {  	[simem:s7], [sflag:s8] =	dma.local @!p0 [hbm:s6], $0xF7A  }
0x23: {  	s9 =	sor.u32 $0xD0000000, s2;
	s6 =	simm.s32 $0x108;
	_ =	swait.ge @!p0 [sflag:s8], $0x0  }
0x24: {  	s3 =	sadd.s32 $0x88, s3;
	s6 =	simm.s32 @!p1 $0x1082;
	[sflag:s4] =	ssyncset.s32 $0xFFFFF086  }
0x25: {  	[simem:s6], [sflag:s4] =	dma.local [hbm:s3], $0xF7A  }
0x26: {  	[smem:$0x3F93] =	sst s1;
	(tag) =	ssettag s2;
	_ =	strace s9  }
0x27: {  	s1 =	sld [smem:$0x3FA3]  }
0x28: {  	s2 =	sld [smem:$0x3FA4]  }
0x29: {  	s4 =	sld [smem:$0x3FA6]  }
0x2a: {  	p0 =	seq.s32 s5, $0x0;
	s5 =	sld [smem:$0x3FA7]  }
0x2b: {  	s6 =	sld [smem:$0x3FA8]  }
0x2c: {  	s7 =	sld [smem:$0x3FA9]  }
0x2d: {  	s3 =	simm.s32 $0x108;
	s8 =	sld [smem:$0x3FAA]  }
0x2e: {  	s3 =	simm.s32 @!p0 $0x1082;
	s9 =	sld [smem:$0x3FAB]  }
0x2f: {  	lr =	sadd.s32 s0, s3;
	s0 =	sld [smem:$0x3FA2]  }
0x30: {  	s3 =	sld [smem:$0x3FA5]  }
0x31: {  	[smem:$0x3FAE] =	sst s10  }
0x32: {  	s10 =	sld [smem:$0x3FAC];
	_ =	sdelay $0x3  }
0x33: {  	p0 =	seq.s32 s10, $0x1;
	s10 =	sld [smem:$0x3FAE];
	_ =	sdelay $0x3  }
0x34: {  	[smem:$0x3FAE] =	sst s10  }
0x35: {  	s10 =	sld [smem:$0x3FAD];
	_ =	sdelay $0x3  }
0x36: {  	p1 =	seq.s32 s10, $0x1;
	s10 =	sld [smem:$0x3FAE];
	_ =	sdelay $0x3  }
0x37: {  	[smem:$0x3FAE] =	sst s10  }
0x38: {  	s10 =	sld [smem:$0x3FAF]  }
0x39: {  	_ = 	snop;
	(pc) =	sbr.ind lr, $3  }
0x3a: {  	_ = 	snop  }
0x3b: {  	_ = 	snop  }
0x3c: {  	p2 =	seq.s32 s10, $0x1;
	s10 =	sld [smem:$0x3FAE]  }
0x3d: {  	_ =	shalt  }
0x3e: {  	_ =	shalt  }
0x3f: {  	_ =	shalt  }
0x40: {  	_ =	shalt  }
0x41: {  	_ =	shalt  }
0x42: {  	_ =	shalt  }
0x43: {  	_ =	shalt  }
0x44: {  	_ =	shalt  }
0x45: {  	_ =	shalt  }
0x46: {  	_ =	shalt  }
0x47: {  	_ =	shalt  }
0x48: {  	_ =	shalt  }
0x49: {  	_ =	shalt  }
0x4a: {  	_ =	shalt  }
0x4b: {  	_ =	shalt  }
0x4c: {  	_ =	shalt  }
0x4d: {  	_ =	shalt  }
0x4e: {  	_ =	shalt  }
0x4f: {  	_ =	shalt  }
0x50: {  	_ =	shalt  }
0x51: {  	_ =	shalt  }
0x52: {  	_ =	shalt  }
0x53: {  	_ =	shalt  }
0x54: {  	_ =	shalt  }
0x55: {  	_ =	shalt  }
0x56: {  	_ =	shalt  }
0x57: {  	_ =	shalt  }
0x58: {  	_ =	shalt  }
0x59: {  	_ =	shalt  }
0x5a: {  	_ =	shalt  }
0x5b: {  	_ =	shalt  }
0x5c: {  	_ =	shalt  }
0x5d: {  	_ =	shalt  }
0x5e: {  	_ =	shalt  }
0x5f: {  	_ =	shalt  }
0x60: {  	_ =	shalt  }
0x61: {  	_ =	shalt  }
0x62: {  	_ =	shalt  }
0x63: {  	_ =	shalt  }
0x64: {  	_ =	shalt  }
0x65: {  	_ =	shalt  }
0x66: {  	_ =	shalt  }
0x67: {  	_ =	shalt  }
0x68: {  	_ =	shalt  }
0x69: {  	_ =	shalt  }
0x6a: {  	_ =	shalt  }
0x6b: {  	_ =	shalt  }
0x6c: {  	_ =	shalt  }
0x6d: {  	_ =	shalt  }
0x6e: {  	_ =	shalt  }
0x6f: {  	_ =	shalt  }
0x70: {  	_ =	shalt  }
0x71: {  	_ =	shalt  }
0x72: {  	_ =	shalt  }
0x73: {  	_ =	shalt  }
0x74: {  	_ =	shalt  }
0x75: {  	_ =	shalt  }
0x76: {  	_ =	shalt  }
0x77: {  	_ =	shalt  }
0x78: {  	_ =	shalt  }
0x79: {  	_ =	shalt  }
0x7a: {  	_ =	shalt  }
0x7b: {  	_ =	shalt  }
0x7c: {  	_ =	shalt  }
0x7d: {  	_ =	shalt  }
0x7e: {  	_ =	shalt  }
0x7f: {  	_ =	shalt  }
0x80: {  	_ =	shalt  }
0x81: {  	_ =	shalt  }
0x82: {  	_ =	shalt  }
0x83: {  	_ =	shalt  }
0x84: {  	_ =	shalt  }
0x85: {  	_ =	shalt  }
0x86: {  	_ =	shalt  }
0x87: {  	_ =	shalt  }
.Lfunc_end0:
.L_simem_size_0:
called_computation_lowered:
.L_overlay_start_0:
0x88: {  	s2 =	sld [smem:$0x3FD9]  }
0x89: {  	s3 =	sld [smem:$0x3FFE];
	_ =	sdelay $0x1  }
0x8a: {  	s1 =	srdreg.scid  }
0x8b: {  	s0 =	sand.u32 $0x1, s1  }
0x8c: {  	s14 =	sshll.u32 s0, $0xA;
	s2 =	sadd.s32 s3, s2  }
0x8d: {  	s2 =	sadd.s32 s2, s14  }
0x8e: {  	[smem:$0x3FBA] =	sst s2  }
0x8f: {  	_ = 	snop  }
0x90: {  	s2 =	sld [smem:$0x3FD0];
	_ =	sdelay $0x2  }
0x91: {  	s15 =	simm.s32 $0xA;
	s4 =	simm.s32 $0x10  }
0x92: {  	[smem:s4], [sflag:s15] =	dma.local [hbm:s2], $0x1  }
0x93: {  	_ =	swait.eq [sflag:s15], $0x1  }
0x94: {  	[sflag:s15] =	ssyncset.done $0x0  }
0x95: {  	[sflag:s15] =	ssyncadd.s32 $0xFFFFFFFF  }
0x96: {  	s16 =	sld [smem:$0x11];
	(tm) =	ssettm $0x1  }
0x97: {  	s17 =	sld [smem:$0x3FFB];
	_ =	sdelay $0x3  }
0x98: {  	_ =	strace s17  }
0x99: {  	s3 =	sld [smem:$0x3FFC];
	_ =	sdelay $0x3  }
0x9a: {  	_ =	strace s3  }
0x9b: {  	s3 =	sld [smem:$0x3FFD];
	_ =	sdelay $0x3  }
0x9c: {  	_ =	strace s3  }
0x9d: {  	_ =	strace $0x8FFFFFFF  }
0x9e: {  	s18 =	sld [smem:$0x3FDB];
	_ =	sdelay $0x1  }
0x9f: {  	s19 =	simm.s32 $_scs_section_size  }
0xa0: {  	s5 =	simm.s32 $_size__tile_overlayer_lowered;
	s6 =	simm.s32 $_tile_overlayer_lowered  }
0xa1: {  	s22 =	simm.s32 $0x1BFF;
	s21 =	sshll.u32 s6, $0x1;
	s3 =	sadd.s32 s19, s18  }
0xa2: {  	s7 =	simm.s32 $0x0;
	s20 =	sshll.u32 s5, $0x1;
	s5 =	sadd.s32 s21, s3  }
0xa3: {  	[timem:s7], [sflag:s22] =	dma.local [hbm:s5], s20  }
0xa4: {  	_ =	swait.ge [sflag:s22], s20  }
0xa5: {  	s4 =	ssub.s32 $0x0, s20;
	[sflag:s22] =	ssyncset.done $0x0  }
0xa6: {  	[sflag:s22] =	ssyncadd.s32 s4;
	_ =	sdelay $0x1  }
0xa7: {  	s23 =	simm.s32 $0x1B8B  }
0xa8: {  	_ =	swait.ge [sflag:s23], $0x1  }
0xa9: {  	[sflag:s23] =	ssyncset.done $0x0  }
0xaa: {  	s25 =	simm.s32 $0x1B8E;
	s24 =	sld [smem:$0x3FFE];
	[sflag:s23] =	ssyncadd.s32 $0xFFFFFFFF  }
0xab: {  	s26 =	simm.s32 $execute0_lowered;
	[smem:$0x3FD2] =	sst s25  }
0xac: {  	s5 =	sshll.u32 s26, $0x1;
	_ =	strace $0x80000046;
	[dreg:$0x1] =	wrdreg $0xFFFFFFFF  }
0xad: {  	s28 =	simm.s32 $_size_execute0_lowered;
	s3 =	sadd.s32 s3, s5;
	[dreg:$0x0] =	wrdreg $0x0  }
0xae: {  	s5 =	sshll.u32 s28, $0x1;
	[dreg:$0x2] =	wrdreg s3  }
0xaf: {  	[dreg:$0x3] =	wrdreg s5  }
0xb0: {  	[dreg:$0x4] =	wrdreg $0xC0  }
0xb1: {  	_ =	task [dreg:s7], $0x5FFFF  }
0xb2: {  	[dreg:$0x1] =	wrdreg $0xFFFFFFFF  }
0xb3: {  	[dreg:$0x0] =	wrdreg $0x60  }
0xb4: {  	[dreg:$0x2] =	wrdreg s16  }
0xb5: {  	[dreg:$0x3] =	wrdreg s24  }
0xb6: {  	[dreg:$0x4] =	wrdreg $0x198800  }
0xb7: {  	[dreg:$0x5] =	wrdreg $0x9  }
0xb8: {  	_ =	task.clear_ibuf [dreg:s7], $0x6FFFF;
	_ =	strace $0x90000046  }
0xb9: {  	s29 =	simm.s32 $0x9;
	_ =	strace $0x80000048  }
0xba: {  	_ =	swait.ge [sflag:s29], $0x1  }
0xbb: {  	[sflag:s29] =	ssyncadd.s32 $0xFFFFFFFF  }
0xbc: {  	_ =	strace $0x90000048  }
0xbd: {  	_ =	sfence  }
0xbe: {  	s30 =	sld [smem:$0x0];
	_ =	sdelay $0x2  }
0xbf: {  	s31 =	sshll.u32 s1, $0xD;
	s1 =	sshrl.u32 s1, $0x2  }
0xc0: {  	s3 =	sand.u32 $0x4000, s31;
	s1 =	sadd.s32 s1, s30  }
0xc1: {  	s0 =	sor.u32 s3, s0;
	s1 =	sshll.u32 s1, $0x11  }
0xc2: {  	s0 =	sor.u32 s1, s0  }
0xc3: {  	s0 =	sadd.s32 $0x8F2B, s0  }
0xc4: {  	[sflag:s0] =	ssyncadd.remote.s32 $0x1  }
0xc5: {  	_ =	sfence.sel $0xFFFF  }
0xc6: {  	[dreg:$0x0] =	wrdreg $0xFFFFFFFF;
	(pc) =	sbr.abs _section_cstart, $3  }
0xc7: {  	[dreg:$0x1] =	wrdreg $0xFFFFFFFF  }
0xc8: {  	_ =	task.clear_ibuf [dreg:s7], $0x2FFFF;
	_ =	strace $0x9FFFFFFF  }
0xc9: {  	(tm) =	ssettm $0x7FFFFFFF  }
tec
execute0_lowered:
.L_overlay_start_1:
0x0: {  	(tag) =	ssettag $0x1  }
0x1: {  	s0 =	rddreg [dreg:$0x1]  }
0x2: {  	s2 =	rddreg [dreg:$0x2];
	s4 =	simm.s32 $0x0;
	s1 =	srdreg.scid  }
0x3: {  	s10 =	stileid.u32;
	s28 =	simm.s32 $0x15480;
	s30 =	simm.s32 $0x80  }
0x4: {  	s31 =	simm.s32 $0x14100;
	s11 =	simm.s32 $0x14200;
	s12 =	simm.s32 $0x16C80  }
0x5: {  	s13 =	simm.s32 $0x14280;
	[smem:$0x7FF] =	sst s4;
	s7 =	smul.u32 $0x500, s10  }
0x6: {  	s1 =	sand.u32 $0x1, s1;
	s5 =	sadd.s32 $0xFA00, s0;
	s9 =	smul.u32 $0xA000, s10  }
0x7: {  	s6 =	sadd.s32 $0x4A00, s0;
	s8 =	sadd.s32 $0x1AA00, s0;
	s3 =	smul.u32 $0x5000, s1  }
0x8: {  	_ =	strace $0x80000047;
	[dreg:$0x4] =	wrdreg s8;
	s8 =	sadd.s32 $0x27200, s0  }
0x9: {  	s14 =	ssub.s32 $0x2, s1;
	s1 =	sshll.u32 s1, $0x4;
	s16 =	sshrl.u32 s9, $0x2  }
0xa: {  	s15 =	sshrl.u32 s14, $0x1;
	s1 =	sor.u32 s10, s1;
	s21 =	sadd.s32 s16, s2  }
0xb: {  	s9 =	simm.s32 $0x0;
	s18 =	sadd.s32 $0x400, s21;
	[dreg:$0x5] =	wrdreg s21  }
0xc: {  	s3 =	sadd.s32 s7, s3;
	s19 =	sadd.s32 $0x800, s21;
	[dreg:$0x8] =	wrdreg s18  }
0xd: {  	s10 =	smul.u32 $0x2C00, s1;
	s20 =	sadd.s32 $0xC00, s21;
	[dreg:$0x9] =	wrdreg s19  }
0xe: {  	s7 =	simm.s32 $0x16480;
	s22 =	sadd.s32 $0x1000, s21;
	[dreg:$0xa] =	wrdreg s20  }
0xf: {  	s16 =	simm.s32 $0x17C80;
	s23 =	sadd.s32 $0x1400, s21;
	[dreg:$0xb] =	wrdreg s22  }
0x10: {  	s0 =	sadd.s32 s3, s0;
	s24 =	sadd.s32 $0x1800, s21;
	[dreg:$0xc] =	wrdreg s23  }
0x11: {  	s3 =	ssub.s32 s14, s15;
	s25 =	sadd.s32 $0x1C00, s21;
	[dreg:$0xd] =	wrdreg s24  }
0x12: {  	s26 =	sadd.s32 $0x2000, s21;
	s29 =	sadd.s32 $0x2400, s21;
	[dreg:$0xe] =	wrdreg s25  }
0x13: {  	s14 =	simm.s32 $0x17480;
	s15 =	simm.s32 $0x14300;
	[dreg:$0xf] =	wrdreg s26  }
0x14: {  	s0 =	sadd.s32 $0x1D200, s0;
	s17 =	smax.u32 s3, $0x1;
	[dreg:$0x10] =	wrdreg s29  }
0x15: {  	s23 =	simm.s32 $0x1;
	s24 =	simm.s32 $0x13880;
	s25 =	simm.s32 $0x13C80  }
0x16: {  	v0 =	vlaneseq.u32;
	s26 =	simm.s32 $0x14080;
	s3 =	simm.s32 $0x14180;
	s18 =	simm.s32 $0x18480  }
0x17: {  	v1 =	vand.u32 $0x3, v0;
	s19 =	simm.s32 $0x14400;
	s20 =	simm.s32 $0x18C80;
	[dreg:$0x6] =	wrdreg s0  }
0x18: {  	v2 =	vimm.f32 $0.0e+00;
	v3 =	vor.u32 $0x4, v1;
	[dreg:$0x7] =	wrdreg s17;
	s0 =	simm.s32 $0x15C80;
	s17 =	simm.s32 $0x14380  }
.LBB2_1:
0x19: {  	[dreg:$0x11] =	wrdreg s9;
	s1 =	simm.s32 $0x0  }
.LBB2_2:
0x1a: {  	p0 =	sne.s32 s1, $0xFC0  }
.Ltmp0:
0x1b: {  	_ = 	snop;
	(pc) =	sbr.rel @p0 .LBB2_2-.Ltmp0, $3  }
0x1c: {  	_ =	sdelay $0x1  }
0x1d: {  	s9 =	sshra.s32 s1, $0x2  }
0x1e: {  	s1 =	sadd.s32 $0x40, s1;
	[tilespmem:s9+$0x19480] =	vst v2  }
0x1f: {  	s1 =	simm.s32 $0x40;
	s9 =	simm.s32 $0x0  }
.LBB2_4:
0x20: {  	p0 =	sne.s32 s1, $0xFFC0;
	[tilespmem:s9+$0x15480] =	vst v2;
	s9 =	smov.u32 s1;
	s1 =	sadd.s32 $0x40, s1  }
.Ltmp1:
0x21: {  	(pc) =	sbr.rel @p0 .LBB2_4-.Ltmp1, $2  }
0x22: {  	_ =	sdelay $0x2  }
0x23: {  	s9 =	sshra.s32 s9, $0x2  }
0x24: {  	[tilespmem:s9+$0x15480] =	vst v2;
	s9 =	simm.s32 $0x19480  }
0x25: {  	[spmem:s21] =	stream.linear.scatter [tilespmem:s9], [sflag:$0x1], $0x400, $0x38;
	[tilespmem:$0x1C080] =	vst v63  }
0x26: {  	_ =	swait.ge [sflag:s23], $0x400  }
0x27: {  	[sflag:s23] =	ssyncset.done $0x0  }
0x28: {  	s1 =	rddreg [dreg:$0x8];
	[sflag:s23] =	ssyncadd.s32 $0xFFFFFC00  }
0x29: {  	[spmem:s1] =	stream.linear.scatter [tilespmem:s9], [sflag:$0x1], $0x400, $0x38;
	[tilespmem:$0x1C080] =	vst v63  }
0x2a: {  	_ =	swait.ge [sflag:s23], $0x400  }
0x2b: {  	[sflag:s23] =	ssyncset.done $0x0  }
0x2c: {  	s21 =	rddreg [dreg:$0x9];
	[sflag:s23] =	ssyncadd.s32 $0xFFFFFC00  }
0x2d: {  	[spmem:s21] =	stream.linear.scatter [tilespmem:s9], [sflag:$0x1], $0x400, $0x38;
	[tilespmem:$0x1C080] =	vst v63  }
0x2e: {  	_ =	swait.ge [sflag:s23], $0x400  }
0x2f: {  	[sflag:s23] =	ssyncset.done $0x0  }
0x30: {  	s22 =	rddreg [dreg:$0xa];
	[sflag:s23] =	ssyncadd.s32 $0xFFFFFC00  }
0x31: {  	[spmem:s22] =	stream.linear.scatter [tilespmem:s9], [sflag:$0x1], $0x400, $0x38;
	[tilespmem:$0x1C080] =	vst v63  }
0x32: {  	_ =	swait.ge [sflag:s23], $0x400  }
0x33: {  	[sflag:s23] =	ssyncset.done $0x0  }
0x34: {  	s29 =	rddreg [dreg:$0xb];
	[sflag:s23] =	ssyncadd.s32 $0xFFFFFC00  }
0x35: {  	[spmem:s29] =	stream.linear.scatter [tilespmem:s9], [sflag:$0x1], $0x400, $0x38;
	[tilespmem:$0x1C080] =	vst v63  }
0x36: {  	_ =	swait.ge [sflag:s23], $0x400  }
0x37: {  	[sflag:s23] =	ssyncset.done $0x0  }
0x38: {  	s21 =	rddreg [dreg:$0xc];
	[sflag:s23] =	ssyncadd.s32 $0xFFFFFC00  }
0x39: {  	[spmem:s21] =	stream.linear.scatter [tilespmem:s9], [sflag:$0x1], $0x400, $0x38;
	[tilespmem:$0x1C080] =	vst v63  }
0x3a: {  	_ =	swait.ge [sflag:s23], $0x400  }
0x3b: {  	[sflag:s23] =	ssyncset.done $0x0  }
0x3c: {  	s22 =	rddreg [dreg:$0xd];
	[sflag:s23] =	ssyncadd.s32 $0xFFFFFC00  }
0x3d: {  	[spmem:s22] =	stream.linear.scatter [tilespmem:s9], [sflag:$0x1], $0x400, $0x38;
	[tilespmem:$0x1C080] =	vst v63  }
0x3e: {  	_ =	swait.ge [sflag:s23], $0x400  }
0x3f: {  	[sflag:s23] =	ssyncset.done $0x0  }
0x40: {  	s29 =	rddreg [dreg:$0xe];
	[sflag:s23] =	ssyncadd.s32 $0xFFFFFC00  }
0x41: {  	[spmem:s29] =	stream.linear.scatter [tilespmem:s9], [sflag:$0x1], $0x400, $0x38;
	[tilespmem:$0x1C080] =	vst v63  }
0x42: {  	_ =	swait.ge [sflag:s23], $0x400  }
0x43: {  	[sflag:s23] =	ssyncset.done $0x0  }
0x44: {  	s21 =	rddreg [dreg:$0xf];
	[sflag:s23] =	ssyncadd.s32 $0xFFFFFC00  }
0x45: {  	[spmem:s21] =	stream.linear.scatter [tilespmem:s9], [sflag:$0x1], $0x400, $0x38;
	[tilespmem:$0x1C080] =	vst v63  }
0x46: {  	_ =	swait.ge [sflag:s23], $0x400  }
0x47: {  	[sflag:s23] =	ssyncset.done $0x0  }
0x48: {  	s22 =	rddreg [dreg:$0x10];
	[sflag:s23] =	ssyncadd.s32 $0xFFFFFC00  }
0x49: {  	[spmem:s22] =	stream.linear.scatter [tilespmem:s9], [sflag:$0x1], $0x400, $0x38;
	[tilespmem:$0x1C080] =	vst v63  }
0x4a: {  	_ =	swait.ge [sflag:s23], $0x400  }
0x4b: {  	[sflag:s23] =	ssyncset.done $0x0  }
0x4c: {  	[sflag:s23] =	ssyncadd.s32 $0xFFFFFC00  }
0x4d: {  	[bflag:$0x0] =	sbarrier.arrive $0xFFFF  }
0x4e: {  	s9 =	simm.s32 $0x0;
	s29 =	rddreg [dreg:$0x4]  }
0x4f: {  	[tilespmem:s9], [sflag:$0x1] =	stream.linear.gather [hbm4b:s29+s9], $0x13880, $0x38;
	[tilespmem:$0x1C080] =	vst v63  }
0x50: {  	_ =	swait.ge [sflag:s23], $0x13880  }
0x51: {  	[sflag:s23] =	ssyncset.done $0x0  }
0x52: {  	s22 =	simm.s32 $0x0;
	[sflag:s23] =	ssyncadd.s32 $0xFFFEC780  }
.LBB2_6:
0x53: {  	s1 =	sshll.u32 s22, $0xA  }
0x54: {  	s21 =	sadd.s32 s10, s1  }
0x55: {  	s29 =	rddreg [dreg:$0x0];
	s1 =	sshrl.u32 s21, $0x3  }
0x56: {  	s29 =	sadd.s32 s29, s1  }
0x57: {  	[tilespmem:s24], [sflag:$0x1] =	stream.linear.gather [hbm4b:s29+s9], $0x400, $0x38;
	[tilespmem:$0x1C080] =	vst v63  }
0x58: {  	_ =	swait.ge [sflag:s23], $0x400  }
0x59: {  	[sflag:s23] =	ssyncset.done $0x0  }
0x5a: {  	s29 =	sadd.s32 s5, s1;
	[sflag:s23] =	ssyncadd.s32 $0xFFFFFC00  }
0x5b: {  	v4 =	vmov s9;
	v5 =	vor.u32 s9, v0;
	[tilespmem:s25], [sflag:$0x1] =	stream.linear.gather [hbm4b:s29+s9], $0x400, $0x38;
	[tilespmem:$0x1C080] =	vst v63  }
0x5c: {  	v5 =	vshrl.u32 v5, $0x2;
	v4 =	vshrl.u32 v4, $0x2;
	_ =	swait.ge [sflag:s23], $0x400  }
0x5d: {  	v6 =	vand.u32 $0x7, v5;
	v4 =	vand.u32 $0x3F8, v4;
	[sflag:s23] =	ssyncset.done $0x0  }
0x5e: {  	v4 =	vor.u32 v4, v6;
	s1 =	sadd.s32 s6, s1;
	[sflag:s23] =	ssyncadd.s32 $0xFFFFFC00  }
0x5f: {  	[tilespmem:s26], [sflag:$0x1] =	stream.linear.gather [hbm4b:s1+s9], $0x400, $0x38;
	[tilespmem:$0x1C080] =	vst v63  }
0x60: {  	_ =	swait.ge [sflag:s23], $0x400  }
0x61: {  	[sflag:s23] =	ssyncset.done $0x0  }
0x62: {  	[sflag:s23] =	ssyncadd.s32 $0xFFFFFC00  }
0x63: {  	v6 =	vld.idx.msk [tilespmem:v4+s25+$0x0], $0xffff  }
0x64: {  	v4 =	vld.idx.msk [tilespmem:v4+s24+$0x0], $0xffff;
	_ =	sdelay $0x3  }
0x65: {  	v6 =	vshll.u32 v6, $0x3  }
0x66: {  	v4 =	vshll.u32 v4, $0x3;
	v6 =	vor.u32 v3, v6  }
0x67: {  	v4 =	vor.u32 v1, v4;
	_ =	sdelay $0x3  }
0x68: {  	v6 =	vld.idx.msk [tilespmem:v6+s4+$0x0], $0xffff  }
0x69: {  	v4 =	vld.idx.msk [tilespmem:v4+s4+$0x0], $0xffff;
	_ =	sdelay $0x4  }
0x6a: {  	v4 =	vadd.f32 v6, v4;
	_ =	sdelay $0x1  }
0x6b: {  	v6 =	vmul.f32 $2.000000030e-01, v4  }
0x6c: {  	vm0 =	vge.f32 v4, $0.0e+00  }
0x6d: {  	v4 =	vsel vm0, v4, v6  }
0x6e: {  	v4 =	vmul.f32 $1.442695020e+00, v4;
	_ =	sdelay $0x1  }
0x6f: {  	(erf) = vpow2.f32 v4;
	_ =	sdelay $0x2  }
0x70: {  	s1 =	simm.s32 $0x10  }
0x71: {  	v6 =	vor.u32 s1, v0;
	v4 =	vmov s1  }
0x72: {  	v5 =	vshll.u32 v5, $0x4;
	v6 =	vshrl.u32 v6, $0x2;
	v4 =	vshrl.u32 v4, $0x2  }
0x73: {  	v5 =	vor.u32 v1, v5;
	v7 =	vand.u32 $0x7, v6;
	v4 =	vand.u32 $0x3F8, v4  }
0x74: {  	v4 =	vor.u32 v4, v7;
	_ =	sdelay $0x1  }
0x75: {  	s1 =	simm.s32 $0x14480;
	v7 =	vpop (erf)  }
0x76: {  	[tilespmem:s1+$0x0] =	vst v7  }
0x77: {  	[tilespmem:v5+s28+$0x0] =	vst.idx.msk $0xffff, v7  }
0x78: {  	v5 =	vld.idx.msk [tilespmem:v4+s25+$0x0], $0xffff  }
0x79: {  	v4 =	vld.idx.msk [tilespmem:v4+s24+$0x0], $0xffff;
	_ =	sdelay $0x3  }
0x7a: {  	v5 =	vshll.u32 v5, $0x3  }
0x7b: {  	v4 =	vshll.u32 v4, $0x3;
	v5 =	vor.u32 v3, v5  }
0x7c: {  	v4 =	vor.u32 v1, v4;
	_ =	sdelay $0x3  }
0x7d: {  	v5 =	vld.idx.msk [tilespmem:v5+s4+$0x0], $0xffff  }
0x7e: {  	v4 =	vld.idx.msk [tilespmem:v4+s4+$0x0], $0xffff;
	_ =	sdelay $0x4  }
0x7f: {  	v4 =	vadd.f32 v5, v4;
	_ =	sdelay $0x1  }
0x80: {  	v5 =	vmul.f32 $2.000000030e-01, v4  }
0x81: {  	vm15 =	vge.f32 v4, $0.0e+00  }
0x82: {  	v4 =	vsel vm15, v4, v5  }
0x83: {  	v4 =	vmul.f32 $1.442695020e+00, v4;
	_ =	sdelay $0x1  }
0x84: {  	(erf) = vpow2.f32 v4;
	_ =	sdelay $0x2  }
0x85: {  	s29 =	simm.s32 $0x20  }
0x86: {  	v5 =	vmov s29;
	v4 =	vor.u32 s29, v0  }
0x87: {  	v8 =	vshll.u32 v6, $0x4;
	v5 =	vshrl.u32 v5, $0x2;
	v4 =	vshrl.u32 v4, $0x2  }
0x88: {  	v7 =	vand.u32 $0x3F8, v5;
	v5 =	vor.u32 v1, v8;
	s29 =	simm.s32 $0x30;
	v6 =	vand.u32 $0x7, v4  }
.LBB2_7:
0x89: {  	p0 =	sne.s32 s29, $0xFF0;
	v6 =	vor.u32 v7, v6;
	_ =	sdelay $0x1  }
0x8a: {  	s1 =	sadd.s32 $0x10, s1;
	v7 =	vpop (erf)  }
0x8b: {  	[tilespmem:s1+$0x0] =	vst v7  }
0x8c: {  	[tilespmem:v5+s28+$0x0] =	vst.idx.msk $0xffff, v7  }
0x8d: {  	v5 =	vld.idx.msk [tilespmem:v6+s25+$0x0], $0xffff  }
0x8e: {  	v6 =	vld.idx.msk [tilespmem:v6+s24+$0x0], $0xffff;
	_ =	sdelay $0x4  }
0x8f: {  	v5 =	vshll.u32 v5, $0x3  }
0x90: {  	v6 =	vshll.u32 v6, $0x3;
	v5 =	vor.u32 v3, v5  }
0x91: {  	v6 =	vor.u32 v1, v6;
	_ =	sdelay $0x3  }
0x92: {  	v5 =	vld.idx.msk [tilespmem:v5+s4+$0x0], $0xffff  }
0x93: {  	v6 =	vld.idx.msk [tilespmem:v6+s4+$0x0], $0xffff;
	_ =	sdelay $0x5  }
0x94: {  	v5 =	vadd.f32 v5, v6;
	_ =	sdelay $0x1  }
0x95: {  	v6 =	vmul.f32 $2.000000030e-01, v5  }
0x96: {  	vm0 =	vge.f32 v5, $0.0e+00  }
0x97: {  	v5 =	vsel vm0, v5, v6  }
0x98: {  	v5 =	vmul.f32 $1.442695020e+00, v5;
	_ =	sdelay $0x1  }
0x99: {  	(erf) = vpow2.f32 v5;
	_ =	sdelay $0x1  }
.Ltmp2:
0x9a: {  	(pc) =	sbr.rel @p0 .LBB2_7-.Ltmp2, $4  }
0x9b: {  	_ = 	snop  }
0x9c: {  	v6 =	vor.u32 s29, v0;
	v5 =	vmov s29  }
0x9d: {  	v8 =	vshll.u32 v4, $0x4;
	v4 =	vshrl.u32 v6, $0x2;
	v5 =	vshrl.u32 v5, $0x2  }
0x9e: {  	v6 =	vand.u32 $0x7, v4;
	s29 =	sadd.s32 $0x10, s29;
	v7 =	vand.u32 $0x3F8, v5;
	v5 =	vor.u32 v1, v8  }
0x9f: {  	v6 =	vor.u32 v7, v6;
	_ =	sdelay $0x1  }
0xa0: {  	s1 =	sadd.s32 $0x10, s1;
	v63 =	vpop (erf)  }
0xa1: {  	[tilespmem:s1+$0x0] =	vst v63  }
0xa2: {  	[tilespmem:v5+s28+$0x0] =	vst.idx.msk $0xffff, v63  }
0xa3: {  	v5 =	vld.idx.msk [tilespmem:v6+s25+$0x0], $0xffff  }
0xa4: {  	v6 =	vld.idx.msk [tilespmem:v6+s24+$0x0], $0xffff;
	_ =	sdelay $0x3  }
0xa5: {  	v5 =	vshll.u32 v5, $0x3  }
0xa6: {  	v6 =	vshll.u32 v6, $0x3;
	v5 =	vor.u32 v3, v5  }
0xa7: {  	v6 =	vor.u32 v1, v6;
	_ =	sdelay $0x3  }
0xa8: {  	v5 =	vld.idx.msk [tilespmem:v5+s4+$0x0], $0xffff  }
0xa9: {  	v6 =	vld.idx.msk [tilespmem:v6+s4+$0x0], $0xffff;
	_ =	sdelay $0x4  }
0xaa: {  	v5 =	vadd.f32 v5, v6;
	_ =	sdelay $0x1  }
0xab: {  	v6 =	vmul.f32 $2.000000030e-01, v5  }
0xac: {  	vm0 =	vge.f32 v5, $0.0e+00  }
0xad: {  	v5 =	vsel vm0, v5, v6  }
0xae: {  	v5 =	vmul.f32 $1.442695020e+00, v5;
	_ =	sdelay $0x1  }
0xaf: {  	(erf) = vpow2.f32 v5;
	_ =	sdelay $0x4  }
0xb0: {  	v4 =	vshll.u32 v4, $0x4  }
0xb1: {  	v4 =	vor.u32 v1, v4;
	_ =	sdelay $0x2  }
0xb2: {  	s1 =	sadd.s32 $0x10, s1;
	v5 =	vpop (erf)  }
0xb3: {  	s21 =	sshrl.u32 s21, $0x1;
	[tilespmem:s1+$0x0] =	vst v5  }
0xb4: {  	s29 =	simm.s32 $0x14480;
	s1 =	sadd.s32 s8, s21;
	[tilespmem:v4+s28+$0x0] =	vst.idx.msk $0xffff, v5  }
0xb5: {  	[hbm4b:s1+s4] =	stream.linear.scatter [tilespmem:s29], [sflag:$0x1], $0x1000, $0x38;
	[tilespmem:$0x1C080] =	vst v63  }
0xb6: {  	_ =	swait.ge [sflag:s23], $0x1000  }
0xb7: {  	[sflag:s23] =	ssyncset.done $0x0  }
0xb8: {  	[sflag:s23] =	ssyncadd.s32 $0xFFFFF000  }
0xb9: {  	[spmem:s2] =	stream.indirect.scatter.add.f32 [tilespmem:s28], [sflag:$0x1], $0x10, s26, s30, $0xb8;
	[tilespmem:$0x1C080] =	vst v63  }
0xba: {  	_ =	swait.ge [sflag:s23], $0x800  }
0xbb: {  	[sflag:s23] =	ssyncset.done $0x0  }
0xbc: {  	[sflag:s23] =	ssyncadd.s32 $0xFFFFF800  }
0xbd: {  	[spmem:s2] =	stream.indirect.scatter.add.f32 [tilespmem:s0], [sflag:$0x1], $0x10, s31, s30, $0xb8;
	[tilespmem:$0x1C080] =	vst v63  }
0xbe: {  	_ =	swait.ge [sflag:s23], $0x800  }
0xbf: {  	[sflag:s23] =	ssyncset.done $0x0  }
0xc0: {  	[sflag:s23] =	ssyncadd.s32 $0xFFFFF800  }
0xc1: {  	[spmem:s2] =	stream.indirect.scatter.add.f32 [tilespmem:s7], [sflag:$0x1], $0x10, s3, s30, $0xb8;
	[tilespmem:$0x1C080] =	vst v63  }
0xc2: {  	_ =	swait.ge [sflag:s23], $0x800  }
0xc3: {  	[sflag:s23] =	ssyncset.done $0x0  }
0xc4: {  	[sflag:s23] =	ssyncadd.s32 $0xFFFFF800  }
0xc5: {  	[spmem:s2] =	stream.indirect.scatter.add.f32 [tilespmem:s12], [sflag:$0x1], $0x10, s11, s30, $0xb8;
	[tilespmem:$0x1C080] =	vst v63  }
0xc6: {  	_ =	swait.ge [sflag:s23], $0x800  }
0xc7: {  	[sflag:s23] =	ssyncset.done $0x0  }
0xc8: {  	[sflag:s23] =	ssyncadd.s32 $0xFFFFF800  }
0xc9: {  	[spmem:s2] =	stream.indirect.scatter.add.f32 [tilespmem:s14], [sflag:$0x1], $0x10, s13, s30, $0xb8;
	[tilespmem:$0x1C080] =	vst v63  }
0xca: {  	_ =	swait.ge [sflag:s23], $0x800  }
0xcb: {  	[sflag:s23] =	ssyncset.done $0x0  }
0xcc: {  	[sflag:s23] =	ssyncadd.s32 $0xFFFFF800  }
0xcd: {  	[spmem:s2] =	stream.indirect.scatter.add.f32 [tilespmem:s16], [sflag:$0x1], $0x10, s15, s30, $0xb8;
	[tilespmem:$0x1C080] =	vst v63  }
0xce: {  	_ =	swait.ge [sflag:s23], $0x800  }
0xcf: {  	[sflag:s23] =	ssyncset.done $0x0  }
0xd0: {  	[sflag:s23] =	ssyncadd.s32 $0xFFFFF800  }
0xd1: {  	[spmem:s2] =	stream.indirect.scatter.add.f32 [tilespmem:s18], [sflag:$0x1], $0x10, s17, s30, $0xb8;
	[tilespmem:$0x1C080] =	vst v63  }
0xd2: {  	s22 =	sadd.s32 $0x1, s22;
	_ =	swait.ge [sflag:s23], $0x800  }
0xd3: {  	p0 =	sne.s32 s22, $0xB;
	[sflag:s23] =	ssyncset.done $0x0  }
.Ltmp3:
0xd4: {  	[sflag:s23] =	ssyncadd.s32 $0xFFFFF800;
	(pc) =	sbr.rel @p0 .LBB2_6-.Ltmp3, $4  }
0xd5: {  	[spmem:s2] =	stream.indirect.scatter.add.f32 [tilespmem:s20], [sflag:$0x1], $0x10, s19, s30, $0xb8;
	[tilespmem:$0x1C080] =	vst v63  }
0xd6: {  	_ =	swait.ge [sflag:s23], $0x800  }
0xd7: {  	[sflag:s23] =	ssyncset.done $0x0  }
0xd8: {  	[sflag:s23] =	ssyncadd.s32 $0xFFFFF800  }
0xd9: {  	s1 =	stileid.u32;
	[bflag:$0x0] =	sbarrier.arrive $0xFFFF  }
0xda: {  	s1 =	sshll.u32 s1, $0x6;
	s21 =	rddreg [dreg:$0x5]  }
0xdb: {  	s22 =	rddreg [dreg:$0x6];
	s1 =	sor.u32 $0x1C01, s1;
	s9 =	sshrl.u32 s21, $0x3  }
0xdc: {  	[hbm:s22], [sflag:s1] =	dma.local [spmem:s9], $0x500  }
0xdd: {  	_ =	swait.ge [sflag:s23], $0x500  }
0xde: {  	s22 =	rddreg [dreg:$0x11]  }
0xdf: {  	s29 =	rddreg [dreg:$0x7];
	s9 =	sadd.s32 $0x1, s22  }
0xe0: {  	p0 =	sne.s32 s9, s29  }
.Ltmp4:
0xe1: {  	_ = 	snop;
	(pc) =	sbr.rel @p0 .LBB2_1-.Ltmp4, $3  }
0xe2: {  	_ =	sdelay $0x1  }
0xe3: {  	[sflag:s23] =	ssyncset.done $0x0  }
0xe4: {  	[sflag:s23] =	ssyncadd.s32 $0xFFFFFB00  }
0xe5: {  	_ =	sfence.sel $0x180000  }
0xe6: {  	[bflag:$0x0] =	sbarrier.arrive $0xFFFF  }
0xe7: {  	_ =	strace $0x90000047  }
0xe8: {  	s0 =	stileid.u32;
	[bflag:$0x2] =	sbarrier.arrive $0xFFFF  }
0xe9: {  	p0 =	sne.s32 s0, $0x0;
	s0 =	rddreg [dreg:$0x3]  }
0xea: {  	s0 =	sadd.s32 @!p0 $0x100000, s0  }
0xeb: {  	[sflag:s0] =	ssyncadd.tile.s32 @!p0 $0x1;
	_ =	shalt  }
.Lfunc_end2:
_tile_overlayer_lowered:
.L_overlay_start_2:
0xec: {  	(tag) =	ssettag $0x2  }
0xed: {  	s0 =	rddreg [dreg:$0x0];
	s2 =	stileid.u32  }
0xee: {  	s1 =	rddreg [dreg:$0x1];
	p0 =	sne.s32 s2, $0x0  }
0xef: {  	s3 =	rddreg [dreg:$0x2];
	[bflag:$0x3] =	sbarrier.arrive $0xFFFF;
	s2 =	simm.s32 @!p0 $0x1C01  }
0xf0: {  	[timem:s3], [sflag:s2] =	dma.local @!p0 [hbm:s0], s1  }
0xf1: {  	s0 =	simm.s32 @!p0 $0x1  }
0xf2: {  	_ =	swait.ge @!p0 [sflag:s0], s1  }
0xf3: {  	s1 =	ssub.s32 @!p0 $0x0, s1;
	[sflag:s0] =	ssyncset.done @!p0 $0x0  }
0xf4: {  	[sflag:s0] =	ssyncadd.s32 @!p0 s1  }
0xf5: {  	[bflag:$0x3] =	sbarrier.arrive $0xFFFF  }
0xf6: {  	_ =	shalt  }

</sc_bundles>
